<compile_context>
chip_gen: v7x
topology: tpu7x:2x2x1
jax: 0.10.2.dev20260603
libtpu: 0.0.44.dev20260713+nightly
codegen_flags: <defaults>
</compile_context>

<pallas_src>
import functools

import jax
import jax.numpy as jnp
from jax import lax
from jax.experimental import pallas as pl
from jax.experimental.pallas import tpu as pltpu
from jax.experimental.pallas import tpu_sc as plsc

_NC = 2
_NS = 16
_NW = _NC * _NS
_L = 16

_CH = 80
_CH4 = 80



def _proj_body(x_ref, w1a_ref, w1b_ref, wn_ref, a_ref, b_ref, c_ref):
    xv = x_ref[...]
    a_ref[...] = jnp.dot(xv, w1a_ref[...], preferred_element_type=jnp.float32)
    b_ref[...] = jnp.dot(xv, w1b_ref[...], preferred_element_type=jnp.float32)
    c_ref[...] = jnp.dot(xv, wn_ref[...], preferred_element_type=jnp.float32)


def _eprep_body(ea8_ref, w2k_ref, q8_ref):
    q8_ref[...] = jnp.dot(ea8_ref[...], w2k_ref[...],
                          preferred_element_type=jnp.float32)



def _edge_sc_body(epw, nchunk,
                  ni_hbm, nj_hbm, a_hbm, b_hbm, q_hbm, el_hbm, w1c_hbm,
                  er_hbm, st_hbm,
                  idx_i, idx_j, ela,
                  av0, bv0, qv0, ev0, av1, bv1, qv1, ev1,
                  w1cv, stv,
                  sga0, sgb0, sq0, sev0, sga1, sgb1, sq1, sev1, sidx):
    wid = lax.axis_index("s") * _NC + lax.axis_index("c")
    base = wid * epw
    npair = nchunk // 2

    pltpu.sync_copy(w1c_hbm, w1cv)
    w1c = w1cv[0]
    pltpu.async_copy(ni_hbm.at[pl.ds(base, epw)], idx_i, sidx)
    pltpu.async_copy(nj_hbm.at[pl.ds(base, epw)], idx_j, sidx)
    pltpu.async_copy(el_hbm.at[pl.ds(base, epw)], ela, sidx)
    pltpu.make_async_copy(ni_hbm.at[pl.ds(0, epw)], idx_i, sidx).wait()
    pltpu.make_async_copy(nj_hbm.at[pl.ds(0, epw)], idx_j, sidx).wait()
    pltpu.make_async_copy(el_hbm.at[pl.ds(0, epw)], ela, sidx).wait()

    def issue(ci, av, bv, qv, sga, sgb, sq):
        cb = base + ci * _CH
        pltpu.async_copy(a_hbm.at[idx_i.at[pl.ds(ci * _CH, _CH)]], av, sga)
        pltpu.async_copy(b_hbm.at[idx_j.at[pl.ds(ci * _CH, _CH)]], bv, sgb)
        pltpu.async_copy(q_hbm.at[pl.ds(cb, _CH)], qv, sq)

    def wait_in(av, bv, qv, sga, sgb, sq):
        pltpu.make_async_copy(a_hbm.at[idx_i.at[pl.ds(0, _CH)]], av,
                              sga).wait()
        pltpu.make_async_copy(b_hbm.at[idx_j.at[pl.ds(0, _CH)]], bv,
                              sgb).wait()
        pltpu.make_async_copy(q_hbm.at[pl.ds(0, _CH)], qv, sq).wait()

    def compute(ci, av, bv, qv, ev, sm, ss):
        def gbody(g, cc):
            sm2, ss2 = cc
            eb = g * _L
            lv = ela[pl.ds(ci * _CH + eb, _L)]
            for k in range(_L):
                e = eb + k
                z = (av[e] + bv[e] + lv[k] * w1c) * qv[e]
                er = z / (1.0 + jnp.exp(-z))
                ev[e] = er
                sm2 = sm2 + er
                ss2 = ss2 + er * er
            return (sm2, ss2)

        return lax.fori_loop(0, _CH // _L, gbody, (sm, ss))

    def store(ci, ev, sev):
        pltpu.async_copy(ev, er_hbm.at[pl.ds(base + ci * _CH, _CH)], sev)

    def wait_store(ev, sev):
        pltpu.make_async_copy(ev, er_hbm.at[pl.ds(0, _CH)], sev).wait()

    issue(0, av0, bv0, qv0, sga0, sgb0, sq0)

    def pair(g, carry):
        sm, ss = carry
        ci0 = 2 * g
        wait_in(av0, bv0, qv0, sga0, sgb0, sq0)
        issue(ci0 + 1, av1, bv1, qv1, sga1, sgb1, sq1)

        @pl.when(g > 0)
        def _():
            wait_store(ev0, sev0)

        sm, ss = compute(ci0, av0, bv0, qv0, ev0, sm, ss)
        store(ci0, ev0, sev0)

        wait_in(av1, bv1, qv1, sga1, sgb1, sq1)
        issue(ci0 + 2, av0, bv0, qv0, sga0, sgb0, sq0)

        @pl.when(g > 0)
        def _():
            wait_store(ev1, sev1)

        sm, ss = compute(ci0 + 1, av1, bv1, qv1, ev1, sm, ss)
        store(ci0 + 1, ev1, sev1)
        return (sm, ss)

    z16 = jnp.zeros((_L,), jnp.float32)
    sm, ss = lax.fori_loop(0, npair, pair, (z16, z16))

    wait_in(av0, bv0, qv0, sga0, sgb0, sq0)
    wait_store(ev0, sev0)
    sm, ss = compute(nchunk - 1, av0, bv0, qv0, ev0, sm, ss)
    pltpu.sync_copy(ev0, er_hbm.at[pl.ds(base + (nchunk - 1) * _CH, _CH)])
    wait_store(ev1, sev1)

    stv[0] = sm
    stv[1] = ss
    pltpu.sync_copy(stv, st_hbm.at[wid])



def _fin_body(e_total, pack, er8_ref, ea8_ref, sp_ref, ssp_ref, g_ref,
              be_ref, w_ref, e8_ref, t3_ref):
    sm = jnp.sum(sp_ref[...], axis=0, keepdims=True)
    ss = jnp.sum(ssp_ref[...], axis=0, keepdims=True)
    mu = sm / e_total
    var = ss / e_total - mu * mu
    s = lax.rsqrt(var + 1e-5) * g_ref[...]
    bmu = be_ref[...] - mu * s
    er8 = er8_ref[...]
    ea8 = ea8_ref[...]
    d_edge = sp_ref.shape[1]
    for u in range(pack):
        lo, hi = u * d_edge, (u + 1) * d_edge
        xu = er8[:, lo:hi] * s + ea8[:, lo:hi] + bmu
        e8_ref[:, lo:hi] = xu
        t3_ref[:, u, :] = jnp.dot(xu, w_ref[...],
                                  preferred_element_type=jnp.float32)



def _agg_sc_body(epw, nchunk, n_nodes,
                 ni_hbm, c_hbm, t_hbm, z_hbm,
                 aggp_hbm,
                 idx0, idx1, cv0, tv0, cv1, tv1, shared,
                 sg0, st0, sg1, st1, si0, si1):
    cid = lax.axis_index("c")
    sid = lax.axis_index("s")
    wid = sid * _NC + cid
    base = wid * epw
    npair = nchunk // 2
    d_node = c_hbm.shape[1]
    nh = d_node // _L

    zr = z_hbm.shape[0]
    rbase = sid * 624
    for k in range(624 // zr):
        pltpu.sync_copy(z_hbm, shared.at[pl.ds(rbase + k * zr, zr)])

    @pl.when(sid == _NS - 1)
    def _():
        pltpu.sync_copy(z_hbm.at[pl.ds(0, 16)],
                        shared.at[pl.ds(_NS * 624, 16)])

    plsc.subcore_barrier()

    def load_idx(ci, idxb, sidxb):
        pltpu.async_copy(ni_hbm.at[pl.ds(base + ci * _CH4, _CH4)], idxb,
                         sidxb)

    def wait_idx(idxb, sidxb):
        pltpu.make_async_copy(ni_hbm.at[pl.ds(0, _CH4)], idxb, sidxb).wait()

    def issue(ci, idxb, cv, tv, sg, st):
        cb = base + ci * _CH4
        pltpu.async_copy(c_hbm.at[idxb], cv, sg)
        pltpu.async_copy(t_hbm.at[pl.ds(cb, _CH4)], tv, st)

    def wait_in(idxb, cv, tv, sg, st):
        pltpu.make_async_copy(c_hbm.at[idxb], cv, sg).wait()
        pltpu.make_async_copy(t_hbm.at[pl.ds(0, _CH4)], tv, st).wait()

    def compute(cv, tv):
        def ebody(e, cc):
            for h in range(nh):
                z = cv[e, pl.ds(h * _L, _L)] * tv[e, pl.ds(h * _L, _L)]
                cv[e, pl.ds(h * _L, _L)] = z / (1.0 + jnp.exp(-z))
            return cc

        lax.fori_loop(0, _CH4, ebody, 0)

    def scatter(idxb, mv):
        pltpu.sync_copy(mv, shared.at[idxb], add=True)

    load_idx(0, idx0, si0)
    wait_idx(idx0, si0)
    issue(0, idx0, cv0, tv0, sg0, st0)
    load_idx(1, idx1, si1)

    def pair(g, carry):
        ci0 = 2 * g
        wait_in(idx0, cv0, tv0, sg0, st0)
        wait_idx(idx1, si1)
        issue(ci0 + 1, idx1, cv1, tv1, sg1, st1)
        compute(cv0, tv0)
        scatter(idx0, cv0)

        @pl.when(ci0 + 2 < nchunk)
        def _():
            load_idx(ci0 + 2, idx0, si0)

        wait_in(idx1, cv1, tv1, sg1, st1)

        @pl.when(ci0 + 2 < nchunk)
        def _():
            wait_idx(idx0, si0)
            issue(ci0 + 2, idx0, cv0, tv0, sg0, st0)

        compute(cv1, tv1)
        scatter(idx1, cv1)

        @pl.when(ci0 + 3 < nchunk)
        def _():
            load_idx(ci0 + 3, idx1, si1)

        return carry

    lax.fori_loop(0, npair, pair, 0)

    if nchunk % 2:
        wait_in(idx0, cv0, tv0, sg0, st0)
        compute(cv0, tv0)
        scatter(idx0, cv0)

    plsc.subcore_barrier()

    rows = 624
    pltpu.sync_copy(shared.at[pl.ds(rbase, rows)],
                    aggp_hbm.at[cid, pl.ds(rbase, rows)])

    @pl.when(sid == _NS - 1)
    def _():
        pltpu.sync_copy(shared.at[pl.ds(_NS * 624, 16)],
                        aggp_hbm.at[cid, pl.ds(_NS * 624, 16)])



def _node_body(p_ref, x_ref, g_ref, be_ref, n_ref):
    agg = p_ref[0] + p_ref[1]
    mu = jnp.mean(agg, axis=0, keepdims=True)
    var = jnp.mean((agg - mu) * (agg - mu), axis=0, keepdims=True)
    n_ref[...] = ((agg - mu) * lax.rsqrt(var + 1e-5) * g_ref[...]
                  + be_ref[...] + x_ref[...])



def kernel(x, edge_index, edge_attr, edge_len, edge_W1, edge_W2, edge_gamma,
           edge_beta, node_W1, node_W2, node_gamma, node_beta):
    n_nodes, d_node = x.shape
    n_edges, d_edge = edge_attr.shape
    epw = n_edges // _NW
    nchunk = epw // _CH

    ni1 = edge_index[0]
    nj1 = edge_index[1]
    el1 = edge_len.reshape(-1)
    w1a = edge_W1[:d_node]
    w1b = edge_W1[d_node:2 * d_node]
    w1c = edge_W1[2 * d_node:]

    a_t, b_t, c_t = pl.pallas_call(
        _proj_body,
        out_shape=(
            jax.ShapeDtypeStruct((n_nodes, d_edge), jnp.float32),
            jax.ShapeDtypeStruct((n_nodes, d_edge), jnp.float32),
            jax.ShapeDtypeStruct((n_nodes, d_node), jnp.float32),
        ),
    )(x, w1a, w1b, node_W1)

    pack = 128 // d_edge
    e8 = n_edges // pack
    ea8 = edge_attr.reshape(e8, 128)
    w2k = jnp.kron(jnp.eye(pack, dtype=jnp.float32), edge_W2)
    be1 = 8000
    grid1 = e8 // be1
    q8_t = pl.pallas_call(
        _eprep_body,
        grid=(grid1,),
        in_specs=[
            pl.BlockSpec((be1, 128), lambda i: (i, 0)),
            pl.BlockSpec((128, 128), lambda i: (0, 0)),
        ],
        out_specs=pl.BlockSpec((be1, 128), lambda i: (i, 0)),
        out_shape=jax.ShapeDtypeStruct((e8, 128), jnp.float32),
    )(ea8, w2k)

    mesh = plsc.VectorSubcoreMesh(core_axis_name="c", subcore_axis_name="s")
    sc_untiled = pltpu.CompilerParams(use_tc_tiling_on_sc=False)
    sc_tiled = pltpu.CompilerParams(use_tc_tiling_on_sc=True)
    er_t, st_t = pl.kernel(
        functools.partial(_edge_sc_body, epw, nchunk),
        compiler_params=sc_untiled,
        out_type=(
            jax.ShapeDtypeStruct((n_edges, d_edge), jnp.float32),
            jax.ShapeDtypeStruct((_NW, 2, d_edge), jnp.float32),
        ),
        mesh=mesh,
        scratch_types=[
            pltpu.VMEM((epw,), jnp.int32),
            pltpu.VMEM((epw,), jnp.int32),
            pltpu.VMEM((epw,), jnp.float32),
            pltpu.VMEM((_CH, d_edge), jnp.float32),
            pltpu.VMEM((_CH, d_edge), jnp.float32),
            pltpu.VMEM((_CH, d_edge), jnp.float32),
            pltpu.VMEM((_CH, d_edge), jnp.float32),
            pltpu.VMEM((_CH, d_edge), jnp.float32),
            pltpu.VMEM((_CH, d_edge), jnp.float32),
            pltpu.VMEM((_CH, d_edge), jnp.float32),
            pltpu.VMEM((_CH, d_edge), jnp.float32),
            pltpu.VMEM((1, d_edge), jnp.float32),
            pltpu.VMEM((2, d_edge), jnp.float32),
            pltpu.SemaphoreType.DMA,
            pltpu.SemaphoreType.DMA,
            pltpu.SemaphoreType.DMA,
            pltpu.SemaphoreType.DMA,
            pltpu.SemaphoreType.DMA,
            pltpu.SemaphoreType.DMA,
            pltpu.SemaphoreType.DMA,
            pltpu.SemaphoreType.DMA,
            pltpu.SemaphoreType.DMA,
        ],
    )(ni1, nj1, a_t, b_t, q8_t.reshape(n_edges, d_edge), el1, w1c)

    be3 = 2000
    grid3 = e8 // be3
    e8_t, t3_t = pl.pallas_call(
        functools.partial(_fin_body, float(n_edges), pack),
        grid=(grid3,),
        in_specs=[
            pl.BlockSpec((be3, 128), lambda i: (i, 0)),
            pl.BlockSpec((be3, 128), lambda i: (i, 0)),
            pl.BlockSpec((_NW, d_edge), lambda i: (0, 0)),
            pl.BlockSpec((_NW, d_edge), lambda i: (0, 0)),
            pl.BlockSpec((1, d_edge), lambda i: (0, 0)),
            pl.BlockSpec((1, d_edge), lambda i: (0, 0)),
            pl.BlockSpec((d_edge, d_node), lambda i: (0, 0)),
        ],
        out_specs=(
            pl.BlockSpec((be3, 128), lambda i: (i, 0)),
            pl.BlockSpec((be3, pack, d_node), lambda i: (i, 0, 0)),
        ),
        out_shape=(
            jax.ShapeDtypeStruct((e8, 128), jnp.float32),
            jax.ShapeDtypeStruct((e8, pack, d_node), jnp.float32),
        ),
    )(er_t.reshape(e8, 128), ea8, st_t[:, 0, :], st_t[:, 1, :],
      edge_gamma.reshape(1, -1), edge_beta.reshape(1, -1), node_W2)
    e_t = e8_t.reshape(n_edges, d_edge)
    t_t = t3_t.reshape(n_edges, d_node)

    nchunk4 = epw // _CH4
    zeros_init = jnp.zeros((104, d_node), jnp.float32)
    aggp = pl.kernel(
        functools.partial(_agg_sc_body, epw, nchunk4, n_nodes),
        out_type=jax.ShapeDtypeStruct((_NC, n_nodes, d_node), jnp.float32),
        compiler_params=sc_untiled,
        mesh=mesh,
        scratch_types=[
            pltpu.VMEM((_CH4,), jnp.int32),
            pltpu.VMEM((_CH4,), jnp.int32),
            pltpu.VMEM((_CH4, d_node), jnp.float32),
            pltpu.VMEM((_CH4, d_node), jnp.float32),
            pltpu.VMEM((_CH4, d_node), jnp.float32),
            pltpu.VMEM((_CH4, d_node), jnp.float32),
            pltpu.VMEM_SHARED((n_nodes, d_node), jnp.float32),
            pltpu.SemaphoreType.DMA,
            pltpu.SemaphoreType.DMA,
            pltpu.SemaphoreType.DMA,
            pltpu.SemaphoreType.DMA,
            pltpu.SemaphoreType.DMA,
            pltpu.SemaphoreType.DMA,
        ],
    )(ni1, c_t, t_t, zeros_init)

    n_t = pl.pallas_call(
        _node_body,
        out_shape=jax.ShapeDtypeStruct((n_nodes, d_node), jnp.float32),
    )(aggp, x, node_gamma.reshape(1, -1), node_beta.reshape(1, -1))

    return (n_t, e_t)

# --- scband reference (transcript-rebuilt; emitter-appended) ---
"""Pipeline reference for scband-equivariant-mgnconv-78915729097030 (READ-ONLY COPY).

The authoritative reference and input builder live on the scoring server;
editing this copy changes nothing except your own understanding.
"""

import jax, jax.numpy as jnp
import numpy as np

N = 10000
E = 320000
D_NODE = 128
D_EDGE = 16


def swish(x):
    return x * jax.nn.sigmoid(x)


def batch_norm(x, gamma, beta, eps=1e-5):
    mu = jnp.mean(x, axis=0, keepdims=True)
    var = jnp.var(x, axis=0, keepdims=True)
    return (x - mu) / jnp.sqrt(var + eps) * gamma + beta


def setup_inputs(seed: int = 0) -> dict:
    key = jax.random.key(seed)
    ks = jax.random.split(key, 12)
    x = jax.random.normal(ks[0], (N, D_NODE), dtype=jnp.float32)
    edge_index = jax.random.randint(ks[1], (2, E), 0, N, dtype=jnp.int32)
    edge_attr = jax.random.normal(ks[2], (E, D_EDGE), dtype=jnp.float32)
    edge_len = jax.random.uniform(ks[3], (E, 1), dtype=jnp.float32)
    # EdgeProcessor tp1 (O3TensorProductSwishGate on scalar irreps ~ gated bilinear):
    # irreps_in1 = 2*node + 1x0e -> dim 2*D_NODE+1, irreps_in2 = edge, out = edge
    d_in1 = 2 * D_NODE + 1
    edge_W1 = jax.random.normal(ks[4], (d_in1, D_EDGE), dtype=jnp.float32) / np.sqrt(d_in1)
    edge_W2 = jax.random.normal(ks[5], (D_EDGE, D_EDGE), dtype=jnp.float32) / np.sqrt(D_EDGE)
    edge_gamma = jnp.ones((D_EDGE,), dtype=jnp.float32)
    edge_beta = jnp.zeros((D_EDGE,), dtype=jnp.float32)
    # NodeProcessor tp1: in1 = node, in2 = edge, out = node
    node_W1 = jax.random.normal(ks[6], (D_NODE, D_NODE), dtype=jnp.float32) / np.sqrt(D_NODE)
    node_W2 = jax.random.normal(ks[7], (D_EDGE, D_NODE), dtype=jnp.float32) / np.sqrt(D_EDGE)
    node_gamma = jnp.ones((D_NODE,), dtype=jnp.float32)
    node_beta = jnp.zeros((D_NODE,), dtype=jnp.float32)
    return {
        "x": x,
        "edge_index": edge_index,
        "edge_attr": edge_attr,
        "edge_len": edge_len,
        "edge_W1": edge_W1,
        "edge_W2": edge_W2,
        "edge_gamma": edge_gamma,
        "edge_beta": edge_beta,
        "node_W1": node_W1,
        "node_W2": node_W2,
        "node_gamma": node_gamma,
        "node_beta": node_beta,
    }


def reference(x, edge_index, edge_attr, edge_len, edge_W1, edge_W2, edge_gamma,
              edge_beta, node_W1, node_W2, node_gamma, node_beta):
    i = edge_index[0]
    j = edge_index[1]
    x_i = jnp.take(x, i, axis=0)
    x_j = jnp.take(x, j, axis=0)
    # EdgeProcessor
    cat = jnp.concatenate([x_i, x_j, edge_len], axis=-1)
    e = swish((cat @ edge_W1) * (edge_attr @ edge_W2))
    e = batch_norm(e, edge_gamma, edge_beta)
    e = e + edge_attr
    # NodeProcessor
    m = swish((x_i @ node_W1) * (e @ node_W2))
    agg = jax.ops.segment_sum(m, i, num_segments=N)
    n = batch_norm(agg, node_gamma, node_beta)
    n = n + x
    return (n, e)

if __name__ == "__main__":
    import jax
    _d = setup_inputs()
    print(jax.jit(kernel)(*tuple(_d.values())))

</pallas_src>

<mosaic_0001>
#map = affine_map<(d0, d1) -> (0)>
#map1 = affine_map<(d0, d1) -> (0, 0)>
#map2 = affine_map<(d0, d1) -> (0, 0, 0)>
module attributes {stable_mosaic.version = 14 : i64} {
  func.func @_agg_sc_body(%arg0: i32, %arg1: i32, %arg2: memref<320000xi32, #tpu.memory_space<hbm>>, %arg3: memref<10000x128xf32, #tpu.memory_space<hbm>>, %arg4: memref<320000x128xf32, #tpu.memory_space<hbm>>, %arg5: memref<104x128xf32, #tpu.memory_space<hbm>>, %arg6: memref<2x10000x128xf32, #tpu.memory_space<hbm>>, %arg7: memref<80xi32, #tpu.memory_space<vmem>>, %arg8: memref<80xi32, #tpu.memory_space<vmem>>, %arg9: memref<80x128xf32, #tpu.memory_space<vmem>>, %arg10: memref<80x128xf32, #tpu.memory_space<vmem>>, %arg11: memref<80x128xf32, #tpu.memory_space<vmem>>, %arg12: memref<80x128xf32, #tpu.memory_space<vmem>>, %arg13: memref<10000x128xf32, #tpu.memory_space<vmem_shared>>, %arg14: memref<!tpu.dma_semaphore, #tpu.memory_space<semaphore_mem>>, %arg15: memref<!tpu.dma_semaphore, #tpu.memory_space<semaphore_mem>>, %arg16: memref<!tpu.dma_semaphore, #tpu.memory_space<semaphore_mem>>, %arg17: memref<!tpu.dma_semaphore, #tpu.memory_space<semaphore_mem>>, %arg18: memref<!tpu.dma_semaphore, #tpu.memory_space<semaphore_mem>>, %arg19: memref<!tpu.dma_semaphore, #tpu.memory_space<semaphore_mem>>) attributes {dimension_semantics = [#tpu.dimension_semantics<core_parallel>, #tpu.dimension_semantics<subcore_parallel>], iteration_bounds = array<i64: 2, 16>, scalar_prefetch = 0 : i64, scratch_operands = 13 : i64, tpu.core_type = #tpu.core_type<sc_vector_subcore>, window_params = [{transform_indices = #map}, {transform_indices = #map1}, {transform_indices = #map1}, {transform_indices = #map1}, {transform_indices = #map2}]} {
    %mul3A = arith.constant 2 : i32
    %mul3A_0 = arith.muli %arg1, %mul3A : i32
    %add3A = arith.addi %mul3A_0, %arg0 : i32
    %mul3A_1 = arith.constant 10000 : i32
    %mul3A_2 = arith.muli %add3A, %mul3A_1 : i32
    %mul3A_3 = arith.constant 624 : i32
    %mul3A_4 = arith.muli %arg1, %mul3A_3 : i32
    %add3A_5 = arith.constant 0 : i32
    %add3A_6 = arith.addi %mul3A_4, %add3A_5 : i32
    "tpu.region"() ({
      %run_scoped3A = tpu.sem_alloc : memref<!tpu.dma_semaphore, #tpu.memory_space<semaphore_mem>>
      %dma_start3A_64 = arith.constant 0 : i32
      %dma_start3A_65 = tpu.memref_slice %arg13[%add3A_6, %dma_start3A_64] : memref<10000x128xf32, #tpu.memory_space<vmem_shared>> -> memref<104x128xf32, #tpu.memory_space<vmem_shared>>
      tpu.enqueue_dma source(%arg5 : memref<104x128xf32, #tpu.memory_space<hbm>>) target(%dma_start3A_65 : memref<104x128xf32, #tpu.memory_space<vmem_shared>>) target_semaphore(%run_scoped3A : memref<!tpu.dma_semaphore, #tpu.memory_space<semaphore_mem>>)
      %dma_wait3A_66 = arith.constant 0 : i32
      %dma_wait3A_67 = tpu.memref_slice %arg13[%add3A_6, %dma_wait3A_66] : memref<10000x128xf32, #tpu.memory_space<vmem_shared>> -> memref<104x128xf32, #tpu.memory_space<vmem_shared>>
      tpu.wait_dma2 semaphore(%run_scoped3A : memref<!tpu.dma_semaphore, #tpu.memory_space<semaphore_mem>>) src(%arg5 : memref<104x128xf32, #tpu.memory_space<hbm>>) dst(%dma_wait3A_67 : memref<104x128xf32, #tpu.memory_space<vmem_shared>>)
      tpu.yield
    }) : () -> ()
    %add3A_7 = arith.constant 104 : i32
    %add3A_8 = arith.addi %mul3A_4, %add3A_7 : i32
    "tpu.region"() ({
      %run_scoped3A = tpu.sem_alloc : memref<!tpu.dma_semaphore, #tpu.memory_space<semaphore_mem>>
      %dma_start3A_64 = arith.constant 0 : i32
      %dma_start3A_65 = tpu.memref_slice %arg13[%add3A_8, %dma_start3A_64] : memref<10000x128xf32, #tpu.memory_space<vmem_shared>> -> memref<104x128xf32, #tpu.memory_space<vmem_shared>>
      tpu.enqueue_dma source(%arg5 : memref<104x128xf32, #tpu.memory_space<hbm>>) target(%dma_start3A_65 : memref<104x128xf32, #tpu.memory_space<vmem_shared>>) target_semaphore(%run_scoped3A : memref<!tpu.dma_semaphore, #tpu.memory_space<semaphore_mem>>)
      %dma_wait3A_66 = arith.constant 0 : i32
      %dma_wait3A_67 = tpu.memref_slice %arg13[%add3A_8, %dma_wait3A_66] : memref<10000x128xf32, #tpu.memory_space<vmem_shared>> -> memref<104x128xf32, #tpu.memory_space<vmem_shared>>
      tpu.wait_dma2 semaphore(%run_scoped3A : memref<!tpu.dma_semaphore, #tpu.memory_space<semaphore_mem>>) src(%arg5 : memref<104x128xf32, #tpu.memory_space<hbm>>) dst(%dma_wait3A_67 : memref<104x128xf32, #tpu.memory_space<vmem_shared>>)
      tpu.yield
    }) : () -> ()
    %add3A_9 = arith.constant 208 : i32
    %add3A_10 = arith.addi %mul3A_4, %add3A_9 : i32
    "tpu.region"() ({
      %run_scoped3A = tpu.sem_alloc : memref<!tpu.dma_semaphore, #tpu.memory_space<semaphore_mem>>
      %dma_start3A_64 = arith.constant 0 : i32
      %dma_start3A_65 = tpu.memref_slice %arg13[%add3A_10, %dma_start3A_64] : memref<10000x128xf32, #tpu.memory_space<vmem_shared>> -> memref<104x128xf32, #tpu.memory_space<vmem_shared>>
      tpu.enqueue_dma source(%arg5 : memref<104x128xf32, #tpu.memory_space<hbm>>) target(%dma_start3A_65 : memref<104x128xf32, #tpu.memory_space<vmem_shared>>) target_semaphore(%run_scoped3A : memref<!tpu.dma_semaphore, #tpu.memory_space<semaphore_mem>>)
      %dma_wait3A_66 = arith.constant 0 : i32
      %dma_wait3A_67 = tpu.memref_slice %arg13[%add3A_10, %dma_wait3A_66] : memref<10000x128xf32, #tpu.memory_space<vmem_shared>> -> memref<104x128xf32, #tpu.memory_space<vmem_shared>>
      tpu.wait_dma2 semaphore(%run_scoped3A : memref<!tpu.dma_semaphore, #tpu.memory_space<semaphore_mem>>) src(%arg5 : memref<104x128xf32, #tpu.memory_space<hbm>>) dst(%dma_wait3A_67 : memref<104x128xf32, #tpu.memory_space<vmem_shared>>)
      tpu.yield
    }) : () -> ()
    %add3A_11 = arith.constant 312 : i32
    %add3A_12 = arith.addi %mul3A_4, %add3A_11 : i32
    "tpu.region"() ({
      %run_scoped3A = tpu.sem_alloc : memref<!tpu.dma_semaphore, #tpu.memory_space<semaphore_mem>>
      %dma_start3A_64 = arith.constant 0 : i32
      %dma_start3A_65 = tpu.memref_slice %arg13[%add3A_12, %dma_start3A_64] : memref<10000x128xf32, #tpu.memory_space<vmem_shared>> -> memref<104x128xf32, #tpu.memory_space<vmem_shared>>
      tpu.enqueue_dma source(%arg5 : memref<104x128xf32, #tpu.memory_space<hbm>>) target(%dma_start3A_65 : memref<104x128xf32, #tpu.memory_space<vmem_shared>>) target_semaphore(%run_scoped3A : memref<!tpu.dma_semaphore, #tpu.memory_space<semaphore_mem>>)
      %dma_wait3A_66 = arith.constant 0 : i32
      %dma_wait3A_67 = tpu.memref_slice %arg13[%add3A_12, %dma_wait3A_66] : memref<10000x128xf32, #tpu.memory_space<vmem_shared>> -> memref<104x128xf32, #tpu.memory_space<vmem_shared>>
      tpu.wait_dma2 semaphore(%run_scoped3A : memref<!tpu.dma_semaphore, #tpu.memory_space<semaphore_mem>>) src(%arg5 : memref<104x128xf32, #tpu.memory_space<hbm>>) dst(%dma_wait3A_67 : memref<104x128xf32, #tpu.memory_space<vmem_shared>>)
      tpu.yield
    }) : () -> ()
    %add3A_13 = arith.constant 416 : i32
    %add3A_14 = arith.addi %mul3A_4, %add3A_13 : i32
    "tpu.region"() ({
      %run_scoped3A = tpu.sem_alloc : memref<!tpu.dma_semaphore, #tpu.memory_space<semaphore_mem>>
      %dma_start3A_64 = arith.constant 0 : i32
      %dma_start3A_65 = tpu.memref_slice %arg13[%add3A_14, %dma_start3A_64] : memref<10000x128xf32, #tpu.memory_space<vmem_shared>> -> memref<104x128xf32, #tpu.memory_space<vmem_shared>>
      tpu.enqueue_dma source(%arg5 : memref<104x128xf32, #tpu.memory_space<hbm>>) target(%dma_start3A_65 : memref<104x128xf32, #tpu.memory_space<vmem_shared>>) target_semaphore(%run_scoped3A : memref<!tpu.dma_semaphore, #tpu.memory_space<semaphore_mem>>)
      %dma_wait3A_66 = arith.constant 0 : i32
      %dma_wait3A_67 = tpu.memref_slice %arg13[%add3A_14, %dma_wait3A_66] : memref<10000x128xf32, #tpu.memory_space<vmem_shared>> -> memref<104x128xf32, #tpu.memory_space<vmem_shared>>
      tpu.wait_dma2 semaphore(%run_scoped3A : memref<!tpu.dma_semaphore, #tpu.memory_space<semaphore_mem>>) src(%arg5 : memref<104x128xf32, #tpu.memory_space<hbm>>) dst(%dma_wait3A_67 : memref<104x128xf32, #tpu.memory_space<vmem_shared>>)
      tpu.yield
    }) : () -> ()
    %add3A_15 = arith.constant 520 : i32
    %add3A_16 = arith.addi %mul3A_4, %add3A_15 : i32
    "tpu.region"() ({
      %run_scoped3A = tpu.sem_alloc : memref<!tpu.dma_semaphore, #tpu.memory_space<semaphore_mem>>
      %dma_start3A_64 = arith.constant 0 : i32
      %dma_start3A_65 = tpu.memref_slice %arg13[%add3A_16, %dma_start3A_64] : memref<10000x128xf32, #tpu.memory_space<vmem_shared>> -> memref<104x128xf32, #tpu.memory_space<vmem_shared>>
      tpu.enqueue_dma source(%arg5 : memref<104x128xf32, #tpu.memory_space<hbm>>) target(%dma_start3A_65 : memref<104x128xf32, #tpu.memory_space<vmem_shared>>) target_semaphore(%run_scoped3A : memref<!tpu.dma_semaphore, #tpu.memory_space<semaphore_mem>>)
      %dma_wait3A_66 = arith.constant 0 : i32
      %dma_wait3A_67 = tpu.memref_slice %arg13[%add3A_16, %dma_wait3A_66] : memref<10000x128xf32, #tpu.memory_space<vmem_shared>> -> memref<104x128xf32, #tpu.memory_space<vmem_shared>>
      tpu.wait_dma2 semaphore(%run_scoped3A : memref<!tpu.dma_semaphore, #tpu.memory_space<semaphore_mem>>) src(%arg5 : memref<104x128xf32, #tpu.memory_space<hbm>>) dst(%dma_wait3A_67 : memref<104x128xf32, #tpu.memory_space<vmem_shared>>)
      tpu.yield
    }) : () -> ()
    %eq3A = arith.constant 15 : i32
    %eq3A_17 = arith.cmpi eq, %arg1, %eq3A : i32
    %convert_element_type3A = arith.extui %eq3A_17 : i1 to i32
    %cond3A = arith.constant 0 : i32
    %cond3A_18 = arith.cmpi ne, %convert_element_type3A, %cond3A : i32
    scf.if %cond3A_18 {
      "tpu.region"() ({
        %run_scoped3A = tpu.sem_alloc : memref<!tpu.dma_semaphore, #tpu.memory_space<semaphore_mem>>
        %dma_start3A_64 = arith.constant 9984 : i32
        %dma_start3A_65 = arith.constant 0 : i32
        %dma_start3A_66 = tpu.memref_slice %arg13[%dma_start3A_64, %dma_start3A_65] : memref<10000x128xf32, #tpu.memory_space<vmem_shared>> -> memref<16x128xf32, #tpu.memory_space<vmem_shared>>
        %dma_start3A_67 = arith.constant 0 : i32
        %dma_start3A_68 = arith.constant 0 : i32
        %dma_start3A_69 = tpu.memref_slice %arg5[%dma_start3A_67, %dma_start3A_68] : memref<104x128xf32, #tpu.memory_space<hbm>> -> memref<16x128xf32, #tpu.memory_space<hbm>>
        tpu.enqueue_dma source(%dma_start3A_69 : memref<16x128xf32, #tpu.memory_space<hbm>>) target(%dma_start3A_66 : memref<16x128xf32, #tpu.memory_space<vmem_shared>>) target_semaphore(%run_scoped3A : memref<!tpu.dma_semaphore, #tpu.memory_space<semaphore_mem>>)
        %dma_wait3A_70 = arith.constant 9984 : i32
        %dma_wait3A_71 = arith.constant 0 : i32
        %dma_wait3A_72 = tpu.memref_slice %arg13[%dma_wait3A_70, %dma_wait3A_71] : memref<10000x128xf32, #tpu.memory_space<vmem_shared>> -> memref<16x128xf32, #tpu.memory_space<vmem_shared>>
        %dma_wait3A_73 = arith.constant 0 : i32
        %dma_wait3A_74 = arith.constant 0 : i32
        %dma_wait3A_75 = tpu.memref_slice %arg5[%dma_wait3A_73, %dma_wait3A_74] : memref<104x128xf32, #tpu.memory_space<hbm>> -> memref<16x128xf32, #tpu.memory_space<hbm>>
        tpu.wait_dma2 semaphore(%run_scoped3A : memref<!tpu.dma_semaphore, #tpu.memory_space<semaphore_mem>>) src(%dma_wait3A_75 : memref<16x128xf32, #tpu.memory_space<hbm>>) dst(%dma_wait3A_72 : memref<16x128xf32, #tpu.memory_space<vmem_shared>>)
        tpu.yield
      }) : () -> ()
    } else {
    }
    %barrier3A = arith.constant 0 : index
    tpu.barrier barrier_id(%barrier3A)
    %add3A_19 = arith.constant 0 : i32
    %add3A_20 = arith.addi %mul3A_2, %add3A_19 : i32
    %dma_start3A = tpu.memref_slice %arg2[%add3A_20] : memref<320000xi32, #tpu.memory_space<hbm>> -> memref<80xi32, #tpu.memory_space<hbm>>
    %dma_start3A_21 = tpu.memref_slice %arg2[%add3A_20] : memref<320000xi32, #tpu.memory_space<hbm>> -> memref<80xi32, #tpu.memory_space<hbm>>
    tpu.enqueue_dma source(%dma_start3A_21 : memref<80xi32, #tpu.memory_space<hbm>>) target(%arg7 : memref<80xi32, #tpu.memory_space<vmem>>) target_semaphore(%arg18 : memref<!tpu.dma_semaphore, #tpu.memory_space<semaphore_mem>>)
    %dma_wait3A = arith.constant 0 : i32
    %dma_wait3A_22 = tpu.memref_slice %arg2[%dma_wait3A] : memref<320000xi32, #tpu.memory_space<hbm>> -> memref<80xi32, #tpu.memory_space<hbm>>
    %dma_wait3A_23 = arith.constant 0 : i32
    %dma_wait3A_24 = tpu.memref_slice %arg2[%dma_wait3A_23] : memref<320000xi32, #tpu.memory_space<hbm>> -> memref<80xi32, #tpu.memory_space<hbm>>
    tpu.wait_dma2 semaphore(%arg18 : memref<!tpu.dma_semaphore, #tpu.memory_space<semaphore_mem>>) src(%dma_wait3A_24 : memref<80xi32, #tpu.memory_space<hbm>>) dst(%arg7 : memref<80xi32, #tpu.memory_space<vmem>>)
    %add3A_25 = arith.constant 0 : i32
    %add3A_26 = arith.addi %mul3A_2, %add3A_25 : i32
    %dma_start3A_27 = arith.constant 0 : i32
    %dma_start3A_28 = arith.constant 0 : i32
    %dma_start3A_29 = tpu.memref_slice %arg3[%dma_start3A_27, %dma_start3A_28] : memref<10000x128xf32, #tpu.memory_space<hbm>> -> memref<10000x128xf32, #tpu.memory_space<hbm>>
    tpu.enqueue_indirect_dma source(%dma_start3A_29 : memref<10000x128xf32, #tpu.memory_space<hbm>>) target(%arg9 : memref<80x128xf32, #tpu.memory_space<vmem>>) offsets(%arg7 : memref<80xi32, #tpu.memory_space<vmem>>) semaphore(%arg14 : memref<!tpu.dma_semaphore, #tpu.memory_space<semaphore_mem>>)
    %dma_start3A_30 = arith.constant 0 : i32
    %dma_start3A_31 = tpu.memref_slice %arg4[%add3A_26, %dma_start3A_30] : memref<320000x128xf32, #tpu.memory_space<hbm>> -> memref<80x128xf32, #tpu.memory_space<hbm>>
    %dma_start3A_32 = arith.constant 0 : i32
    %dma_start3A_33 = tpu.memref_slice %arg4[%add3A_26, %dma_start3A_32] : memref<320000x128xf32, #tpu.memory_space<hbm>> -> memref<80x128xf32, #tpu.memory_space<hbm>>
    tpu.enqueue_dma source(%dma_start3A_33 : memref<80x128xf32, #tpu.memory_space<hbm>>) target(%arg10 : memref<80x128xf32, #tpu.memory_space<vmem>>) target_semaphore(%arg15 : memref<!tpu.dma_semaphore, #tpu.memory_space<semaphore_mem>>)
    %add3A_34 = arith.constant 80 : i32
    %add3A_35 = arith.addi %mul3A_2, %add3A_34 : i32
    %dma_start3A_36 = tpu.memref_slice %arg2[%add3A_35] : memref<320000xi32, #tpu.memory_space<hbm>> -> memref<80xi32, #tpu.memory_space<hbm>>
    %dma_start3A_37 = tpu.memref_slice %arg2[%add3A_35] : memref<320000xi32, #tpu.memory_space<hbm>> -> memref<80xi32, #tpu.memory_space<hbm>>
    tpu.enqueue_dma source(%dma_start3A_37 : memref<80xi32, #tpu.memory_space<hbm>>) target(%arg8 : memref<80xi32, #tpu.memory_space<vmem>>) target_semaphore(%arg19 : memref<!tpu.dma_semaphore, #tpu.memory_space<semaphore_mem>>)
    %scan3A = arith.constant 0 : i32
    %scan3A_38 = arith.constant 0 : i32
    %scan3A_39 = arith.constant 62 : i32
    %scan3A_40 = arith.addi %scan3A_38, %scan3A_39 : i32
    %scan3A_41 = arith.constant 1 : i32
    scf.for %scan3A_64 = %scan3A_38 to %scan3A_40 step %scan3A_41  : i32 {
      %mul3A_65 = arith.constant 2 : i32
      %mul3A_66 = arith.muli %mul3A_65, %scan3A_64 : i32
      %dma_wait3A_67 = arith.constant 0 : i32
      %dma_wait3A_68 = arith.constant 0 : i32
      %dma_wait3A_69 = tpu.memref_slice %arg3[%dma_wait3A_67, %dma_wait3A_68] : memref<10000x128xf32, #tpu.memory_space<hbm>> -> memref<10000x128xf32, #tpu.memory_space<hbm>>
      tpu.wait_indirect_dma semaphore(%arg14 : memref<!tpu.dma_semaphore, #tpu.memory_space<semaphore_mem>>) src(%dma_wait3A_69 : memref<10000x128xf32, #tpu.memory_space<hbm>>) dst(%arg9 : memref<80x128xf32, #tpu.memory_space<vmem>>)
      %dma_wait3A_70 = arith.constant 0 : i32
      %dma_wait3A_71 = arith.constant 0 : i32
      %dma_wait3A_72 = tpu.memref_slice %arg4[%dma_wait3A_70, %dma_wait3A_71] : memref<320000x128xf32, #tpu.memory_space<hbm>> -> memref<80x128xf32, #tpu.memory_space<hbm>>
      %dma_wait3A_73 = arith.constant 0 : i32
      %dma_wait3A_74 = arith.constant 0 : i32
      %dma_wait3A_75 = tpu.memref_slice %arg4[%dma_wait3A_73, %dma_wait3A_74] : memref<320000x128xf32, #tpu.memory_space<hbm>> -> memref<80x128xf32, #tpu.memory_space<hbm>>
      tpu.wait_dma2 semaphore(%arg15 : memref<!tpu.dma_semaphore, #tpu.memory_space<semaphore_mem>>) src(%dma_wait3A_75 : memref<80x128xf32, #tpu.memory_space<hbm>>) dst(%arg10 : memref<80x128xf32, #tpu.memory_space<vmem>>)
      %dma_wait3A_76 = arith.constant 0 : i32
      %dma_wait3A_77 = tpu.memref_slice %arg2[%dma_wait3A_76] : memref<320000xi32, #tpu.memory_space<hbm>> -> memref<80xi32, #tpu.memory_space<hbm>>
      %dma_wait3A_78 = arith.constant 0 : i32
      %dma_wait3A_79 = tpu.memref_slice %arg2[%dma_wait3A_78] : memref<320000xi32, #tpu.memory_space<hbm>> -> memref<80xi32, #tpu.memory_space<hbm>>
      tpu.wait_dma2 semaphore(%arg19 : memref<!tpu.dma_semaphore, #tpu.memory_space<semaphore_mem>>) src(%dma_wait3A_79 : memref<80xi32, #tpu.memory_space<hbm>>) dst(%arg8 : memref<80xi32, #tpu.memory_space<vmem>>)
      %add3A_80 = arith.constant 1 : i32
      %add3A_81 = arith.addi %mul3A_66, %add3A_80 : i32
      %mul3A_82 = arith.constant 80 : i32
      %mul3A_83 = arith.muli %add3A_81, %mul3A_82 : i32
      %add3A_84 = arith.addi %mul3A_2, %mul3A_83 : i32
      %dma_start3A_85 = arith.constant 0 : i32
      %dma_start3A_86 = arith.constant 0 : i32
      %dma_start3A_87 = tpu.memref_slice %arg3[%dma_start3A_85, %dma_start3A_86] : memref<10000x128xf32, #tpu.memory_space<hbm>> -> memref<10000x128xf32, #tpu.memory_space<hbm>>
      tpu.enqueue_indirect_dma source(%dma_start3A_87 : memref<10000x128xf32, #tpu.memory_space<hbm>>) target(%arg11 : memref<80x128xf32, #tpu.memory_space<vmem>>) offsets(%arg8 : memref<80xi32, #tpu.memory_space<vmem>>) semaphore(%arg16 : memref<!tpu.dma_semaphore, #tpu.memory_space<semaphore_mem>>)
      %dma_start3A_88 = arith.constant 0 : i32
      %dma_start3A_89 = tpu.memref_slice %arg4[%add3A_84, %dma_start3A_88] : memref<320000x128xf32, #tpu.memory_space<hbm>> -> memref<80x128xf32, #tpu.memory_space<hbm>>
      %dma_start3A_90 = arith.constant 0 : i32
      %dma_start3A_91 = tpu.memref_slice %arg4[%add3A_84, %dma_start3A_90] : memref<320000x128xf32, #tpu.memory_space<hbm>> -> memref<80x128xf32, #tpu.memory_space<hbm>>
      tpu.enqueue_dma source(%dma_start3A_91 : memref<80x128xf32, #tpu.memory_space<hbm>>) target(%arg12 : memref<80x128xf32, #tpu.memory_space<vmem>>) target_semaphore(%arg17 : memref<!tpu.dma_semaphore, #tpu.memory_space<semaphore_mem>>)
      %scan3A_92 = arith.constant 0 : i32
      %scan3A_93 = arith.constant 0 : i32
      %scan3A_94 = arith.constant 80 : i32
      %scan3A_95 = arith.addi %scan3A_93, %scan3A_94 : i32
      %scan3A_96 = arith.constant 1 : i32
      scf.for %scan3A_133 = %scan3A_93 to %scan3A_95 step %scan3A_96  : i32 {
        %get3A = arith.index_cast %scan3A_133 : i32 to index
        %get3A_134 = arith.constant 0 : index
        %get3A_135 = tpu.vector_load %arg9[%get3A, %get3A_134] {strides = array<i32>} : memref<80x128xf32, #tpu.memory_space<vmem>>, vector<1x16xf32>,
        %get3A_136 = vector.shape_cast %get3A_135 : vector<1x16xf32> to vector<16xf32>
        %get3A_137 = arith.index_cast %scan3A_133 : i32 to index
        %get3A_138 = arith.constant 0 : index
        %get3A_139 = tpu.vector_load %arg10[%get3A_137, %get3A_138] {strides = array<i32>} : memref<80x128xf32, #tpu.memory_space<vmem>>, vector<1x16xf32>,
        %get3A_140 = vector.shape_cast %get3A_139 : vector<1x16xf32> to vector<16xf32>
        %mul3A_141 = arith.mulf %get3A_136, %get3A_140 : vector<16xf32>
        %neg3A = arith.constant 0.000000e+00 : f32
        %neg3A_142 = vector.broadcast %neg3A : f32 to vector<16xf32>
        %neg3A_143 = arith.subf %neg3A_142, %mul3A_141 : vector<16xf32>
        %exp3A = math.exp %neg3A_143 : vector<16xf32>
        %add3A_144 = arith.constant 1.000000e+00 : f32
        %add3A_145 = vector.broadcast %add3A_144 : f32 to vector<16xf32>
        %add3A_146 = arith.addf %add3A_145, %exp3A : vector<16xf32>
        %div3A = arith.divf %mul3A_141, %add3A_146 : vector<16xf32>
        %swap3A = arith.index_cast %scan3A_133 : i32 to index
        %swap3A_147 = arith.constant 0 : index
        %swap3A_148 = tpu.vector_load %arg9[%swap3A, %swap3A_147] {strides = array<i32>} : memref<80x128xf32, #tpu.memory_space<vmem>>, vector<1x16xf32>,
        %swap3A_149 = vector.shape_cast %swap3A_148 : vector<1x16xf32> to vector<16xf32>
        %swap3A_150 = vector.shape_cast %div3A : vector<16xf32> to vector<1x16xf32>
        tpu.vector_store %arg9[%swap3A, %swap3A_147], %swap3A_150 {strides = array<i32>} : memref<80x128xf32, #tpu.memory_space<vmem>>, vector<1x16xf32>,
        %get3A_151 = arith.index_cast %scan3A_133 : i32 to index
        %get3A_152 = arith.constant 16 : index
        %get3A_153 = tpu.vector_load %arg9[%get3A_151, %get3A_152] {strides = array<i32>} : memref<80x128xf32, #tpu.memory_space<vmem>>, vector<1x16xf32>,
        %get3A_154 = vector.shape_cast %get3A_153 : vector<1x16xf32> to vector<16xf32>
        %get3A_155 = arith.index_cast %scan3A_133 : i32 to index
        %get3A_156 = arith.constant 16 : index
        %get3A_157 = tpu.vector_load %arg10[%get3A_155, %get3A_156] {strides = array<i32>} : memref<80x128xf32, #tpu.memory_space<vmem>>, vector<1x16xf32>,
        %get3A_158 = vector.shape_cast %get3A_157 : vector<1x16xf32> to vector<16xf32>
        %mul3A_159 = arith.mulf %get3A_154, %get3A_158 : vector<16xf32>
        %neg3A_160 = arith.constant 0.000000e+00 : f32
        %neg3A_161 = vector.broadcast %neg3A_160 : f32 to vector<16xf32>
        %neg3A_162 = arith.subf %neg3A_161, %mul3A_159 : vector<16xf32>
        %exp3A_163 = math.exp %neg3A_162 : vector<16xf32>
        %add3A_164 = arith.constant 1.000000e+00 : f32
        %add3A_165 = vector.broadcast %add3A_164 : f32 to vector<16xf32>
        %add3A_166 = arith.addf %add3A_165, %exp3A_163 : vector<16xf32>
        %div3A_167 = arith.divf %mul3A_159, %add3A_166 : vector<16xf32>
        %swap3A_168 = arith.index_cast %scan3A_133 : i32 to index
        %swap3A_169 = arith.constant 16 : index
        %swap3A_170 = tpu.vector_load %arg9[%swap3A_168, %swap3A_169] {strides = array<i32>} : memref<80x128xf32, #tpu.memory_space<vmem>>, vector<1x16xf32>,
        %swap3A_171 = vector.shape_cast %swap3A_170 : vector<1x16xf32> to vector<16xf32>
        %swap3A_172 = vector.shape_cast %div3A_167 : vector<16xf32> to vector<1x16xf32>
        tpu.vector_store %arg9[%swap3A_168, %swap3A_169], %swap3A_172 {strides = array<i32>} : memref<80x128xf32, #tpu.memory_space<vmem>>, vector<1x16xf32>,
        %get3A_173 = arith.index_cast %scan3A_133 : i32 to index
        %get3A_174 = arith.constant 32 : index
        %get3A_175 = tpu.vector_load %arg9[%get3A_173, %get3A_174] {strides = array<i32>} : memref<80x128xf32, #tpu.memory_space<vmem>>, vector<1x16xf32>,
        %get3A_176 = vector.shape_cast %get3A_175 : vector<1x16xf32> to vector<16xf32>
        %get3A_177 = arith.index_cast %scan3A_133 : i32 to index
        %get3A_178 = arith.constant 32 : index
        %get3A_179 = tpu.vector_load %arg10[%get3A_177, %get3A_178] {strides = array<i32>} : memref<80x128xf32, #tpu.memory_space<vmem>>, vector<1x16xf32>,
        %get3A_180 = vector.shape_cast %get3A_179 : vector<1x16xf32> to vector<16xf32>
        %mul3A_181 = arith.mulf %get3A_176, %get3A_180 : vector<16xf32>
        %neg3A_182 = arith.constant 0.000000e+00 : f32
        %neg3A_183 = vector.broadcast %neg3A_182 : f32 to vector<16xf32>
        %neg3A_184 = arith.subf %neg3A_183, %mul3A_181 : vector<16xf32>
        %exp3A_185 = math.exp %neg3A_184 : vector<16xf32>
        %add3A_186 = arith.constant 1.000000e+00 : f32
        %add3A_187 = vector.broadcast %add3A_186 : f32 to vector<16xf32>
        %add3A_188 = arith.addf %add3A_187, %exp3A_185 : vector<16xf32>
        %div3A_189 = arith.divf %mul3A_181, %add3A_188 : vector<16xf32>
        %swap3A_190 = arith.index_cast %scan3A_133 : i32 to index
        %swap3A_191 = arith.constant 32 : index
        %swap3A_192 = tpu.vector_load %arg9[%swap3A_190, %swap3A_191] {strides = array<i32>} : memref<80x128xf32, #tpu.memory_space<vmem>>, vector<1x16xf32>,
        %swap3A_193 = vector.shape_cast %swap3A_192 : vector<1x16xf32> to vector<16xf32>
        %swap3A_194 = vector.shape_cast %div3A_189 : vector<16xf32> to vector<1x16xf32>
        tpu.vector_store %arg9[%swap3A_190, %swap3A_191], %swap3A_194 {strides = array<i32>} : memref<80x128xf32, #tpu.memory_space<vmem>>, vector<1x16xf32>,
        %get3A_195 = arith.index_cast %scan3A_133 : i32 to index
        %get3A_196 = arith.constant 48 : index
        %get3A_197 = tpu.vector_load %arg9[%get3A_195, %get3A_196] {strides = array<i32>} : memref<80x128xf32, #tpu.memory_space<vmem>>, vector<1x16xf32>,
        %get3A_198 = vector.shape_cast %get3A_197 : vector<1x16xf32> to vector<16xf32>
        %get3A_199 = arith.index_cast %scan3A_133 : i32 to index
        %get3A_200 = arith.constant 48 : index
        %get3A_201 = tpu.vector_load %arg10[%get3A_199, %get3A_200] {strides = array<i32>} : memref<80x128xf32, #tpu.memory_space<vmem>>, vector<1x16xf32>,
        %get3A_202 = vector.shape_cast %get3A_201 : vector<1x16xf32> to vector<16xf32>
        %mul3A_203 = arith.mulf %get3A_198, %get3A_202 : vector<16xf32>
        %neg3A_204 = arith.constant 0.000000e+00 : f32
        %neg3A_205 = vector.broadcast %neg3A_204 : f32 to vector<16xf32>
        %neg3A_206 = arith.subf %neg3A_205, %mul3A_203 : vector<16xf32>
        %exp3A_207 = math.exp %neg3A_206 : vector<16xf32>
        %add3A_208 = arith.constant 1.000000e+00 : f32
        %add3A_209 = vector.broadcast %add3A_208 : f32 to vector<16xf32>
        %add3A_210 = arith.addf %add3A_209, %exp3A_207 : vector<16xf32>
        %div3A_211 = arith.divf %mul3A_203, %add3A_210 : vector<16xf32>
        %swap3A_212 = arith.index_cast %scan3A_133 : i32 to index
        %swap3A_213 = arith.constant 48 : index
        %swap3A_214 = tpu.vector_load %arg9[%swap3A_212, %swap3A_213] {strides = array<i32>} : memref<80x128xf32, #tpu.memory_space<vmem>>, vector<1x16xf32>,
        %swap3A_215 = vector.shape_cast %swap3A_214 : vector<1x16xf32> to vector<16xf32>
        %swap3A_216 = vector.shape_cast %div3A_211 : vector<16xf32> to vector<1x16xf32>
        tpu.vector_store %arg9[%swap3A_212, %swap3A_213], %swap3A_216 {strides = array<i32>} : memref<80x128xf32, #tpu.memory_space<vmem>>, vector<1x16xf32>,
        %get3A_217 = arith.index_cast %scan3A_133 : i32 to index
        %get3A_218 = arith.constant 64 : index
        %get3A_219 = tpu.vector_load %arg9[%get3A_217, %get3A_218] {strides = array<i32>} : memref<80x128xf32, #tpu.memory_space<vmem>>, vector<1x16xf32>,
        %get3A_220 = vector.shape_cast %get3A_219 : vector<1x16xf32> to vector<16xf32>
        %get3A_221 = arith.index_cast %scan3A_133 : i32 to index
        %get3A_222 = arith.constant 64 : index
        %get3A_223 = tpu.vector_load %arg10[%get3A_221, %get3A_222] {strides = array<i32>} : memref<80x128xf32, #tpu.memory_space<vmem>>, vector<1x16xf32>,
        %get3A_224 = vector.shape_cast %get3A_223 : vector<1x16xf32> to vector<16xf32>
        %mul3A_225 = arith.mulf %get3A_220, %get3A_224 : vector<16xf32>
        %neg3A_226 = arith.constant 0.000000e+00 : f32
        %neg3A_227 = vector.broadcast %neg3A_226 : f32 to vector<16xf32>
        %neg3A_228 = arith.subf %neg3A_227, %mul3A_225 : vector<16xf32>
        %exp3A_229 = math.exp %neg3A_228 : vector<16xf32>
        %add3A_230 = arith.constant 1.000000e+00 : f32
        %add3A_231 = vector.broadcast %add3A_230 : f32 to vector<16xf32>
        %add3A_232 = arith.addf %add3A_231, %exp3A_229 : vector<16xf32>
        %div3A_233 = arith.divf %mul3A_225, %add3A_232 : vector<16xf32>
        %swap3A_234 = arith.index_cast %scan3A_133 : i32 to index
        %swap3A_235 = arith.constant 64 : index
        %swap3A_236 = tpu.vector_load %arg9[%swap3A_234, %swap3A_235] {strides = array<i32>} : memref<80x128xf32, #tpu.memory_space<vmem>>, vector<1x16xf32>,
        %swap3A_237 = vector.shape_cast %swap3A_236 : vector<1x16xf32> to vector<16xf32>
        %swap3A_238 = vector.shape_cast %div3A_233 : vector<16xf32> to vector<1x16xf32>
        tpu.vector_store %arg9[%swap3A_234, %swap3A_235], %swap3A_238 {strides = array<i32>} : memref<80x128xf32, #tpu.memory_space<vmem>>, vector<1x16xf32>,
        %get3A_239 = arith.index_cast %scan3A_133 : i32 to index
        %get3A_240 = arith.constant 80 : index
        %get3A_241 = tpu.vector_load %arg9[%get3A_239, %get3A_240] {strides = array<i32>} : memref<80x128xf32, #tpu.memory_space<vmem>>, vector<1x16xf32>,
        %get3A_242 = vector.shape_cast %get3A_241 : vector<1x16xf32> to vector<16xf32>
        %get3A_243 = arith.index_cast %scan3A_133 : i32 to index
        %get3A_244 = arith.constant 80 : index
        %get3A_245 = tpu.vector_load %arg10[%get3A_243, %get3A_244] {strides = array<i32>} : memref<80x128xf32, #tpu.memory_space<vmem>>, vector<1x16xf32>,
        %get3A_246 = vector.shape_cast %get3A_245 : vector<1x16xf32> to vector<16xf32>
        %mul3A_247 = arith.mulf %get3A_242, %get3A_246 : vector<16xf32>
        %neg3A_248 = arith.constant 0.000000e+00 : f32
        %neg3A_249 = vector.broadcast %neg3A_248 : f32 to vector<16xf32>
        %neg3A_250 = arith.subf %neg3A_249, %mul3A_247 : vector<16xf32>
        %exp3A_251 = math.exp %neg3A_250 : vector<16xf32>
        %add3A_252 = arith.constant 1.000000e+00 : f32
        %add3A_253 = vector.broadcast %add3A_252 : f32 to vector<16xf32>
        %add3A_254 = arith.addf %add3A_253, %exp3A_251 : vector<16xf32>
        %div3A_255 = arith.divf %mul3A_247, %add3A_254 : vector<16xf32>
        %swap3A_256 = arith.index_cast %scan3A_133 : i32 to index
        %swap3A_257 = arith.constant 80 : index
        %swap3A_258 = tpu.vector_load %arg9[%swap3A_256, %swap3A_257] {strides = array<i32>} : memref<80x128xf32, #tpu.memory_space<vmem>>, vector<1x16xf32>,
        %swap3A_259 = vector.shape_cast %swap3A_258 : vector<1x16xf32> to vector<16xf32>
        %swap3A_260 = vector.shape_cast %div3A_255 : vector<16xf32> to vector<1x16xf32>
        tpu.vector_store %arg9[%swap3A_256, %swap3A_257], %swap3A_260 {strides = array<i32>} : memref<80x128xf32, #tpu.memory_space<vmem>>, vector<1x16xf32>,
        %get3A_261 = arith.index_cast %scan3A_133 : i32 to index
        %get3A_262 = arith.constant 96 : index
        %get3A_263 = tpu.vector_load %arg9[%get3A_261, %get3A_262] {strides = array<i32>} : memref<80x128xf32, #tpu.memory_space<vmem>>, vector<1x16xf32>,
        %get3A_264 = vector.shape_cast %get3A_263 : vector<1x16xf32> to vector<16xf32>
        %get3A_265 = arith.index_cast %scan3A_133 : i32 to index
        %get3A_266 = arith.constant 96 : index
        %get3A_267 = tpu.vector_load %arg10[%get3A_265, %get3A_266] {strides = array<i32>} : memref<80x128xf32, #tpu.memory_space<vmem>>, vector<1x16xf32>,
        %get3A_268 = vector.shape_cast %get3A_267 : vector<1x16xf32> to vector<16xf32>
        %mul3A_269 = arith.mulf %get3A_264, %get3A_268 : vector<16xf32>
        %neg3A_270 = arith.constant 0.000000e+00 : f32
        %neg3A_271 = vector.broadcast %neg3A_270 : f32 to vector<16xf32>
        %neg3A_272 = arith.subf %neg3A_271, %mul3A_269 : vector<16xf32>
        %exp3A_273 = math.exp %neg3A_272 : vector<16xf32>
        %add3A_274 = arith.constant 1.000000e+00 : f32
        %add3A_275 = vector.broadcast %add3A_274 : f32 to vector<16xf32>
        %add3A_276 = arith.addf %add3A_275, %exp3A_273 : vector<16xf32>
        %div3A_277 = arith.divf %mul3A_269, %add3A_276 : vector<16xf32>
        %swap3A_278 = arith.index_cast %scan3A_133 : i32 to index
        %swap3A_279 = arith.constant 96 : index
        %swap3A_280 = tpu.vector_load %arg9[%swap3A_278, %swap3A_279] {strides = array<i32>} : memref<80x128xf32, #tpu.memory_space<vmem>>, vector<1x16xf32>,
        %swap3A_281 = vector.shape_cast %swap3A_280 : vector<1x16xf32> to vector<16xf32>
        %swap3A_282 = vector.shape_cast %div3A_277 : vector<16xf32> to vector<1x16xf32>
        tpu.vector_store %arg9[%swap3A_278, %swap3A_279], %swap3A_282 {strides = array<i32>} : memref<80x128xf32, #tpu.memory_space<vmem>>, vector<1x16xf32>,
        %get3A_283 = arith.index_cast %scan3A_133 : i32 to index
        %get3A_284 = arith.constant 112 : index
        %get3A_285 = tpu.vector_load %arg9[%get3A_283, %get3A_284] {strides = array<i32>} : memref<80x128xf32, #tpu.memory_space<vmem>>, vector<1x16xf32>,
        %get3A_286 = vector.shape_cast %get3A_285 : vector<1x16xf32> to vector<16xf32>
        %get3A_287 = arith.index_cast %scan3A_133 : i32 to index
        %get3A_288 = arith.constant 112 : index
        %get3A_289 = tpu.vector_load %arg10[%get3A_287, %get3A_288] {strides = array<i32>} : memref<80x128xf32, #tpu.memory_space<vmem>>, vector<1x16xf32>,
        %get3A_290 = vector.shape_cast %get3A_289 : vector<1x16xf32> to vector<16xf32>
        %mul3A_291 = arith.mulf %get3A_286, %get3A_290 : vector<16xf32>
        %neg3A_292 = arith.constant 0.000000e+00 : f32
        %neg3A_293 = vector.broadcast %neg3A_292 : f32 to vector<16xf32>
        %neg3A_294 = arith.subf %neg3A_293, %mul3A_291 : vector<16xf32>
        %exp3A_295 = math.exp %neg3A_294 : vector<16xf32>
        %add3A_296 = arith.constant 1.000000e+00 : f32
        %add3A_297 = vector.broadcast %add3A_296 : f32 to vector<16xf32>
        %add3A_298 = arith.addf %add3A_297, %exp3A_295 : vector<16xf32>
        %div3A_299 = arith.divf %mul3A_291, %add3A_298 : vector<16xf32>
        %swap3A_300 = arith.index_cast %scan3A_133 : i32 to index
        %swap3A_301 = arith.constant 112 : index
        %swap3A_302 = tpu.vector_load %arg9[%swap3A_300, %swap3A_301] {strides = array<i32>} : memref<80x128xf32, #tpu.memory_space<vmem>>, vector<1x16xf32>,
        %swap3A_303 = vector.shape_cast %swap3A_302 : vector<1x16xf32> to vector<16xf32>
        %swap3A_304 = vector.shape_cast %div3A_299 : vector<16xf32> to vector<1x16xf32>
        tpu.vector_store %arg9[%swap3A_300, %swap3A_301], %swap3A_304 {strides = array<i32>} : memref<80x128xf32, #tpu.memory_space<vmem>>, vector<1x16xf32>,
      }
      %scan3A_97 = arith.constant 80 : i32
      "tpu.region"() ({
        %run_scoped3A = tpu.sem_alloc : memref<!tpu.dma_semaphore, #tpu.memory_space<semaphore_mem>>
        %dma_start3A_133 = arith.constant 0 : i32
        %dma_start3A_134 = arith.constant 0 : i32
        %dma_start3A_135 = tpu.memref_slice %arg13[%dma_start3A_133, %dma_start3A_134] : memref<10000x128xf32, #tpu.memory_space<vmem_shared>> -> memref<10000x128xf32, #tpu.memory_space<vmem_shared>>
        tpu.enqueue_indirect_dma source(%arg9 : memref<80x128xf32, #tpu.memory_space<vmem>>) target(%dma_start3A_135 : memref<10000x128xf32, #tpu.memory_space<vmem_shared>>) offsets(%arg7 : memref<80xi32, #tpu.memory_space<vmem>>) semaphore(%run_scoped3A : memref<!tpu.dma_semaphore, #tpu.memory_space<semaphore_mem>>) {add = true}
        %dma_wait3A_136 = arith.constant 0 : i32
        %dma_wait3A_137 = arith.constant 0 : i32
        %dma_wait3A_138 = tpu.memref_slice %arg13[%dma_wait3A_136, %dma_wait3A_137] : memref<10000x128xf32, #tpu.memory_space<vmem_shared>> -> memref<10000x128xf32, #tpu.memory_space<vmem_shared>>
        tpu.wait_indirect_dma semaphore(%run_scoped3A : memref<!tpu.dma_semaphore, #tpu.memory_space<semaphore_mem>>) src(%arg9 : memref<80x128xf32, #tpu.memory_space<vmem>>) dst(%dma_wait3A_138 : memref<10000x128xf32, #tpu.memory_space<vmem_shared>>)
        tpu.yield
      }) : () -> ()
      %add3A_98 = arith.constant 2 : i32
      %add3A_99 = arith.addi %mul3A_66, %add3A_98 : i32
      %lt3A = arith.constant 125 : i32
      %lt3A_100 = arith.cmpi slt, %add3A_99, %lt3A : i32
      %convert_element_type3A_101 = arith.extui %lt3A_100 : i1 to i32
      %cond3A_102 = arith.constant 0 : i32
      %cond3A_103 = arith.cmpi ne, %convert_element_type3A_101, %cond3A_102 : i32
      scf.if %cond3A_103 {
        %add3A_133 = arith.constant 2 : i32
        %add3A_134 = arith.addi %mul3A_66, %add3A_133 : i32
        %mul3A_135 = arith.constant 80 : i32
        %mul3A_136 = arith.muli %add3A_134, %mul3A_135 : i32
        %add3A_137 = arith.addi %mul3A_2, %mul3A_136 : i32
        %dma_start3A_138 = tpu.memref_slice %arg2[%add3A_137] : memref<320000xi32, #tpu.memory_space<hbm>> -> memref<80xi32, #tpu.memory_space<hbm>>
        %dma_start3A_139 = tpu.memref_slice %arg2[%add3A_137] : memref<320000xi32, #tpu.memory_space<hbm>> -> memref<80xi32, #tpu.memory_space<hbm>>
        tpu.enqueue_dma source(%dma_start3A_139 : memref<80xi32, #tpu.memory_space<hbm>>) target(%arg7 : memref<80xi32, #tpu.memory_space<vmem>>) target_semaphore(%arg18 : memref<!tpu.dma_semaphore, #tpu.memory_space<semaphore_mem>>)
      } else {
      }
      %dma_wait3A_104 = arith.constant 0 : i32
      %dma_wait3A_105 = arith.constant 0 : i32
      %dma_wait3A_106 = tpu.memref_slice %arg3[%dma_wait3A_104, %dma_wait3A_105] : memref<10000x128xf32, #tpu.memory_space<hbm>> -> memref<10000x128xf32, #tpu.memory_space<hbm>>
      tpu.wait_indirect_dma semaphore(%arg16 : memref<!tpu.dma_semaphore, #tpu.memory_space<semaphore_mem>>) src(%dma_wait3A_106 : memref<10000x128xf32, #tpu.memory_space<hbm>>) dst(%arg11 : memref<80x128xf32, #tpu.memory_space<vmem>>)
      %dma_wait3A_107 = arith.constant 0 : i32
      %dma_wait3A_108 = arith.constant 0 : i32
      %dma_wait3A_109 = tpu.memref_slice %arg4[%dma_wait3A_107, %dma_wait3A_108] : memref<320000x128xf32, #tpu.memory_space<hbm>> -> memref<80x128xf32, #tpu.memory_space<hbm>>
      %dma_wait3A_110 = arith.constant 0 : i32
      %dma_wait3A_111 = arith.constant 0 : i32
      %dma_wait3A_112 = tpu.memref_slice %arg4[%dma_wait3A_110, %dma_wait3A_111] : memref<320000x128xf32, #tpu.memory_space<hbm>> -> memref<80x128xf32, #tpu.memory_space<hbm>>
      tpu.wait_dma2 semaphore(%arg17 : memref<!tpu.dma_semaphore, #tpu.memory_space<semaphore_mem>>) src(%dma_wait3A_112 : memref<80x128xf32, #tpu.memory_space<hbm>>) dst(%arg12 : memref<80x128xf32, #tpu.memory_space<vmem>>)
      %add3A_113 = arith.constant 2 : i32
      %add3A_114 = arith.addi %mul3A_66, %add3A_113 : i32
      %lt3A_115 = arith.constant 125 : i32
      %lt3A_116 = arith.cmpi slt, %add3A_114, %lt3A_115 : i32
      %convert_element_type3A_117 = arith.extui %lt3A_116 : i1 to i32
      %cond3A_118 = arith.constant 0 : i32
      %cond3A_119 = arith.cmpi ne, %convert_element_type3A_117, %cond3A_118 : i32
      scf.if %cond3A_119 {
        %dma_wait3A_133 = arith.constant 0 : i32
        %dma_wait3A_134 = tpu.memref_slice %arg2[%dma_wait3A_133] : memref<320000xi32, #tpu.memory_space<hbm>> -> memref<80xi32, #tpu.memory_space<hbm>>
        %dma_wait3A_135 = arith.constant 0 : i32
        %dma_wait3A_136 = tpu.memref_slice %arg2[%dma_wait3A_135] : memref<320000xi32, #tpu.memory_space<hbm>> -> memref<80xi32, #tpu.memory_space<hbm>>
        tpu.wait_dma2 semaphore(%arg18 : memref<!tpu.dma_semaphore, #tpu.memory_space<semaphore_mem>>) src(%dma_wait3A_136 : memref<80xi32, #tpu.memory_space<hbm>>) dst(%arg7 : memref<80xi32, #tpu.memory_space<vmem>>)
        %add3A_137 = arith.constant 2 : i32
        %add3A_138 = arith.addi %mul3A_66, %add3A_137 : i32
        %mul3A_139 = arith.constant 80 : i32
        %mul3A_140 = arith.muli %add3A_138, %mul3A_139 : i32
        %add3A_141 = arith.addi %mul3A_2, %mul3A_140 : i32
        %dma_start3A_142 = arith.constant 0 : i32
        %dma_start3A_143 = arith.constant 0 : i32
        %dma_start3A_144 = tpu.memref_slice %arg3[%dma_start3A_142, %dma_start3A_143] : memref<10000x128xf32, #tpu.memory_space<hbm>> -> memref<10000x128xf32, #tpu.memory_space<hbm>>
        tpu.enqueue_indirect_dma source(%dma_start3A_144 : memref<10000x128xf32, #tpu.memory_space<hbm>>) target(%arg9 : memref<80x128xf32, #tpu.memory_space<vmem>>) offsets(%arg7 : memref<80xi32, #tpu.memory_space<vmem>>) semaphore(%arg14 : memref<!tpu.dma_semaphore, #tpu.memory_space<semaphore_mem>>)
        %dma_start3A_145 = arith.constant 0 : i32
        %dma_start3A_146 = tpu.memref_slice %arg4[%add3A_141, %dma_start3A_145] : memref<320000x128xf32, #tpu.memory_space<hbm>> -> memref<80x128xf32, #tpu.memory_space<hbm>>
        %dma_start3A_147 = arith.constant 0 : i32
        %dma_start3A_148 = tpu.memref_slice %arg4[%add3A_141, %dma_start3A_147] : memref<320000x128xf32, #tpu.memory_space<hbm>> -> memref<80x128xf32, #tpu.memory_space<hbm>>
        tpu.enqueue_dma source(%dma_start3A_148 : memref<80x128xf32, #tpu.memory_space<hbm>>) target(%arg10 : memref<80x128xf32, #tpu.memory_space<vmem>>) target_semaphore(%arg15 : memref<!tpu.dma_semaphore, #tpu.memory_space<semaphore_mem>>)
      } else {
      }
      %scan3A_120 = arith.constant 0 : i32
      %scan3A_121 = arith.constant 0 : i32
      %scan3A_122 = arith.constant 80 : i32
      %scan3A_123 = arith.addi %scan3A_121, %scan3A_122 : i32
      %scan3A_124 = arith.constant 1 : i32
      scf.for %scan3A_133 = %scan3A_121 to %scan3A_123 step %scan3A_124  : i32 {
        %get3A = arith.index_cast %scan3A_133 : i32 to index
        %get3A_134 = arith.constant 0 : index
        %get3A_135 = tpu.vector_load %arg11[%get3A, %get3A_134] {strides = array<i32>} : memref<80x128xf32, #tpu.memory_space<vmem>>, vector<1x16xf32>,
        %get3A_136 = vector.shape_cast %get3A_135 : vector<1x16xf32> to vector<16xf32>
        %get3A_137 = arith.index_cast %scan3A_133 : i32 to index
        %get3A_138 = arith.constant 0 : index
        %get3A_139 = tpu.vector_load %arg12[%get3A_137, %get3A_138] {strides = array<i32>} : memref<80x128xf32, #tpu.memory_space<vmem>>, vector<1x16xf32>,
        %get3A_140 = vector.shape_cast %get3A_139 : vector<1x16xf32> to vector<16xf32>
        %mul3A_141 = arith.mulf %get3A_136, %get3A_140 : vector<16xf32>
        %neg3A = arith.constant 0.000000e+00 : f32
        %neg3A_142 = vector.broadcast %neg3A : f32 to vector<16xf32>
        %neg3A_143 = arith.subf %neg3A_142, %mul3A_141 : vector<16xf32>
        %exp3A = math.exp %neg3A_143 : vector<16xf32>
        %add3A_144 = arith.constant 1.000000e+00 : f32
        %add3A_145 = vector.broadcast %add3A_144 : f32 to vector<16xf32>
        %add3A_146 = arith.addf %add3A_145, %exp3A : vector<16xf32>
        %div3A = arith.divf %mul3A_141, %add3A_146 : vector<16xf32>
        %swap3A = arith.index_cast %scan3A_133 : i32 to index
        %swap3A_147 = arith.constant 0 : index
        %swap3A_148 = tpu.vector_load %arg11[%swap3A, %swap3A_147] {strides = array<i32>} : memref<80x128xf32, #tpu.memory_space<vmem>>, vector<1x16xf32>,
        %swap3A_149 = vector.shape_cast %swap3A_148 : vector<1x16xf32> to vector<16xf32>
        %swap3A_150 = vector.shape_cast %div3A : vector<16xf32> to vector<1x16xf32>
        tpu.vector_store %arg11[%swap3A, %swap3A_147], %swap3A_150 {strides = array<i32>} : memref<80x128xf32, #tpu.memory_space<vmem>>, vector<1x16xf32>,
        %get3A_151 = arith.index_cast %scan3A_133 : i32 to index
        %get3A_152 = arith.constant 16 : index
        %get3A_153 = tpu.vector_load %arg11[%get3A_151, %get3A_152] {strides = array<i32>} : memref<80x128xf32, #tpu.memory_space<vmem>>, vector<1x16xf32>,
        %get3A_154 = vector.shape_cast %get3A_153 : vector<1x16xf32> to vector<16xf32>
        %get3A_155 = arith.index_cast %scan3A_133 : i32 to index
        %get3A_156 = arith.constant 16 : index
        %get3A_157 = tpu.vector_load %arg12[%get3A_155, %get3A_156] {strides = array<i32>} : memref<80x128xf32, #tpu.memory_space<vmem>>, vector<1x16xf32>,
        %get3A_158 = vector.shape_cast %get3A_157 : vector<1x16xf32> to vector<16xf32>
        %mul3A_159 = arith.mulf %get3A_154, %get3A_158 : vector<16xf32>
        %neg3A_160 = arith.constant 0.000000e+00 : f32
        %neg3A_161 = vector.broadcast %neg3A_160 : f32 to vector<16xf32>
        %neg3A_162 = arith.subf %neg3A_161, %mul3A_159 : vector<16xf32>
        %exp3A_163 = math.exp %neg3A_162 : vector<16xf32>
        %add3A_164 = arith.constant 1.000000e+00 : f32
        %add3A_165 = vector.broadcast %add3A_164 : f32 to vector<16xf32>
        %add3A_166 = arith.addf %add3A_165, %exp3A_163 : vector<16xf32>
        %div3A_167 = arith.divf %mul3A_159, %add3A_166 : vector<16xf32>
        %swap3A_168 = arith.index_cast %scan3A_133 : i32 to index
        %swap3A_169 = arith.constant 16 : index
        %swap3A_170 = tpu.vector_load %arg11[%swap3A_168, %swap3A_169] {strides = array<i32>} : memref<80x128xf32, #tpu.memory_space<vmem>>, vector<1x16xf32>,
        %swap3A_171 = vector.shape_cast %swap3A_170 : vector<1x16xf32> to vector<16xf32>
        %swap3A_172 = vector.shape_cast %div3A_167 : vector<16xf32> to vector<1x16xf32>
        tpu.vector_store %arg11[%swap3A_168, %swap3A_169], %swap3A_172 {strides = array<i32>} : memref<80x128xf32, #tpu.memory_space<vmem>>, vector<1x16xf32>,
        %get3A_173 = arith.index_cast %scan3A_133 : i32 to index
        %get3A_174 = arith.constant 32 : index
        %get3A_175 = tpu.vector_load %arg11[%get3A_173, %get3A_174] {strides = array<i32>} : memref<80x128xf32, #tpu.memory_space<vmem>>, vector<1x16xf32>,
        %get3A_176 = vector.shape_cast %get3A_175 : vector<1x16xf32> to vector<16xf32>
        %get3A_177 = arith.index_cast %scan3A_133 : i32 to index
        %get3A_178 = arith.constant 32 : index
        %get3A_179 = tpu.vector_load %arg12[%get3A_177, %get3A_178] {strides = array<i32>} : memref<80x128xf32, #tpu.memory_space<vmem>>, vector<1x16xf32>,
        %get3A_180 = vector.shape_cast %get3A_179 : vector<1x16xf32> to vector<16xf32>
        %mul3A_181 = arith.mulf %get3A_176, %get3A_180 : vector<16xf32>
        %neg3A_182 = arith.constant 0.000000e+00 : f32
        %neg3A_183 = vector.broadcast %neg3A_182 : f32 to vector<16xf32>
        %neg3A_184 = arith.subf %neg3A_183, %mul3A_181 : vector<16xf32>
        %exp3A_185 = math.exp %neg3A_184 : vector<16xf32>
        %add3A_186 = arith.constant 1.000000e+00 : f32
        %add3A_187 = vector.broadcast %add3A_186 : f32 to vector<16xf32>
        %add3A_188 = arith.addf %add3A_187, %exp3A_185 : vector<16xf32>
        %div3A_189 = arith.divf %mul3A_181, %add3A_188 : vector<16xf32>
        %swap3A_190 = arith.index_cast %scan3A_133 : i32 to index
        %swap3A_191 = arith.constant 32 : index
        %swap3A_192 = tpu.vector_load %arg11[%swap3A_190, %swap3A_191] {strides = array<i32>} : memref<80x128xf32, #tpu.memory_space<vmem>>, vector<1x16xf32>,
        %swap3A_193 = vector.shape_cast %swap3A_192 : vector<1x16xf32> to vector<16xf32>
        %swap3A_194 = vector.shape_cast %div3A_189 : vector<16xf32> to vector<1x16xf32>
        tpu.vector_store %arg11[%swap3A_190, %swap3A_191], %swap3A_194 {strides = array<i32>} : memref<80x128xf32, #tpu.memory_space<vmem>>, vector<1x16xf32>,
        %get3A_195 = arith.index_cast %scan3A_133 : i32 to index
        %get3A_196 = arith.constant 48 : index
        %get3A_197 = tpu.vector_load %arg11[%get3A_195, %get3A_196] {strides = array<i32>} : memref<80x128xf32, #tpu.memory_space<vmem>>, vector<1x16xf32>,
        %get3A_198 = vector.shape_cast %get3A_197 : vector<1x16xf32> to vector<16xf32>
        %get3A_199 = arith.index_cast %scan3A_133 : i32 to index
        %get3A_200 = arith.constant 48 : index
        %get3A_201 = tpu.vector_load %arg12[%get3A_199, %get3A_200] {strides = array<i32>} : memref<80x128xf32, #tpu.memory_space<vmem>>, vector<1x16xf32>,
        %get3A_202 = vector.shape_cast %get3A_201 : vector<1x16xf32> to vector<16xf32>
        %mul3A_203 = arith.mulf %get3A_198, %get3A_202 : vector<16xf32>
        %neg3A_204 = arith.constant 0.000000e+00 : f32
        %neg3A_205 = vector.broadcast %neg3A_204 : f32 to vector<16xf32>
        %neg3A_206 = arith.subf %neg3A_205, %mul3A_203 : vector<16xf32>
        %exp3A_207 = math.exp %neg3A_206 : vector<16xf32>
        %add3A_208 = arith.constant 1.000000e+00 : f32
        %add3A_209 = vector.broadcast %add3A_208 : f32 to vector<16xf32>
        %add3A_210 = arith.addf %add3A_209, %exp3A_207 : vector<16xf32>
        %div3A_211 = arith.divf %mul3A_203, %add3A_210 : vector<16xf32>
        %swap3A_212 = arith.index_cast %scan3A_133 : i32 to index
        %swap3A_213 = arith.constant 48 : index
        %swap3A_214 = tpu.vector_load %arg11[%swap3A_212, %swap3A_213] {strides = array<i32>} : memref<80x128xf32, #tpu.memory_space<vmem>>, vector<1x16xf32>,
        %swap3A_215 = vector.shape_cast %swap3A_214 : vector<1x16xf32> to vector<16xf32>
        %swap3A_216 = vector.shape_cast %div3A_211 : vector<16xf32> to vector<1x16xf32>
        tpu.vector_store %arg11[%swap3A_212, %swap3A_213], %swap3A_216 {strides = array<i32>} : memref<80x128xf32, #tpu.memory_space<vmem>>, vector<1x16xf32>,
        %get3A_217 = arith.index_cast %scan3A_133 : i32 to index
        %get3A_218 = arith.constant 64 : index
        %get3A_219 = tpu.vector_load %arg11[%get3A_217, %get3A_218] {strides = array<i32>} : memref<80x128xf32, #tpu.memory_space<vmem>>, vector<1x16xf32>,
        %get3A_220 = vector.shape_cast %get3A_219 : vector<1x16xf32> to vector<16xf32>
        %get3A_221 = arith.index_cast %scan3A_133 : i32 to index
        %get3A_222 = arith.constant 64 : index
        %get3A_223 = tpu.vector_load %arg12[%get3A_221, %get3A_222] {strides = array<i32>} : memref<80x128xf32, #tpu.memory_space<vmem>>, vector<1x16xf32>,
        %get3A_224 = vector.shape_cast %get3A_223 : vector<1x16xf32> to vector<16xf32>
        %mul3A_225 = arith.mulf %get3A_220, %get3A_224 : vector<16xf32>
        %neg3A_226 = arith.constant 0.000000e+00 : f32
        %neg3A_227 = vector.broadcast %neg3A_226 : f32 to vector<16xf32>
        %neg3A_228 = arith.subf %neg3A_227, %mul3A_225 : vector<16xf32>
        %exp3A_229 = math.exp %neg3A_228 : vector<16xf32>
        %add3A_230 = arith.constant 1.000000e+00 : f32
        %add3A_231 = vector.broadcast %add3A_230 : f32 to vector<16xf32>
        %add3A_232 = arith.addf %add3A_231, %exp3A_229 : vector<16xf32>
        %div3A_233 = arith.divf %mul3A_225, %add3A_232 : vector<16xf32>
        %swap3A_234 = arith.index_cast %scan3A_133 : i32 to index
        %swap3A_235 = arith.constant 64 : index
        %swap3A_236 = tpu.vector_load %arg11[%swap3A_234, %swap3A_235] {strides = array<i32>} : memref<80x128xf32, #tpu.memory_space<vmem>>, vector<1x16xf32>,
        %swap3A_237 = vector.shape_cast %swap3A_236 : vector<1x16xf32> to vector<16xf32>
        %swap3A_238 = vector.shape_cast %div3A_233 : vector<16xf32> to vector<1x16xf32>
        tpu.vector_store %arg11[%swap3A_234, %swap3A_235], %swap3A_238 {strides = array<i32>} : memref<80x128xf32, #tpu.memory_space<vmem>>, vector<1x16xf32>,
        %get3A_239 = arith.index_cast %scan3A_133 : i32 to index
        %get3A_240 = arith.constant 80 : index
        %get3A_241 = tpu.vector_load %arg11[%get3A_239, %get3A_240] {strides = array<i32>} : memref<80x128xf32, #tpu.memory_space<vmem>>, vector<1x16xf32>,
        %get3A_242 = vector.shape_cast %get3A_241 : vector<1x16xf32> to vector<16xf32>
        %get3A_243 = arith.index_cast %scan3A_133 : i32 to index
        %get3A_244 = arith.constant 80 : index
        %get3A_245 = tpu.vector_load %arg12[%get3A_243, %get3A_244] {strides = array<i32>} : memref<80x128xf32, #tpu.memory_space<vmem>>, vector<1x16xf32>,
        %get3A_246 = vector.shape_cast %get3A_245 : vector<1x16xf32> to vector<16xf32>
        %mul3A_247 = arith.mulf %get3A_242, %get3A_246 : vector<16xf32>
        %neg3A_248 = arith.constant 0.000000e+00 : f32
        %neg3A_249 = vector.broadcast %neg3A_248 : f32 to vector<16xf32>
        %neg3A_250 = arith.subf %neg3A_249, %mul3A_247 : vector<16xf32>
        %exp3A_251 = math.exp %neg3A_250 : vector<16xf32>
        %add3A_252 = arith.constant 1.000000e+00 : f32
        %add3A_253 = vector.broadcast %add3A_252 : f32 to vector<16xf32>
        %add3A_254 = arith.addf %add3A_253, %exp3A_251 : vector<16xf32>
        %div3A_255 = arith.divf %mul3A_247, %add3A_254 : vector<16xf32>
        %swap3A_256 = arith.index_cast %scan3A_133 : i32 to index
        %swap3A_257 = arith.constant 80 : index
        %swap3A_258 = tpu.vector_load %arg11[%swap3A_256, %swap3A_257] {strides = array<i32>} : memref<80x128xf32, #tpu.memory_space<vmem>>, vector<1x16xf32>,
        %swap3A_259 = vector.shape_cast %swap3A_258 : vector<1x16xf32> to vector<16xf32>
        %swap3A_260 = vector.shape_cast %div3A_255 : vector<16xf32> to vector<1x16xf32>
        tpu.vector_store %arg11[%swap3A_256, %swap3A_257], %swap3A_260 {strides = array<i32>} : memref<80x128xf32, #tpu.memory_space<vmem>>, vector<1x16xf32>,
        %get3A_261 = arith.index_cast %scan3A_133 : i32 to index
        %get3A_262 = arith.constant 96 : index
        %get3A_263 = tpu.vector_load %arg11[%get3A_261, %get3A_262] {strides = array<i32>} : memref<80x128xf32, #tpu.memory_space<vmem>>, vector<1x16xf32>,
        %get3A_264 = vector.shape_cast %get3A_263 : vector<1x16xf32> to vector<16xf32>
        %get3A_265 = arith.index_cast %scan3A_133 : i32 to index
        %get3A_266 = arith.constant 96 : index
        %get3A_267 = tpu.vector_load %arg12[%get3A_265, %get3A_266] {strides = array<i32>} : memref<80x128xf32, #tpu.memory_space<vmem>>, vector<1x16xf32>,
        %get3A_268 = vector.shape_cast %get3A_267 : vector<1x16xf32> to vector<16xf32>
        %mul3A_269 = arith.mulf %get3A_264, %get3A_268 : vector<16xf32>
        %neg3A_270 = arith.constant 0.000000e+00 : f32
        %neg3A_271 = vector.broadcast %neg3A_270 : f32 to vector<16xf32>
        %neg3A_272 = arith.subf %neg3A_271, %mul3A_269 : vector<16xf32>
        %exp3A_273 = math.exp %neg3A_272 : vector<16xf32>
        %add3A_274 = arith.constant 1.000000e+00 : f32
        %add3A_275 = vector.broadcast %add3A_274 : f32 to vector<16xf32>
        %add3A_276 = arith.addf %add3A_275, %exp3A_273 : vector<16xf32>
        %div3A_277 = arith.divf %mul3A_269, %add3A_276 : vector<16xf32>
        %swap3A_278 = arith.index_cast %scan3A_133 : i32 to index
        %swap3A_279 = arith.constant 96 : index
        %swap3A_280 = tpu.vector_load %arg11[%swap3A_278, %swap3A_279] {strides = array<i32>} : memref<80x128xf32, #tpu.memory_space<vmem>>, vector<1x16xf32>,
        %swap3A_281 = vector.shape_cast %swap3A_280 : vector<1x16xf32> to vector<16xf32>
        %swap3A_282 = vector.shape_cast %div3A_277 : vector<16xf32> to vector<1x16xf32>
        tpu.vector_store %arg11[%swap3A_278, %swap3A_279], %swap3A_282 {strides = array<i32>} : memref<80x128xf32, #tpu.memory_space<vmem>>, vector<1x16xf32>,
        %get3A_283 = arith.index_cast %scan3A_133 : i32 to index
        %get3A_284 = arith.constant 112 : index
        %get3A_285 = tpu.vector_load %arg11[%get3A_283, %get3A_284] {strides = array<i32>} : memref<80x128xf32, #tpu.memory_space<vmem>>, vector<1x16xf32>,
        %get3A_286 = vector.shape_cast %get3A_285 : vector<1x16xf32> to vector<16xf32>
        %get3A_287 = arith.index_cast %scan3A_133 : i32 to index
        %get3A_288 = arith.constant 112 : index
        %get3A_289 = tpu.vector_load %arg12[%get3A_287, %get3A_288] {strides = array<i32>} : memref<80x128xf32, #tpu.memory_space<vmem>>, vector<1x16xf32>,
        %get3A_290 = vector.shape_cast %get3A_289 : vector<1x16xf32> to vector<16xf32>
        %mul3A_291 = arith.mulf %get3A_286, %get3A_290 : vector<16xf32>
        %neg3A_292 = arith.constant 0.000000e+00 : f32
        %neg3A_293 = vector.broadcast %neg3A_292 : f32 to vector<16xf32>
        %neg3A_294 = arith.subf %neg3A_293, %mul3A_291 : vector<16xf32>
        %exp3A_295 = math.exp %neg3A_294 : vector<16xf32>
        %add3A_296 = arith.constant 1.000000e+00 : f32
        %add3A_297 = vector.broadcast %add3A_296 : f32 to vector<16xf32>
        %add3A_298 = arith.addf %add3A_297, %exp3A_295 : vector<16xf32>
        %div3A_299 = arith.divf %mul3A_291, %add3A_298 : vector<16xf32>
        %swap3A_300 = arith.index_cast %scan3A_133 : i32 to index
        %swap3A_301 = arith.constant 112 : index
        %swap3A_302 = tpu.vector_load %arg11[%swap3A_300, %swap3A_301] {strides = array<i32>} : memref<80x128xf32, #tpu.memory_space<vmem>>, vector<1x16xf32>,
        %swap3A_303 = vector.shape_cast %swap3A_302 : vector<1x16xf32> to vector<16xf32>
        %swap3A_304 = vector.shape_cast %div3A_299 : vector<16xf32> to vector<1x16xf32>
        tpu.vector_store %arg11[%swap3A_300, %swap3A_301], %swap3A_304 {strides = array<i32>} : memref<80x128xf32, #tpu.memory_space<vmem>>, vector<1x16xf32>,
      }
      %scan3A_125 = arith.constant 80 : i32
      "tpu.region"() ({
        %run_scoped3A = tpu.sem_alloc : memref<!tpu.dma_semaphore, #tpu.memory_space<semaphore_mem>>
        %dma_start3A_133 = arith.constant 0 : i32
        %dma_start3A_134 = arith.constant 0 : i32
        %dma_start3A_135 = tpu.memref_slice %arg13[%dma_start3A_133, %dma_start3A_134] : memref<10000x128xf32, #tpu.memory_space<vmem_shared>> -> memref<10000x128xf32, #tpu.memory_space<vmem_shared>>
        tpu.enqueue_indirect_dma source(%arg11 : memref<80x128xf32, #tpu.memory_space<vmem>>) target(%dma_start3A_135 : memref<10000x128xf32, #tpu.memory_space<vmem_shared>>) offsets(%arg8 : memref<80xi32, #tpu.memory_space<vmem>>) semaphore(%run_scoped3A : memref<!tpu.dma_semaphore, #tpu.memory_space<semaphore_mem>>) {add = true}
        %dma_wait3A_136 = arith.constant 0 : i32
        %dma_wait3A_137 = arith.constant 0 : i32
        %dma_wait3A_138 = tpu.memref_slice %arg13[%dma_wait3A_136, %dma_wait3A_137] : memref<10000x128xf32, #tpu.memory_space<vmem_shared>> -> memref<10000x128xf32, #tpu.memory_space<vmem_shared>>
        tpu.wait_indirect_dma semaphore(%run_scoped3A : memref<!tpu.dma_semaphore, #tpu.memory_space<semaphore_mem>>) src(%arg11 : memref<80x128xf32, #tpu.memory_space<vmem>>) dst(%dma_wait3A_138 : memref<10000x128xf32, #tpu.memory_space<vmem_shared>>)
        tpu.yield
      }) : () -> ()
      %add3A_126 = arith.constant 3 : i32
      %add3A_127 = arith.addi %mul3A_66, %add3A_126 : i32
      %lt3A_128 = arith.constant 125 : i32
      %lt3A_129 = arith.cmpi slt, %add3A_127, %lt3A_128 : i32
      %convert_element_type3A_130 = arith.extui %lt3A_129 : i1 to i32
      %cond3A_131 = arith.constant 0 : i32
      %cond3A_132 = arith.cmpi ne, %convert_element_type3A_130, %cond3A_131 : i32
      scf.if %cond3A_132 {
        %add3A_133 = arith.constant 3 : i32
        %add3A_134 = arith.addi %mul3A_66, %add3A_133 : i32
        %mul3A_135 = arith.constant 80 : i32
        %mul3A_136 = arith.muli %add3A_134, %mul3A_135 : i32
        %add3A_137 = arith.addi %mul3A_2, %mul3A_136 : i32
        %dma_start3A_138 = tpu.memref_slice %arg2[%add3A_137] : memref<320000xi32, #tpu.memory_space<hbm>> -> memref<80xi32, #tpu.memory_space<hbm>>
        %dma_start3A_139 = tpu.memref_slice %arg2[%add3A_137] : memref<320000xi32, #tpu.memory_space<hbm>> -> memref<80xi32, #tpu.memory_space<hbm>>
        tpu.enqueue_dma source(%dma_start3A_139 : memref<80xi32, #tpu.memory_space<hbm>>) target(%arg8 : memref<80xi32, #tpu.memory_space<vmem>>) target_semaphore(%arg19 : memref<!tpu.dma_semaphore, #tpu.memory_space<semaphore_mem>>)
      } else {
      }
    }
    %scan3A_42 = arith.constant 62 : i32
    %dma_wait3A_43 = arith.constant 0 : i32
    %dma_wait3A_44 = arith.constant 0 : i32
    %dma_wait3A_45 = tpu.memref_slice %arg3[%dma_wait3A_43, %dma_wait3A_44] : memref<10000x128xf32, #tpu.memory_space<hbm>> -> memref<10000x128xf32, #tpu.memory_space<hbm>>
    tpu.wait_indirect_dma semaphore(%arg14 : memref<!tpu.dma_semaphore, #tpu.memory_space<semaphore_mem>>) src(%dma_wait3A_45 : memref<10000x128xf32, #tpu.memory_space<hbm>>) dst(%arg9 : memref<80x128xf32, #tpu.memory_space<vmem>>)
    %dma_wait3A_46 = arith.constant 0 : i32
    %dma_wait3A_47 = arith.constant 0 : i32
    %dma_wait3A_48 = tpu.memref_slice %arg4[%dma_wait3A_46, %dma_wait3A_47] : memref<320000x128xf32, #tpu.memory_space<hbm>> -> memref<80x128xf32, #tpu.memory_space<hbm>>
    %dma_wait3A_49 = arith.constant 0 : i32
    %dma_wait3A_50 = arith.constant 0 : i32
    %dma_wait3A_51 = tpu.memref_slice %arg4[%dma_wait3A_49, %dma_wait3A_50] : memref<320000x128xf32, #tpu.memory_space<hbm>> -> memref<80x128xf32, #tpu.memory_space<hbm>>
    tpu.wait_dma2 semaphore(%arg15 : memref<!tpu.dma_semaphore, #tpu.memory_space<semaphore_mem>>) src(%dma_wait3A_51 : memref<80x128xf32, #tpu.memory_space<hbm>>) dst(%arg10 : memref<80x128xf32, #tpu.memory_space<vmem>>)
    %scan3A_52 = arith.constant 0 : i32
    %scan3A_53 = arith.constant 0 : i32
    %scan3A_54 = arith.constant 80 : i32
    %scan3A_55 = arith.addi %scan3A_53, %scan3A_54 : i32
    %scan3A_56 = arith.constant 1 : i32
    scf.for %scan3A_64 = %scan3A_53 to %scan3A_55 step %scan3A_56  : i32 {
      %get3A = arith.index_cast %scan3A_64 : i32 to index
      %get3A_65 = arith.constant 0 : index
      %get3A_66 = tpu.vector_load %arg9[%get3A, %get3A_65] {strides = array<i32>} : memref<80x128xf32, #tpu.memory_space<vmem>>, vector<1x16xf32>,
      %get3A_67 = vector.shape_cast %get3A_66 : vector<1x16xf32> to vector<16xf32>
      %get3A_68 = arith.index_cast %scan3A_64 : i32 to index
      %get3A_69 = arith.constant 0 : index
      %get3A_70 = tpu.vector_load %arg10[%get3A_68, %get3A_69] {strides = array<i32>} : memref<80x128xf32, #tpu.memory_space<vmem>>, vector<1x16xf32>,
      %get3A_71 = vector.shape_cast %get3A_70 : vector<1x16xf32> to vector<16xf32>
      %mul3A_72 = arith.mulf %get3A_67, %get3A_71 : vector<16xf32>
      %neg3A = arith.constant 0.000000e+00 : f32
      %neg3A_73 = vector.broadcast %neg3A : f32 to vector<16xf32>
      %neg3A_74 = arith.subf %neg3A_73, %mul3A_72 : vector<16xf32>
      %exp3A = math.exp %neg3A_74 : vector<16xf32>
      %add3A_75 = arith.constant 1.000000e+00 : f32
      %add3A_76 = vector.broadcast %add3A_75 : f32 to vector<16xf32>
      %add3A_77 = arith.addf %add3A_76, %exp3A : vector<16xf32>
      %div3A = arith.divf %mul3A_72, %add3A_77 : vector<16xf32>
      %swap3A = arith.index_cast %scan3A_64 : i32 to index
      %swap3A_78 = arith.constant 0 : index
      %swap3A_79 = tpu.vector_load %arg9[%swap3A, %swap3A_78] {strides = array<i32>} : memref<80x128xf32, #tpu.memory_space<vmem>>, vector<1x16xf32>,
      %swap3A_80 = vector.shape_cast %swap3A_79 : vector<1x16xf32> to vector<16xf32>
      %swap3A_81 = vector.shape_cast %div3A : vector<16xf32> to vector<1x16xf32>
      tpu.vector_store %arg9[%swap3A, %swap3A_78], %swap3A_81 {strides = array<i32>} : memref<80x128xf32, #tpu.memory_space<vmem>>, vector<1x16xf32>,
      %get3A_82 = arith.index_cast %scan3A_64 : i32 to index
      %get3A_83 = arith.constant 16 : index
      %get3A_84 = tpu.vector_load %arg9[%get3A_82, %get3A_83] {strides = array<i32>} : memref<80x128xf32, #tpu.memory_space<vmem>>, vector<1x16xf32>,
      %get3A_85 = vector.shape_cast %get3A_84 : vector<1x16xf32> to vector<16xf32>
      %get3A_86 = arith.index_cast %scan3A_64 : i32 to index
      %get3A_87 = arith.constant 16 : index
      %get3A_88 = tpu.vector_load %arg10[%get3A_86, %get3A_87] {strides = array<i32>} : memref<80x128xf32, #tpu.memory_space<vmem>>, vector<1x16xf32>,
      %get3A_89 = vector.shape_cast %get3A_88 : vector<1x16xf32> to vector<16xf32>
      %mul3A_90 = arith.mulf %get3A_85, %get3A_89 : vector<16xf32>
      %neg3A_91 = arith.constant 0.000000e+00 : f32
      %neg3A_92 = vector.broadcast %neg3A_91 : f32 to vector<16xf32>
      %neg3A_93 = arith.subf %neg3A_92, %mul3A_90 : vector<16xf32>
      %exp3A_94 = math.exp %neg3A_93 : vector<16xf32>
      %add3A_95 = arith.constant 1.000000e+00 : f32
      %add3A_96 = vector.broadcast %add3A_95 : f32 to vector<16xf32>
      %add3A_97 = arith.addf %add3A_96, %exp3A_94 : vector<16xf32>
      %div3A_98 = arith.divf %mul3A_90, %add3A_97 : vector<16xf32>
      %swap3A_99 = arith.index_cast %scan3A_64 : i32 to index
      %swap3A_100 = arith.constant 16 : index
      %swap3A_101 = tpu.vector_load %arg9[%swap3A_99, %swap3A_100] {strides = array<i32>} : memref<80x128xf32, #tpu.memory_space<vmem>>, vector<1x16xf32>,
      %swap3A_102 = vector.shape_cast %swap3A_101 : vector<1x16xf32> to vector<16xf32>
      %swap3A_103 = vector.shape_cast %div3A_98 : vector<16xf32> to vector<1x16xf32>
      tpu.vector_store %arg9[%swap3A_99, %swap3A_100], %swap3A_103 {strides = array<i32>} : memref<80x128xf32, #tpu.memory_space<vmem>>, vector<1x16xf32>,
      %get3A_104 = arith.index_cast %scan3A_64 : i32 to index
      %get3A_105 = arith.constant 32 : index
      %get3A_106 = tpu.vector_load %arg9[%get3A_104, %get3A_105] {strides = array<i32>} : memref<80x128xf32, #tpu.memory_space<vmem>>, vector<1x16xf32>,
      %get3A_107 = vector.shape_cast %get3A_106 : vector<1x16xf32> to vector<16xf32>
      %get3A_108 = arith.index_cast %scan3A_64 : i32 to index
      %get3A_109 = arith.constant 32 : index
      %get3A_110 = tpu.vector_load %arg10[%get3A_108, %get3A_109] {strides = array<i32>} : memref<80x128xf32, #tpu.memory_space<vmem>>, vector<1x16xf32>,
      %get3A_111 = vector.shape_cast %get3A_110 : vector<1x16xf32> to vector<16xf32>
      %mul3A_112 = arith.mulf %get3A_107, %get3A_111 : vector<16xf32>
      %neg3A_113 = arith.constant 0.000000e+00 : f32
      %neg3A_114 = vector.broadcast %neg3A_113 : f32 to vector<16xf32>
      %neg3A_115 = arith.subf %neg3A_114, %mul3A_112 : vector<16xf32>
      %exp3A_116 = math.exp %neg3A_115 : vector<16xf32>
      %add3A_117 = arith.constant 1.000000e+00 : f32
      %add3A_118 = vector.broadcast %add3A_117 : f32 to vector<16xf32>
      %add3A_119 = arith.addf %add3A_118, %exp3A_116 : vector<16xf32>
      %div3A_120 = arith.divf %mul3A_112, %add3A_119 : vector<16xf32>
      %swap3A_121 = arith.index_cast %scan3A_64 : i32 to index
      %swap3A_122 = arith.constant 32 : index
      %swap3A_123 = tpu.vector_load %arg9[%swap3A_121, %swap3A_122] {strides = array<i32>} : memref<80x128xf32, #tpu.memory_space<vmem>>, vector<1x16xf32>,
      %swap3A_124 = vector.shape_cast %swap3A_123 : vector<1x16xf32> to vector<16xf32>
      %swap3A_125 = vector.shape_cast %div3A_120 : vector<16xf32> to vector<1x16xf32>
      tpu.vector_store %arg9[%swap3A_121, %swap3A_122], %swap3A_125 {strides = array<i32>} : memref<80x128xf32, #tpu.memory_space<vmem>>, vector<1x16xf32>,
      %get3A_126 = arith.index_cast %scan3A_64 : i32 to index
      %get3A_127 = arith.constant 48 : index
      %get3A_128 = tpu.vector_load %arg9[%get3A_126, %get3A_127] {strides = array<i32>} : memref<80x128xf32, #tpu.memory_space<vmem>>, vector<1x16xf32>,
      %get3A_129 = vector.shape_cast %get3A_128 : vector<1x16xf32> to vector<16xf32>
      %get3A_130 = arith.index_cast %scan3A_64 : i32 to index
      %get3A_131 = arith.constant 48 : index
      %get3A_132 = tpu.vector_load %arg10[%get3A_130, %get3A_131] {strides = array<i32>} : memref<80x128xf32, #tpu.memory_space<vmem>>, vector<1x16xf32>,
      %get3A_133 = vector.shape_cast %get3A_132 : vector<1x16xf32> to vector<16xf32>
      %mul3A_134 = arith.mulf %get3A_129, %get3A_133 : vector<16xf32>
      %neg3A_135 = arith.constant 0.000000e+00 : f32
      %neg3A_136 = vector.broadcast %neg3A_135 : f32 to vector<16xf32>
      %neg3A_137 = arith.subf %neg3A_136, %mul3A_134 : vector<16xf32>
      %exp3A_138 = math.exp %neg3A_137 : vector<16xf32>
      %add3A_139 = arith.constant 1.000000e+00 : f32
      %add3A_140 = vector.broadcast %add3A_139 : f32 to vector<16xf32>
      %add3A_141 = arith.addf %add3A_140, %exp3A_138 : vector<16xf32>
      %div3A_142 = arith.divf %mul3A_134, %add3A_141 : vector<16xf32>
      %swap3A_143 = arith.index_cast %scan3A_64 : i32 to index
      %swap3A_144 = arith.constant 48 : index
      %swap3A_145 = tpu.vector_load %arg9[%swap3A_143, %swap3A_144] {strides = array<i32>} : memref<80x128xf32, #tpu.memory_space<vmem>>, vector<1x16xf32>,
      %swap3A_146 = vector.shape_cast %swap3A_145 : vector<1x16xf32> to vector<16xf32>
      %swap3A_147 = vector.shape_cast %div3A_142 : vector<16xf32> to vector<1x16xf32>
      tpu.vector_store %arg9[%swap3A_143, %swap3A_144], %swap3A_147 {strides = array<i32>} : memref<80x128xf32, #tpu.memory_space<vmem>>, vector<1x16xf32>,
      %get3A_148 = arith.index_cast %scan3A_64 : i32 to index
      %get3A_149 = arith.constant 64 : index
      %get3A_150 = tpu.vector_load %arg9[%get3A_148, %get3A_149] {strides = array<i32>} : memref<80x128xf32, #tpu.memory_space<vmem>>, vector<1x16xf32>,
      %get3A_151 = vector.shape_cast %get3A_150 : vector<1x16xf32> to vector<16xf32>
      %get3A_152 = arith.index_cast %scan3A_64 : i32 to index
      %get3A_153 = arith.constant 64 : index
      %get3A_154 = tpu.vector_load %arg10[%get3A_152, %get3A_153] {strides = array<i32>} : memref<80x128xf32, #tpu.memory_space<vmem>>, vector<1x16xf32>,
      %get3A_155 = vector.shape_cast %get3A_154 : vector<1x16xf32> to vector<16xf32>
      %mul3A_156 = arith.mulf %get3A_151, %get3A_155 : vector<16xf32>
      %neg3A_157 = arith.constant 0.000000e+00 : f32
      %neg3A_158 = vector.broadcast %neg3A_157 : f32 to vector<16xf32>
      %neg3A_159 = arith.subf %neg3A_158, %mul3A_156 : vector<16xf32>
      %exp3A_160 = math.exp %neg3A_159 : vector<16xf32>
      %add3A_161 = arith.constant 1.000000e+00 : f32
      %add3A_162 = vector.broadcast %add3A_161 : f32 to vector<16xf32>
      %add3A_163 = arith.addf %add3A_162, %exp3A_160 : vector<16xf32>
      %div3A_164 = arith.divf %mul3A_156, %add3A_163 : vector<16xf32>
      %swap3A_165 = arith.index_cast %scan3A_64 : i32 to index
      %swap3A_166 = arith.constant 64 : index
      %swap3A_167 = tpu.vector_load %arg9[%swap3A_165, %swap3A_166] {strides = array<i32>} : memref<80x128xf32, #tpu.memory_space<vmem>>, vector<1x16xf32>,
      %swap3A_168 = vector.shape_cast %swap3A_167 : vector<1x16xf32> to vector<16xf32>
      %swap3A_169 = vector.shape_cast %div3A_164 : vector<16xf32> to vector<1x16xf32>
      tpu.vector_store %arg9[%swap3A_165, %swap3A_166], %swap3A_169 {strides = array<i32>} : memref<80x128xf32, #tpu.memory_space<vmem>>, vector<1x16xf32>,
      %get3A_170 = arith.index_cast %scan3A_64 : i32 to index
      %get3A_171 = arith.constant 80 : index
      %get3A_172 = tpu.vector_load %arg9[%get3A_170, %get3A_171] {strides = array<i32>} : memref<80x128xf32, #tpu.memory_space<vmem>>, vector<1x16xf32>,
      %get3A_173 = vector.shape_cast %get3A_172 : vector<1x16xf32> to vector<16xf32>
      %get3A_174 = arith.index_cast %scan3A_64 : i32 to index
      %get3A_175 = arith.constant 80 : index
      %get3A_176 = tpu.vector_load %arg10[%get3A_174, %get3A_175] {strides = array<i32>} : memref<80x128xf32, #tpu.memory_space<vmem>>, vector<1x16xf32>,
      %get3A_177 = vector.shape_cast %get3A_176 : vector<1x16xf32> to vector<16xf32>
      %mul3A_178 = arith.mulf %get3A_173, %get3A_177 : vector<16xf32>
      %neg3A_179 = arith.constant 0.000000e+00 : f32
      %neg3A_180 = vector.broadcast %neg3A_179 : f32 to vector<16xf32>
      %neg3A_181 = arith.subf %neg3A_180, %mul3A_178 : vector<16xf32>
      %exp3A_182 = math.exp %neg3A_181 : vector<16xf32>
      %add3A_183 = arith.constant 1.000000e+00 : f32
      %add3A_184 = vector.broadcast %add3A_183 : f32 to vector<16xf32>
      %add3A_185 = arith.addf %add3A_184, %exp3A_182 : vector<16xf32>
      %div3A_186 = arith.divf %mul3A_178, %add3A_185 : vector<16xf32>
      %swap3A_187 = arith.index_cast %scan3A_64 : i32 to index
      %swap3A_188 = arith.constant 80 : index
      %swap3A_189 = tpu.vector_load %arg9[%swap3A_187, %swap3A_188] {strides = array<i32>} : memref<80x128xf32, #tpu.memory_space<vmem>>, vector<1x16xf32>,
      %swap3A_190 = vector.shape_cast %swap3A_189 : vector<1x16xf32> to vector<16xf32>
      %swap3A_191 = vector.shape_cast %div3A_186 : vector<16xf32> to vector<1x16xf32>
      tpu.vector_store %arg9[%swap3A_187, %swap3A_188], %swap3A_191 {strides = array<i32>} : memref<80x128xf32, #tpu.memory_space<vmem>>, vector<1x16xf32>,
      %get3A_192 = arith.index_cast %scan3A_64 : i32 to index
      %get3A_193 = arith.constant 96 : index
      %get3A_194 = tpu.vector_load %arg9[%get3A_192, %get3A_193] {strides = array<i32>} : memref<80x128xf32, #tpu.memory_space<vmem>>, vector<1x16xf32>,
      %get3A_195 = vector.shape_cast %get3A_194 : vector<1x16xf32> to vector<16xf32>
      %get3A_196 = arith.index_cast %scan3A_64 : i32 to index
      %get3A_197 = arith.constant 96 : index
      %get3A_198 = tpu.vector_load %arg10[%get3A_196, %get3A_197] {strides = array<i32>} : memref<80x128xf32, #tpu.memory_space<vmem>>, vector<1x16xf32>,
      %get3A_199 = vector.shape_cast %get3A_198 : vector<1x16xf32> to vector<16xf32>
      %mul3A_200 = arith.mulf %get3A_195, %get3A_199 : vector<16xf32>
      %neg3A_201 = arith.constant 0.000000e+00 : f32
      %neg3A_202 = vector.broadcast %neg3A_201 : f32 to vector<16xf32>
      %neg3A_203 = arith.subf %neg3A_202, %mul3A_200 : vector<16xf32>
      %exp3A_204 = math.exp %neg3A_203 : vector<16xf32>
      %add3A_205 = arith.constant 1.000000e+00 : f32
      %add3A_206 = vector.broadcast %add3A_205 : f32 to vector<16xf32>
      %add3A_207 = arith.addf %add3A_206, %exp3A_204 : vector<16xf32>
      %div3A_208 = arith.divf %mul3A_200, %add3A_207 : vector<16xf32>
      %swap3A_209 = arith.index_cast %scan3A_64 : i32 to index
      %swap3A_210 = arith.constant 96 : index
      %swap3A_211 = tpu.vector_load %arg9[%swap3A_209, %swap3A_210] {strides = array<i32>} : memref<80x128xf32, #tpu.memory_space<vmem>>, vector<1x16xf32>,
      %swap3A_212 = vector.shape_cast %swap3A_211 : vector<1x16xf32> to vector<16xf32>
      %swap3A_213 = vector.shape_cast %div3A_208 : vector<16xf32> to vector<1x16xf32>
      tpu.vector_store %arg9[%swap3A_209, %swap3A_210], %swap3A_213 {strides = array<i32>} : memref<80x128xf32, #tpu.memory_space<vmem>>, vector<1x16xf32>,
      %get3A_214 = arith.index_cast %scan3A_64 : i32 to index
      %get3A_215 = arith.constant 112 : index
      %get3A_216 = tpu.vector_load %arg9[%get3A_214, %get3A_215] {strides = array<i32>} : memref<80x128xf32, #tpu.memory_space<vmem>>, vector<1x16xf32>,
      %get3A_217 = vector.shape_cast %get3A_216 : vector<1x16xf32> to vector<16xf32>
      %get3A_218 = arith.index_cast %scan3A_64 : i32 to index
      %get3A_219 = arith.constant 112 : index
      %get3A_220 = tpu.vector_load %arg10[%get3A_218, %get3A_219] {strides = array<i32>} : memref<80x128xf32, #tpu.memory_space<vmem>>, vector<1x16xf32>,
      %get3A_221 = vector.shape_cast %get3A_220 : vector<1x16xf32> to vector<16xf32>
      %mul3A_222 = arith.mulf %get3A_217, %get3A_221 : vector<16xf32>
      %neg3A_223 = arith.constant 0.000000e+00 : f32
      %neg3A_224 = vector.broadcast %neg3A_223 : f32 to vector<16xf32>
      %neg3A_225 = arith.subf %neg3A_224, %mul3A_222 : vector<16xf32>
      %exp3A_226 = math.exp %neg3A_225 : vector<16xf32>
      %add3A_227 = arith.constant 1.000000e+00 : f32
      %add3A_228 = vector.broadcast %add3A_227 : f32 to vector<16xf32>
      %add3A_229 = arith.addf %add3A_228, %exp3A_226 : vector<16xf32>
      %div3A_230 = arith.divf %mul3A_222, %add3A_229 : vector<16xf32>
      %swap3A_231 = arith.index_cast %scan3A_64 : i32 to index
      %swap3A_232 = arith.constant 112 : index
      %swap3A_233 = tpu.vector_load %arg9[%swap3A_231, %swap3A_232] {strides = array<i32>} : memref<80x128xf32, #tpu.memory_space<vmem>>, vector<1x16xf32>,
      %swap3A_234 = vector.shape_cast %swap3A_233 : vector<1x16xf32> to vector<16xf32>
      %swap3A_235 = vector.shape_cast %div3A_230 : vector<16xf32> to vector<1x16xf32>
      tpu.vector_store %arg9[%swap3A_231, %swap3A_232], %swap3A_235 {strides = array<i32>} : memref<80x128xf32, #tpu.memory_space<vmem>>, vector<1x16xf32>,
    }
    %scan3A_57 = arith.constant 80 : i32
    "tpu.region"() ({
      %run_scoped3A = tpu.sem_alloc : memref<!tpu.dma_semaphore, #tpu.memory_space<semaphore_mem>>
      %dma_start3A_64 = arith.constant 0 : i32
      %dma_start3A_65 = arith.constant 0 : i32
      %dma_start3A_66 = tpu.memref_slice %arg13[%dma_start3A_64, %dma_start3A_65] : memref<10000x128xf32, #tpu.memory_space<vmem_shared>> -> memref<10000x128xf32, #tpu.memory_space<vmem_shared>>
      tpu.enqueue_indirect_dma source(%arg9 : memref<80x128xf32, #tpu.memory_space<vmem>>) target(%dma_start3A_66 : memref<10000x128xf32, #tpu.memory_space<vmem_shared>>) offsets(%arg7 : memref<80xi32, #tpu.memory_space<vmem>>) semaphore(%run_scoped3A : memref<!tpu.dma_semaphore, #tpu.memory_space<semaphore_mem>>) {add = true}
      %dma_wait3A_67 = arith.constant 0 : i32
      %dma_wait3A_68 = arith.constant 0 : i32
      %dma_wait3A_69 = tpu.memref_slice %arg13[%dma_wait3A_67, %dma_wait3A_68] : memref<10000x128xf32, #tpu.memory_space<vmem_shared>> -> memref<10000x128xf32, #tpu.memory_space<vmem_shared>>
      tpu.wait_indirect_dma semaphore(%run_scoped3A : memref<!tpu.dma_semaphore, #tpu.memory_space<semaphore_mem>>) src(%arg9 : memref<80x128xf32, #tpu.memory_space<vmem>>) dst(%dma_wait3A_69 : memref<10000x128xf32, #tpu.memory_space<vmem_shared>>)
      tpu.yield
    }) : () -> ()
    %barrier3A_58 = arith.constant 0 : index
    tpu.barrier barrier_id(%barrier3A_58)
    "tpu.region"() ({
      %run_scoped3A = tpu.sem_alloc : memref<!tpu.dma_semaphore, #tpu.memory_space<semaphore_mem>>
      %dma_start3A_64 = arith.constant 0 : i32
      %dma_start3A_65 = tpu.memref_slice %arg6[%arg0, %mul3A_4, %dma_start3A_64] : memref<2x10000x128xf32, #tpu.memory_space<hbm>> -> memref<1x624x128xf32, #tpu.memory_space<hbm>>
      %dma_start3A_66 = tpu.memref_squeeze %dma_start3A_65 : memref<1x624x128xf32, #tpu.memory_space<hbm>> -> memref<624x128xf32, #tpu.memory_space<hbm>>
      %dma_start3A_67 = arith.constant 0 : i32
      %dma_start3A_68 = tpu.memref_slice %arg13[%mul3A_4, %dma_start3A_67] : memref<10000x128xf32, #tpu.memory_space<vmem_shared>> -> memref<624x128xf32, #tpu.memory_space<vmem_shared>>
      tpu.enqueue_dma source(%dma_start3A_68 : memref<624x128xf32, #tpu.memory_space<vmem_shared>>) target(%dma_start3A_66 : memref<624x128xf32, #tpu.memory_space<hbm>>) target_semaphore(%run_scoped3A : memref<!tpu.dma_semaphore, #tpu.memory_space<semaphore_mem>>)
      %dma_wait3A_69 = arith.constant 0 : i32
      %dma_wait3A_70 = tpu.memref_slice %arg6[%arg0, %mul3A_4, %dma_wait3A_69] : memref<2x10000x128xf32, #tpu.memory_space<hbm>> -> memref<1x624x128xf32, #tpu.memory_space<hbm>>
      %dma_wait3A_71 = tpu.memref_squeeze %dma_wait3A_70 : memref<1x624x128xf32, #tpu.memory_space<hbm>> -> memref<624x128xf32, #tpu.memory_space<hbm>>
      %dma_wait3A_72 = arith.constant 0 : i32
      %dma_wait3A_73 = tpu.memref_slice %arg13[%mul3A_4, %dma_wait3A_72] : memref<10000x128xf32, #tpu.memory_space<vmem_shared>> -> memref<624x128xf32, #tpu.memory_space<vmem_shared>>
      tpu.wait_dma2 semaphore(%run_scoped3A : memref<!tpu.dma_semaphore, #tpu.memory_space<semaphore_mem>>) src(%dma_wait3A_73 : memref<624x128xf32, #tpu.memory_space<vmem_shared>>) dst(%dma_wait3A_71 : memref<624x128xf32, #tpu.memory_space<hbm>>)
      tpu.yield
    }) : () -> ()
    %eq3A_59 = arith.constant 15 : i32
    %eq3A_60 = arith.cmpi eq, %arg1, %eq3A_59 : i32
    %convert_element_type3A_61 = arith.extui %eq3A_60 : i1 to i32
    %cond3A_62 = arith.constant 0 : i32
    %cond3A_63 = arith.cmpi ne, %convert_element_type3A_61, %cond3A_62 : i32
    scf.if %cond3A_63 {
      "tpu.region"() ({
        %run_scoped3A = tpu.sem_alloc : memref<!tpu.dma_semaphore, #tpu.memory_space<semaphore_mem>>
        %dma_start3A_64 = arith.constant 9984 : i32
        %dma_start3A_65 = arith.constant 0 : i32
        %dma_start3A_66 = tpu.memref_slice %arg6[%arg0, %dma_start3A_64, %dma_start3A_65] : memref<2x10000x128xf32, #tpu.memory_space<hbm>> -> memref<1x16x128xf32, #tpu.memory_space<hbm>>
        %dma_start3A_67 = tpu.memref_squeeze %dma_start3A_66 : memref<1x16x128xf32, #tpu.memory_space<hbm>> -> memref<16x128xf32, #tpu.memory_space<hbm>>
        %dma_start3A_68 = arith.constant 9984 : i32
        %dma_start3A_69 = arith.constant 0 : i32
        %dma_start3A_70 = tpu.memref_slice %arg13[%dma_start3A_68, %dma_start3A_69] : memref<10000x128xf32, #tpu.memory_space<vmem_shared>> -> memref<16x128xf32, #tpu.memory_space<vmem_shared>>
        tpu.enqueue_dma source(%dma_start3A_70 : memref<16x128xf32, #tpu.memory_space<vmem_shared>>) target(%dma_start3A_67 : memref<16x128xf32, #tpu.memory_space<hbm>>) target_semaphore(%run_scoped3A : memref<!tpu.dma_semaphore, #tpu.memory_space<semaphore_mem>>)
        %dma_wait3A_71 = arith.constant 9984 : i32
        %dma_wait3A_72 = arith.constant 0 : i32
        %dma_wait3A_73 = tpu.memref_slice %arg6[%arg0, %dma_wait3A_71, %dma_wait3A_72] : memref<2x10000x128xf32, #tpu.memory_space<hbm>> -> memref<1x16x128xf32, #tpu.memory_space<hbm>>
        %dma_wait3A_74 = tpu.memref_squeeze %dma_wait3A_73 : memref<1x16x128xf32, #tpu.memory_space<hbm>> -> memref<16x128xf32, #tpu.memory_space<hbm>>
        %dma_wait3A_75 = arith.constant 9984 : i32
        %dma_wait3A_76 = arith.constant 0 : i32
        %dma_wait3A_77 = tpu.memref_slice %arg13[%dma_wait3A_75, %dma_wait3A_76] : memref<10000x128xf32, #tpu.memory_space<vmem_shared>> -> memref<16x128xf32, #tpu.memory_space<vmem_shared>>
        tpu.wait_dma2 semaphore(%run_scoped3A : memref<!tpu.dma_semaphore, #tpu.memory_space<semaphore_mem>>) src(%dma_wait3A_77 : memref<16x128xf32, #tpu.memory_space<vmem_shared>>) dst(%dma_wait3A_74 : memref<16x128xf32, #tpu.memory_space<hbm>>)
        tpu.yield
      }) : () -> ()
    } else {
    }
    return
  }
}

#map = affine_map<(d0, d1) -> (0)>
#map1 = affine_map<(d0, d1) -> (0, 0)>
#map2 = affine_map<(d0, d1) -> (0, 0, 0)>
module attributes {stable_mosaic.version = 14 : i64} {
  func.func @_edge_sc_body(%arg0: i32, %arg1: i32, %arg2: memref<320000xi32, #tpu.memory_space<hbm>>, %arg3: memref<320000xi32, #tpu.memory_space<hbm>>, %arg4: memref<10000x16xf32, #tpu.memory_space<hbm>>, %arg5: memref<10000x16xf32, #tpu.memory_space<hbm>>, %arg6: memref<320000x16xf32, #tpu.memory_space<hbm>>, %arg7: memref<320000xf32, #tpu.memory_space<hbm>>, %arg8: memref<1x16xf32, #tpu.memory_space<hbm>>, %arg9: memref<320000x16xf32, #tpu.memory_space<hbm>>, %arg10: memref<32x2x16xf32, #tpu.memory_space<hbm>>, %arg11: memref<10000xi32, #tpu.memory_space<vmem>>, %arg12: memref<10000xi32, #tpu.memory_space<vmem>>, %arg13: memref<10000xf32, #tpu.memory_space<vmem>>, %arg14: memref<80x16xf32, #tpu.memory_space<vmem>>, %arg15: memref<80x16xf32, #tpu.memory_space<vmem>>, %arg16: memref<80x16xf32, #tpu.memory_space<vmem>>, %arg17: memref<80x16xf32, #tpu.memory_space<vmem>>, %arg18: memref<80x16xf32, #tpu.memory_space<vmem>>, %arg19: memref<80x16xf32, #tpu.memory_space<vmem>>, %arg20: memref<80x16xf32, #tpu.memory_space<vmem>>, %arg21: memref<80x16xf32, #tpu.memory_space<vmem>>, %arg22: memref<1x16xf32, #tpu.memory_space<vmem>>, %arg23: memref<2x16xf32, #tpu.memory_space<vmem>>, %arg24: memref<!tpu.dma_semaphore, #tpu.memory_space<semaphore_mem>>, %arg25: memref<!tpu.dma_semaphore, #tpu.memory_space<semaphore_mem>>, %arg26: memref<!tpu.dma_semaphore, #tpu.memory_space<semaphore_mem>>, %arg27: memref<!tpu.dma_semaphore, #tpu.memory_space<semaphore_mem>>, %arg28: memref<!tpu.dma_semaphore, #tpu.memory_space<semaphore_mem>>, %arg29: memref<!tpu.dma_semaphore, #tpu.memory_space<semaphore_mem>>, %arg30: memref<!tpu.dma_semaphore, #tpu.memory_space<semaphore_mem>>, %arg31: memref<!tpu.dma_semaphore, #tpu.memory_space<semaphore_mem>>, %arg32: memref<!tpu.dma_semaphore, #tpu.memory_space<semaphore_mem>>) attributes {dimension_semantics = [#tpu.dimension_semantics<core_parallel>, #tpu.dimension_semantics<subcore_parallel>], iteration_bounds = array<i64: 2, 16>, scalar_prefetch = 0 : i64, scratch_operands = 22 : i64, tpu.core_type = #tpu.core_type<sc_vector_subcore>, window_params = [{transform_indices = #map}, {transform_indices = #map}, {transform_indices = #map1}, {transform_indices = #map1}, {transform_indices = #map1}, {transform_indices = #map}, {transform_indices = #map1}, {transform_indices = #map1}, {transform_indices = #map2}]} {
    %mul3A = arith.constant 2 : i32
    %mul3A_0 = arith.muli %arg1, %mul3A : i32
    %add3A = arith.addi %mul3A_0, %arg0 : i32
    %mul3A_1 = arith.constant 10000 : i32
    %mul3A_2 = arith.muli %add3A, %mul3A_1 : i32
    "tpu.region"() ({
      %run_scoped3A = tpu.sem_alloc : memref<!tpu.dma_semaphore, #tpu.memory_space<semaphore_mem>>
      tpu.enqueue_dma source(%arg8 : memref<1x16xf32, #tpu.memory_space<hbm>>) target(%arg22 : memref<1x16xf32, #tpu.memory_space<vmem>>) target_semaphore(%run_scoped3A : memref<!tpu.dma_semaphore, #tpu.memory_space<semaphore_mem>>)
      tpu.wait_dma2 semaphore(%run_scoped3A : memref<!tpu.dma_semaphore, #tpu.memory_space<semaphore_mem>>) src(%arg8 : memref<1x16xf32, #tpu.memory_space<hbm>>) dst(%arg22 : memref<1x16xf32, #tpu.memory_space<vmem>>)
      tpu.yield
    }) : () -> ()
    %get3A = arith.constant 0 : i32
    %get3A_3 = arith.index_cast %get3A : i32 to index
    %get3A_4 = arith.constant 0 : index
    %get3A_5 = tpu.vector_load %arg22[%get3A_3, %get3A_4] {strides = array<i32>} : memref<1x16xf32, #tpu.memory_space<vmem>>, vector<1x16xf32>,
    %get3A_6 = vector.shape_cast %get3A_5 : vector<1x16xf32> to vector<16xf32>
    %dma_start3A = tpu.memref_slice %arg2[%mul3A_2] : memref<320000xi32, #tpu.memory_space<hbm>> -> memref<10000xi32, #tpu.memory_space<hbm>>
    %dma_start3A_7 = tpu.memref_slice %arg2[%mul3A_2] : memref<320000xi32, #tpu.memory_space<hbm>> -> memref<10000xi32, #tpu.memory_space<hbm>>
    tpu.enqueue_dma source(%dma_start3A_7 : memref<10000xi32, #tpu.memory_space<hbm>>) target(%arg11 : memref<10000xi32, #tpu.memory_space<vmem>>) target_semaphore(%arg32 : memref<!tpu.dma_semaphore, #tpu.memory_space<semaphore_mem>>)
    %dma_start3A_8 = tpu.memref_slice %arg3[%mul3A_2] : memref<320000xi32, #tpu.memory_space<hbm>> -> memref<10000xi32, #tpu.memory_space<hbm>>
    %dma_start3A_9 = tpu.memref_slice %arg3[%mul3A_2] : memref<320000xi32, #tpu.memory_space<hbm>> -> memref<10000xi32, #tpu.memory_space<hbm>>
    tpu.enqueue_dma source(%dma_start3A_9 : memref<10000xi32, #tpu.memory_space<hbm>>) target(%arg12 : memref<10000xi32, #tpu.memory_space<vmem>>) target_semaphore(%arg32 : memref<!tpu.dma_semaphore, #tpu.memory_space<semaphore_mem>>)
    %dma_start3A_10 = tpu.memref_slice %arg7[%mul3A_2] : memref<320000xf32, #tpu.memory_space<hbm>> -> memref<10000xf32, #tpu.memory_space<hbm>>
    %dma_start3A_11 = tpu.memref_slice %arg7[%mul3A_2] : memref<320000xf32, #tpu.memory_space<hbm>> -> memref<10000xf32, #tpu.memory_space<hbm>>
    tpu.enqueue_dma source(%dma_start3A_11 : memref<10000xf32, #tpu.memory_space<hbm>>) target(%arg13 : memref<10000xf32, #tpu.memory_space<vmem>>) target_semaphore(%arg32 : memref<!tpu.dma_semaphore, #tpu.memory_space<semaphore_mem>>)
    %dma_wait3A = arith.constant 0 : i32
    %dma_wait3A_12 = tpu.memref_slice %arg2[%dma_wait3A] : memref<320000xi32, #tpu.memory_space<hbm>> -> memref<10000xi32, #tpu.memory_space<hbm>>
    %dma_wait3A_13 = arith.constant 0 : i32
    %dma_wait3A_14 = tpu.memref_slice %arg2[%dma_wait3A_13] : memref<320000xi32, #tpu.memory_space<hbm>> -> memref<10000xi32, #tpu.memory_space<hbm>>
    tpu.wait_dma2 semaphore(%arg32 : memref<!tpu.dma_semaphore, #tpu.memory_space<semaphore_mem>>) src(%dma_wait3A_14 : memref<10000xi32, #tpu.memory_space<hbm>>) dst(%arg11 : memref<10000xi32, #tpu.memory_space<vmem>>)
    %dma_wait3A_15 = arith.constant 0 : i32
    %dma_wait3A_16 = tpu.memref_slice %arg3[%dma_wait3A_15] : memref<320000xi32, #tpu.memory_space<hbm>> -> memref<10000xi32, #tpu.memory_space<hbm>>
    %dma_wait3A_17 = arith.constant 0 : i32
    %dma_wait3A_18 = tpu.memref_slice %arg3[%dma_wait3A_17] : memref<320000xi32, #tpu.memory_space<hbm>> -> memref<10000xi32, #tpu.memory_space<hbm>>
    tpu.wait_dma2 semaphore(%arg32 : memref<!tpu.dma_semaphore, #tpu.memory_space<semaphore_mem>>) src(%dma_wait3A_18 : memref<10000xi32, #tpu.memory_space<hbm>>) dst(%arg12 : memref<10000xi32, #tpu.memory_space<vmem>>)
    %dma_wait3A_19 = arith.constant 0 : i32
    %dma_wait3A_20 = tpu.memref_slice %arg7[%dma_wait3A_19] : memref<320000xf32, #tpu.memory_space<hbm>> -> memref<10000xf32, #tpu.memory_space<hbm>>
    %dma_wait3A_21 = arith.constant 0 : i32
    %dma_wait3A_22 = tpu.memref_slice %arg7[%dma_wait3A_21] : memref<320000xf32, #tpu.memory_space<hbm>> -> memref<10000xf32, #tpu.memory_space<hbm>>
    tpu.wait_dma2 semaphore(%arg32 : memref<!tpu.dma_semaphore, #tpu.memory_space<semaphore_mem>>) src(%dma_wait3A_22 : memref<10000xf32, #tpu.memory_space<hbm>>) dst(%arg13 : memref<10000xf32, #tpu.memory_space<vmem>>)
    %add3A_23 = arith.constant 0 : i32
    %add3A_24 = arith.addi %mul3A_2, %add3A_23 : i32
    %dma_start3A_25 = arith.constant 0 : i32
    %dma_start3A_26 = tpu.memref_slice %arg11[%dma_start3A_25] : memref<10000xi32, #tpu.memory_space<vmem>> -> memref<80xi32, #tpu.memory_space<vmem>>
    %dma_start3A_27 = arith.constant 0 : i32
    %dma_start3A_28 = arith.constant 0 : i32
    %dma_start3A_29 = tpu.memref_slice %arg4[%dma_start3A_27, %dma_start3A_28] : memref<10000x16xf32, #tpu.memory_space<hbm>> -> memref<10000x16xf32, #tpu.memory_space<hbm>>
    tpu.enqueue_indirect_dma source(%dma_start3A_29 : memref<10000x16xf32, #tpu.memory_space<hbm>>) target(%arg14 : memref<80x16xf32, #tpu.memory_space<vmem>>) offsets(%dma_start3A_26 : memref<80xi32, #tpu.memory_space<vmem>>) semaphore(%arg24 : memref<!tpu.dma_semaphore, #tpu.memory_space<semaphore_mem>>)
    %dma_start3A_30 = arith.constant 0 : i32
    %dma_start3A_31 = tpu.memref_slice %arg12[%dma_start3A_30] : memref<10000xi32, #tpu.memory_space<vmem>> -> memref<80xi32, #tpu.memory_space<vmem>>
    %dma_start3A_32 = arith.constant 0 : i32
    %dma_start3A_33 = arith.constant 0 : i32
    %dma_start3A_34 = tpu.memref_slice %arg5[%dma_start3A_32, %dma_start3A_33] : memref<10000x16xf32, #tpu.memory_space<hbm>> -> memref<10000x16xf32, #tpu.memory_space<hbm>>
    tpu.enqueue_indirect_dma source(%dma_start3A_34 : memref<10000x16xf32, #tpu.memory_space<hbm>>) target(%arg15 : memref<80x16xf32, #tpu.memory_space<vmem>>) offsets(%dma_start3A_31 : memref<80xi32, #tpu.memory_space<vmem>>) semaphore(%arg25 : memref<!tpu.dma_semaphore, #tpu.memory_space<semaphore_mem>>)
    %dma_start3A_35 = arith.constant 0 : i32
    %dma_start3A_36 = tpu.memref_slice %arg6[%add3A_24, %dma_start3A_35] : memref<320000x16xf32, #tpu.memory_space<hbm>> -> memref<80x16xf32, #tpu.memory_space<hbm>>
    %dma_start3A_37 = arith.constant 0 : i32
    %dma_start3A_38 = tpu.memref_slice %arg6[%add3A_24, %dma_start3A_37] : memref<320000x16xf32, #tpu.memory_space<hbm>> -> memref<80x16xf32, #tpu.memory_space<hbm>>
    tpu.enqueue_dma source(%dma_start3A_38 : memref<80x16xf32, #tpu.memory_space<hbm>>) target(%arg16 : memref<80x16xf32, #tpu.memory_space<vmem>>) target_semaphore(%arg26 : memref<!tpu.dma_semaphore, #tpu.memory_space<semaphore_mem>>)
    %broadcast_in_dim3A = arith.constant 0.000000e+00 : f32
    %broadcast_in_dim3A_39 = vector.broadcast %broadcast_in_dim3A : f32 to vector<16xf32>
    %scan3A = arith.constant 0 : i32
    %scan3A_40 = arith.constant 62 : i32
    %scan3A_41 = arith.addi %scan3A, %scan3A_40 : i32
    %scan3A_42 = arith.constant 1 : i32
    %scan3A_43:2 = scf.for %scan3A_92 = %scan3A to %scan3A_41 step %scan3A_42 iter_args(%scan3A_93 = %broadcast_in_dim3A_39, %scan3A_94 = %broadcast_in_dim3A_39) -> (vector<16xf32>, vector<16xf32>)  : i32 {
      %mul3A_95 = arith.constant 2 : i32
      %mul3A_96 = arith.muli %mul3A_95, %scan3A_92 : i32
      %dma_wait3A_97 = arith.constant 0 : i32
      %dma_wait3A_98 = tpu.memref_slice %arg11[%dma_wait3A_97] : memref<10000xi32, #tpu.memory_space<vmem>> -> memref<80xi32, #tpu.memory_space<vmem>>
      %dma_wait3A_99 = arith.constant 0 : i32
      %dma_wait3A_100 = arith.constant 0 : i32
      %dma_wait3A_101 = tpu.memref_slice %arg4[%dma_wait3A_99, %dma_wait3A_100] : memref<10000x16xf32, #tpu.memory_space<hbm>> -> memref<10000x16xf32, #tpu.memory_space<hbm>>
      tpu.wait_indirect_dma semaphore(%arg24 : memref<!tpu.dma_semaphore, #tpu.memory_space<semaphore_mem>>) src(%dma_wait3A_101 : memref<10000x16xf32, #tpu.memory_space<hbm>>) dst(%arg14 : memref<80x16xf32, #tpu.memory_space<vmem>>)
      %dma_wait3A_102 = arith.constant 0 : i32
      %dma_wait3A_103 = tpu.memref_slice %arg12[%dma_wait3A_102] : memref<10000xi32, #tpu.memory_space<vmem>> -> memref<80xi32, #tpu.memory_space<vmem>>
      %dma_wait3A_104 = arith.constant 0 : i32
      %dma_wait3A_105 = arith.constant 0 : i32
      %dma_wait3A_106 = tpu.memref_slice %arg5[%dma_wait3A_104, %dma_wait3A_105] : memref<10000x16xf32, #tpu.memory_space<hbm>> -> memref<10000x16xf32, #tpu.memory_space<hbm>>
      tpu.wait_indirect_dma semaphore(%arg25 : memref<!tpu.dma_semaphore, #tpu.memory_space<semaphore_mem>>) src(%dma_wait3A_106 : memref<10000x16xf32, #tpu.memory_space<hbm>>) dst(%arg15 : memref<80x16xf32, #tpu.memory_space<vmem>>)
      %dma_wait3A_107 = arith.constant 0 : i32
      %dma_wait3A_108 = arith.constant 0 : i32
      %dma_wait3A_109 = tpu.memref_slice %arg6[%dma_wait3A_107, %dma_wait3A_108] : memref<320000x16xf32, #tpu.memory_space<hbm>> -> memref<80x16xf32, #tpu.memory_space<hbm>>
      %dma_wait3A_110 = arith.constant 0 : i32
      %dma_wait3A_111 = arith.constant 0 : i32
      %dma_wait3A_112 = tpu.memref_slice %arg6[%dma_wait3A_110, %dma_wait3A_111] : memref<320000x16xf32, #tpu.memory_space<hbm>> -> memref<80x16xf32, #tpu.memory_space<hbm>>
      tpu.wait_dma2 semaphore(%arg26 : memref<!tpu.dma_semaphore, #tpu.memory_space<semaphore_mem>>) src(%dma_wait3A_112 : memref<80x16xf32, #tpu.memory_space<hbm>>) dst(%arg16 : memref<80x16xf32, #tpu.memory_space<vmem>>)
      %add3A_113 = arith.constant 1 : i32
      %add3A_114 = arith.addi %mul3A_96, %add3A_113 : i32
      %mul3A_115 = arith.constant 80 : i32
      %mul3A_116 = arith.muli %add3A_114, %mul3A_115 : i32
      %add3A_117 = arith.addi %mul3A_2, %mul3A_116 : i32
      %mul3A_118 = arith.constant 80 : i32
      %mul3A_119 = arith.muli %add3A_114, %mul3A_118 : i32
      %dma_start3A_120 = tpu.memref_slice %arg11[%mul3A_119] : memref<10000xi32, #tpu.memory_space<vmem>> -> memref<80xi32, #tpu.memory_space<vmem>>
      %dma_start3A_121 = arith.constant 0 : i32
      %dma_start3A_122 = arith.constant 0 : i32
      %dma_start3A_123 = tpu.memref_slice %arg4[%dma_start3A_121, %dma_start3A_122] : memref<10000x16xf32, #tpu.memory_space<hbm>> -> memref<10000x16xf32, #tpu.memory_space<hbm>>
      tpu.enqueue_indirect_dma source(%dma_start3A_123 : memref<10000x16xf32, #tpu.memory_space<hbm>>) target(%arg18 : memref<80x16xf32, #tpu.memory_space<vmem>>) offsets(%dma_start3A_120 : memref<80xi32, #tpu.memory_space<vmem>>) semaphore(%arg28 : memref<!tpu.dma_semaphore, #tpu.memory_space<semaphore_mem>>)
      %mul3A_124 = arith.constant 80 : i32
      %mul3A_125 = arith.muli %add3A_114, %mul3A_124 : i32
      %dma_start3A_126 = tpu.memref_slice %arg12[%mul3A_125] : memref<10000xi32, #tpu.memory_space<vmem>> -> memref<80xi32, #tpu.memory_space<vmem>>
      %dma_start3A_127 = arith.constant 0 : i32
      %dma_start3A_128 = arith.constant 0 : i32
      %dma_start3A_129 = tpu.memref_slice %arg5[%dma_start3A_127, %dma_start3A_128] : memref<10000x16xf32, #tpu.memory_space<hbm>> -> memref<10000x16xf32, #tpu.memory_space<hbm>>
      tpu.enqueue_indirect_dma source(%dma_start3A_129 : memref<10000x16xf32, #tpu.memory_space<hbm>>) target(%arg19 : memref<80x16xf32, #tpu.memory_space<vmem>>) offsets(%dma_start3A_126 : memref<80xi32, #tpu.memory_space<vmem>>) semaphore(%arg29 : memref<!tpu.dma_semaphore, #tpu.memory_space<semaphore_mem>>)
      %dma_start3A_130 = arith.constant 0 : i32
      %dma_start3A_131 = tpu.memref_slice %arg6[%add3A_117, %dma_start3A_130] : memref<320000x16xf32, #tpu.memory_space<hbm>> -> memref<80x16xf32, #tpu.memory_space<hbm>>
      %dma_start3A_132 = arith.constant 0 : i32
      %dma_start3A_133 = tpu.memref_slice %arg6[%add3A_117, %dma_start3A_132] : memref<320000x16xf32, #tpu.memory_space<hbm>> -> memref<80x16xf32, #tpu.memory_space<hbm>>
      tpu.enqueue_dma source(%dma_start3A_133 : memref<80x16xf32, #tpu.memory_space<hbm>>) target(%arg20 : memref<80x16xf32, #tpu.memory_space<vmem>>) target_semaphore(%arg30 : memref<!tpu.dma_semaphore, #tpu.memory_space<semaphore_mem>>)
      %gt3A = arith.constant 0 : i32
      %gt3A_134 = arith.cmpi sgt, %scan3A_92, %gt3A : i32
      %convert_element_type3A = arith.extui %gt3A_134 : i1 to i32
      %cond3A = arith.constant 0 : i32
      %cond3A_135 = arith.cmpi ne, %convert_element_type3A, %cond3A : i32
      scf.if %cond3A_135 {
        %dma_wait3A_208 = arith.constant 0 : i32
        %dma_wait3A_209 = arith.constant 0 : i32
        %dma_wait3A_210 = tpu.memref_slice %arg9[%dma_wait3A_208, %dma_wait3A_209] : memref<320000x16xf32, #tpu.memory_space<hbm>> -> memref<80x16xf32, #tpu.memory_space<hbm>>
        %dma_wait3A_211 = arith.constant 0 : i32
        %dma_wait3A_212 = arith.constant 0 : i32
        %dma_wait3A_213 = tpu.memref_slice %arg9[%dma_wait3A_211, %dma_wait3A_212] : memref<320000x16xf32, #tpu.memory_space<hbm>> -> memref<80x16xf32, #tpu.memory_space<hbm>>
        tpu.wait_dma2 semaphore(%arg27 : memref<!tpu.dma_semaphore, #tpu.memory_space<semaphore_mem>>) src(%arg17 : memref<80x16xf32, #tpu.memory_space<vmem>>) dst(%dma_wait3A_213 : memref<80x16xf32, #tpu.memory_space<hbm>>)
      } else {
      }
      %scan3A_136 = arith.constant 0 : i32
      %scan3A_137 = arith.constant 5 : i32
      %scan3A_138 = arith.addi %scan3A_136, %scan3A_137 : i32
      %scan3A_139 = arith.constant 1 : i32
      %scan3A_140:2 = scf.for %scan3A_208 = %scan3A_136 to %scan3A_138 step %scan3A_139 iter_args(%scan3A_209 = %scan3A_93, %scan3A_210 = %scan3A_94) -> (vector<16xf32>, vector<16xf32>)  : i32 {
        %mul3A_211 = arith.constant 16 : i32
        %mul3A_212 = arith.muli %scan3A_208, %mul3A_211 : i32
        %mul3A_213 = arith.constant 80 : i32
        %mul3A_214 = arith.muli %mul3A_96, %mul3A_213 : i32
        %add3A_215 = arith.addi %mul3A_214, %mul3A_212 : i32
        %get3A_216 = arith.index_cast %add3A_215 : i32 to index
        %get3A_217 = tpu.vector_load %arg13[%get3A_216] {strides = array<i32>} : memref<10000xf32, #tpu.memory_space<vmem>>, vector<16xf32>,
        %get3A_218 = vector.shape_cast %get3A_217 : vector<16xf32> to vector<16xf32>
        %add3A_219 = arith.constant 0 : i32
        %add3A_220 = arith.addi %mul3A_212, %add3A_219 : i32
        %get3A_221 = arith.index_cast %add3A_220 : i32 to index
        %get3A_222 = arith.constant 0 : index
        %get3A_223 = tpu.vector_load %arg14[%get3A_221, %get3A_222] {strides = array<i32>} : memref<80x16xf32, #tpu.memory_space<vmem>>, vector<1x16xf32>,
        %get3A_224 = vector.shape_cast %get3A_223 : vector<1x16xf32> to vector<16xf32>
        %get3A_225 = arith.index_cast %add3A_220 : i32 to index
        %get3A_226 = arith.constant 0 : index
        %get3A_227 = tpu.vector_load %arg15[%get3A_225, %get3A_226] {strides = array<i32>} : memref<80x16xf32, #tpu.memory_space<vmem>>, vector<1x16xf32>,
        %get3A_228 = vector.shape_cast %get3A_227 : vector<1x16xf32> to vector<16xf32>
        %add3A_229 = arith.addf %get3A_224, %get3A_228 : vector<16xf32>
        %slice3A = vector.extract_strided_slice %get3A_218 {offsets = [0], sizes = [1], strides = [1]} : vector<16xf32> to vector<1xf32>
        %squeeze3A = vector.extract %slice3A[0] : f32 from vector<1xf32>
        %mul3A_230 = vector.broadcast %squeeze3A : f32 to vector<16xf32>
        %mul3A_231 = arith.mulf %mul3A_230, %get3A_6 : vector<16xf32>
        %add3A_232 = arith.addf %add3A_229, %mul3A_231 : vector<16xf32>
        %get3A_233 = arith.index_cast %add3A_220 : i32 to index
        %get3A_234 = arith.constant 0 : index
        %get3A_235 = tpu.vector_load %arg16[%get3A_233, %get3A_234] {strides = array<i32>} : memref<80x16xf32, #tpu.memory_space<vmem>>, vector<1x16xf32>,
        %get3A_236 = vector.shape_cast %get3A_235 : vector<1x16xf32> to vector<16xf32>
        %mul3A_237 = arith.mulf %add3A_232, %get3A_236 : vector<16xf32>
        %neg3A = arith.constant 0.000000e+00 : f32
        %neg3A_238 = vector.broadcast %neg3A : f32 to vector<16xf32>
        %neg3A_239 = arith.subf %neg3A_238, %mul3A_237 : vector<16xf32>
        %exp3A = math.exp %neg3A_239 : vector<16xf32>
        %add3A_240 = arith.constant 1.000000e+00 : f32
        %add3A_241 = vector.broadcast %add3A_240 : f32 to vector<16xf32>
        %add3A_242 = arith.addf %add3A_241, %exp3A : vector<16xf32>
        %div3A = arith.divf %mul3A_237, %add3A_242 : vector<16xf32>
        %swap3A_243 = arith.index_cast %add3A_220 : i32 to index
        %swap3A_244 = arith.constant 0 : index
        %swap3A_245 = tpu.vector_load %arg17[%swap3A_243, %swap3A_244] {strides = array<i32>} : memref<80x16xf32, #tpu.memory_space<vmem>>, vector<1x16xf32>,
        %swap3A_246 = vector.shape_cast %swap3A_245 : vector<1x16xf32> to vector<16xf32>
        %swap3A_247 = vector.shape_cast %div3A : vector<16xf32> to vector<1x16xf32>
        tpu.vector_store %arg17[%swap3A_243, %swap3A_244], %swap3A_247 {strides = array<i32>} : memref<80x16xf32, #tpu.memory_space<vmem>>, vector<1x16xf32>,
        %add3A_248 = arith.addf %scan3A_209, %div3A : vector<16xf32>
        %mul3A_249 = arith.mulf %div3A, %div3A : vector<16xf32>
        %add3A_250 = arith.addf %scan3A_210, %mul3A_249 : vector<16xf32>
        %add3A_251 = arith.constant 1 : i32
        %add3A_252 = arith.addi %mul3A_212, %add3A_251 : i32
        %get3A_253 = arith.index_cast %add3A_252 : i32 to index
        %get3A_254 = arith.constant 0 : index
        %get3A_255 = tpu.vector_load %arg14[%get3A_253, %get3A_254] {strides = array<i32>} : memref<80x16xf32, #tpu.memory_space<vmem>>, vector<1x16xf32>,
        %get3A_256 = vector.shape_cast %get3A_255 : vector<1x16xf32> to vector<16xf32>
        %get3A_257 = arith.index_cast %add3A_252 : i32 to index
        %get3A_258 = arith.constant 0 : index
        %get3A_259 = tpu.vector_load %arg15[%get3A_257, %get3A_258] {strides = array<i32>} : memref<80x16xf32, #tpu.memory_space<vmem>>, vector<1x16xf32>,
        %get3A_260 = vector.shape_cast %get3A_259 : vector<1x16xf32> to vector<16xf32>
        %add3A_261 = arith.addf %get3A_256, %get3A_260 : vector<16xf32>
        %slice3A_262 = vector.extract_strided_slice %get3A_218 {offsets = [1], sizes = [1], strides = [1]} : vector<16xf32> to vector<1xf32>
        %squeeze3A_263 = vector.extract %slice3A_262[0] : f32 from vector<1xf32>
        %mul3A_264 = vector.broadcast %squeeze3A_263 : f32 to vector<16xf32>
        %mul3A_265 = arith.mulf %mul3A_264, %get3A_6 : vector<16xf32>
        %add3A_266 = arith.addf %add3A_261, %mul3A_265 : vector<16xf32>
        %get3A_267 = arith.index_cast %add3A_252 : i32 to index
        %get3A_268 = arith.constant 0 : index
        %get3A_269 = tpu.vector_load %arg16[%get3A_267, %get3A_268] {strides = array<i32>} : memref<80x16xf32, #tpu.memory_space<vmem>>, vector<1x16xf32>,
        %get3A_270 = vector.shape_cast %get3A_269 : vector<1x16xf32> to vector<16xf32>
        %mul3A_271 = arith.mulf %add3A_266, %get3A_270 : vector<16xf32>
        %neg3A_272 = arith.constant 0.000000e+00 : f32
        %neg3A_273 = vector.broadcast %neg3A_272 : f32 to vector<16xf32>
        %neg3A_274 = arith.subf %neg3A_273, %mul3A_271 : vector<16xf32>
        %exp3A_275 = math.exp %neg3A_274 : vector<16xf32>
        %add3A_276 = arith.constant 1.000000e+00 : f32
        %add3A_277 = vector.broadcast %add3A_276 : f32 to vector<16xf32>
        %add3A_278 = arith.addf %add3A_277, %exp3A_275 : vector<16xf32>
        %div3A_279 = arith.divf %mul3A_271, %add3A_278 : vector<16xf32>
        %swap3A_280 = arith.index_cast %add3A_252 : i32 to index
        %swap3A_281 = arith.constant 0 : index
        %swap3A_282 = tpu.vector_load %arg17[%swap3A_280, %swap3A_281] {strides = array<i32>} : memref<80x16xf32, #tpu.memory_space<vmem>>, vector<1x16xf32>,
        %swap3A_283 = vector.shape_cast %swap3A_282 : vector<1x16xf32> to vector<16xf32>
        %swap3A_284 = vector.shape_cast %div3A_279 : vector<16xf32> to vector<1x16xf32>
        tpu.vector_store %arg17[%swap3A_280, %swap3A_281], %swap3A_284 {strides = array<i32>} : memref<80x16xf32, #tpu.memory_space<vmem>>, vector<1x16xf32>,
        %add3A_285 = arith.addf %add3A_248, %div3A_279 : vector<16xf32>
        %mul3A_286 = arith.mulf %div3A_279, %div3A_279 : vector<16xf32>
        %add3A_287 = arith.addf %add3A_250, %mul3A_286 : vector<16xf32>
        %add3A_288 = arith.constant 2 : i32
        %add3A_289 = arith.addi %mul3A_212, %add3A_288 : i32
        %get3A_290 = arith.index_cast %add3A_289 : i32 to index
        %get3A_291 = arith.constant 0 : index
        %get3A_292 = tpu.vector_load %arg14[%get3A_290, %get3A_291] {strides = array<i32>} : memref<80x16xf32, #tpu.memory_space<vmem>>, vector<1x16xf32>,
        %get3A_293 = vector.shape_cast %get3A_292 : vector<1x16xf32> to vector<16xf32>
        %get3A_294 = arith.index_cast %add3A_289 : i32 to index
        %get3A_295 = arith.constant 0 : index
        %get3A_296 = tpu.vector_load %arg15[%get3A_294, %get3A_295] {strides = array<i32>} : memref<80x16xf32, #tpu.memory_space<vmem>>, vector<1x16xf32>,
        %get3A_297 = vector.shape_cast %get3A_296 : vector<1x16xf32> to vector<16xf32>
        %add3A_298 = arith.addf %get3A_293, %get3A_297 : vector<16xf32>
        %slice3A_299 = vector.extract_strided_slice %get3A_218 {offsets = [2], sizes = [1], strides = [1]} : vector<16xf32> to vector<1xf32>
        %squeeze3A_300 = vector.extract %slice3A_299[0] : f32 from vector<1xf32>
        %mul3A_301 = vector.broadcast %squeeze3A_300 : f32 to vector<16xf32>
        %mul3A_302 = arith.mulf %mul3A_301, %get3A_6 : vector<16xf32>
        %add3A_303 = arith.addf %add3A_298, %mul3A_302 : vector<16xf32>
        %get3A_304 = arith.index_cast %add3A_289 : i32 to index
        %get3A_305 = arith.constant 0 : index
        %get3A_306 = tpu.vector_load %arg16[%get3A_304, %get3A_305] {strides = array<i32>} : memref<80x16xf32, #tpu.memory_space<vmem>>, vector<1x16xf32>,
        %get3A_307 = vector.shape_cast %get3A_306 : vector<1x16xf32> to vector<16xf32>
        %mul3A_308 = arith.mulf %add3A_303, %get3A_307 : vector<16xf32>
        %neg3A_309 = arith.constant 0.000000e+00 : f32
        %neg3A_310 = vector.broadcast %neg3A_309 : f32 to vector<16xf32>
        %neg3A_311 = arith.subf %neg3A_310, %mul3A_308 : vector<16xf32>
        %exp3A_312 = math.exp %neg3A_311 : vector<16xf32>
        %add3A_313 = arith.constant 1.000000e+00 : f32
        %add3A_314 = vector.broadcast %add3A_313 : f32 to vector<16xf32>
        %add3A_315 = arith.addf %add3A_314, %exp3A_312 : vector<16xf32>
        %div3A_316 = arith.divf %mul3A_308, %add3A_315 : vector<16xf32>
        %swap3A_317 = arith.index_cast %add3A_289 : i32 to index
        %swap3A_318 = arith.constant 0 : index
        %swap3A_319 = tpu.vector_load %arg17[%swap3A_317, %swap3A_318] {strides = array<i32>} : memref<80x16xf32, #tpu.memory_space<vmem>>, vector<1x16xf32>,
        %swap3A_320 = vector.shape_cast %swap3A_319 : vector<1x16xf32> to vector<16xf32>
        %swap3A_321 = vector.shape_cast %div3A_316 : vector<16xf32> to vector<1x16xf32>
        tpu.vector_store %arg17[%swap3A_317, %swap3A_318], %swap3A_321 {strides = array<i32>} : memref<80x16xf32, #tpu.memory_space<vmem>>, vector<1x16xf32>,
        %add3A_322 = arith.addf %add3A_285, %div3A_316 : vector<16xf32>
        %mul3A_323 = arith.mulf %div3A_316, %div3A_316 : vector<16xf32>
        %add3A_324 = arith.addf %add3A_287, %mul3A_323 : vector<16xf32>
        %add3A_325 = arith.constant 3 : i32
        %add3A_326 = arith.addi %mul3A_212, %add3A_325 : i32
        %get3A_327 = arith.index_cast %add3A_326 : i32 to index
        %get3A_328 = arith.constant 0 : index
        %get3A_329 = tpu.vector_load %arg14[%get3A_327, %get3A_328] {strides = array<i32>} : memref<80x16xf32, #tpu.memory_space<vmem>>, vector<1x16xf32>,
        %get3A_330 = vector.shape_cast %get3A_329 : vector<1x16xf32> to vector<16xf32>
        %get3A_331 = arith.index_cast %add3A_326 : i32 to index
        %get3A_332 = arith.constant 0 : index
        %get3A_333 = tpu.vector_load %arg15[%get3A_331, %get3A_332] {strides = array<i32>} : memref<80x16xf32, #tpu.memory_space<vmem>>, vector<1x16xf32>,
        %get3A_334 = vector.shape_cast %get3A_333 : vector<1x16xf32> to vector<16xf32>
        %add3A_335 = arith.addf %get3A_330, %get3A_334 : vector<16xf32>
        %slice3A_336 = vector.extract_strided_slice %get3A_218 {offsets = [3], sizes = [1], strides = [1]} : vector<16xf32> to vector<1xf32>
        %squeeze3A_337 = vector.extract %slice3A_336[0] : f32 from vector<1xf32>
        %mul3A_338 = vector.broadcast %squeeze3A_337 : f32 to vector<16xf32>
        %mul3A_339 = arith.mulf %mul3A_338, %get3A_6 : vector<16xf32>
        %add3A_340 = arith.addf %add3A_335, %mul3A_339 : vector<16xf32>
        %get3A_341 = arith.index_cast %add3A_326 : i32 to index
        %get3A_342 = arith.constant 0 : index
        %get3A_343 = tpu.vector_load %arg16[%get3A_341, %get3A_342] {strides = array<i32>} : memref<80x16xf32, #tpu.memory_space<vmem>>, vector<1x16xf32>,
        %get3A_344 = vector.shape_cast %get3A_343 : vector<1x16xf32> to vector<16xf32>
        %mul3A_345 = arith.mulf %add3A_340, %get3A_344 : vector<16xf32>
        %neg3A_346 = arith.constant 0.000000e+00 : f32
        %neg3A_347 = vector.broadcast %neg3A_346 : f32 to vector<16xf32>
        %neg3A_348 = arith.subf %neg3A_347, %mul3A_345 : vector<16xf32>
        %exp3A_349 = math.exp %neg3A_348 : vector<16xf32>
        %add3A_350 = arith.constant 1.000000e+00 : f32
        %add3A_351 = vector.broadcast %add3A_350 : f32 to vector<16xf32>
        %add3A_352 = arith.addf %add3A_351, %exp3A_349 : vector<16xf32>
        %div3A_353 = arith.divf %mul3A_345, %add3A_352 : vector<16xf32>
        %swap3A_354 = arith.index_cast %add3A_326 : i32 to index
        %swap3A_355 = arith.constant 0 : index
        %swap3A_356 = tpu.vector_load %arg17[%swap3A_354, %swap3A_355] {strides = array<i32>} : memref<80x16xf32, #tpu.memory_space<vmem>>, vector<1x16xf32>,
        %swap3A_357 = vector.shape_cast %swap3A_356 : vector<1x16xf32> to vector<16xf32>
        %swap3A_358 = vector.shape_cast %div3A_353 : vector<16xf32> to vector<1x16xf32>
        tpu.vector_store %arg17[%swap3A_354, %swap3A_355], %swap3A_358 {strides = array<i32>} : memref<80x16xf32, #tpu.memory_space<vmem>>, vector<1x16xf32>,
        %add3A_359 = arith.addf %add3A_322, %div3A_353 : vector<16xf32>
        %mul3A_360 = arith.mulf %div3A_353, %div3A_353 : vector<16xf32>
        %add3A_361 = arith.addf %add3A_324, %mul3A_360 : vector<16xf32>
        %add3A_362 = arith.constant 4 : i32
        %add3A_363 = arith.addi %mul3A_212, %add3A_362 : i32
        %get3A_364 = arith.index_cast %add3A_363 : i32 to index
        %get3A_365 = arith.constant 0 : index
        %get3A_366 = tpu.vector_load %arg14[%get3A_364, %get3A_365] {strides = array<i32>} : memref<80x16xf32, #tpu.memory_space<vmem>>, vector<1x16xf32>,
        %get3A_367 = vector.shape_cast %get3A_366 : vector<1x16xf32> to vector<16xf32>
        %get3A_368 = arith.index_cast %add3A_363 : i32 to index
        %get3A_369 = arith.constant 0 : index
        %get3A_370 = tpu.vector_load %arg15[%get3A_368, %get3A_369] {strides = array<i32>} : memref<80x16xf32, #tpu.memory_space<vmem>>, vector<1x16xf32>,
        %get3A_371 = vector.shape_cast %get3A_370 : vector<1x16xf32> to vector<16xf32>
        %add3A_372 = arith.addf %get3A_367, %get3A_371 : vector<16xf32>
        %slice3A_373 = vector.extract_strided_slice %get3A_218 {offsets = [4], sizes = [1], strides = [1]} : vector<16xf32> to vector<1xf32>
        %squeeze3A_374 = vector.extract %slice3A_373[0] : f32 from vector<1xf32>
        %mul3A_375 = vector.broadcast %squeeze3A_374 : f32 to vector<16xf32>
        %mul3A_376 = arith.mulf %mul3A_375, %get3A_6 : vector<16xf32>
        %add3A_377 = arith.addf %add3A_372, %mul3A_376 : vector<16xf32>
        %get3A_378 = arith.index_cast %add3A_363 : i32 to index
        %get3A_379 = arith.constant 0 : index
        %get3A_380 = tpu.vector_load %arg16[%get3A_378, %get3A_379] {strides = array<i32>} : memref<80x16xf32, #tpu.memory_space<vmem>>, vector<1x16xf32>,
        %get3A_381 = vector.shape_cast %get3A_380 : vector<1x16xf32> to vector<16xf32>
        %mul3A_382 = arith.mulf %add3A_377, %get3A_381 : vector<16xf32>
        %neg3A_383 = arith.constant 0.000000e+00 : f32
        %neg3A_384 = vector.broadcast %neg3A_383 : f32 to vector<16xf32>
        %neg3A_385 = arith.subf %neg3A_384, %mul3A_382 : vector<16xf32>
        %exp3A_386 = math.exp %neg3A_385 : vector<16xf32>
        %add3A_387 = arith.constant 1.000000e+00 : f32
        %add3A_388 = vector.broadcast %add3A_387 : f32 to vector<16xf32>
        %add3A_389 = arith.addf %add3A_388, %exp3A_386 : vector<16xf32>
        %div3A_390 = arith.divf %mul3A_382, %add3A_389 : vector<16xf32>
        %swap3A_391 = arith.index_cast %add3A_363 : i32 to index
        %swap3A_392 = arith.constant 0 : index
        %swap3A_393 = tpu.vector_load %arg17[%swap3A_391, %swap3A_392] {strides = array<i32>} : memref<80x16xf32, #tpu.memory_space<vmem>>, vector<1x16xf32>,
        %swap3A_394 = vector.shape_cast %swap3A_393 : vector<1x16xf32> to vector<16xf32>
        %swap3A_395 = vector.shape_cast %div3A_390 : vector<16xf32> to vector<1x16xf32>
        tpu.vector_store %arg17[%swap3A_391, %swap3A_392], %swap3A_395 {strides = array<i32>} : memref<80x16xf32, #tpu.memory_space<vmem>>, vector<1x16xf32>,
        %add3A_396 = arith.addf %add3A_359, %div3A_390 : vector<16xf32>
        %mul3A_397 = arith.mulf %div3A_390, %div3A_390 : vector<16xf32>
        %add3A_398 = arith.addf %add3A_361, %mul3A_397 : vector<16xf32>
        %add3A_399 = arith.constant 5 : i32
        %add3A_400 = arith.addi %mul3A_212, %add3A_399 : i32
        %get3A_401 = arith.index_cast %add3A_400 : i32 to index
        %get3A_402 = arith.constant 0 : index
        %get3A_403 = tpu.vector_load %arg14[%get3A_401, %get3A_402] {strides = array<i32>} : memref<80x16xf32, #tpu.memory_space<vmem>>, vector<1x16xf32>,
        %get3A_404 = vector.shape_cast %get3A_403 : vector<1x16xf32> to vector<16xf32>
        %get3A_405 = arith.index_cast %add3A_400 : i32 to index
        %get3A_406 = arith.constant 0 : index
        %get3A_407 = tpu.vector_load %arg15[%get3A_405, %get3A_406] {strides = array<i32>} : memref<80x16xf32, #tpu.memory_space<vmem>>, vector<1x16xf32>,
        %get3A_408 = vector.shape_cast %get3A_407 : vector<1x16xf32> to vector<16xf32>
        %add3A_409 = arith.addf %get3A_404, %get3A_408 : vector<16xf32>
        %slice3A_410 = vector.extract_strided_slice %get3A_218 {offsets = [5], sizes = [1], strides = [1]} : vector<16xf32> to vector<1xf32>
        %squeeze3A_411 = vector.extract %slice3A_410[0] : f32 from vector<1xf32>
        %mul3A_412 = vector.broadcast %squeeze3A_411 : f32 to vector<16xf32>
        %mul3A_413 = arith.mulf %mul3A_412, %get3A_6 : vector<16xf32>
        %add3A_414 = arith.addf %add3A_409, %mul3A_413 : vector<16xf32>
        %get3A_415 = arith.index_cast %add3A_400 : i32 to index
        %get3A_416 = arith.constant 0 : index
        %get3A_417 = tpu.vector_load %arg16[%get3A_415, %get3A_416] {strides = array<i32>} : memref<80x16xf32, #tpu.memory_space<vmem>>, vector<1x16xf32>,
        %get3A_418 = vector.shape_cast %get3A_417 : vector<1x16xf32> to vector<16xf32>
        %mul3A_419 = arith.mulf %add3A_414, %get3A_418 : vector<16xf32>
        %neg3A_420 = arith.constant 0.000000e+00 : f32
        %neg3A_421 = vector.broadcast %neg3A_420 : f32 to vector<16xf32>
        %neg3A_422 = arith.subf %neg3A_421, %mul3A_419 : vector<16xf32>
        %exp3A_423 = math.exp %neg3A_422 : vector<16xf32>
        %add3A_424 = arith.constant 1.000000e+00 : f32
        %add3A_425 = vector.broadcast %add3A_424 : f32 to vector<16xf32>
        %add3A_426 = arith.addf %add3A_425, %exp3A_423 : vector<16xf32>
        %div3A_427 = arith.divf %mul3A_419, %add3A_426 : vector<16xf32>
        %swap3A_428 = arith.index_cast %add3A_400 : i32 to index
        %swap3A_429 = arith.constant 0 : index
        %swap3A_430 = tpu.vector_load %arg17[%swap3A_428, %swap3A_429] {strides = array<i32>} : memref<80x16xf32, #tpu.memory_space<vmem>>, vector<1x16xf32>,
        %swap3A_431 = vector.shape_cast %swap3A_430 : vector<1x16xf32> to vector<16xf32>
        %swap3A_432 = vector.shape_cast %div3A_427 : vector<16xf32> to vector<1x16xf32>
        tpu.vector_store %arg17[%swap3A_428, %swap3A_429], %swap3A_432 {strides = array<i32>} : memref<80x16xf32, #tpu.memory_space<vmem>>, vector<1x16xf32>,
        %add3A_433 = arith.addf %add3A_396, %div3A_427 : vector<16xf32>
        %mul3A_434 = arith.mulf %div3A_427, %div3A_427 : vector<16xf32>
        %add3A_435 = arith.addf %add3A_398, %mul3A_434 : vector<16xf32>
        %add3A_436 = arith.constant 6 : i32
        %add3A_437 = arith.addi %mul3A_212, %add3A_436 : i32
        %get3A_438 = arith.index_cast %add3A_437 : i32 to index
        %get3A_439 = arith.constant 0 : index
        %get3A_440 = tpu.vector_load %arg14[%get3A_438, %get3A_439] {strides = array<i32>} : memref<80x16xf32, #tpu.memory_space<vmem>>, vector<1x16xf32>,
        %get3A_441 = vector.shape_cast %get3A_440 : vector<1x16xf32> to vector<16xf32>
        %get3A_442 = arith.index_cast %add3A_437 : i32 to index
        %get3A_443 = arith.constant 0 : index
        %get3A_444 = tpu.vector_load %arg15[%get3A_442, %get3A_443] {strides = array<i32>} : memref<80x16xf32, #tpu.memory_space<vmem>>, vector<1x16xf32>,
        %get3A_445 = vector.shape_cast %get3A_444 : vector<1x16xf32> to vector<16xf32>
        %add3A_446 = arith.addf %get3A_441, %get3A_445 : vector<16xf32>
        %slice3A_447 = vector.extract_strided_slice %get3A_218 {offsets = [6], sizes = [1], strides = [1]} : vector<16xf32> to vector<1xf32>
        %squeeze3A_448 = vector.extract %slice3A_447[0] : f32 from vector<1xf32>
        %mul3A_449 = vector.broadcast %squeeze3A_448 : f32 to vector<16xf32>
        %mul3A_450 = arith.mulf %mul3A_449, %get3A_6 : vector<16xf32>
        %add3A_451 = arith.addf %add3A_446, %mul3A_450 : vector<16xf32>
        %get3A_452 = arith.index_cast %add3A_437 : i32 to index
        %get3A_453 = arith.constant 0 : index
        %get3A_454 = tpu.vector_load %arg16[%get3A_452, %get3A_453] {strides = array<i32>} : memref<80x16xf32, #tpu.memory_space<vmem>>, vector<1x16xf32>,
        %get3A_455 = vector.shape_cast %get3A_454 : vector<1x16xf32> to vector<16xf32>
        %mul3A_456 = arith.mulf %add3A_451, %get3A_455 : vector<16xf32>
        %neg3A_457 = arith.constant 0.000000e+00 : f32
        %neg3A_458 = vector.broadcast %neg3A_457 : f32 to vector<16xf32>
        %neg3A_459 = arith.subf %neg3A_458, %mul3A_456 : vector<16xf32>
        %exp3A_460 = math.exp %neg3A_459 : vector<16xf32>
        %add3A_461 = arith.constant 1.000000e+00 : f32
        %add3A_462 = vector.broadcast %add3A_461 : f32 to vector<16xf32>
        %add3A_463 = arith.addf %add3A_462, %exp3A_460 : vector<16xf32>
        %div3A_464 = arith.divf %mul3A_456, %add3A_463 : vector<16xf32>
        %swap3A_465 = arith.index_cast %add3A_437 : i32 to index
        %swap3A_466 = arith.constant 0 : index
        %swap3A_467 = tpu.vector_load %arg17[%swap3A_465, %swap3A_466] {strides = array<i32>} : memref<80x16xf32, #tpu.memory_space<vmem>>, vector<1x16xf32>,
        %swap3A_468 = vector.shape_cast %swap3A_467 : vector<1x16xf32> to vector<16xf32>
        %swap3A_469 = vector.shape_cast %div3A_464 : vector<16xf32> to vector<1x16xf32>
        tpu.vector_store %arg17[%swap3A_465, %swap3A_466], %swap3A_469 {strides = array<i32>} : memref<80x16xf32, #tpu.memory_space<vmem>>, vector<1x16xf32>,
        %add3A_470 = arith.addf %add3A_433, %div3A_464 : vector<16xf32>
        %mul3A_471 = arith.mulf %div3A_464, %div3A_464 : vector<16xf32>
        %add3A_472 = arith.addf %add3A_435, %mul3A_471 : vector<16xf32>
        %add3A_473 = arith.constant 7 : i32
        %add3A_474 = arith.addi %mul3A_212, %add3A_473 : i32
        %get3A_475 = arith.index_cast %add3A_474 : i32 to index
        %get3A_476 = arith.constant 0 : index
        %get3A_477 = tpu.vector_load %arg14[%get3A_475, %get3A_476] {strides = array<i32>} : memref<80x16xf32, #tpu.memory_space<vmem>>, vector<1x16xf32>,
        %get3A_478 = vector.shape_cast %get3A_477 : vector<1x16xf32> to vector<16xf32>
        %get3A_479 = arith.index_cast %add3A_474 : i32 to index
        %get3A_480 = arith.constant 0 : index
        %get3A_481 = tpu.vector_load %arg15[%get3A_479, %get3A_480] {strides = array<i32>} : memref<80x16xf32, #tpu.memory_space<vmem>>, vector<1x16xf32>,
        %get3A_482 = vector.shape_cast %get3A_481 : vector<1x16xf32> to vector<16xf32>
        %add3A_483 = arith.addf %get3A_478, %get3A_482 : vector<16xf32>
        %slice3A_484 = vector.extract_strided_slice %get3A_218 {offsets = [7], sizes = [1], strides = [1]} : vector<16xf32> to vector<1xf32>
        %squeeze3A_485 = vector.extract %slice3A_484[0] : f32 from vector<1xf32>
        %mul3A_486 = vector.broadcast %squeeze3A_485 : f32 to vector<16xf32>
        %mul3A_487 = arith.mulf %mul3A_486, %get3A_6 : vector<16xf32>
        %add3A_488 = arith.addf %add3A_483, %mul3A_487 : vector<16xf32>
        %get3A_489 = arith.index_cast %add3A_474 : i32 to index
        %get3A_490 = arith.constant 0 : index
        %get3A_491 = tpu.vector_load %arg16[%get3A_489, %get3A_490] {strides = array<i32>} : memref<80x16xf32, #tpu.memory_space<vmem>>, vector<1x16xf32>,
        %get3A_492 = vector.shape_cast %get3A_491 : vector<1x16xf32> to vector<16xf32>
        %mul3A_493 = arith.mulf %add3A_488, %get3A_492 : vector<16xf32>
        %neg3A_494 = arith.constant 0.000000e+00 : f32
        %neg3A_495 = vector.broadcast %neg3A_494 : f32 to vector<16xf32>
        %neg3A_496 = arith.subf %neg3A_495, %mul3A_493 : vector<16xf32>
        %exp3A_497 = math.exp %neg3A_496 : vector<16xf32>
        %add3A_498 = arith.constant 1.000000e+00 : f32
        %add3A_499 = vector.broadcast %add3A_498 : f32 to vector<16xf32>
        %add3A_500 = arith.addf %add3A_499, %exp3A_497 : vector<16xf32>
        %div3A_501 = arith.divf %mul3A_493, %add3A_500 : vector<16xf32>
        %swap3A_502 = arith.index_cast %add3A_474 : i32 to index
        %swap3A_503 = arith.constant 0 : index
        %swap3A_504 = tpu.vector_load %arg17[%swap3A_502, %swap3A_503] {strides = array<i32>} : memref<80x16xf32, #tpu.memory_space<vmem>>, vector<1x16xf32>,
        %swap3A_505 = vector.shape_cast %swap3A_504 : vector<1x16xf32> to vector<16xf32>
        %swap3A_506 = vector.shape_cast %div3A_501 : vector<16xf32> to vector<1x16xf32>
        tpu.vector_store %arg17[%swap3A_502, %swap3A_503], %swap3A_506 {strides = array<i32>} : memref<80x16xf32, #tpu.memory_space<vmem>>, vector<1x16xf32>,
        %add3A_507 = arith.addf %add3A_470, %div3A_501 : vector<16xf32>
        %mul3A_508 = arith.mulf %div3A_501, %div3A_501 : vector<16xf32>
        %add3A_509 = arith.addf %add3A_472, %mul3A_508 : vector<16xf32>
        %add3A_510 = arith.constant 8 : i32
        %add3A_511 = arith.addi %mul3A_212, %add3A_510 : i32
        %get3A_512 = arith.index_cast %add3A_511 : i32 to index
        %get3A_513 = arith.constant 0 : index
        %get3A_514 = tpu.vector_load %arg14[%get3A_512, %get3A_513] {strides = array<i32>} : memref<80x16xf32, #tpu.memory_space<vmem>>, vector<1x16xf32>,
        %get3A_515 = vector.shape_cast %get3A_514 : vector<1x16xf32> to vector<16xf32>
        %get3A_516 = arith.index_cast %add3A_511 : i32 to index
        %get3A_517 = arith.constant 0 : index
        %get3A_518 = tpu.vector_load %arg15[%get3A_516, %get3A_517] {strides = array<i32>} : memref<80x16xf32, #tpu.memory_space<vmem>>, vector<1x16xf32>,
        %get3A_519 = vector.shape_cast %get3A_518 : vector<1x16xf32> to vector<16xf32>
        %add3A_520 = arith.addf %get3A_515, %get3A_519 : vector<16xf32>
        %slice3A_521 = vector.extract_strided_slice %get3A_218 {offsets = [8], sizes = [1], strides = [1]} : vector<16xf32> to vector<1xf32>
        %squeeze3A_522 = vector.extract %slice3A_521[0] : f32 from vector<1xf32>
        %mul3A_523 = vector.broadcast %squeeze3A_522 : f32 to vector<16xf32>
        %mul3A_524 = arith.mulf %mul3A_523, %get3A_6 : vector<16xf32>
        %add3A_525 = arith.addf %add3A_520, %mul3A_524 : vector<16xf32>
        %get3A_526 = arith.index_cast %add3A_511 : i32 to index
        %get3A_527 = arith.constant 0 : index
        %get3A_528 = tpu.vector_load %arg16[%get3A_526, %get3A_527] {strides = array<i32>} : memref<80x16xf32, #tpu.memory_space<vmem>>, vector<1x16xf32>,
        %get3A_529 = vector.shape_cast %get3A_528 : vector<1x16xf32> to vector<16xf32>
        %mul3A_530 = arith.mulf %add3A_525, %get3A_529 : vector<16xf32>
        %neg3A_531 = arith.constant 0.000000e+00 : f32
        %neg3A_532 = vector.broadcast %neg3A_531 : f32 to vector<16xf32>
        %neg3A_533 = arith.subf %neg3A_532, %mul3A_530 : vector<16xf32>
        %exp3A_534 = math.exp %neg3A_533 : vector<16xf32>
        %add3A_535 = arith.constant 1.000000e+00 : f32
        %add3A_536 = vector.broadcast %add3A_535 : f32 to vector<16xf32>
        %add3A_537 = arith.addf %add3A_536, %exp3A_534 : vector<16xf32>
        %div3A_538 = arith.divf %mul3A_530, %add3A_537 : vector<16xf32>
        %swap3A_539 = arith.index_cast %add3A_511 : i32 to index
        %swap3A_540 = arith.constant 0 : index
        %swap3A_541 = tpu.vector_load %arg17[%swap3A_539, %swap3A_540] {strides = array<i32>} : memref<80x16xf32, #tpu.memory_space<vmem>>, vector<1x16xf32>,
        %swap3A_542 = vector.shape_cast %swap3A_541 : vector<1x16xf32> to vector<16xf32>
        %swap3A_543 = vector.shape_cast %div3A_538 : vector<16xf32> to vector<1x16xf32>
        tpu.vector_store %arg17[%swap3A_539, %swap3A_540], %swap3A_543 {strides = array<i32>} : memref<80x16xf32, #tpu.memory_space<vmem>>, vector<1x16xf32>,
        %add3A_544 = arith.addf %add3A_507, %div3A_538 : vector<16xf32>
        %mul3A_545 = arith.mulf %div3A_538, %div3A_538 : vector<16xf32>
        %add3A_546 = arith.addf %add3A_509, %mul3A_545 : vector<16xf32>
        %add3A_547 = arith.constant 9 : i32
        %add3A_548 = arith.addi %mul3A_212, %add3A_547 : i32
        %get3A_549 = arith.index_cast %add3A_548 : i32 to index
        %get3A_550 = arith.constant 0 : index
        %get3A_551 = tpu.vector_load %arg14[%get3A_549, %get3A_550] {strides = array<i32>} : memref<80x16xf32, #tpu.memory_space<vmem>>, vector<1x16xf32>,
        %get3A_552 = vector.shape_cast %get3A_551 : vector<1x16xf32> to vector<16xf32>
        %get3A_553 = arith.index_cast %add3A_548 : i32 to index
        %get3A_554 = arith.constant 0 : index
        %get3A_555 = tpu.vector_load %arg15[%get3A_553, %get3A_554] {strides = array<i32>} : memref<80x16xf32, #tpu.memory_space<vmem>>, vector<1x16xf32>,
        %get3A_556 = vector.shape_cast %get3A_555 : vector<1x16xf32> to vector<16xf32>
        %add3A_557 = arith.addf %get3A_552, %get3A_556 : vector<16xf32>
        %slice3A_558 = vector.extract_strided_slice %get3A_218 {offsets = [9], sizes = [1], strides = [1]} : vector<16xf32> to vector<1xf32>
        %squeeze3A_559 = vector.extract %slice3A_558[0] : f32 from vector<1xf32>
        %mul3A_560 = vector.broadcast %squeeze3A_559 : f32 to vector<16xf32>
        %mul3A_561 = arith.mulf %mul3A_560, %get3A_6 : vector<16xf32>
        %add3A_562 = arith.addf %add3A_557, %mul3A_561 : vector<16xf32>
        %get3A_563 = arith.index_cast %add3A_548 : i32 to index
        %get3A_564 = arith.constant 0 : index
        %get3A_565 = tpu.vector_load %arg16[%get3A_563, %get3A_564] {strides = array<i32>} : memref<80x16xf32, #tpu.memory_space<vmem>>, vector<1x16xf32>,
        %get3A_566 = vector.shape_cast %get3A_565 : vector<1x16xf32> to vector<16xf32>
        %mul3A_567 = arith.mulf %add3A_562, %get3A_566 : vector<16xf32>
        %neg3A_568 = arith.constant 0.000000e+00 : f32
        %neg3A_569 = vector.broadcast %neg3A_568 : f32 to vector<16xf32>
        %neg3A_570 = arith.subf %neg3A_569, %mul3A_567 : vector<16xf32>
        %exp3A_571 = math.exp %neg3A_570 : vector<16xf32>
        %add3A_572 = arith.constant 1.000000e+00 : f32
        %add3A_573 = vector.broadcast %add3A_572 : f32 to vector<16xf32>
        %add3A_574 = arith.addf %add3A_573, %exp3A_571 : vector<16xf32>
        %div3A_575 = arith.divf %mul3A_567, %add3A_574 : vector<16xf32>
        %swap3A_576 = arith.index_cast %add3A_548 : i32 to index
        %swap3A_577 = arith.constant 0 : index
        %swap3A_578 = tpu.vector_load %arg17[%swap3A_576, %swap3A_577] {strides = array<i32>} : memref<80x16xf32, #tpu.memory_space<vmem>>, vector<1x16xf32>,
        %swap3A_579 = vector.shape_cast %swap3A_578 : vector<1x16xf32> to vector<16xf32>
        %swap3A_580 = vector.shape_cast %div3A_575 : vector<16xf32> to vector<1x16xf32>
        tpu.vector_store %arg17[%swap3A_576, %swap3A_577], %swap3A_580 {strides = array<i32>} : memref<80x16xf32, #tpu.memory_space<vmem>>, vector<1x16xf32>,
        %add3A_581 = arith.addf %add3A_544, %div3A_575 : vector<16xf32>
        %mul3A_582 = arith.mulf %div3A_575, %div3A_575 : vector<16xf32>
        %add3A_583 = arith.addf %add3A_546, %mul3A_582 : vector<16xf32>
        %add3A_584 = arith.constant 10 : i32
        %add3A_585 = arith.addi %mul3A_212, %add3A_584 : i32
        %get3A_586 = arith.index_cast %add3A_585 : i32 to index
        %get3A_587 = arith.constant 0 : index
        %get3A_588 = tpu.vector_load %arg14[%get3A_586, %get3A_587] {strides = array<i32>} : memref<80x16xf32, #tpu.memory_space<vmem>>, vector<1x16xf32>,
        %get3A_589 = vector.shape_cast %get3A_588 : vector<1x16xf32> to vector<16xf32>
        %get3A_590 = arith.index_cast %add3A_585 : i32 to index
        %get3A_591 = arith.constant 0 : index
        %get3A_592 = tpu.vector_load %arg15[%get3A_590, %get3A_591] {strides = array<i32>} : memref<80x16xf32, #tpu.memory_space<vmem>>, vector<1x16xf32>,
        %get3A_593 = vector.shape_cast %get3A_592 : vector<1x16xf32> to vector<16xf32>
        %add3A_594 = arith.addf %get3A_589, %get3A_593 : vector<16xf32>
        %slice3A_595 = vector.extract_strided_slice %get3A_218 {offsets = [10], sizes = [1], strides = [1]} : vector<16xf32> to vector<1xf32>
        %squeeze3A_596 = vector.extract %slice3A_595[0] : f32 from vector<1xf32>
        %mul3A_597 = vector.broadcast %squeeze3A_596 : f32 to vector<16xf32>
        %mul3A_598 = arith.mulf %mul3A_597, %get3A_6 : vector<16xf32>
        %add3A_599 = arith.addf %add3A_594, %mul3A_598 : vector<16xf32>
        %get3A_600 = arith.index_cast %add3A_585 : i32 to index
        %get3A_601 = arith.constant 0 : index
        %get3A_602 = tpu.vector_load %arg16[%get3A_600, %get3A_601] {strides = array<i32>} : memref<80x16xf32, #tpu.memory_space<vmem>>, vector<1x16xf32>,
        %get3A_603 = vector.shape_cast %get3A_602 : vector<1x16xf32> to vector<16xf32>
        %mul3A_604 = arith.mulf %add3A_599, %get3A_603 : vector<16xf32>
        %neg3A_605 = arith.constant 0.000000e+00 : f32
        %neg3A_606 = vector.broadcast %neg3A_605 : f32 to vector<16xf32>
        %neg3A_607 = arith.subf %neg3A_606, %mul3A_604 : vector<16xf32>
        %exp3A_608 = math.exp %neg3A_607 : vector<16xf32>
        %add3A_609 = arith.constant 1.000000e+00 : f32
        %add3A_610 = vector.broadcast %add3A_609 : f32 to vector<16xf32>
        %add3A_611 = arith.addf %add3A_610, %exp3A_608 : vector<16xf32>
        %div3A_612 = arith.divf %mul3A_604, %add3A_611 : vector<16xf32>
        %swap3A_613 = arith.index_cast %add3A_585 : i32 to index
        %swap3A_614 = arith.constant 0 : index
        %swap3A_615 = tpu.vector_load %arg17[%swap3A_613, %swap3A_614] {strides = array<i32>} : memref<80x16xf32, #tpu.memory_space<vmem>>, vector<1x16xf32>,
        %swap3A_616 = vector.shape_cast %swap3A_615 : vector<1x16xf32> to vector<16xf32>
        %swap3A_617 = vector.shape_cast %div3A_612 : vector<16xf32> to vector<1x16xf32>
        tpu.vector_store %arg17[%swap3A_613, %swap3A_614], %swap3A_617 {strides = array<i32>} : memref<80x16xf32, #tpu.memory_space<vmem>>, vector<1x16xf32>,
        %add3A_618 = arith.addf %add3A_581, %div3A_612 : vector<16xf32>
        %mul3A_619 = arith.mulf %div3A_612, %div3A_612 : vector<16xf32>
        %add3A_620 = arith.addf %add3A_583, %mul3A_619 : vector<16xf32>
        %add3A_621 = arith.constant 11 : i32
        %add3A_622 = arith.addi %mul3A_212, %add3A_621 : i32
        %get3A_623 = arith.index_cast %add3A_622 : i32 to index
        %get3A_624 = arith.constant 0 : index
        %get3A_625 = tpu.vector_load %arg14[%get3A_623, %get3A_624] {strides = array<i32>} : memref<80x16xf32, #tpu.memory_space<vmem>>, vector<1x16xf32>,
        %get3A_626 = vector.shape_cast %get3A_625 : vector<1x16xf32> to vector<16xf32>
        %get3A_627 = arith.index_cast %add3A_622 : i32 to index
        %get3A_628 = arith.constant 0 : index
        %get3A_629 = tpu.vector_load %arg15[%get3A_627, %get3A_628] {strides = array<i32>} : memref<80x16xf32, #tpu.memory_space<vmem>>, vector<1x16xf32>,
        %get3A_630 = vector.shape_cast %get3A_629 : vector<1x16xf32> to vector<16xf32>
        %add3A_631 = arith.addf %get3A_626, %get3A_630 : vector<16xf32>
        %slice3A_632 = vector.extract_strided_slice %get3A_218 {offsets = [11], sizes = [1], strides = [1]} : vector<16xf32> to vector<1xf32>
        %squeeze3A_633 = vector.extract %slice3A_632[0] : f32 from vector<1xf32>
        %mul3A_634 = vector.broadcast %squeeze3A_633 : f32 to vector<16xf32>
        %mul3A_635 = arith.mulf %mul3A_634, %get3A_6 : vector<16xf32>
        %add3A_636 = arith.addf %add3A_631, %mul3A_635 : vector<16xf32>
        %get3A_637 = arith.index_cast %add3A_622 : i32 to index
        %get3A_638 = arith.constant 0 : index
        %get3A_639 = tpu.vector_load %arg16[%get3A_637, %get3A_638] {strides = array<i32>} : memref<80x16xf32, #tpu.memory_space<vmem>>, vector<1x16xf32>,
        %get3A_640 = vector.shape_cast %get3A_639 : vector<1x16xf32> to vector<16xf32>
        %mul3A_641 = arith.mulf %add3A_636, %get3A_640 : vector<16xf32>
        %neg3A_642 = arith.constant 0.000000e+00 : f32
        %neg3A_643 = vector.broadcast %neg3A_642 : f32 to vector<16xf32>
        %neg3A_644 = arith.subf %neg3A_643, %mul3A_641 : vector<16xf32>
        %exp3A_645 = math.exp %neg3A_644 : vector<16xf32>
        %add3A_646 = arith.constant 1.000000e+00 : f32
        %add3A_647 = vector.broadcast %add3A_646 : f32 to vector<16xf32>
        %add3A_648 = arith.addf %add3A_647, %exp3A_645 : vector<16xf32>
        %div3A_649 = arith.divf %mul3A_641, %add3A_648 : vector<16xf32>
        %swap3A_650 = arith.index_cast %add3A_622 : i32 to index
        %swap3A_651 = arith.constant 0 : index
        %swap3A_652 = tpu.vector_load %arg17[%swap3A_650, %swap3A_651] {strides = array<i32>} : memref<80x16xf32, #tpu.memory_space<vmem>>, vector<1x16xf32>,
        %swap3A_653 = vector.shape_cast %swap3A_652 : vector<1x16xf32> to vector<16xf32>
        %swap3A_654 = vector.shape_cast %div3A_649 : vector<16xf32> to vector<1x16xf32>
        tpu.vector_store %arg17[%swap3A_650, %swap3A_651], %swap3A_654 {strides = array<i32>} : memref<80x16xf32, #tpu.memory_space<vmem>>, vector<1x16xf32>,
        %add3A_655 = arith.addf %add3A_618, %div3A_649 : vector<16xf32>
        %mul3A_656 = arith.mulf %div3A_649, %div3A_649 : vector<16xf32>
        %add3A_657 = arith.addf %add3A_620, %mul3A_656 : vector<16xf32>
        %add3A_658 = arith.constant 12 : i32
        %add3A_659 = arith.addi %mul3A_212, %add3A_658 : i32
        %get3A_660 = arith.index_cast %add3A_659 : i32 to index
        %get3A_661 = arith.constant 0 : index
        %get3A_662 = tpu.vector_load %arg14[%get3A_660, %get3A_661] {strides = array<i32>} : memref<80x16xf32, #tpu.memory_space<vmem>>, vector<1x16xf32>,
        %get3A_663 = vector.shape_cast %get3A_662 : vector<1x16xf32> to vector<16xf32>
        %get3A_664 = arith.index_cast %add3A_659 : i32 to index
        %get3A_665 = arith.constant 0 : index
        %get3A_666 = tpu.vector_load %arg15[%get3A_664, %get3A_665] {strides = array<i32>} : memref<80x16xf32, #tpu.memory_space<vmem>>, vector<1x16xf32>,
        %get3A_667 = vector.shape_cast %get3A_666 : vector<1x16xf32> to vector<16xf32>
        %add3A_668 = arith.addf %get3A_663, %get3A_667 : vector<16xf32>
        %slice3A_669 = vector.extract_strided_slice %get3A_218 {offsets = [12], sizes = [1], strides = [1]} : vector<16xf32> to vector<1xf32>
        %squeeze3A_670 = vector.extract %slice3A_669[0] : f32 from vector<1xf32>
        %mul3A_671 = vector.broadcast %squeeze3A_670 : f32 to vector<16xf32>
        %mul3A_672 = arith.mulf %mul3A_671, %get3A_6 : vector<16xf32>
        %add3A_673 = arith.addf %add3A_668, %mul3A_672 : vector<16xf32>
        %get3A_674 = arith.index_cast %add3A_659 : i32 to index
        %get3A_675 = arith.constant 0 : index
        %get3A_676 = tpu.vector_load %arg16[%get3A_674, %get3A_675] {strides = array<i32>} : memref<80x16xf32, #tpu.memory_space<vmem>>, vector<1x16xf32>,
        %get3A_677 = vector.shape_cast %get3A_676 : vector<1x16xf32> to vector<16xf32>
        %mul3A_678 = arith.mulf %add3A_673, %get3A_677 : vector<16xf32>
        %neg3A_679 = arith.constant 0.000000e+00 : f32
        %neg3A_680 = vector.broadcast %neg3A_679 : f32 to vector<16xf32>
        %neg3A_681 = arith.subf %neg3A_680, %mul3A_678 : vector<16xf32>
        %exp3A_682 = math.exp %neg3A_681 : vector<16xf32>
        %add3A_683 = arith.constant 1.000000e+00 : f32
        %add3A_684 = vector.broadcast %add3A_683 : f32 to vector<16xf32>
        %add3A_685 = arith.addf %add3A_684, %exp3A_682 : vector<16xf32>
        %div3A_686 = arith.divf %mul3A_678, %add3A_685 : vector<16xf32>
        %swap3A_687 = arith.index_cast %add3A_659 : i32 to index
        %swap3A_688 = arith.constant 0 : index
        %swap3A_689 = tpu.vector_load %arg17[%swap3A_687, %swap3A_688] {strides = array<i32>} : memref<80x16xf32, #tpu.memory_space<vmem>>, vector<1x16xf32>,
        %swap3A_690 = vector.shape_cast %swap3A_689 : vector<1x16xf32> to vector<16xf32>
        %swap3A_691 = vector.shape_cast %div3A_686 : vector<16xf32> to vector<1x16xf32>
        tpu.vector_store %arg17[%swap3A_687, %swap3A_688], %swap3A_691 {strides = array<i32>} : memref<80x16xf32, #tpu.memory_space<vmem>>, vector<1x16xf32>,
        %add3A_692 = arith.addf %add3A_655, %div3A_686 : vector<16xf32>
        %mul3A_693 = arith.mulf %div3A_686, %div3A_686 : vector<16xf32>
        %add3A_694 = arith.addf %add3A_657, %mul3A_693 : vector<16xf32>
        %add3A_695 = arith.constant 13 : i32
        %add3A_696 = arith.addi %mul3A_212, %add3A_695 : i32
        %get3A_697 = arith.index_cast %add3A_696 : i32 to index
        %get3A_698 = arith.constant 0 : index
        %get3A_699 = tpu.vector_load %arg14[%get3A_697, %get3A_698] {strides = array<i32>} : memref<80x16xf32, #tpu.memory_space<vmem>>, vector<1x16xf32>,
        %get3A_700 = vector.shape_cast %get3A_699 : vector<1x16xf32> to vector<16xf32>
        %get3A_701 = arith.index_cast %add3A_696 : i32 to index
        %get3A_702 = arith.constant 0 : index
        %get3A_703 = tpu.vector_load %arg15[%get3A_701, %get3A_702] {strides = array<i32>} : memref<80x16xf32, #tpu.memory_space<vmem>>, vector<1x16xf32>,
        %get3A_704 = vector.shape_cast %get3A_703 : vector<1x16xf32> to vector<16xf32>
        %add3A_705 = arith.addf %get3A_700, %get3A_704 : vector<16xf32>
        %slice3A_706 = vector.extract_strided_slice %get3A_218 {offsets = [13], sizes = [1], strides = [1]} : vector<16xf32> to vector<1xf32>
        %squeeze3A_707 = vector.extract %slice3A_706[0] : f32 from vector<1xf32>
        %mul3A_708 = vector.broadcast %squeeze3A_707 : f32 to vector<16xf32>
        %mul3A_709 = arith.mulf %mul3A_708, %get3A_6 : vector<16xf32>
        %add3A_710 = arith.addf %add3A_705, %mul3A_709 : vector<16xf32>
        %get3A_711 = arith.index_cast %add3A_696 : i32 to index
        %get3A_712 = arith.constant 0 : index
        %get3A_713 = tpu.vector_load %arg16[%get3A_711, %get3A_712] {strides = array<i32>} : memref<80x16xf32, #tpu.memory_space<vmem>>, vector<1x16xf32>,
        %get3A_714 = vector.shape_cast %get3A_713 : vector<1x16xf32> to vector<16xf32>
        %mul3A_715 = arith.mulf %add3A_710, %get3A_714 : vector<16xf32>
        %neg3A_716 = arith.constant 0.000000e+00 : f32
        %neg3A_717 = vector.broadcast %neg3A_716 : f32 to vector<16xf32>
        %neg3A_718 = arith.subf %neg3A_717, %mul3A_715 : vector<16xf32>
        %exp3A_719 = math.exp %neg3A_718 : vector<16xf32>
        %add3A_720 = arith.constant 1.000000e+00 : f32
        %add3A_721 = vector.broadcast %add3A_720 : f32 to vector<16xf32>
        %add3A_722 = arith.addf %add3A_721, %exp3A_719 : vector<16xf32>
        %div3A_723 = arith.divf %mul3A_715, %add3A_722 : vector<16xf32>
        %swap3A_724 = arith.index_cast %add3A_696 : i32 to index
        %swap3A_725 = arith.constant 0 : index
        %swap3A_726 = tpu.vector_load %arg17[%swap3A_724, %swap3A_725] {strides = array<i32>} : memref<80x16xf32, #tpu.memory_space<vmem>>, vector<1x16xf32>,
        %swap3A_727 = vector.shape_cast %swap3A_726 : vector<1x16xf32> to vector<16xf32>
        %swap3A_728 = vector.shape_cast %div3A_723 : vector<16xf32> to vector<1x16xf32>
        tpu.vector_store %arg17[%swap3A_724, %swap3A_725], %swap3A_728 {strides = array<i32>} : memref<80x16xf32, #tpu.memory_space<vmem>>, vector<1x16xf32>,
        %add3A_729 = arith.addf %add3A_692, %div3A_723 : vector<16xf32>
        %mul3A_730 = arith.mulf %div3A_723, %div3A_723 : vector<16xf32>
        %add3A_731 = arith.addf %add3A_694, %mul3A_730 : vector<16xf32>
        %add3A_732 = arith.constant 14 : i32
        %add3A_733 = arith.addi %mul3A_212, %add3A_732 : i32
        %get3A_734 = arith.index_cast %add3A_733 : i32 to index
        %get3A_735 = arith.constant 0 : index
        %get3A_736 = tpu.vector_load %arg14[%get3A_734, %get3A_735] {strides = array<i32>} : memref<80x16xf32, #tpu.memory_space<vmem>>, vector<1x16xf32>,
        %get3A_737 = vector.shape_cast %get3A_736 : vector<1x16xf32> to vector<16xf32>
        %get3A_738 = arith.index_cast %add3A_733 : i32 to index
        %get3A_739 = arith.constant 0 : index
        %get3A_740 = tpu.vector_load %arg15[%get3A_738, %get3A_739] {strides = array<i32>} : memref<80x16xf32, #tpu.memory_space<vmem>>, vector<1x16xf32>,
        %get3A_741 = vector.shape_cast %get3A_740 : vector<1x16xf32> to vector<16xf32>
        %add3A_742 = arith.addf %get3A_737, %get3A_741 : vector<16xf32>
        %slice3A_743 = vector.extract_strided_slice %get3A_218 {offsets = [14], sizes = [1], strides = [1]} : vector<16xf32> to vector<1xf32>
        %squeeze3A_744 = vector.extract %slice3A_743[0] : f32 from vector<1xf32>
        %mul3A_745 = vector.broadcast %squeeze3A_744 : f32 to vector<16xf32>
        %mul3A_746 = arith.mulf %mul3A_745, %get3A_6 : vector<16xf32>
        %add3A_747 = arith.addf %add3A_742, %mul3A_746 : vector<16xf32>
        %get3A_748 = arith.index_cast %add3A_733 : i32 to index
        %get3A_749 = arith.constant 0 : index
        %get3A_750 = tpu.vector_load %arg16[%get3A_748, %get3A_749] {strides = array<i32>} : memref<80x16xf32, #tpu.memory_space<vmem>>, vector<1x16xf32>,
        %get3A_751 = vector.shape_cast %get3A_750 : vector<1x16xf32> to vector<16xf32>
        %mul3A_752 = arith.mulf %add3A_747, %get3A_751 : vector<16xf32>
        %neg3A_753 = arith.constant 0.000000e+00 : f32
        %neg3A_754 = vector.broadcast %neg3A_753 : f32 to vector<16xf32>
        %neg3A_755 = arith.subf %neg3A_754, %mul3A_752 : vector<16xf32>
        %exp3A_756 = math.exp %neg3A_755 : vector<16xf32>
        %add3A_757 = arith.constant 1.000000e+00 : f32
        %add3A_758 = vector.broadcast %add3A_757 : f32 to vector<16xf32>
        %add3A_759 = arith.addf %add3A_758, %exp3A_756 : vector<16xf32>
        %div3A_760 = arith.divf %mul3A_752, %add3A_759 : vector<16xf32>
        %swap3A_761 = arith.index_cast %add3A_733 : i32 to index
        %swap3A_762 = arith.constant 0 : index
        %swap3A_763 = tpu.vector_load %arg17[%swap3A_761, %swap3A_762] {strides = array<i32>} : memref<80x16xf32, #tpu.memory_space<vmem>>, vector<1x16xf32>,
        %swap3A_764 = vector.shape_cast %swap3A_763 : vector<1x16xf32> to vector<16xf32>
        %swap3A_765 = vector.shape_cast %div3A_760 : vector<16xf32> to vector<1x16xf32>
        tpu.vector_store %arg17[%swap3A_761, %swap3A_762], %swap3A_765 {strides = array<i32>} : memref<80x16xf32, #tpu.memory_space<vmem>>, vector<1x16xf32>,
        %add3A_766 = arith.addf %add3A_729, %div3A_760 : vector<16xf32>
        %mul3A_767 = arith.mulf %div3A_760, %div3A_760 : vector<16xf32>
        %add3A_768 = arith.addf %add3A_731, %mul3A_767 : vector<16xf32>
        %add3A_769 = arith.constant 15 : i32
        %add3A_770 = arith.addi %mul3A_212, %add3A_769 : i32
        %get3A_771 = arith.index_cast %add3A_770 : i32 to index
        %get3A_772 = arith.constant 0 : index
        %get3A_773 = tpu.vector_load %arg14[%get3A_771, %get3A_772] {strides = array<i32>} : memref<80x16xf32, #tpu.memory_space<vmem>>, vector<1x16xf32>,
        %get3A_774 = vector.shape_cast %get3A_773 : vector<1x16xf32> to vector<16xf32>
        %get3A_775 = arith.index_cast %add3A_770 : i32 to index
        %get3A_776 = arith.constant 0 : index
        %get3A_777 = tpu.vector_load %arg15[%get3A_775, %get3A_776] {strides = array<i32>} : memref<80x16xf32, #tpu.memory_space<vmem>>, vector<1x16xf32>,
        %get3A_778 = vector.shape_cast %get3A_777 : vector<1x16xf32> to vector<16xf32>
        %add3A_779 = arith.addf %get3A_774, %get3A_778 : vector<16xf32>
        %slice3A_780 = vector.extract_strided_slice %get3A_218 {offsets = [15], sizes = [1], strides = [1]} : vector<16xf32> to vector<1xf32>
        %squeeze3A_781 = vector.extract %slice3A_780[0] : f32 from vector<1xf32>
        %mul3A_782 = vector.broadcast %squeeze3A_781 : f32 to vector<16xf32>
        %mul3A_783 = arith.mulf %mul3A_782, %get3A_6 : vector<16xf32>
        %add3A_784 = arith.addf %add3A_779, %mul3A_783 : vector<16xf32>
        %get3A_785 = arith.index_cast %add3A_770 : i32 to index
        %get3A_786 = arith.constant 0 : index
        %get3A_787 = tpu.vector_load %arg16[%get3A_785, %get3A_786] {strides = array<i32>} : memref<80x16xf32, #tpu.memory_space<vmem>>, vector<1x16xf32>,
        %get3A_788 = vector.shape_cast %get3A_787 : vector<1x16xf32> to vector<16xf32>
        %mul3A_789 = arith.mulf %add3A_784, %get3A_788 : vector<16xf32>
        %neg3A_790 = arith.constant 0.000000e+00 : f32
        %neg3A_791 = vector.broadcast %neg3A_790 : f32 to vector<16xf32>
        %neg3A_792 = arith.subf %neg3A_791, %mul3A_789 : vector<16xf32>
        %exp3A_793 = math.exp %neg3A_792 : vector<16xf32>
        %add3A_794 = arith.constant 1.000000e+00 : f32
        %add3A_795 = vector.broadcast %add3A_794 : f32 to vector<16xf32>
        %add3A_796 = arith.addf %add3A_795, %exp3A_793 : vector<16xf32>
        %div3A_797 = arith.divf %mul3A_789, %add3A_796 : vector<16xf32>
        %swap3A_798 = arith.index_cast %add3A_770 : i32 to index
        %swap3A_799 = arith.constant 0 : index
        %swap3A_800 = tpu.vector_load %arg17[%swap3A_798, %swap3A_799] {strides = array<i32>} : memref<80x16xf32, #tpu.memory_space<vmem>>, vector<1x16xf32>,
        %swap3A_801 = vector.shape_cast %swap3A_800 : vector<1x16xf32> to vector<16xf32>
        %swap3A_802 = vector.shape_cast %div3A_797 : vector<16xf32> to vector<1x16xf32>
        tpu.vector_store %arg17[%swap3A_798, %swap3A_799], %swap3A_802 {strides = array<i32>} : memref<80x16xf32, #tpu.memory_space<vmem>>, vector<1x16xf32>,
        %add3A_803 = arith.addf %add3A_766, %div3A_797 : vector<16xf32>
        %mul3A_804 = arith.mulf %div3A_797, %div3A_797 : vector<16xf32>
        %add3A_805 = arith.addf %add3A_768, %mul3A_804 : vector<16xf32>
        scf.yield %add3A_803, %add3A_805 : vector<16xf32>, vector<16xf32>
      }
      %scan3A_141 = arith.constant 5 : i32
      %mul3A_142 = arith.constant 80 : i32
      %mul3A_143 = arith.muli %mul3A_96, %mul3A_142 : i32
      %add3A_144 = arith.addi %mul3A_2, %mul3A_143 : i32
      %dma_start3A_145 = arith.constant 0 : i32
      %dma_start3A_146 = tpu.memref_slice %arg9[%add3A_144, %dma_start3A_145] : memref<320000x16xf32, #tpu.memory_space<hbm>> -> memref<80x16xf32, #tpu.memory_space<hbm>>
      %dma_start3A_147 = arith.constant 0 : i32
      %dma_start3A_148 = tpu.memref_slice %arg9[%add3A_144, %dma_start3A_147] : memref<320000x16xf32, #tpu.memory_space<hbm>> -> memref<80x16xf32, #tpu.memory_space<hbm>>
      tpu.enqueue_dma source(%arg17 : memref<80x16xf32, #tpu.memory_space<vmem>>) target(%dma_start3A_148 : memref<80x16xf32, #tpu.memory_space<hbm>>) target_semaphore(%arg27 : memref<!tpu.dma_semaphore, #tpu.memory_space<semaphore_mem>>)
      %dma_wait3A_149 = arith.constant 0 : i32
      %dma_wait3A_150 = tpu.memref_slice %arg11[%dma_wait3A_149] : memref<10000xi32, #tpu.memory_space<vmem>> -> memref<80xi32, #tpu.memory_space<vmem>>
      %dma_wait3A_151 = arith.constant 0 : i32
      %dma_wait3A_152 = arith.constant 0 : i32
      %dma_wait3A_153 = tpu.memref_slice %arg4[%dma_wait3A_151, %dma_wait3A_152] : memref<10000x16xf32, #tpu.memory_space<hbm>> -> memref<10000x16xf32, #tpu.memory_space<hbm>>
      tpu.wait_indirect_dma semaphore(%arg28 : memref<!tpu.dma_semaphore, #tpu.memory_space<semaphore_mem>>) src(%dma_wait3A_153 : memref<10000x16xf32, #tpu.memory_space<hbm>>) dst(%arg18 : memref<80x16xf32, #tpu.memory_space<vmem>>)
      %dma_wait3A_154 = arith.constant 0 : i32
      %dma_wait3A_155 = tpu.memref_slice %arg12[%dma_wait3A_154] : memref<10000xi32, #tpu.memory_space<vmem>> -> memref<80xi32, #tpu.memory_space<vmem>>
      %dma_wait3A_156 = arith.constant 0 : i32
      %dma_wait3A_157 = arith.constant 0 : i32
      %dma_wait3A_158 = tpu.memref_slice %arg5[%dma_wait3A_156, %dma_wait3A_157] : memref<10000x16xf32, #tpu.memory_space<hbm>> -> memref<10000x16xf32, #tpu.memory_space<hbm>>
      tpu.wait_indirect_dma semaphore(%arg29 : memref<!tpu.dma_semaphore, #tpu.memory_space<semaphore_mem>>) src(%dma_wait3A_158 : memref<10000x16xf32, #tpu.memory_space<hbm>>) dst(%arg19 : memref<80x16xf32, #tpu.memory_space<vmem>>)
      %dma_wait3A_159 = arith.constant 0 : i32
      %dma_wait3A_160 = arith.constant 0 : i32
      %dma_wait3A_161 = tpu.memref_slice %arg6[%dma_wait3A_159, %dma_wait3A_160] : memref<320000x16xf32, #tpu.memory_space<hbm>> -> memref<80x16xf32, #tpu.memory_space<hbm>>
      %dma_wait3A_162 = arith.constant 0 : i32
      %dma_wait3A_163 = arith.constant 0 : i32
      %dma_wait3A_164 = tpu.memref_slice %arg6[%dma_wait3A_162, %dma_wait3A_163] : memref<320000x16xf32, #tpu.memory_space<hbm>> -> memref<80x16xf32, #tpu.memory_space<hbm>>
      tpu.wait_dma2 semaphore(%arg30 : memref<!tpu.dma_semaphore, #tpu.memory_space<semaphore_mem>>) src(%dma_wait3A_164 : memref<80x16xf32, #tpu.memory_space<hbm>>) dst(%arg20 : memref<80x16xf32, #tpu.memory_space<vmem>>)
      %add3A_165 = arith.constant 2 : i32
      %add3A_166 = arith.addi %mul3A_96, %add3A_165 : i32
      %mul3A_167 = arith.constant 80 : i32
      %mul3A_168 = arith.muli %add3A_166, %mul3A_167 : i32
      %add3A_169 = arith.addi %mul3A_2, %mul3A_168 : i32
      %mul3A_170 = arith.constant 80 : i32
      %mul3A_171 = arith.muli %add3A_166, %mul3A_170 : i32
      %dma_start3A_172 = tpu.memref_slice %arg11[%mul3A_171] : memref<10000xi32, #tpu.memory_space<vmem>> -> memref<80xi32, #tpu.memory_space<vmem>>
      %dma_start3A_173 = arith.constant 0 : i32
      %dma_start3A_174 = arith.constant 0 : i32
      %dma_start3A_175 = tpu.memref_slice %arg4[%dma_start3A_173, %dma_start3A_174] : memref<10000x16xf32, #tpu.memory_space<hbm>> -> memref<10000x16xf32, #tpu.memory_space<hbm>>
      tpu.enqueue_indirect_dma source(%dma_start3A_175 : memref<10000x16xf32, #tpu.memory_space<hbm>>) target(%arg14 : memref<80x16xf32, #tpu.memory_space<vmem>>) offsets(%dma_start3A_172 : memref<80xi32, #tpu.memory_space<vmem>>) semaphore(%arg24 : memref<!tpu.dma_semaphore, #tpu.memory_space<semaphore_mem>>)
      %mul3A_176 = arith.constant 80 : i32
      %mul3A_177 = arith.muli %add3A_166, %mul3A_176 : i32
      %dma_start3A_178 = tpu.memref_slice %arg12[%mul3A_177] : memref<10000xi32, #tpu.memory_space<vmem>> -> memref<80xi32, #tpu.memory_space<vmem>>
      %dma_start3A_179 = arith.constant 0 : i32
      %dma_start3A_180 = arith.constant 0 : i32
      %dma_start3A_181 = tpu.memref_slice %arg5[%dma_start3A_179, %dma_start3A_180] : memref<10000x16xf32, #tpu.memory_space<hbm>> -> memref<10000x16xf32, #tpu.memory_space<hbm>>
      tpu.enqueue_indirect_dma source(%dma_start3A_181 : memref<10000x16xf32, #tpu.memory_space<hbm>>) target(%arg15 : memref<80x16xf32, #tpu.memory_space<vmem>>) offsets(%dma_start3A_178 : memref<80xi32, #tpu.memory_space<vmem>>) semaphore(%arg25 : memref<!tpu.dma_semaphore, #tpu.memory_space<semaphore_mem>>)
      %dma_start3A_182 = arith.constant 0 : i32
      %dma_start3A_183 = tpu.memref_slice %arg6[%add3A_169, %dma_start3A_182] : memref<320000x16xf32, #tpu.memory_space<hbm>> -> memref<80x16xf32, #tpu.memory_space<hbm>>
      %dma_start3A_184 = arith.constant 0 : i32
      %dma_start3A_185 = tpu.memref_slice %arg6[%add3A_169, %dma_start3A_184] : memref<320000x16xf32, #tpu.memory_space<hbm>> -> memref<80x16xf32, #tpu.memory_space<hbm>>
      tpu.enqueue_dma source(%dma_start3A_185 : memref<80x16xf32, #tpu.memory_space<hbm>>) target(%arg16 : memref<80x16xf32, #tpu.memory_space<vmem>>) target_semaphore(%arg26 : memref<!tpu.dma_semaphore, #tpu.memory_space<semaphore_mem>>)
      %gt3A_186 = arith.constant 0 : i32
      %gt3A_187 = arith.cmpi sgt, %scan3A_92, %gt3A_186 : i32
      %convert_element_type3A_188 = arith.extui %gt3A_187 : i1 to i32
      %cond3A_189 = arith.constant 0 : i32
      %cond3A_190 = arith.cmpi ne, %convert_element_type3A_188, %cond3A_189 : i32
      scf.if %cond3A_190 {
        %dma_wait3A_208 = arith.constant 0 : i32
        %dma_wait3A_209 = arith.constant 0 : i32
        %dma_wait3A_210 = tpu.memref_slice %arg9[%dma_wait3A_208, %dma_wait3A_209] : memref<320000x16xf32, #tpu.memory_space<hbm>> -> memref<80x16xf32, #tpu.memory_space<hbm>>
        %dma_wait3A_211 = arith.constant 0 : i32
        %dma_wait3A_212 = arith.constant 0 : i32
        %dma_wait3A_213 = tpu.memref_slice %arg9[%dma_wait3A_211, %dma_wait3A_212] : memref<320000x16xf32, #tpu.memory_space<hbm>> -> memref<80x16xf32, #tpu.memory_space<hbm>>
        tpu.wait_dma2 semaphore(%arg31 : memref<!tpu.dma_semaphore, #tpu.memory_space<semaphore_mem>>) src(%arg21 : memref<80x16xf32, #tpu.memory_space<vmem>>) dst(%dma_wait3A_213 : memref<80x16xf32, #tpu.memory_space<hbm>>)
      } else {
      }
      %add3A_191 = arith.constant 1 : i32
      %add3A_192 = arith.addi %mul3A_96, %add3A_191 : i32
      %scan3A_193 = arith.constant 0 : i32
      %scan3A_194 = arith.constant 5 : i32
      %scan3A_195 = arith.addi %scan3A_193, %scan3A_194 : i32
      %scan3A_196 = arith.constant 1 : i32
      %scan3A_197:2 = scf.for %scan3A_208 = %scan3A_193 to %scan3A_195 step %scan3A_196 iter_args(%scan3A_209 = %scan3A_140#0, %scan3A_210 = %scan3A_140#1) -> (vector<16xf32>, vector<16xf32>)  : i32 {
        %mul3A_211 = arith.constant 16 : i32
        %mul3A_212 = arith.muli %scan3A_208, %mul3A_211 : i32
        %mul3A_213 = arith.constant 80 : i32
        %mul3A_214 = arith.muli %add3A_192, %mul3A_213 : i32
        %add3A_215 = arith.addi %mul3A_214, %mul3A_212 : i32
        %get3A_216 = arith.index_cast %add3A_215 : i32 to index
        %get3A_217 = tpu.vector_load %arg13[%get3A_216] {strides = array<i32>} : memref<10000xf32, #tpu.memory_space<vmem>>, vector<16xf32>,
        %get3A_218 = vector.shape_cast %get3A_217 : vector<16xf32> to vector<16xf32>
        %add3A_219 = arith.constant 0 : i32
        %add3A_220 = arith.addi %mul3A_212, %add3A_219 : i32
        %get3A_221 = arith.index_cast %add3A_220 : i32 to index
        %get3A_222 = arith.constant 0 : index
        %get3A_223 = tpu.vector_load %arg18[%get3A_221, %get3A_222] {strides = array<i32>} : memref<80x16xf32, #tpu.memory_space<vmem>>, vector<1x16xf32>,
        %get3A_224 = vector.shape_cast %get3A_223 : vector<1x16xf32> to vector<16xf32>
        %get3A_225 = arith.index_cast %add3A_220 : i32 to index
        %get3A_226 = arith.constant 0 : index
        %get3A_227 = tpu.vector_load %arg19[%get3A_225, %get3A_226] {strides = array<i32>} : memref<80x16xf32, #tpu.memory_space<vmem>>, vector<1x16xf32>,
        %get3A_228 = vector.shape_cast %get3A_227 : vector<1x16xf32> to vector<16xf32>
        %add3A_229 = arith.addf %get3A_224, %get3A_228 : vector<16xf32>
        %slice3A = vector.extract_strided_slice %get3A_218 {offsets = [0], sizes = [1], strides = [1]} : vector<16xf32> to vector<1xf32>
        %squeeze3A = vector.extract %slice3A[0] : f32 from vector<1xf32>
        %mul3A_230 = vector.broadcast %squeeze3A : f32 to vector<16xf32>
        %mul3A_231 = arith.mulf %mul3A_230, %get3A_6 : vector<16xf32>
        %add3A_232 = arith.addf %add3A_229, %mul3A_231 : vector<16xf32>
        %get3A_233 = arith.index_cast %add3A_220 : i32 to index
        %get3A_234 = arith.constant 0 : index
        %get3A_235 = tpu.vector_load %arg20[%get3A_233, %get3A_234] {strides = array<i32>} : memref<80x16xf32, #tpu.memory_space<vmem>>, vector<1x16xf32>,
        %get3A_236 = vector.shape_cast %get3A_235 : vector<1x16xf32> to vector<16xf32>
        %mul3A_237 = arith.mulf %add3A_232, %get3A_236 : vector<16xf32>
        %neg3A = arith.constant 0.000000e+00 : f32
        %neg3A_238 = vector.broadcast %neg3A : f32 to vector<16xf32>
        %neg3A_239 = arith.subf %neg3A_238, %mul3A_237 : vector<16xf32>
        %exp3A = math.exp %neg3A_239 : vector<16xf32>
        %add3A_240 = arith.constant 1.000000e+00 : f32
        %add3A_241 = vector.broadcast %add3A_240 : f32 to vector<16xf32>
        %add3A_242 = arith.addf %add3A_241, %exp3A : vector<16xf32>
        %div3A = arith.divf %mul3A_237, %add3A_242 : vector<16xf32>
        %swap3A_243 = arith.index_cast %add3A_220 : i32 to index
        %swap3A_244 = arith.constant 0 : index
        %swap3A_245 = tpu.vector_load %arg21[%swap3A_243, %swap3A_244] {strides = array<i32>} : memref<80x16xf32, #tpu.memory_space<vmem>>, vector<1x16xf32>,
        %swap3A_246 = vector.shape_cast %swap3A_245 : vector<1x16xf32> to vector<16xf32>
        %swap3A_247 = vector.shape_cast %div3A : vector<16xf32> to vector<1x16xf32>
        tpu.vector_store %arg21[%swap3A_243, %swap3A_244], %swap3A_247 {strides = array<i32>} : memref<80x16xf32, #tpu.memory_space<vmem>>, vector<1x16xf32>,
        %add3A_248 = arith.addf %scan3A_209, %div3A : vector<16xf32>
        %mul3A_249 = arith.mulf %div3A, %div3A : vector<16xf32>
        %add3A_250 = arith.addf %scan3A_210, %mul3A_249 : vector<16xf32>
        %add3A_251 = arith.constant 1 : i32
        %add3A_252 = arith.addi %mul3A_212, %add3A_251 : i32
        %get3A_253 = arith.index_cast %add3A_252 : i32 to index
        %get3A_254 = arith.constant 0 : index
        %get3A_255 = tpu.vector_load %arg18[%get3A_253, %get3A_254] {strides = array<i32>} : memref<80x16xf32, #tpu.memory_space<vmem>>, vector<1x16xf32>,
        %get3A_256 = vector.shape_cast %get3A_255 : vector<1x16xf32> to vector<16xf32>
        %get3A_257 = arith.index_cast %add3A_252 : i32 to index
        %get3A_258 = arith.constant 0 : index
        %get3A_259 = tpu.vector_load %arg19[%get3A_257, %get3A_258] {strides = array<i32>} : memref<80x16xf32, #tpu.memory_space<vmem>>, vector<1x16xf32>,
        %get3A_260 = vector.shape_cast %get3A_259 : vector<1x16xf32> to vector<16xf32>
        %add3A_261 = arith.addf %get3A_256, %get3A_260 : vector<16xf32>
        %slice3A_262 = vector.extract_strided_slice %get3A_218 {offsets = [1], sizes = [1], strides = [1]} : vector<16xf32> to vector<1xf32>
        %squeeze3A_263 = vector.extract %slice3A_262[0] : f32 from vector<1xf32>
        %mul3A_264 = vector.broadcast %squeeze3A_263 : f32 to vector<16xf32>
        %mul3A_265 = arith.mulf %mul3A_264, %get3A_6 : vector<16xf32>
        %add3A_266 = arith.addf %add3A_261, %mul3A_265 : vector<16xf32>
        %get3A_267 = arith.index_cast %add3A_252 : i32 to index
        %get3A_268 = arith.constant 0 : index
        %get3A_269 = tpu.vector_load %arg20[%get3A_267, %get3A_268] {strides = array<i32>} : memref<80x16xf32, #tpu.memory_space<vmem>>, vector<1x16xf32>,
        %get3A_270 = vector.shape_cast %get3A_269 : vector<1x16xf32> to vector<16xf32>
        %mul3A_271 = arith.mulf %add3A_266, %get3A_270 : vector<16xf32>
        %neg3A_272 = arith.constant 0.000000e+00 : f32
        %neg3A_273 = vector.broadcast %neg3A_272 : f32 to vector<16xf32>
        %neg3A_274 = arith.subf %neg3A_273, %mul3A_271 : vector<16xf32>
        %exp3A_275 = math.exp %neg3A_274 : vector<16xf32>
        %add3A_276 = arith.constant 1.000000e+00 : f32
        %add3A_277 = vector.broadcast %add3A_276 : f32 to vector<16xf32>
        %add3A_278 = arith.addf %add3A_277, %exp3A_275 : vector<16xf32>
        %div3A_279 = arith.divf %mul3A_271, %add3A_278 : vector<16xf32>
        %swap3A_280 = arith.index_cast %add3A_252 : i32 to index
        %swap3A_281 = arith.constant 0 : index
        %swap3A_282 = tpu.vector_load %arg21[%swap3A_280, %swap3A_281] {strides = array<i32>} : memref<80x16xf32, #tpu.memory_space<vmem>>, vector<1x16xf32>,
        %swap3A_283 = vector.shape_cast %swap3A_282 : vector<1x16xf32> to vector<16xf32>
        %swap3A_284 = vector.shape_cast %div3A_279 : vector<16xf32> to vector<1x16xf32>
        tpu.vector_store %arg21[%swap3A_280, %swap3A_281], %swap3A_284 {strides = array<i32>} : memref<80x16xf32, #tpu.memory_space<vmem>>, vector<1x16xf32>,
        %add3A_285 = arith.addf %add3A_248, %div3A_279 : vector<16xf32>
        %mul3A_286 = arith.mulf %div3A_279, %div3A_279 : vector<16xf32>
        %add3A_287 = arith.addf %add3A_250, %mul3A_286 : vector<16xf32>
        %add3A_288 = arith.constant 2 : i32
        %add3A_289 = arith.addi %mul3A_212, %add3A_288 : i32
        %get3A_290 = arith.index_cast %add3A_289 : i32 to index
        %get3A_291 = arith.constant 0 : index
        %get3A_292 = tpu.vector_load %arg18[%get3A_290, %get3A_291] {strides = array<i32>} : memref<80x16xf32, #tpu.memory_space<vmem>>, vector<1x16xf32>,
        %get3A_293 = vector.shape_cast %get3A_292 : vector<1x16xf32> to vector<16xf32>
        %get3A_294 = arith.index_cast %add3A_289 : i32 to index
        %get3A_295 = arith.constant 0 : index
        %get3A_296 = tpu.vector_load %arg19[%get3A_294, %get3A_295] {strides = array<i32>} : memref<80x16xf32, #tpu.memory_space<vmem>>, vector<1x16xf32>,
        %get3A_297 = vector.shape_cast %get3A_296 : vector<1x16xf32> to vector<16xf32>
        %add3A_298 = arith.addf %get3A_293, %get3A_297 : vector<16xf32>
        %slice3A_299 = vector.extract_strided_slice %get3A_218 {offsets = [2], sizes = [1], strides = [1]} : vector<16xf32> to vector<1xf32>
        %squeeze3A_300 = vector.extract %slice3A_299[0] : f32 from vector<1xf32>
        %mul3A_301 = vector.broadcast %squeeze3A_300 : f32 to vector<16xf32>
        %mul3A_302 = arith.mulf %mul3A_301, %get3A_6 : vector<16xf32>
        %add3A_303 = arith.addf %add3A_298, %mul3A_302 : vector<16xf32>
        %get3A_304 = arith.index_cast %add3A_289 : i32 to index
        %get3A_305 = arith.constant 0 : index
        %get3A_306 = tpu.vector_load %arg20[%get3A_304, %get3A_305] {strides = array<i32>} : memref<80x16xf32, #tpu.memory_space<vmem>>, vector<1x16xf32>,
        %get3A_307 = vector.shape_cast %get3A_306 : vector<1x16xf32> to vector<16xf32>
        %mul3A_308 = arith.mulf %add3A_303, %get3A_307 : vector<16xf32>
        %neg3A_309 = arith.constant 0.000000e+00 : f32
        %neg3A_310 = vector.broadcast %neg3A_309 : f32 to vector<16xf32>
        %neg3A_311 = arith.subf %neg3A_310, %mul3A_308 : vector<16xf32>
        %exp3A_312 = math.exp %neg3A_311 : vector<16xf32>
        %add3A_313 = arith.constant 1.000000e+00 : f32
        %add3A_314 = vector.broadcast %add3A_313 : f32 to vector<16xf32>
        %add3A_315 = arith.addf %add3A_314, %exp3A_312 : vector<16xf32>
        %div3A_316 = arith.divf %mul3A_308, %add3A_315 : vector<16xf32>
        %swap3A_317 = arith.index_cast %add3A_289 : i32 to index
        %swap3A_318 = arith.constant 0 : index
        %swap3A_319 = tpu.vector_load %arg21[%swap3A_317, %swap3A_318] {strides = array<i32>} : memref<80x16xf32, #tpu.memory_space<vmem>>, vector<1x16xf32>,
        %swap3A_320 = vector.shape_cast %swap3A_319 : vector<1x16xf32> to vector<16xf32>
        %swap3A_321 = vector.shape_cast %div3A_316 : vector<16xf32> to vector<1x16xf32>
        tpu.vector_store %arg21[%swap3A_317, %swap3A_318], %swap3A_321 {strides = array<i32>} : memref<80x16xf32, #tpu.memory_space<vmem>>, vector<1x16xf32>,
        %add3A_322 = arith.addf %add3A_285, %div3A_316 : vector<16xf32>
        %mul3A_323 = arith.mulf %div3A_316, %div3A_316 : vector<16xf32>
        %add3A_324 = arith.addf %add3A_287, %mul3A_323 : vector<16xf32>
        %add3A_325 = arith.constant 3 : i32
        %add3A_326 = arith.addi %mul3A_212, %add3A_325 : i32
        %get3A_327 = arith.index_cast %add3A_326 : i32 to index
        %get3A_328 = arith.constant 0 : index
        %get3A_329 = tpu.vector_load %arg18[%get3A_327, %get3A_328] {strides = array<i32>} : memref<80x16xf32, #tpu.memory_space<vmem>>, vector<1x16xf32>,
        %get3A_330 = vector.shape_cast %get3A_329 : vector<1x16xf32> to vector<16xf32>
        %get3A_331 = arith.index_cast %add3A_326 : i32 to index
        %get3A_332 = arith.constant 0 : index
        %get3A_333 = tpu.vector_load %arg19[%get3A_331, %get3A_332] {strides = array<i32>} : memref<80x16xf32, #tpu.memory_space<vmem>>, vector<1x16xf32>,
        %get3A_334 = vector.shape_cast %get3A_333 : vector<1x16xf32> to vector<16xf32>
        %add3A_335 = arith.addf %get3A_330, %get3A_334 : vector<16xf32>
        %slice3A_336 = vector.extract_strided_slice %get3A_218 {offsets = [3], sizes = [1], strides = [1]} : vector<16xf32> to vector<1xf32>
        %squeeze3A_337 = vector.extract %slice3A_336[0] : f32 from vector<1xf32>
        %mul3A_338 = vector.broadcast %squeeze3A_337 : f32 to vector<16xf32>
        %mul3A_339 = arith.mulf %mul3A_338, %get3A_6 : vector<16xf32>
        %add3A_340 = arith.addf %add3A_335, %mul3A_339 : vector<16xf32>
        %get3A_341 = arith.index_cast %add3A_326 : i32 to index
        %get3A_342 = arith.constant 0 : index
        %get3A_343 = tpu.vector_load %arg20[%get3A_341, %get3A_342] {strides = array<i32>} : memref<80x16xf32, #tpu.memory_space<vmem>>, vector<1x16xf32>,
        %get3A_344 = vector.shape_cast %get3A_343 : vector<1x16xf32> to vector<16xf32>
        %mul3A_345 = arith.mulf %add3A_340, %get3A_344 : vector<16xf32>
        %neg3A_346 = arith.constant 0.000000e+00 : f32
        %neg3A_347 = vector.broadcast %neg3A_346 : f32 to vector<16xf32>
        %neg3A_348 = arith.subf %neg3A_347, %mul3A_345 : vector<16xf32>
        %exp3A_349 = math.exp %neg3A_348 : vector<16xf32>
        %add3A_350 = arith.constant 1.000000e+00 : f32
        %add3A_351 = vector.broadcast %add3A_350 : f32 to vector<16xf32>
        %add3A_352 = arith.addf %add3A_351, %exp3A_349 : vector<16xf32>
        %div3A_353 = arith.divf %mul3A_345, %add3A_352 : vector<16xf32>
        %swap3A_354 = arith.index_cast %add3A_326 : i32 to index
        %swap3A_355 = arith.constant 0 : index
        %swap3A_356 = tpu.vector_load %arg21[%swap3A_354, %swap3A_355] {strides = array<i32>} : memref<80x16xf32, #tpu.memory_space<vmem>>, vector<1x16xf32>,
        %swap3A_357 = vector.shape_cast %swap3A_356 : vector<1x16xf32> to vector<16xf32>
        %swap3A_358 = vector.shape_cast %div3A_353 : vector<16xf32> to vector<1x16xf32>
        tpu.vector_store %arg21[%swap3A_354, %swap3A_355], %swap3A_358 {strides = array<i32>} : memref<80x16xf32, #tpu.memory_space<vmem>>, vector<1x16xf32>,
        %add3A_359 = arith.addf %add3A_322, %div3A_353 : vector<16xf32>
        %mul3A_360 = arith.mulf %div3A_353, %div3A_353 : vector<16xf32>
        %add3A_361 = arith.addf %add3A_324, %mul3A_360 : vector<16xf32>
        %add3A_362 = arith.constant 4 : i32
        %add3A_363 = arith.addi %mul3A_212, %add3A_362 : i32
        %get3A_364 = arith.index_cast %add3A_363 : i32 to index
        %get3A_365 = arith.constant 0 : index
        %get3A_366 = tpu.vector_load %arg18[%get3A_364, %get3A_365] {strides = array<i32>} : memref<80x16xf32, #tpu.memory_space<vmem>>, vector<1x16xf32>,
        %get3A_367 = vector.shape_cast %get3A_366 : vector<1x16xf32> to vector<16xf32>
        %get3A_368 = arith.index_cast %add3A_363 : i32 to index
        %get3A_369 = arith.constant 0 : index
        %get3A_370 = tpu.vector_load %arg19[%get3A_368, %get3A_369] {strides = array<i32>} : memref<80x16xf32, #tpu.memory_space<vmem>>, vector<1x16xf32>,
        %get3A_371 = vector.shape_cast %get3A_370 : vector<1x16xf32> to vector<16xf32>
        %add3A_372 = arith.addf %get3A_367, %get3A_371 : vector<16xf32>
        %slice3A_373 = vector.extract_strided_slice %get3A_218 {offsets = [4], sizes = [1], strides = [1]} : vector<16xf32> to vector<1xf32>
        %squeeze3A_374 = vector.extract %slice3A_373[0] : f32 from vector<1xf32>
        %mul3A_375 = vector.broadcast %squeeze3A_374 : f32 to vector<16xf32>
        %mul3A_376 = arith.mulf %mul3A_375, %get3A_6 : vector<16xf32>
        %add3A_377 = arith.addf %add3A_372, %mul3A_376 : vector<16xf32>
        %get3A_378 = arith.index_cast %add3A_363 : i32 to index
        %get3A_379 = arith.constant 0 : index
        %get3A_380 = tpu.vector_load %arg20[%get3A_378, %get3A_379] {strides = array<i32>} : memref<80x16xf32, #tpu.memory_space<vmem>>, vector<1x16xf32>,
        %get3A_381 = vector.shape_cast %get3A_380 : vector<1x16xf32> to vector<16xf32>
        %mul3A_382 = arith.mulf %add3A_377, %get3A_381 : vector<16xf32>
        %neg3A_383 = arith.constant 0.000000e+00 : f32
        %neg3A_384 = vector.broadcast %neg3A_383 : f32 to vector<16xf32>
        %neg3A_385 = arith.subf %neg3A_384, %mul3A_382 : vector<16xf32>
        %exp3A_386 = math.exp %neg3A_385 : vector<16xf32>
        %add3A_387 = arith.constant 1.000000e+00 : f32
        %add3A_388 = vector.broadcast %add3A_387 : f32 to vector<16xf32>
        %add3A_389 = arith.addf %add3A_388, %exp3A_386 : vector<16xf32>
        %div3A_390 = arith.divf %mul3A_382, %add3A_389 : vector<16xf32>
        %swap3A_391 = arith.index_cast %add3A_363 : i32 to index
        %swap3A_392 = arith.constant 0 : index
        %swap3A_393 = tpu.vector_load %arg21[%swap3A_391, %swap3A_392] {strides = array<i32>} : memref<80x16xf32, #tpu.memory_space<vmem>>, vector<1x16xf32>,
        %swap3A_394 = vector.shape_cast %swap3A_393 : vector<1x16xf32> to vector<16xf32>
        %swap3A_395 = vector.shape_cast %div3A_390 : vector<16xf32> to vector<1x16xf32>
        tpu.vector_store %arg21[%swap3A_391, %swap3A_392], %swap3A_395 {strides = array<i32>} : memref<80x16xf32, #tpu.memory_space<vmem>>, vector<1x16xf32>,
        %add3A_396 = arith.addf %add3A_359, %div3A_390 : vector<16xf32>
        %mul3A_397 = arith.mulf %div3A_390, %div3A_390 : vector<16xf32>
        %add3A_398 = arith.addf %add3A_361, %mul3A_397 : vector<16xf32>
        %add3A_399 = arith.constant 5 : i32
        %add3A_400 = arith.addi %mul3A_212, %add3A_399 : i32
        %get3A_401 = arith.index_cast %add3A_400 : i32 to index
        %get3A_402 = arith.constant 0 : index
        %get3A_403 = tpu.vector_load %arg18[%get3A_401, %get3A_402] {strides = array<i32>} : memref<80x16xf32, #tpu.memory_space<vmem>>, vector<1x16xf32>,
        %get3A_404 = vector.shape_cast %get3A_403 : vector<1x16xf32> to vector<16xf32>
        %get3A_405 = arith.index_cast %add3A_400 : i32 to index
        %get3A_406 = arith.constant 0 : index
        %get3A_407 = tpu.vector_load %arg19[%get3A_405, %get3A_406] {strides = array<i32>} : memref<80x16xf32, #tpu.memory_space<vmem>>, vector<1x16xf32>,
        %get3A_408 = vector.shape_cast %get3A_407 : vector<1x16xf32> to vector<16xf32>
        %add3A_409 = arith.addf %get3A_404, %get3A_408 : vector<16xf32>
        %slice3A_410 = vector.extract_strided_slice %get3A_218 {offsets = [5], sizes = [1], strides = [1]} : vector<16xf32> to vector<1xf32>
        %squeeze3A_411 = vector.extract %slice3A_410[0] : f32 from vector<1xf32>
        %mul3A_412 = vector.broadcast %squeeze3A_411 : f32 to vector<16xf32>
        %mul3A_413 = arith.mulf %mul3A_412, %get3A_6 : vector<16xf32>
        %add3A_414 = arith.addf %add3A_409, %mul3A_413 : vector<16xf32>
        %get3A_415 = arith.index_cast %add3A_400 : i32 to index
        %get3A_416 = arith.constant 0 : index
        %get3A_417 = tpu.vector_load %arg20[%get3A_415, %get3A_416] {strides = array<i32>} : memref<80x16xf32, #tpu.memory_space<vmem>>, vector<1x16xf32>,
        %get3A_418 = vector.shape_cast %get3A_417 : vector<1x16xf32> to vector<16xf32>
        %mul3A_419 = arith.mulf %add3A_414, %get3A_418 : vector<16xf32>
        %neg3A_420 = arith.constant 0.000000e+00 : f32
        %neg3A_421 = vector.broadcast %neg3A_420 : f32 to vector<16xf32>
        %neg3A_422 = arith.subf %neg3A_421, %mul3A_419 : vector<16xf32>
        %exp3A_423 = math.exp %neg3A_422 : vector<16xf32>
        %add3A_424 = arith.constant 1.000000e+00 : f32
        %add3A_425 = vector.broadcast %add3A_424 : f32 to vector<16xf32>
        %add3A_426 = arith.addf %add3A_425, %exp3A_423 : vector<16xf32>
        %div3A_427 = arith.divf %mul3A_419, %add3A_426 : vector<16xf32>
        %swap3A_428 = arith.index_cast %add3A_400 : i32 to index
        %swap3A_429 = arith.constant 0 : index
        %swap3A_430 = tpu.vector_load %arg21[%swap3A_428, %swap3A_429] {strides = array<i32>} : memref<80x16xf32, #tpu.memory_space<vmem>>, vector<1x16xf32>,
        %swap3A_431 = vector.shape_cast %swap3A_430 : vector<1x16xf32> to vector<16xf32>
        %swap3A_432 = vector.shape_cast %div3A_427 : vector<16xf32> to vector<1x16xf32>
        tpu.vector_store %arg21[%swap3A_428, %swap3A_429], %swap3A_432 {strides = array<i32>} : memref<80x16xf32, #tpu.memory_space<vmem>>, vector<1x16xf32>,
        %add3A_433 = arith.addf %add3A_396, %div3A_427 : vector<16xf32>
        %mul3A_434 = arith.mulf %div3A_427, %div3A_427 : vector<16xf32>
        %add3A_435 = arith.addf %add3A_398, %mul3A_434 : vector<16xf32>
        %add3A_436 = arith.constant 6 : i32
        %add3A_437 = arith.addi %mul3A_212, %add3A_436 : i32
        %get3A_438 = arith.index_cast %add3A_437 : i32 to index
        %get3A_439 = arith.constant 0 : index
        %get3A_440 = tpu.vector_load %arg18[%get3A_438, %get3A_439] {strides = array<i32>} : memref<80x16xf32, #tpu.memory_space<vmem>>, vector<1x16xf32>,
        %get3A_441 = vector.shape_cast %get3A_440 : vector<1x16xf32> to vector<16xf32>
        %get3A_442 = arith.index_cast %add3A_437 : i32 to index
        %get3A_443 = arith.constant 0 : index
        %get3A_444 = tpu.vector_load %arg19[%get3A_442, %get3A_443] {strides = array<i32>} : memref<80x16xf32, #tpu.memory_space<vmem>>, vector<1x16xf32>,
        %get3A_445 = vector.shape_cast %get3A_444 : vector<1x16xf32> to vector<16xf32>
        %add3A_446 = arith.addf %get3A_441, %get3A_445 : vector<16xf32>
        %slice3A_447 = vector.extract_strided_slice %get3A_218 {offsets = [6], sizes = [1], strides = [1]} : vector<16xf32> to vector<1xf32>
        %squeeze3A_448 = vector.extract %slice3A_447[0] : f32 from vector<1xf32>
        %mul3A_449 = vector.broadcast %squeeze3A_448 : f32 to vector<16xf32>
        %mul3A_450 = arith.mulf %mul3A_449, %get3A_6 : vector<16xf32>
        %add3A_451 = arith.addf %add3A_446, %mul3A_450 : vector<16xf32>
        %get3A_452 = arith.index_cast %add3A_437 : i32 to index
        %get3A_453 = arith.constant 0 : index
        %get3A_454 = tpu.vector_load %arg20[%get3A_452, %get3A_453] {strides = array<i32>} : memref<80x16xf32, #tpu.memory_space<vmem>>, vector<1x16xf32>,
        %get3A_455 = vector.shape_cast %get3A_454 : vector<1x16xf32> to vector<16xf32>
        %mul3A_456 = arith.mulf %add3A_451, %get3A_455 : vector<16xf32>
        %neg3A_457 = arith.constant 0.000000e+00 : f32
        %neg3A_458 = vector.broadcast %neg3A_457 : f32 to vector<16xf32>
        %neg3A_459 = arith.subf %neg3A_458, %mul3A_456 : vector<16xf32>
        %exp3A_460 = math.exp %neg3A_459 : vector<16xf32>
        %add3A_461 = arith.constant 1.000000e+00 : f32
        %add3A_462 = vector.broadcast %add3A_461 : f32 to vector<16xf32>
        %add3A_463 = arith.addf %add3A_462, %exp3A_460 : vector<16xf32>
        %div3A_464 = arith.divf %mul3A_456, %add3A_463 : vector<16xf32>
        %swap3A_465 = arith.index_cast %add3A_437 : i32 to index
        %swap3A_466 = arith.constant 0 : index
        %swap3A_467 = tpu.vector_load %arg21[%swap3A_465, %swap3A_466] {strides = array<i32>} : memref<80x16xf32, #tpu.memory_space<vmem>>, vector<1x16xf32>,
        %swap3A_468 = vector.shape_cast %swap3A_467 : vector<1x16xf32> to vector<16xf32>
        %swap3A_469 = vector.shape_cast %div3A_464 : vector<16xf32> to vector<1x16xf32>
        tpu.vector_store %arg21[%swap3A_465, %swap3A_466], %swap3A_469 {strides = array<i32>} : memref<80x16xf32, #tpu.memory_space<vmem>>, vector<1x16xf32>,
        %add3A_470 = arith.addf %add3A_433, %div3A_464 : vector<16xf32>
        %mul3A_471 = arith.mulf %div3A_464, %div3A_464 : vector<16xf32>
        %add3A_472 = arith.addf %add3A_435, %mul3A_471 : vector<16xf32>
        %add3A_473 = arith.constant 7 : i32
        %add3A_474 = arith.addi %mul3A_212, %add3A_473 : i32
        %get3A_475 = arith.index_cast %add3A_474 : i32 to index
        %get3A_476 = arith.constant 0 : index
        %get3A_477 = tpu.vector_load %arg18[%get3A_475, %get3A_476] {strides = array<i32>} : memref<80x16xf32, #tpu.memory_space<vmem>>, vector<1x16xf32>,
        %get3A_478 = vector.shape_cast %get3A_477 : vector<1x16xf32> to vector<16xf32>
        %get3A_479 = arith.index_cast %add3A_474 : i32 to index
        %get3A_480 = arith.constant 0 : index
        %get3A_481 = tpu.vector_load %arg19[%get3A_479, %get3A_480] {strides = array<i32>} : memref<80x16xf32, #tpu.memory_space<vmem>>, vector<1x16xf32>,
        %get3A_482 = vector.shape_cast %get3A_481 : vector<1x16xf32> to vector<16xf32>
        %add3A_483 = arith.addf %get3A_478, %get3A_482 : vector<16xf32>
        %slice3A_484 = vector.extract_strided_slice %get3A_218 {offsets = [7], sizes = [1], strides = [1]} : vector<16xf32> to vector<1xf32>
        %squeeze3A_485 = vector.extract %slice3A_484[0] : f32 from vector<1xf32>
        %mul3A_486 = vector.broadcast %squeeze3A_485 : f32 to vector<16xf32>
        %mul3A_487 = arith.mulf %mul3A_486, %get3A_6 : vector<16xf32>
        %add3A_488 = arith.addf %add3A_483, %mul3A_487 : vector<16xf32>
        %get3A_489 = arith.index_cast %add3A_474 : i32 to index
        %get3A_490 = arith.constant 0 : index
        %get3A_491 = tpu.vector_load %arg20[%get3A_489, %get3A_490] {strides = array<i32>} : memref<80x16xf32, #tpu.memory_space<vmem>>, vector<1x16xf32>,
        %get3A_492 = vector.shape_cast %get3A_491 : vector<1x16xf32> to vector<16xf32>
        %mul3A_493 = arith.mulf %add3A_488, %get3A_492 : vector<16xf32>
        %neg3A_494 = arith.constant 0.000000e+00 : f32
        %neg3A_495 = vector.broadcast %neg3A_494 : f32 to vector<16xf32>
        %neg3A_496 = arith.subf %neg3A_495, %mul3A_493 : vector<16xf32>
        %exp3A_497 = math.exp %neg3A_496 : vector<16xf32>
        %add3A_498 = arith.constant 1.000000e+00 : f32
        %add3A_499 = vector.broadcast %add3A_498 : f32 to vector<16xf32>
        %add3A_500 = arith.addf %add3A_499, %exp3A_497 : vector<16xf32>
        %div3A_501 = arith.divf %mul3A_493, %add3A_500 : vector<16xf32>
        %swap3A_502 = arith.index_cast %add3A_474 : i32 to index
        %swap3A_503 = arith.constant 0 : index
        %swap3A_504 = tpu.vector_load %arg21[%swap3A_502, %swap3A_503] {strides = array<i32>} : memref<80x16xf32, #tpu.memory_space<vmem>>, vector<1x16xf32>,
        %swap3A_505 = vector.shape_cast %swap3A_504 : vector<1x16xf32> to vector<16xf32>
        %swap3A_506 = vector.shape_cast %div3A_501 : vector<16xf32> to vector<1x16xf32>
        tpu.vector_store %arg21[%swap3A_502, %swap3A_503], %swap3A_506 {strides = array<i32>} : memref<80x16xf32, #tpu.memory_space<vmem>>, vector<1x16xf32>,
        %add3A_507 = arith.addf %add3A_470, %div3A_501 : vector<16xf32>
        %mul3A_508 = arith.mulf %div3A_501, %div3A_501 : vector<16xf32>
        %add3A_509 = arith.addf %add3A_472, %mul3A_508 : vector<16xf32>
        %add3A_510 = arith.constant 8 : i32
        %add3A_511 = arith.addi %mul3A_212, %add3A_510 : i32
        %get3A_512 = arith.index_cast %add3A_511 : i32 to index
        %get3A_513 = arith.constant 0 : index
        %get3A_514 = tpu.vector_load %arg18[%get3A_512, %get3A_513] {strides = array<i32>} : memref<80x16xf32, #tpu.memory_space<vmem>>, vector<1x16xf32>,
        %get3A_515 = vector.shape_cast %get3A_514 : vector<1x16xf32> to vector<16xf32>
        %get3A_516 = arith.index_cast %add3A_511 : i32 to index
        %get3A_517 = arith.constant 0 : index
        %get3A_518 = tpu.vector_load %arg19[%get3A_516, %get3A_517] {strides = array<i32>} : memref<80x16xf32, #tpu.memory_space<vmem>>, vector<1x16xf32>,
        %get3A_519 = vector.shape_cast %get3A_518 : vector<1x16xf32> to vector<16xf32>
        %add3A_520 = arith.addf %get3A_515, %get3A_519 : vector<16xf32>
        %slice3A_521 = vector.extract_strided_slice %get3A_218 {offsets = [8], sizes = [1], strides = [1]} : vector<16xf32> to vector<1xf32>
        %squeeze3A_522 = vector.extract %slice3A_521[0] : f32 from vector<1xf32>
        %mul3A_523 = vector.broadcast %squeeze3A_522 : f32 to vector<16xf32>
        %mul3A_524 = arith.mulf %mul3A_523, %get3A_6 : vector<16xf32>
        %add3A_525 = arith.addf %add3A_520, %mul3A_524 : vector<16xf32>
        %get3A_526 = arith.index_cast %add3A_511 : i32 to index
        %get3A_527 = arith.constant 0 : index
        %get3A_528 = tpu.vector_load %arg20[%get3A_526, %get3A_527] {strides = array<i32>} : memref<80x16xf32, #tpu.memory_space<vmem>>, vector<1x16xf32>,
        %get3A_529 = vector.shape_cast %get3A_528 : vector<1x16xf32> to vector<16xf32>
        %mul3A_530 = arith.mulf %add3A_525, %get3A_529 : vector<16xf32>
        %neg3A_531 = arith.constant 0.000000e+00 : f32
        %neg3A_532 = vector.broadcast %neg3A_531 : f32 to vector<16xf32>
        %neg3A_533 = arith.subf %neg3A_532, %mul3A_530 : vector<16xf32>
        %exp3A_534 = math.exp %neg3A_533 : vector<16xf32>
        %add3A_535 = arith.constant 1.000000e+00 : f32
        %add3A_536 = vector.broadcast %add3A_535 : f32 to vector<16xf32>
        %add3A_537 = arith.addf %add3A_536, %exp3A_534 : vector<16xf32>
        %div3A_538 = arith.divf %mul3A_530, %add3A_537 : vector<16xf32>
        %swap3A_539 = arith.index_cast %add3A_511 : i32 to index
        %swap3A_540 = arith.constant 0 : index
        %swap3A_541 = tpu.vector_load %arg21[%swap3A_539, %swap3A_540] {strides = array<i32>} : memref<80x16xf32, #tpu.memory_space<vmem>>, vector<1x16xf32>,
        %swap3A_542 = vector.shape_cast %swap3A_541 : vector<1x16xf32> to vector<16xf32>
        %swap3A_543 = vector.shape_cast %div3A_538 : vector<16xf32> to vector<1x16xf32>
        tpu.vector_store %arg21[%swap3A_539, %swap3A_540], %swap3A_543 {strides = array<i32>} : memref<80x16xf32, #tpu.memory_space<vmem>>, vector<1x16xf32>,
        %add3A_544 = arith.addf %add3A_507, %div3A_538 : vector<16xf32>
        %mul3A_545 = arith.mulf %div3A_538, %div3A_538 : vector<16xf32>
        %add3A_546 = arith.addf %add3A_509, %mul3A_545 : vector<16xf32>
        %add3A_547 = arith.constant 9 : i32
        %add3A_548 = arith.addi %mul3A_212, %add3A_547 : i32
        %get3A_549 = arith.index_cast %add3A_548 : i32 to index
        %get3A_550 = arith.constant 0 : index
        %get3A_551 = tpu.vector_load %arg18[%get3A_549, %get3A_550] {strides = array<i32>} : memref<80x16xf32, #tpu.memory_space<vmem>>, vector<1x16xf32>,
        %get3A_552 = vector.shape_cast %get3A_551 : vector<1x16xf32> to vector<16xf32>
        %get3A_553 = arith.index_cast %add3A_548 : i32 to index
        %get3A_554 = arith.constant 0 : index
        %get3A_555 = tpu.vector_load %arg19[%get3A_553, %get3A_554] {strides = array<i32>} : memref<80x16xf32, #tpu.memory_space<vmem>>, vector<1x16xf32>,
        %get3A_556 = vector.shape_cast %get3A_555 : vector<1x16xf32> to vector<16xf32>
        %add3A_557 = arith.addf %get3A_552, %get3A_556 : vector<16xf32>
        %slice3A_558 = vector.extract_strided_slice %get3A_218 {offsets = [9], sizes = [1], strides = [1]} : vector<16xf32> to vector<1xf32>
        %squeeze3A_559 = vector.extract %slice3A_558[0] : f32 from vector<1xf32>
        %mul3A_560 = vector.broadcast %squeeze3A_559 : f32 to vector<16xf32>
        %mul3A_561 = arith.mulf %mul3A_560, %get3A_6 : vector<16xf32>
        %add3A_562 = arith.addf %add3A_557, %mul3A_561 : vector<16xf32>
        %get3A_563 = arith.index_cast %add3A_548 : i32 to index
        %get3A_564 = arith.constant 0 : index
        %get3A_565 = tpu.vector_load %arg20[%get3A_563, %get3A_564] {strides = array<i32>} : memref<80x16xf32, #tpu.memory_space<vmem>>, vector<1x16xf32>,
        %get3A_566 = vector.shape_cast %get3A_565 : vector<1x16xf32> to vector<16xf32>
        %mul3A_567 = arith.mulf %add3A_562, %get3A_566 : vector<16xf32>
        %neg3A_568 = arith.constant 0.000000e+00 : f32
        %neg3A_569 = vector.broadcast %neg3A_568 : f32 to vector<16xf32>
        %neg3A_570 = arith.subf %neg3A_569, %mul3A_567 : vector<16xf32>
        %exp3A_571 = math.exp %neg3A_570 : vector<16xf32>
        %add3A_572 = arith.constant 1.000000e+00 : f32
        %add3A_573 = vector.broadcast %add3A_572 : f32 to vector<16xf32>
        %add3A_574 = arith.addf %add3A_573, %exp3A_571 : vector<16xf32>
        %div3A_575 = arith.divf %mul3A_567, %add3A_574 : vector<16xf32>
        %swap3A_576 = arith.index_cast %add3A_548 : i32 to index
        %swap3A_577 = arith.constant 0 : index
        %swap3A_578 = tpu.vector_load %arg21[%swap3A_576, %swap3A_577] {strides = array<i32>} : memref<80x16xf32, #tpu.memory_space<vmem>>, vector<1x16xf32>,
        %swap3A_579 = vector.shape_cast %swap3A_578 : vector<1x16xf32> to vector<16xf32>
        %swap3A_580 = vector.shape_cast %div3A_575 : vector<16xf32> to vector<1x16xf32>
        tpu.vector_store %arg21[%swap3A_576, %swap3A_577], %swap3A_580 {strides = array<i32>} : memref<80x16xf32, #tpu.memory_space<vmem>>, vector<1x16xf32>,
        %add3A_581 = arith.addf %add3A_544, %div3A_575 : vector<16xf32>
        %mul3A_582 = arith.mulf %div3A_575, %div3A_575 : vector<16xf32>
        %add3A_583 = arith.addf %add3A_546, %mul3A_582 : vector<16xf32>
        %add3A_584 = arith.constant 10 : i32
        %add3A_585 = arith.addi %mul3A_212, %add3A_584 : i32
        %get3A_586 = arith.index_cast %add3A_585 : i32 to index
        %get3A_587 = arith.constant 0 : index
        %get3A_588 = tpu.vector_load %arg18[%get3A_586, %get3A_587] {strides = array<i32>} : memref<80x16xf32, #tpu.memory_space<vmem>>, vector<1x16xf32>,
        %get3A_589 = vector.shape_cast %get3A_588 : vector<1x16xf32> to vector<16xf32>
        %get3A_590 = arith.index_cast %add3A_585 : i32 to index
        %get3A_591 = arith.constant 0 : index
        %get3A_592 = tpu.vector_load %arg19[%get3A_590, %get3A_591] {strides = array<i32>} : memref<80x16xf32, #tpu.memory_space<vmem>>, vector<1x16xf32>,
        %get3A_593 = vector.shape_cast %get3A_592 : vector<1x16xf32> to vector<16xf32>
        %add3A_594 = arith.addf %get3A_589, %get3A_593 : vector<16xf32>
        %slice3A_595 = vector.extract_strided_slice %get3A_218 {offsets = [10], sizes = [1], strides = [1]} : vector<16xf32> to vector<1xf32>
        %squeeze3A_596 = vector.extract %slice3A_595[0] : f32 from vector<1xf32>
        %mul3A_597 = vector.broadcast %squeeze3A_596 : f32 to vector<16xf32>
        %mul3A_598 = arith.mulf %mul3A_597, %get3A_6 : vector<16xf32>
        %add3A_599 = arith.addf %add3A_594, %mul3A_598 : vector<16xf32>
        %get3A_600 = arith.index_cast %add3A_585 : i32 to index
        %get3A_601 = arith.constant 0 : index
        %get3A_602 = tpu.vector_load %arg20[%get3A_600, %get3A_601] {strides = array<i32>} : memref<80x16xf32, #tpu.memory_space<vmem>>, vector<1x16xf32>,
        %get3A_603 = vector.shape_cast %get3A_602 : vector<1x16xf32> to vector<16xf32>
        %mul3A_604 = arith.mulf %add3A_599, %get3A_603 : vector<16xf32>
        %neg3A_605 = arith.constant 0.000000e+00 : f32
        %neg3A_606 = vector.broadcast %neg3A_605 : f32 to vector<16xf32>
        %neg3A_607 = arith.subf %neg3A_606, %mul3A_604 : vector<16xf32>
        %exp3A_608 = math.exp %neg3A_607 : vector<16xf32>
        %add3A_609 = arith.constant 1.000000e+00 : f32
        %add3A_610 = vector.broadcast %add3A_609 : f32 to vector<16xf32>
        %add3A_611 = arith.addf %add3A_610, %exp3A_608 : vector<16xf32>
        %div3A_612 = arith.divf %mul3A_604, %add3A_611 : vector<16xf32>
        %swap3A_613 = arith.index_cast %add3A_585 : i32 to index
        %swap3A_614 = arith.constant 0 : index
        %swap3A_615 = tpu.vector_load %arg21[%swap3A_613, %swap3A_614] {strides = array<i32>} : memref<80x16xf32, #tpu.memory_space<vmem>>, vector<1x16xf32>,
        %swap3A_616 = vector.shape_cast %swap3A_615 : vector<1x16xf32> to vector<16xf32>
        %swap3A_617 = vector.shape_cast %div3A_612 : vector<16xf32> to vector<1x16xf32>
        tpu.vector_store %arg21[%swap3A_613, %swap3A_614], %swap3A_617 {strides = array<i32>} : memref<80x16xf32, #tpu.memory_space<vmem>>, vector<1x16xf32>,
        %add3A_618 = arith.addf %add3A_581, %div3A_612 : vector<16xf32>
        %mul3A_619 = arith.mulf %div3A_612, %div3A_612 : vector<16xf32>
        %add3A_620 = arith.addf %add3A_583, %mul3A_619 : vector<16xf32>
        %add3A_621 = arith.constant 11 : i32
        %add3A_622 = arith.addi %mul3A_212, %add3A_621 : i32
        %get3A_623 = arith.index_cast %add3A_622 : i32 to index
        %get3A_624 = arith.constant 0 : index
        %get3A_625 = tpu.vector_load %arg18[%get3A_623, %get3A_624] {strides = array<i32>} : memref<80x16xf32, #tpu.memory_space<vmem>>, vector<1x16xf32>,
        %get3A_626 = vector.shape_cast %get3A_625 : vector<1x16xf32> to vector<16xf32>
        %get3A_627 = arith.index_cast %add3A_622 : i32 to index
        %get3A_628 = arith.constant 0 : index
        %get3A_629 = tpu.vector_load %arg19[%get3A_627, %get3A_628] {strides = array<i32>} : memref<80x16xf32, #tpu.memory_space<vmem>>, vector<1x16xf32>,
        %get3A_630 = vector.shape_cast %get3A_629 : vector<1x16xf32> to vector<16xf32>
        %add3A_631 = arith.addf %get3A_626, %get3A_630 : vector<16xf32>
        %slice3A_632 = vector.extract_strided_slice %get3A_218 {offsets = [11], sizes = [1], strides = [1]} : vector<16xf32> to vector<1xf32>
        %squeeze3A_633 = vector.extract %slice3A_632[0] : f32 from vector<1xf32>
        %mul3A_634 = vector.broadcast %squeeze3A_633 : f32 to vector<16xf32>
        %mul3A_635 = arith.mulf %mul3A_634, %get3A_6 : vector<16xf32>
        %add3A_636 = arith.addf %add3A_631, %mul3A_635 : vector<16xf32>
        %get3A_637 = arith.index_cast %add3A_622 : i32 to index
        %get3A_638 = arith.constant 0 : index
        %get3A_639 = tpu.vector_load %arg20[%get3A_637, %get3A_638] {strides = array<i32>} : memref<80x16xf32, #tpu.memory_space<vmem>>, vector<1x16xf32>,
        %get3A_640 = vector.shape_cast %get3A_639 : vector<1x16xf32> to vector<16xf32>
        %mul3A_641 = arith.mulf %add3A_636, %get3A_640 : vector<16xf32>
        %neg3A_642 = arith.constant 0.000000e+00 : f32
        %neg3A_643 = vector.broadcast %neg3A_642 : f32 to vector<16xf32>
        %neg3A_644 = arith.subf %neg3A_643, %mul3A_641 : vector<16xf32>
        %exp3A_645 = math.exp %neg3A_644 : vector<16xf32>
        %add3A_646 = arith.constant 1.000000e+00 : f32
        %add3A_647 = vector.broadcast %add3A_646 : f32 to vector<16xf32>
        %add3A_648 = arith.addf %add3A_647, %exp3A_645 : vector<16xf32>
        %div3A_649 = arith.divf %mul3A_641, %add3A_648 : vector<16xf32>
        %swap3A_650 = arith.index_cast %add3A_622 : i32 to index
        %swap3A_651 = arith.constant 0 : index
        %swap3A_652 = tpu.vector_load %arg21[%swap3A_650, %swap3A_651] {strides = array<i32>} : memref<80x16xf32, #tpu.memory_space<vmem>>, vector<1x16xf32>,
        %swap3A_653 = vector.shape_cast %swap3A_652 : vector<1x16xf32> to vector<16xf32>
        %swap3A_654 = vector.shape_cast %div3A_649 : vector<16xf32> to vector<1x16xf32>
        tpu.vector_store %arg21[%swap3A_650, %swap3A_651], %swap3A_654 {strides = array<i32>} : memref<80x16xf32, #tpu.memory_space<vmem>>, vector<1x16xf32>,
        %add3A_655 = arith.addf %add3A_618, %div3A_649 : vector<16xf32>
        %mul3A_656 = arith.mulf %div3A_649, %div3A_649 : vector<16xf32>
        %add3A_657 = arith.addf %add3A_620, %mul3A_656 : vector<16xf32>
        %add3A_658 = arith.constant 12 : i32
        %add3A_659 = arith.addi %mul3A_212, %add3A_658 : i32
        %get3A_660 = arith.index_cast %add3A_659 : i32 to index
        %get3A_661 = arith.constant 0 : index
        %get3A_662 = tpu.vector_load %arg18[%get3A_660, %get3A_661] {strides = array<i32>} : memref<80x16xf32, #tpu.memory_space<vmem>>, vector<1x16xf32>,
        %get3A_663 = vector.shape_cast %get3A_662 : vector<1x16xf32> to vector<16xf32>
        %get3A_664 = arith.index_cast %add3A_659 : i32 to index
        %get3A_665 = arith.constant 0 : index
        %get3A_666 = tpu.vector_load %arg19[%get3A_664, %get3A_665] {strides = array<i32>} : memref<80x16xf32, #tpu.memory_space<vmem>>, vector<1x16xf32>,
        %get3A_667 = vector.shape_cast %get3A_666 : vector<1x16xf32> to vector<16xf32>
        %add3A_668 = arith.addf %get3A_663, %get3A_667 : vector<16xf32>
        %slice3A_669 = vector.extract_strided_slice %get3A_218 {offsets = [12], sizes = [1], strides = [1]} : vector<16xf32> to vector<1xf32>
        %squeeze3A_670 = vector.extract %slice3A_669[0] : f32 from vector<1xf32>
        %mul3A_671 = vector.broadcast %squeeze3A_670 : f32 to vector<16xf32>
        %mul3A_672 = arith.mulf %mul3A_671, %get3A_6 : vector<16xf32>
        %add3A_673 = arith.addf %add3A_668, %mul3A_672 : vector<16xf32>
        %get3A_674 = arith.index_cast %add3A_659 : i32 to index
        %get3A_675 = arith.constant 0 : index
        %get3A_676 = tpu.vector_load %arg20[%get3A_674, %get3A_675] {strides = array<i32>} : memref<80x16xf32, #tpu.memory_space<vmem>>, vector<1x16xf32>,
        %get3A_677 = vector.shape_cast %get3A_676 : vector<1x16xf32> to vector<16xf32>
        %mul3A_678 = arith.mulf %add3A_673, %get3A_677 : vector<16xf32>
        %neg3A_679 = arith.constant 0.000000e+00 : f32
        %neg3A_680 = vector.broadcast %neg3A_679 : f32 to vector<16xf32>
        %neg3A_681 = arith.subf %neg3A_680, %mul3A_678 : vector<16xf32>
        %exp3A_682 = math.exp %neg3A_681 : vector<16xf32>
        %add3A_683 = arith.constant 1.000000e+00 : f32
        %add3A_684 = vector.broadcast %add3A_683 : f32 to vector<16xf32>
        %add3A_685 = arith.addf %add3A_684, %exp3A_682 : vector<16xf32>
        %div3A_686 = arith.divf %mul3A_678, %add3A_685 : vector<16xf32>
        %swap3A_687 = arith.index_cast %add3A_659 : i32 to index
        %swap3A_688 = arith.constant 0 : index
        %swap3A_689 = tpu.vector_load %arg21[%swap3A_687, %swap3A_688] {strides = array<i32>} : memref<80x16xf32, #tpu.memory_space<vmem>>, vector<1x16xf32>,
        %swap3A_690 = vector.shape_cast %swap3A_689 : vector<1x16xf32> to vector<16xf32>
        %swap3A_691 = vector.shape_cast %div3A_686 : vector<16xf32> to vector<1x16xf32>
        tpu.vector_store %arg21[%swap3A_687, %swap3A_688], %swap3A_691 {strides = array<i32>} : memref<80x16xf32, #tpu.memory_space<vmem>>, vector<1x16xf32>,
        %add3A_692 = arith.addf %add3A_655, %div3A_686 : vector<16xf32>
        %mul3A_693 = arith.mulf %div3A_686, %div3A_686 : vector<16xf32>
        %add3A_694 = arith.addf %add3A_657, %mul3A_693 : vector<16xf32>
        %add3A_695 = arith.constant 13 : i32
        %add3A_696 = arith.addi %mul3A_212, %add3A_695 : i32
        %get3A_697 = arith.index_cast %add3A_696 : i32 to index
        %get3A_698 = arith.constant 0 : index
        %get3A_699 = tpu.vector_load %arg18[%get3A_697, %get3A_698] {strides = array<i32>} : memref<80x16xf32, #tpu.memory_space<vmem>>, vector<1x16xf32>,
        %get3A_700 = vector.shape_cast %get3A_699 : vector<1x16xf32> to vector<16xf32>
        %get3A_701 = arith.index_cast %add3A_696 : i32 to index
        %get3A_702 = arith.constant 0 : index
        %get3A_703 = tpu.vector_load %arg19[%get3A_701, %get3A_702] {strides = array<i32>} : memref<80x16xf32, #tpu.memory_space<vmem>>, vector<1x16xf32>,
        %get3A_704 = vector.shape_cast %get3A_703 : vector<1x16xf32> to vector<16xf32>
        %add3A_705 = arith.addf %get3A_700, %get3A_704 : vector<16xf32>
        %slice3A_706 = vector.extract_strided_slice %get3A_218 {offsets = [13], sizes = [1], strides = [1]} : vector<16xf32> to vector<1xf32>
        %squeeze3A_707 = vector.extract %slice3A_706[0] : f32 from vector<1xf32>
        %mul3A_708 = vector.broadcast %squeeze3A_707 : f32 to vector<16xf32>
        %mul3A_709 = arith.mulf %mul3A_708, %get3A_6 : vector<16xf32>
        %add3A_710 = arith.addf %add3A_705, %mul3A_709 : vector<16xf32>
        %get3A_711 = arith.index_cast %add3A_696 : i32 to index
        %get3A_712 = arith.constant 0 : index
        %get3A_713 = tpu.vector_load %arg20[%get3A_711, %get3A_712] {strides = array<i32>} : memref<80x16xf32, #tpu.memory_space<vmem>>, vector<1x16xf32>,
        %get3A_714 = vector.shape_cast %get3A_713 : vector<1x16xf32> to vector<16xf32>
        %mul3A_715 = arith.mulf %add3A_710, %get3A_714 : vector<16xf32>
        %neg3A_716 = arith.constant 0.000000e+00 : f32
        %neg3A_717 = vector.broadcast %neg3A_716 : f32 to vector<16xf32>
        %neg3A_718 = arith.subf %neg3A_717, %mul3A_715 : vector<16xf32>
        %exp3A_719 = math.exp %neg3A_718 : vector<16xf32>
        %add3A_720 = arith.constant 1.000000e+00 : f32
        %add3A_721 = vector.broadcast %add3A_720 : f32 to vector<16xf32>
        %add3A_722 = arith.addf %add3A_721, %exp3A_719 : vector<16xf32>
        %div3A_723 = arith.divf %mul3A_715, %add3A_722 : vector<16xf32>
        %swap3A_724 = arith.index_cast %add3A_696 : i32 to index
        %swap3A_725 = arith.constant 0 : index
        %swap3A_726 = tpu.vector_load %arg21[%swap3A_724, %swap3A_725] {strides = array<i32>} : memref<80x16xf32, #tpu.memory_space<vmem>>, vector<1x16xf32>,
        %swap3A_727 = vector.shape_cast %swap3A_726 : vector<1x16xf32> to vector<16xf32>
        %swap3A_728 = vector.shape_cast %div3A_723 : vector<16xf32> to vector<1x16xf32>
        tpu.vector_store %arg21[%swap3A_724, %swap3A_725], %swap3A_728 {strides = array<i32>} : memref<80x16xf32, #tpu.memory_space<vmem>>, vector<1x16xf32>,
        %add3A_729 = arith.addf %add3A_692, %div3A_723 : vector<16xf32>
        %mul3A_730 = arith.mulf %div3A_723, %div3A_723 : vector<16xf32>
        %add3A_731 = arith.addf %add3A_694, %mul3A_730 : vector<16xf32>
        %add3A_732 = arith.constant 14 : i32
        %add3A_733 = arith.addi %mul3A_212, %add3A_732 : i32
        %get3A_734 = arith.index_cast %add3A_733 : i32 to index
        %get3A_735 = arith.constant 0 : index
        %get3A_736 = tpu.vector_load %arg18[%get3A_734, %get3A_735] {strides = array<i32>} : memref<80x16xf32, #tpu.memory_space<vmem>>, vector<1x16xf32>,
        %get3A_737 = vector.shape_cast %get3A_736 : vector<1x16xf32> to vector<16xf32>
        %get3A_738 = arith.index_cast %add3A_733 : i32 to index
        %get3A_739 = arith.constant 0 : index
        %get3A_740 = tpu.vector_load %arg19[%get3A_738, %get3A_739] {strides = array<i32>} : memref<80x16xf32, #tpu.memory_space<vmem>>, vector<1x16xf32>,
        %get3A_741 = vector.shape_cast %get3A_740 : vector<1x16xf32> to vector<16xf32>
        %add3A_742 = arith.addf %get3A_737, %get3A_741 : vector<16xf32>
        %slice3A_743 = vector.extract_strided_slice %get3A_218 {offsets = [14], sizes = [1], strides = [1]} : vector<16xf32> to vector<1xf32>
        %squeeze3A_744 = vector.extract %slice3A_743[0] : f32 from vector<1xf32>
        %mul3A_745 = vector.broadcast %squeeze3A_744 : f32 to vector<16xf32>
        %mul3A_746 = arith.mulf %mul3A_745, %get3A_6 : vector<16xf32>
        %add3A_747 = arith.addf %add3A_742, %mul3A_746 : vector<16xf32>
        %get3A_748 = arith.index_cast %add3A_733 : i32 to index
        %get3A_749 = arith.constant 0 : index
        %get3A_750 = tpu.vector_load %arg20[%get3A_748, %get3A_749] {strides = array<i32>} : memref<80x16xf32, #tpu.memory_space<vmem>>, vector<1x16xf32>,
        %get3A_751 = vector.shape_cast %get3A_750 : vector<1x16xf32> to vector<16xf32>
        %mul3A_752 = arith.mulf %add3A_747, %get3A_751 : vector<16xf32>
        %neg3A_753 = arith.constant 0.000000e+00 : f32
        %neg3A_754 = vector.broadcast %neg3A_753 : f32 to vector<16xf32>
        %neg3A_755 = arith.subf %neg3A_754, %mul3A_752 : vector<16xf32>
        %exp3A_756 = math.exp %neg3A_755 : vector<16xf32>
        %add3A_757 = arith.constant 1.000000e+00 : f32
        %add3A_758 = vector.broadcast %add3A_757 : f32 to vector<16xf32>
        %add3A_759 = arith.addf %add3A_758, %exp3A_756 : vector<16xf32>
        %div3A_760 = arith.divf %mul3A_752, %add3A_759 : vector<16xf32>
        %swap3A_761 = arith.index_cast %add3A_733 : i32 to index
        %swap3A_762 = arith.constant 0 : index
        %swap3A_763 = tpu.vector_load %arg21[%swap3A_761, %swap3A_762] {strides = array<i32>} : memref<80x16xf32, #tpu.memory_space<vmem>>, vector<1x16xf32>,
        %swap3A_764 = vector.shape_cast %swap3A_763 : vector<1x16xf32> to vector<16xf32>
        %swap3A_765 = vector.shape_cast %div3A_760 : vector<16xf32> to vector<1x16xf32>
        tpu.vector_store %arg21[%swap3A_761, %swap3A_762], %swap3A_765 {strides = array<i32>} : memref<80x16xf32, #tpu.memory_space<vmem>>, vector<1x16xf32>,
        %add3A_766 = arith.addf %add3A_729, %div3A_760 : vector<16xf32>
        %mul3A_767 = arith.mulf %div3A_760, %div3A_760 : vector<16xf32>
        %add3A_768 = arith.addf %add3A_731, %mul3A_767 : vector<16xf32>
        %add3A_769 = arith.constant 15 : i32
        %add3A_770 = arith.addi %mul3A_212, %add3A_769 : i32
        %get3A_771 = arith.index_cast %add3A_770 : i32 to index
        %get3A_772 = arith.constant 0 : index
        %get3A_773 = tpu.vector_load %arg18[%get3A_771, %get3A_772] {strides = array<i32>} : memref<80x16xf32, #tpu.memory_space<vmem>>, vector<1x16xf32>,
        %get3A_774 = vector.shape_cast %get3A_773 : vector<1x16xf32> to vector<16xf32>
        %get3A_775 = arith.index_cast %add3A_770 : i32 to index
        %get3A_776 = arith.constant 0 : index
        %get3A_777 = tpu.vector_load %arg19[%get3A_775, %get3A_776] {strides = array<i32>} : memref<80x16xf32, #tpu.memory_space<vmem>>, vector<1x16xf32>,
        %get3A_778 = vector.shape_cast %get3A_777 : vector<1x16xf32> to vector<16xf32>
        %add3A_779 = arith.addf %get3A_774, %get3A_778 : vector<16xf32>
        %slice3A_780 = vector.extract_strided_slice %get3A_218 {offsets = [15], sizes = [1], strides = [1]} : vector<16xf32> to vector<1xf32>
        %squeeze3A_781 = vector.extract %slice3A_780[0] : f32 from vector<1xf32>
        %mul3A_782 = vector.broadcast %squeeze3A_781 : f32 to vector<16xf32>
        %mul3A_783 = arith.mulf %mul3A_782, %get3A_6 : vector<16xf32>
        %add3A_784 = arith.addf %add3A_779, %mul3A_783 : vector<16xf32>
        %get3A_785 = arith.index_cast %add3A_770 : i32 to index
        %get3A_786 = arith.constant 0 : index
        %get3A_787 = tpu.vector_load %arg20[%get3A_785, %get3A_786] {strides = array<i32>} : memref<80x16xf32, #tpu.memory_space<vmem>>, vector<1x16xf32>,
        %get3A_788 = vector.shape_cast %get3A_787 : vector<1x16xf32> to vector<16xf32>
        %mul3A_789 = arith.mulf %add3A_784, %get3A_788 : vector<16xf32>
        %neg3A_790 = arith.constant 0.000000e+00 : f32
        %neg3A_791 = vector.broadcast %neg3A_790 : f32 to vector<16xf32>
        %neg3A_792 = arith.subf %neg3A_791, %mul3A_789 : vector<16xf32>
        %exp3A_793 = math.exp %neg3A_792 : vector<16xf32>
        %add3A_794 = arith.constant 1.000000e+00 : f32
        %add3A_795 = vector.broadcast %add3A_794 : f32 to vector<16xf32>
        %add3A_796 = arith.addf %add3A_795, %exp3A_793 : vector<16xf32>
        %div3A_797 = arith.divf %mul3A_789, %add3A_796 : vector<16xf32>
        %swap3A_798 = arith.index_cast %add3A_770 : i32 to index
        %swap3A_799 = arith.constant 0 : index
        %swap3A_800 = tpu.vector_load %arg21[%swap3A_798, %swap3A_799] {strides = array<i32>} : memref<80x16xf32, #tpu.memory_space<vmem>>, vector<1x16xf32>,
        %swap3A_801 = vector.shape_cast %swap3A_800 : vector<1x16xf32> to vector<16xf32>
        %swap3A_802 = vector.shape_cast %div3A_797 : vector<16xf32> to vector<1x16xf32>
        tpu.vector_store %arg21[%swap3A_798, %swap3A_799], %swap3A_802 {strides = array<i32>} : memref<80x16xf32, #tpu.memory_space<vmem>>, vector<1x16xf32>,
        %add3A_803 = arith.addf %add3A_766, %div3A_797 : vector<16xf32>
        %mul3A_804 = arith.mulf %div3A_797, %div3A_797 : vector<16xf32>
        %add3A_805 = arith.addf %add3A_768, %mul3A_804 : vector<16xf32>
        scf.yield %add3A_803, %add3A_805 : vector<16xf32>, vector<16xf32>
      }
      %scan3A_198 = arith.constant 5 : i32
      %add3A_199 = arith.constant 1 : i32
      %add3A_200 = arith.addi %mul3A_96, %add3A_199 : i32
      %mul3A_201 = arith.constant 80 : i32
      %mul3A_202 = arith.muli %add3A_200, %mul3A_201 : i32
      %add3A_203 = arith.addi %mul3A_2, %mul3A_202 : i32
      %dma_start3A_204 = arith.constant 0 : i32
      %dma_start3A_205 = tpu.memref_slice %arg9[%add3A_203, %dma_start3A_204] : memref<320000x16xf32, #tpu.memory_space<hbm>> -> memref<80x16xf32, #tpu.memory_space<hbm>>
      %dma_start3A_206 = arith.constant 0 : i32
      %dma_start3A_207 = tpu.memref_slice %arg9[%add3A_203, %dma_start3A_206] : memref<320000x16xf32, #tpu.memory_space<hbm>> -> memref<80x16xf32, #tpu.memory_space<hbm>>
      tpu.enqueue_dma source(%arg21 : memref<80x16xf32, #tpu.memory_space<vmem>>) target(%dma_start3A_207 : memref<80x16xf32, #tpu.memory_space<hbm>>) target_semaphore(%arg31 : memref<!tpu.dma_semaphore, #tpu.memory_space<semaphore_mem>>)
      scf.yield %scan3A_197#0, %scan3A_197#1 : vector<16xf32>, vector<16xf32>
    }
    %scan3A_44 = arith.constant 62 : i32
    %dma_wait3A_45 = arith.constant 0 : i32
    %dma_wait3A_46 = tpu.memref_slice %arg11[%dma_wait3A_45] : memref<10000xi32, #tpu.memory_space<vmem>> -> memref<80xi32, #tpu.memory_space<vmem>>
    %dma_wait3A_47 = arith.constant 0 : i32
    %dma_wait3A_48 = arith.constant 0 : i32
    %dma_wait3A_49 = tpu.memref_slice %arg4[%dma_wait3A_47, %dma_wait3A_48] : memref<10000x16xf32, #tpu.memory_space<hbm>> -> memref<10000x16xf32, #tpu.memory_space<hbm>>
    tpu.wait_indirect_dma semaphore(%arg24 : memref<!tpu.dma_semaphore, #tpu.memory_space<semaphore_mem>>) src(%dma_wait3A_49 : memref<10000x16xf32, #tpu.memory_space<hbm>>) dst(%arg14 : memref<80x16xf32, #tpu.memory_space<vmem>>)
    %dma_wait3A_50 = arith.constant 0 : i32
    %dma_wait3A_51 = tpu.memref_slice %arg12[%dma_wait3A_50] : memref<10000xi32, #tpu.memory_space<vmem>> -> memref<80xi32, #tpu.memory_space<vmem>>
    %dma_wait3A_52 = arith.constant 0 : i32
    %dma_wait3A_53 = arith.constant 0 : i32
    %dma_wait3A_54 = tpu.memref_slice %arg5[%dma_wait3A_52, %dma_wait3A_53] : memref<10000x16xf32, #tpu.memory_space<hbm>> -> memref<10000x16xf32, #tpu.memory_space<hbm>>
    tpu.wait_indirect_dma semaphore(%arg25 : memref<!tpu.dma_semaphore, #tpu.memory_space<semaphore_mem>>) src(%dma_wait3A_54 : memref<10000x16xf32, #tpu.memory_space<hbm>>) dst(%arg15 : memref<80x16xf32, #tpu.memory_space<vmem>>)
    %dma_wait3A_55 = arith.constant 0 : i32
    %dma_wait3A_56 = arith.constant 0 : i32
    %dma_wait3A_57 = tpu.memref_slice %arg6[%dma_wait3A_55, %dma_wait3A_56] : memref<320000x16xf32, #tpu.memory_space<hbm>> -> memref<80x16xf32, #tpu.memory_space<hbm>>
    %dma_wait3A_58 = arith.constant 0 : i32
    %dma_wait3A_59 = arith.constant 0 : i32
    %dma_wait3A_60 = tpu.memref_slice %arg6[%dma_wait3A_58, %dma_wait3A_59] : memref<320000x16xf32, #tpu.memory_space<hbm>> -> memref<80x16xf32, #tpu.memory_space<hbm>>
    tpu.wait_dma2 semaphore(%arg26 : memref<!tpu.dma_semaphore, #tpu.memory_space<semaphore_mem>>) src(%dma_wait3A_60 : memref<80x16xf32, #tpu.memory_space<hbm>>) dst(%arg16 : memref<80x16xf32, #tpu.memory_space<vmem>>)
    %dma_wait3A_61 = arith.constant 0 : i32
    %dma_wait3A_62 = arith.constant 0 : i32
    %dma_wait3A_63 = tpu.memref_slice %arg9[%dma_wait3A_61, %dma_wait3A_62] : memref<320000x16xf32, #tpu.memory_space<hbm>> -> memref<80x16xf32, #tpu.memory_space<hbm>>
    %dma_wait3A_64 = arith.constant 0 : i32
    %dma_wait3A_65 = arith.constant 0 : i32
    %dma_wait3A_66 = tpu.memref_slice %arg9[%dma_wait3A_64, %dma_wait3A_65] : memref<320000x16xf32, #tpu.memory_space<hbm>> -> memref<80x16xf32, #tpu.memory_space<hbm>>
    tpu.wait_dma2 semaphore(%arg27 : memref<!tpu.dma_semaphore, #tpu.memory_space<semaphore_mem>>) src(%arg17 : memref<80x16xf32, #tpu.memory_space<vmem>>) dst(%dma_wait3A_66 : memref<80x16xf32, #tpu.memory_space<hbm>>)
    %scan3A_67 = arith.constant 0 : i32
    %scan3A_68 = arith.constant 5 : i32
    %scan3A_69 = arith.addi %scan3A_67, %scan3A_68 : i32
    %scan3A_70 = arith.constant 1 : i32
    %scan3A_71:2 = scf.for %scan3A_92 = %scan3A_67 to %scan3A_69 step %scan3A_70 iter_args(%scan3A_93 = %scan3A_43#0, %scan3A_94 = %scan3A_43#1) -> (vector<16xf32>, vector<16xf32>)  : i32 {
      %mul3A_95 = arith.constant 16 : i32
      %mul3A_96 = arith.muli %scan3A_92, %mul3A_95 : i32
      %add3A_97 = arith.constant 9920 : i32
      %add3A_98 = arith.addi %add3A_97, %mul3A_96 : i32
      %get3A_99 = arith.index_cast %add3A_98 : i32 to index
      %get3A_100 = tpu.vector_load %arg13[%get3A_99] {strides = array<i32>} : memref<10000xf32, #tpu.memory_space<vmem>>, vector<16xf32>,
      %get3A_101 = vector.shape_cast %get3A_100 : vector<16xf32> to vector<16xf32>
      %add3A_102 = arith.constant 0 : i32
      %add3A_103 = arith.addi %mul3A_96, %add3A_102 : i32
      %get3A_104 = arith.index_cast %add3A_103 : i32 to index
      %get3A_105 = arith.constant 0 : index
      %get3A_106 = tpu.vector_load %arg14[%get3A_104, %get3A_105] {strides = array<i32>} : memref<80x16xf32, #tpu.memory_space<vmem>>, vector<1x16xf32>,
      %get3A_107 = vector.shape_cast %get3A_106 : vector<1x16xf32> to vector<16xf32>
      %get3A_108 = arith.index_cast %add3A_103 : i32 to index
      %get3A_109 = arith.constant 0 : index
      %get3A_110 = tpu.vector_load %arg15[%get3A_108, %get3A_109] {strides = array<i32>} : memref<80x16xf32, #tpu.memory_space<vmem>>, vector<1x16xf32>,
      %get3A_111 = vector.shape_cast %get3A_110 : vector<1x16xf32> to vector<16xf32>
      %add3A_112 = arith.addf %get3A_107, %get3A_111 : vector<16xf32>
      %slice3A = vector.extract_strided_slice %get3A_101 {offsets = [0], sizes = [1], strides = [1]} : vector<16xf32> to vector<1xf32>
      %squeeze3A = vector.extract %slice3A[0] : f32 from vector<1xf32>
      %mul3A_113 = vector.broadcast %squeeze3A : f32 to vector<16xf32>
      %mul3A_114 = arith.mulf %mul3A_113, %get3A_6 : vector<16xf32>
      %add3A_115 = arith.addf %add3A_112, %mul3A_114 : vector<16xf32>
      %get3A_116 = arith.index_cast %add3A_103 : i32 to index
      %get3A_117 = arith.constant 0 : index
      %get3A_118 = tpu.vector_load %arg16[%get3A_116, %get3A_117] {strides = array<i32>} : memref<80x16xf32, #tpu.memory_space<vmem>>, vector<1x16xf32>,
      %get3A_119 = vector.shape_cast %get3A_118 : vector<1x16xf32> to vector<16xf32>
      %mul3A_120 = arith.mulf %add3A_115, %get3A_119 : vector<16xf32>
      %neg3A = arith.constant 0.000000e+00 : f32
      %neg3A_121 = vector.broadcast %neg3A : f32 to vector<16xf32>
      %neg3A_122 = arith.subf %neg3A_121, %mul3A_120 : vector<16xf32>
      %exp3A = math.exp %neg3A_122 : vector<16xf32>
      %add3A_123 = arith.constant 1.000000e+00 : f32
      %add3A_124 = vector.broadcast %add3A_123 : f32 to vector<16xf32>
      %add3A_125 = arith.addf %add3A_124, %exp3A : vector<16xf32>
      %div3A = arith.divf %mul3A_120, %add3A_125 : vector<16xf32>
      %swap3A_126 = arith.index_cast %add3A_103 : i32 to index
      %swap3A_127 = arith.constant 0 : index
      %swap3A_128 = tpu.vector_load %arg17[%swap3A_126, %swap3A_127] {strides = array<i32>} : memref<80x16xf32, #tpu.memory_space<vmem>>, vector<1x16xf32>,
      %swap3A_129 = vector.shape_cast %swap3A_128 : vector<1x16xf32> to vector<16xf32>
      %swap3A_130 = vector.shape_cast %div3A : vector<16xf32> to vector<1x16xf32>
      tpu.vector_store %arg17[%swap3A_126, %swap3A_127], %swap3A_130 {strides = array<i32>} : memref<80x16xf32, #tpu.memory_space<vmem>>, vector<1x16xf32>,
      %add3A_131 = arith.addf %scan3A_93, %div3A : vector<16xf32>
      %mul3A_132 = arith.mulf %div3A, %div3A : vector<16xf32>
      %add3A_133 = arith.addf %scan3A_94, %mul3A_132 : vector<16xf32>
      %add3A_134 = arith.constant 1 : i32
      %add3A_135 = arith.addi %mul3A_96, %add3A_134 : i32
      %get3A_136 = arith.index_cast %add3A_135 : i32 to index
      %get3A_137 = arith.constant 0 : index
      %get3A_138 = tpu.vector_load %arg14[%get3A_136, %get3A_137] {strides = array<i32>} : memref<80x16xf32, #tpu.memory_space<vmem>>, vector<1x16xf32>,
      %get3A_139 = vector.shape_cast %get3A_138 : vector<1x16xf32> to vector<16xf32>
      %get3A_140 = arith.index_cast %add3A_135 : i32 to index
      %get3A_141 = arith.constant 0 : index
      %get3A_142 = tpu.vector_load %arg15[%get3A_140, %get3A_141] {strides = array<i32>} : memref<80x16xf32, #tpu.memory_space<vmem>>, vector<1x16xf32>,
      %get3A_143 = vector.shape_cast %get3A_142 : vector<1x16xf32> to vector<16xf32>
      %add3A_144 = arith.addf %get3A_139, %get3A_143 : vector<16xf32>
      %slice3A_145 = vector.extract_strided_slice %get3A_101 {offsets = [1], sizes = [1], strides = [1]} : vector<16xf32> to vector<1xf32>
      %squeeze3A_146 = vector.extract %slice3A_145[0] : f32 from vector<1xf32>
      %mul3A_147 = vector.broadcast %squeeze3A_146 : f32 to vector<16xf32>
      %mul3A_148 = arith.mulf %mul3A_147, %get3A_6 : vector<16xf32>
      %add3A_149 = arith.addf %add3A_144, %mul3A_148 : vector<16xf32>
      %get3A_150 = arith.index_cast %add3A_135 : i32 to index
      %get3A_151 = arith.constant 0 : index
      %get3A_152 = tpu.vector_load %arg16[%get3A_150, %get3A_151] {strides = array<i32>} : memref<80x16xf32, #tpu.memory_space<vmem>>, vector<1x16xf32>,
      %get3A_153 = vector.shape_cast %get3A_152 : vector<1x16xf32> to vector<16xf32>
      %mul3A_154 = arith.mulf %add3A_149, %get3A_153 : vector<16xf32>
      %neg3A_155 = arith.constant 0.000000e+00 : f32
      %neg3A_156 = vector.broadcast %neg3A_155 : f32 to vector<16xf32>
      %neg3A_157 = arith.subf %neg3A_156, %mul3A_154 : vector<16xf32>
      %exp3A_158 = math.exp %neg3A_157 : vector<16xf32>
      %add3A_159 = arith.constant 1.000000e+00 : f32
      %add3A_160 = vector.broadcast %add3A_159 : f32 to vector<16xf32>
      %add3A_161 = arith.addf %add3A_160, %exp3A_158 : vector<16xf32>
      %div3A_162 = arith.divf %mul3A_154, %add3A_161 : vector<16xf32>
      %swap3A_163 = arith.index_cast %add3A_135 : i32 to index
      %swap3A_164 = arith.constant 0 : index
      %swap3A_165 = tpu.vector_load %arg17[%swap3A_163, %swap3A_164] {strides = array<i32>} : memref<80x16xf32, #tpu.memory_space<vmem>>, vector<1x16xf32>,
      %swap3A_166 = vector.shape_cast %swap3A_165 : vector<1x16xf32> to vector<16xf32>
      %swap3A_167 = vector.shape_cast %div3A_162 : vector<16xf32> to vector<1x16xf32>
      tpu.vector_store %arg17[%swap3A_163, %swap3A_164], %swap3A_167 {strides = array<i32>} : memref<80x16xf32, #tpu.memory_space<vmem>>, vector<1x16xf32>,
      %add3A_168 = arith.addf %add3A_131, %div3A_162 : vector<16xf32>
      %mul3A_169 = arith.mulf %div3A_162, %div3A_162 : vector<16xf32>
      %add3A_170 = arith.addf %add3A_133, %mul3A_169 : vector<16xf32>
      %add3A_171 = arith.constant 2 : i32
      %add3A_172 = arith.addi %mul3A_96, %add3A_171 : i32
      %get3A_173 = arith.index_cast %add3A_172 : i32 to index
      %get3A_174 = arith.constant 0 : index
      %get3A_175 = tpu.vector_load %arg14[%get3A_173, %get3A_174] {strides = array<i32>} : memref<80x16xf32, #tpu.memory_space<vmem>>, vector<1x16xf32>,
      %get3A_176 = vector.shape_cast %get3A_175 : vector<1x16xf32> to vector<16xf32>
      %get3A_177 = arith.index_cast %add3A_172 : i32 to index
      %get3A_178 = arith.constant 0 : index
      %get3A_179 = tpu.vector_load %arg15[%get3A_177, %get3A_178] {strides = array<i32>} : memref<80x16xf32, #tpu.memory_space<vmem>>, vector<1x16xf32>,
      %get3A_180 = vector.shape_cast %get3A_179 : vector<1x16xf32> to vector<16xf32>
      %add3A_181 = arith.addf %get3A_176, %get3A_180 : vector<16xf32>
      %slice3A_182 = vector.extract_strided_slice %get3A_101 {offsets = [2], sizes = [1], strides = [1]} : vector<16xf32> to vector<1xf32>
      %squeeze3A_183 = vector.extract %slice3A_182[0] : f32 from vector<1xf32>
      %mul3A_184 = vector.broadcast %squeeze3A_183 : f32 to vector<16xf32>
      %mul3A_185 = arith.mulf %mul3A_184, %get3A_6 : vector<16xf32>
      %add3A_186 = arith.addf %add3A_181, %mul3A_185 : vector<16xf32>
      %get3A_187 = arith.index_cast %add3A_172 : i32 to index
      %get3A_188 = arith.constant 0 : index
      %get3A_189 = tpu.vector_load %arg16[%get3A_187, %get3A_188] {strides = array<i32>} : memref<80x16xf32, #tpu.memory_space<vmem>>, vector<1x16xf32>,
      %get3A_190 = vector.shape_cast %get3A_189 : vector<1x16xf32> to vector<16xf32>
      %mul3A_191 = arith.mulf %add3A_186, %get3A_190 : vector<16xf32>
      %neg3A_192 = arith.constant 0.000000e+00 : f32
      %neg3A_193 = vector.broadcast %neg3A_192 : f32 to vector<16xf32>
      %neg3A_194 = arith.subf %neg3A_193, %mul3A_191 : vector<16xf32>
      %exp3A_195 = math.exp %neg3A_194 : vector<16xf32>
      %add3A_196 = arith.constant 1.000000e+00 : f32
      %add3A_197 = vector.broadcast %add3A_196 : f32 to vector<16xf32>
      %add3A_198 = arith.addf %add3A_197, %exp3A_195 : vector<16xf32>
      %div3A_199 = arith.divf %mul3A_191, %add3A_198 : vector<16xf32>
      %swap3A_200 = arith.index_cast %add3A_172 : i32 to index
      %swap3A_201 = arith.constant 0 : index
      %swap3A_202 = tpu.vector_load %arg17[%swap3A_200, %swap3A_201] {strides = array<i32>} : memref<80x16xf32, #tpu.memory_space<vmem>>, vector<1x16xf32>,
      %swap3A_203 = vector.shape_cast %swap3A_202 : vector<1x16xf32> to vector<16xf32>
      %swap3A_204 = vector.shape_cast %div3A_199 : vector<16xf32> to vector<1x16xf32>
      tpu.vector_store %arg17[%swap3A_200, %swap3A_201], %swap3A_204 {strides = array<i32>} : memref<80x16xf32, #tpu.memory_space<vmem>>, vector<1x16xf32>,
      %add3A_205 = arith.addf %add3A_168, %div3A_199 : vector<16xf32>
      %mul3A_206 = arith.mulf %div3A_199, %div3A_199 : vector<16xf32>
      %add3A_207 = arith.addf %add3A_170, %mul3A_206 : vector<16xf32>
      %add3A_208 = arith.constant 3 : i32
      %add3A_209 = arith.addi %mul3A_96, %add3A_208 : i32
      %get3A_210 = arith.index_cast %add3A_209 : i32 to index
      %get3A_211 = arith.constant 0 : index
      %get3A_212 = tpu.vector_load %arg14[%get3A_210, %get3A_211] {strides = array<i32>} : memref<80x16xf32, #tpu.memory_space<vmem>>, vector<1x16xf32>,
      %get3A_213 = vector.shape_cast %get3A_212 : vector<1x16xf32> to vector<16xf32>
      %get3A_214 = arith.index_cast %add3A_209 : i32 to index
      %get3A_215 = arith.constant 0 : index
      %get3A_216 = tpu.vector_load %arg15[%get3A_214, %get3A_215] {strides = array<i32>} : memref<80x16xf32, #tpu.memory_space<vmem>>, vector<1x16xf32>,
      %get3A_217 = vector.shape_cast %get3A_216 : vector<1x16xf32> to vector<16xf32>
      %add3A_218 = arith.addf %get3A_213, %get3A_217 : vector<16xf32>
      %slice3A_219 = vector.extract_strided_slice %get3A_101 {offsets = [3], sizes = [1], strides = [1]} : vector<16xf32> to vector<1xf32>
      %squeeze3A_220 = vector.extract %slice3A_219[0] : f32 from vector<1xf32>
      %mul3A_221 = vector.broadcast %squeeze3A_220 : f32 to vector<16xf32>
      %mul3A_222 = arith.mulf %mul3A_221, %get3A_6 : vector<16xf32>
      %add3A_223 = arith.addf %add3A_218, %mul3A_222 : vector<16xf32>
      %get3A_224 = arith.index_cast %add3A_209 : i32 to index
      %get3A_225 = arith.constant 0 : index
      %get3A_226 = tpu.vector_load %arg16[%get3A_224, %get3A_225] {strides = array<i32>} : memref<80x16xf32, #tpu.memory_space<vmem>>, vector<1x16xf32>,
      %get3A_227 = vector.shape_cast %get3A_226 : vector<1x16xf32> to vector<16xf32>
      %mul3A_228 = arith.mulf %add3A_223, %get3A_227 : vector<16xf32>
      %neg3A_229 = arith.constant 0.000000e+00 : f32
      %neg3A_230 = vector.broadcast %neg3A_229 : f32 to vector<16xf32>
      %neg3A_231 = arith.subf %neg3A_230, %mul3A_228 : vector<16xf32>
      %exp3A_232 = math.exp %neg3A_231 : vector<16xf32>
      %add3A_233 = arith.constant 1.000000e+00 : f32
      %add3A_234 = vector.broadcast %add3A_233 : f32 to vector<16xf32>
      %add3A_235 = arith.addf %add3A_234, %exp3A_232 : vector<16xf32>
      %div3A_236 = arith.divf %mul3A_228, %add3A_235 : vector<16xf32>
      %swap3A_237 = arith.index_cast %add3A_209 : i32 to index
      %swap3A_238 = arith.constant 0 : index
      %swap3A_239 = tpu.vector_load %arg17[%swap3A_237, %swap3A_238] {strides = array<i32>} : memref<80x16xf32, #tpu.memory_space<vmem>>, vector<1x16xf32>,
      %swap3A_240 = vector.shape_cast %swap3A_239 : vector<1x16xf32> to vector<16xf32>
      %swap3A_241 = vector.shape_cast %div3A_236 : vector<16xf32> to vector<1x16xf32>
      tpu.vector_store %arg17[%swap3A_237, %swap3A_238], %swap3A_241 {strides = array<i32>} : memref<80x16xf32, #tpu.memory_space<vmem>>, vector<1x16xf32>,
      %add3A_242 = arith.addf %add3A_205, %div3A_236 : vector<16xf32>
      %mul3A_243 = arith.mulf %div3A_236, %div3A_236 : vector<16xf32>
      %add3A_244 = arith.addf %add3A_207, %mul3A_243 : vector<16xf32>
      %add3A_245 = arith.constant 4 : i32
      %add3A_246 = arith.addi %mul3A_96, %add3A_245 : i32
      %get3A_247 = arith.index_cast %add3A_246 : i32 to index
      %get3A_248 = arith.constant 0 : index
      %get3A_249 = tpu.vector_load %arg14[%get3A_247, %get3A_248] {strides = array<i32>} : memref<80x16xf32, #tpu.memory_space<vmem>>, vector<1x16xf32>,
      %get3A_250 = vector.shape_cast %get3A_249 : vector<1x16xf32> to vector<16xf32>
      %get3A_251 = arith.index_cast %add3A_246 : i32 to index
      %get3A_252 = arith.constant 0 : index
      %get3A_253 = tpu.vector_load %arg15[%get3A_251, %get3A_252] {strides = array<i32>} : memref<80x16xf32, #tpu.memory_space<vmem>>, vector<1x16xf32>,
      %get3A_254 = vector.shape_cast %get3A_253 : vector<1x16xf32> to vector<16xf32>
      %add3A_255 = arith.addf %get3A_250, %get3A_254 : vector<16xf32>
      %slice3A_256 = vector.extract_strided_slice %get3A_101 {offsets = [4], sizes = [1], strides = [1]} : vector<16xf32> to vector<1xf32>
      %squeeze3A_257 = vector.extract %slice3A_256[0] : f32 from vector<1xf32>
      %mul3A_258 = vector.broadcast %squeeze3A_257 : f32 to vector<16xf32>
      %mul3A_259 = arith.mulf %mul3A_258, %get3A_6 : vector<16xf32>
      %add3A_260 = arith.addf %add3A_255, %mul3A_259 : vector<16xf32>
      %get3A_261 = arith.index_cast %add3A_246 : i32 to index
      %get3A_262 = arith.constant 0 : index
      %get3A_263 = tpu.vector_load %arg16[%get3A_261, %get3A_262] {strides = array<i32>} : memref<80x16xf32, #tpu.memory_space<vmem>>, vector<1x16xf32>,
      %get3A_264 = vector.shape_cast %get3A_263 : vector<1x16xf32> to vector<16xf32>
      %mul3A_265 = arith.mulf %add3A_260, %get3A_264 : vector<16xf32>
      %neg3A_266 = arith.constant 0.000000e+00 : f32
      %neg3A_267 = vector.broadcast %neg3A_266 : f32 to vector<16xf32>
      %neg3A_268 = arith.subf %neg3A_267, %mul3A_265 : vector<16xf32>
      %exp3A_269 = math.exp %neg3A_268 : vector<16xf32>
      %add3A_270 = arith.constant 1.000000e+00 : f32
      %add3A_271 = vector.broadcast %add3A_270 : f32 to vector<16xf32>
      %add3A_272 = arith.addf %add3A_271, %exp3A_269 : vector<16xf32>
      %div3A_273 = arith.divf %mul3A_265, %add3A_272 : vector<16xf32>
      %swap3A_274 = arith.index_cast %add3A_246 : i32 to index
      %swap3A_275 = arith.constant 0 : index
      %swap3A_276 = tpu.vector_load %arg17[%swap3A_274, %swap3A_275] {strides = array<i32>} : memref<80x16xf32, #tpu.memory_space<vmem>>, vector<1x16xf32>,
      %swap3A_277 = vector.shape_cast %swap3A_276 : vector<1x16xf32> to vector<16xf32>
      %swap3A_278 = vector.shape_cast %div3A_273 : vector<16xf32> to vector<1x16xf32>
      tpu.vector_store %arg17[%swap3A_274, %swap3A_275], %swap3A_278 {strides = array<i32>} : memref<80x16xf32, #tpu.memory_space<vmem>>, vector<1x16xf32>,
      %add3A_279 = arith.addf %add3A_242, %div3A_273 : vector<16xf32>
      %mul3A_280 = arith.mulf %div3A_273, %div3A_273 : vector<16xf32>
      %add3A_281 = arith.addf %add3A_244, %mul3A_280 : vector<16xf32>
      %add3A_282 = arith.constant 5 : i32
      %add3A_283 = arith.addi %mul3A_96, %add3A_282 : i32
      %get3A_284 = arith.index_cast %add3A_283 : i32 to index
      %get3A_285 = arith.constant 0 : index
      %get3A_286 = tpu.vector_load %arg14[%get3A_284, %get3A_285] {strides = array<i32>} : memref<80x16xf32, #tpu.memory_space<vmem>>, vector<1x16xf32>,
      %get3A_287 = vector.shape_cast %get3A_286 : vector<1x16xf32> to vector<16xf32>
      %get3A_288 = arith.index_cast %add3A_283 : i32 to index
      %get3A_289 = arith.constant 0 : index
      %get3A_290 = tpu.vector_load %arg15[%get3A_288, %get3A_289] {strides = array<i32>} : memref<80x16xf32, #tpu.memory_space<vmem>>, vector<1x16xf32>,
      %get3A_291 = vector.shape_cast %get3A_290 : vector<1x16xf32> to vector<16xf32>
      %add3A_292 = arith.addf %get3A_287, %get3A_291 : vector<16xf32>
      %slice3A_293 = vector.extract_strided_slice %get3A_101 {offsets = [5], sizes = [1], strides = [1]} : vector<16xf32> to vector<1xf32>
      %squeeze3A_294 = vector.extract %slice3A_293[0] : f32 from vector<1xf32>
      %mul3A_295 = vector.broadcast %squeeze3A_294 : f32 to vector<16xf32>
      %mul3A_296 = arith.mulf %mul3A_295, %get3A_6 : vector<16xf32>
      %add3A_297 = arith.addf %add3A_292, %mul3A_296 : vector<16xf32>
      %get3A_298 = arith.index_cast %add3A_283 : i32 to index
      %get3A_299 = arith.constant 0 : index
      %get3A_300 = tpu.vector_load %arg16[%get3A_298, %get3A_299] {strides = array<i32>} : memref<80x16xf32, #tpu.memory_space<vmem>>, vector<1x16xf32>,
      %get3A_301 = vector.shape_cast %get3A_300 : vector<1x16xf32> to vector<16xf32>
      %mul3A_302 = arith.mulf %add3A_297, %get3A_301 : vector<16xf32>
      %neg3A_303 = arith.constant 0.000000e+00 : f32
      %neg3A_304 = vector.broadcast %neg3A_303 : f32 to vector<16xf32>
      %neg3A_305 = arith.subf %neg3A_304, %mul3A_302 : vector<16xf32>
      %exp3A_306 = math.exp %neg3A_305 : vector<16xf32>
      %add3A_307 = arith.constant 1.000000e+00 : f32
      %add3A_308 = vector.broadcast %add3A_307 : f32 to vector<16xf32>
      %add3A_309 = arith.addf %add3A_308, %exp3A_306 : vector<16xf32>
      %div3A_310 = arith.divf %mul3A_302, %add3A_309 : vector<16xf32>
      %swap3A_311 = arith.index_cast %add3A_283 : i32 to index
      %swap3A_312 = arith.constant 0 : index
      %swap3A_313 = tpu.vector_load %arg17[%swap3A_311, %swap3A_312] {strides = array<i32>} : memref<80x16xf32, #tpu.memory_space<vmem>>, vector<1x16xf32>,
      %swap3A_314 = vector.shape_cast %swap3A_313 : vector<1x16xf32> to vector<16xf32>
      %swap3A_315 = vector.shape_cast %div3A_310 : vector<16xf32> to vector<1x16xf32>
      tpu.vector_store %arg17[%swap3A_311, %swap3A_312], %swap3A_315 {strides = array<i32>} : memref<80x16xf32, #tpu.memory_space<vmem>>, vector<1x16xf32>,
      %add3A_316 = arith.addf %add3A_279, %div3A_310 : vector<16xf32>
      %mul3A_317 = arith.mulf %div3A_310, %div3A_310 : vector<16xf32>
      %add3A_318 = arith.addf %add3A_281, %mul3A_317 : vector<16xf32>
      %add3A_319 = arith.constant 6 : i32
      %add3A_320 = arith.addi %mul3A_96, %add3A_319 : i32
      %get3A_321 = arith.index_cast %add3A_320 : i32 to index
      %get3A_322 = arith.constant 0 : index
      %get3A_323 = tpu.vector_load %arg14[%get3A_321, %get3A_322] {strides = array<i32>} : memref<80x16xf32, #tpu.memory_space<vmem>>, vector<1x16xf32>,
      %get3A_324 = vector.shape_cast %get3A_323 : vector<1x16xf32> to vector<16xf32>
      %get3A_325 = arith.index_cast %add3A_320 : i32 to index
      %get3A_326 = arith.constant 0 : index
      %get3A_327 = tpu.vector_load %arg15[%get3A_325, %get3A_326] {strides = array<i32>} : memref<80x16xf32, #tpu.memory_space<vmem>>, vector<1x16xf32>,
      %get3A_328 = vector.shape_cast %get3A_327 : vector<1x16xf32> to vector<16xf32>
      %add3A_329 = arith.addf %get3A_324, %get3A_328 : vector<16xf32>
      %slice3A_330 = vector.extract_strided_slice %get3A_101 {offsets = [6], sizes = [1], strides = [1]} : vector<16xf32> to vector<1xf32>
      %squeeze3A_331 = vector.extract %slice3A_330[0] : f32 from vector<1xf32>
      %mul3A_332 = vector.broadcast %squeeze3A_331 : f32 to vector<16xf32>
      %mul3A_333 = arith.mulf %mul3A_332, %get3A_6 : vector<16xf32>
      %add3A_334 = arith.addf %add3A_329, %mul3A_333 : vector<16xf32>
      %get3A_335 = arith.index_cast %add3A_320 : i32 to index
      %get3A_336 = arith.constant 0 : index
      %get3A_337 = tpu.vector_load %arg16[%get3A_335, %get3A_336] {strides = array<i32>} : memref<80x16xf32, #tpu.memory_space<vmem>>, vector<1x16xf32>,
      %get3A_338 = vector.shape_cast %get3A_337 : vector<1x16xf32> to vector<16xf32>
      %mul3A_339 = arith.mulf %add3A_334, %get3A_338 : vector<16xf32>
      %neg3A_340 = arith.constant 0.000000e+00 : f32
      %neg3A_341 = vector.broadcast %neg3A_340 : f32 to vector<16xf32>
      %neg3A_342 = arith.subf %neg3A_341, %mul3A_339 : vector<16xf32>
      %exp3A_343 = math.exp %neg3A_342 : vector<16xf32>
      %add3A_344 = arith.constant 1.000000e+00 : f32
      %add3A_345 = vector.broadcast %add3A_344 : f32 to vector<16xf32>
      %add3A_346 = arith.addf %add3A_345, %exp3A_343 : vector<16xf32>
      %div3A_347 = arith.divf %mul3A_339, %add3A_346 : vector<16xf32>
      %swap3A_348 = arith.index_cast %add3A_320 : i32 to index
      %swap3A_349 = arith.constant 0 : index
      %swap3A_350 = tpu.vector_load %arg17[%swap3A_348, %swap3A_349] {strides = array<i32>} : memref<80x16xf32, #tpu.memory_space<vmem>>, vector<1x16xf32>,
      %swap3A_351 = vector.shape_cast %swap3A_350 : vector<1x16xf32> to vector<16xf32>
      %swap3A_352 = vector.shape_cast %div3A_347 : vector<16xf32> to vector<1x16xf32>
      tpu.vector_store %arg17[%swap3A_348, %swap3A_349], %swap3A_352 {strides = array<i32>} : memref<80x16xf32, #tpu.memory_space<vmem>>, vector<1x16xf32>,
      %add3A_353 = arith.addf %add3A_316, %div3A_347 : vector<16xf32>
      %mul3A_354 = arith.mulf %div3A_347, %div3A_347 : vector<16xf32>
      %add3A_355 = arith.addf %add3A_318, %mul3A_354 : vector<16xf32>
      %add3A_356 = arith.constant 7 : i32
      %add3A_357 = arith.addi %mul3A_96, %add3A_356 : i32
      %get3A_358 = arith.index_cast %add3A_357 : i32 to index
      %get3A_359 = arith.constant 0 : index
      %get3A_360 = tpu.vector_load %arg14[%get3A_358, %get3A_359] {strides = array<i32>} : memref<80x16xf32, #tpu.memory_space<vmem>>, vector<1x16xf32>,
      %get3A_361 = vector.shape_cast %get3A_360 : vector<1x16xf32> to vector<16xf32>
      %get3A_362 = arith.index_cast %add3A_357 : i32 to index
      %get3A_363 = arith.constant 0 : index
      %get3A_364 = tpu.vector_load %arg15[%get3A_362, %get3A_363] {strides = array<i32>} : memref<80x16xf32, #tpu.memory_space<vmem>>, vector<1x16xf32>,
      %get3A_365 = vector.shape_cast %get3A_364 : vector<1x16xf32> to vector<16xf32>
      %add3A_366 = arith.addf %get3A_361, %get3A_365 : vector<16xf32>
      %slice3A_367 = vector.extract_strided_slice %get3A_101 {offsets = [7], sizes = [1], strides = [1]} : vector<16xf32> to vector<1xf32>
      %squeeze3A_368 = vector.extract %slice3A_367[0] : f32 from vector<1xf32>
      %mul3A_369 = vector.broadcast %squeeze3A_368 : f32 to vector<16xf32>
      %mul3A_370 = arith.mulf %mul3A_369, %get3A_6 : vector<16xf32>
      %add3A_371 = arith.addf %add3A_366, %mul3A_370 : vector<16xf32>
      %get3A_372 = arith.index_cast %add3A_357 : i32 to index
      %get3A_373 = arith.constant 0 : index
      %get3A_374 = tpu.vector_load %arg16[%get3A_372, %get3A_373] {strides = array<i32>} : memref<80x16xf32, #tpu.memory_space<vmem>>, vector<1x16xf32>,
      %get3A_375 = vector.shape_cast %get3A_374 : vector<1x16xf32> to vector<16xf32>
      %mul3A_376 = arith.mulf %add3A_371, %get3A_375 : vector<16xf32>
      %neg3A_377 = arith.constant 0.000000e+00 : f32
      %neg3A_378 = vector.broadcast %neg3A_377 : f32 to vector<16xf32>
      %neg3A_379 = arith.subf %neg3A_378, %mul3A_376 : vector<16xf32>
      %exp3A_380 = math.exp %neg3A_379 : vector<16xf32>
      %add3A_381 = arith.constant 1.000000e+00 : f32
      %add3A_382 = vector.broadcast %add3A_381 : f32 to vector<16xf32>
      %add3A_383 = arith.addf %add3A_382, %exp3A_380 : vector<16xf32>
      %div3A_384 = arith.divf %mul3A_376, %add3A_383 : vector<16xf32>
      %swap3A_385 = arith.index_cast %add3A_357 : i32 to index
      %swap3A_386 = arith.constant 0 : index
      %swap3A_387 = tpu.vector_load %arg17[%swap3A_385, %swap3A_386] {strides = array<i32>} : memref<80x16xf32, #tpu.memory_space<vmem>>, vector<1x16xf32>,
      %swap3A_388 = vector.shape_cast %swap3A_387 : vector<1x16xf32> to vector<16xf32>
      %swap3A_389 = vector.shape_cast %div3A_384 : vector<16xf32> to vector<1x16xf32>
      tpu.vector_store %arg17[%swap3A_385, %swap3A_386], %swap3A_389 {strides = array<i32>} : memref<80x16xf32, #tpu.memory_space<vmem>>, vector<1x16xf32>,
      %add3A_390 = arith.addf %add3A_353, %div3A_384 : vector<16xf32>
      %mul3A_391 = arith.mulf %div3A_384, %div3A_384 : vector<16xf32>
      %add3A_392 = arith.addf %add3A_355, %mul3A_391 : vector<16xf32>
      %add3A_393 = arith.constant 8 : i32
      %add3A_394 = arith.addi %mul3A_96, %add3A_393 : i32
      %get3A_395 = arith.index_cast %add3A_394 : i32 to index
      %get3A_396 = arith.constant 0 : index
      %get3A_397 = tpu.vector_load %arg14[%get3A_395, %get3A_396] {strides = array<i32>} : memref<80x16xf32, #tpu.memory_space<vmem>>, vector<1x16xf32>,
      %get3A_398 = vector.shape_cast %get3A_397 : vector<1x16xf32> to vector<16xf32>
      %get3A_399 = arith.index_cast %add3A_394 : i32 to index
      %get3A_400 = arith.constant 0 : index
      %get3A_401 = tpu.vector_load %arg15[%get3A_399, %get3A_400] {strides = array<i32>} : memref<80x16xf32, #tpu.memory_space<vmem>>, vector<1x16xf32>,
      %get3A_402 = vector.shape_cast %get3A_401 : vector<1x16xf32> to vector<16xf32>
      %add3A_403 = arith.addf %get3A_398, %get3A_402 : vector<16xf32>
      %slice3A_404 = vector.extract_strided_slice %get3A_101 {offsets = [8], sizes = [1], strides = [1]} : vector<16xf32> to vector<1xf32>
      %squeeze3A_405 = vector.extract %slice3A_404[0] : f32 from vector<1xf32>
      %mul3A_406 = vector.broadcast %squeeze3A_405 : f32 to vector<16xf32>
      %mul3A_407 = arith.mulf %mul3A_406, %get3A_6 : vector<16xf32>
      %add3A_408 = arith.addf %add3A_403, %mul3A_407 : vector<16xf32>
      %get3A_409 = arith.index_cast %add3A_394 : i32 to index
      %get3A_410 = arith.constant 0 : index
      %get3A_411 = tpu.vector_load %arg16[%get3A_409, %get3A_410] {strides = array<i32>} : memref<80x16xf32, #tpu.memory_space<vmem>>, vector<1x16xf32>,
      %get3A_412 = vector.shape_cast %get3A_411 : vector<1x16xf32> to vector<16xf32>
      %mul3A_413 = arith.mulf %add3A_408, %get3A_412 : vector<16xf32>
      %neg3A_414 = arith.constant 0.000000e+00 : f32
      %neg3A_415 = vector.broadcast %neg3A_414 : f32 to vector<16xf32>
      %neg3A_416 = arith.subf %neg3A_415, %mul3A_413 : vector<16xf32>
      %exp3A_417 = math.exp %neg3A_416 : vector<16xf32>
      %add3A_418 = arith.constant 1.000000e+00 : f32
      %add3A_419 = vector.broadcast %add3A_418 : f32 to vector<16xf32>
      %add3A_420 = arith.addf %add3A_419, %exp3A_417 : vector<16xf32>
      %div3A_421 = arith.divf %mul3A_413, %add3A_420 : vector<16xf32>
      %swap3A_422 = arith.index_cast %add3A_394 : i32 to index
      %swap3A_423 = arith.constant 0 : index
      %swap3A_424 = tpu.vector_load %arg17[%swap3A_422, %swap3A_423] {strides = array<i32>} : memref<80x16xf32, #tpu.memory_space<vmem>>, vector<1x16xf32>,
      %swap3A_425 = vector.shape_cast %swap3A_424 : vector<1x16xf32> to vector<16xf32>
      %swap3A_426 = vector.shape_cast %div3A_421 : vector<16xf32> to vector<1x16xf32>
      tpu.vector_store %arg17[%swap3A_422, %swap3A_423], %swap3A_426 {strides = array<i32>} : memref<80x16xf32, #tpu.memory_space<vmem>>, vector<1x16xf32>,
      %add3A_427 = arith.addf %add3A_390, %div3A_421 : vector<16xf32>
      %mul3A_428 = arith.mulf %div3A_421, %div3A_421 : vector<16xf32>
      %add3A_429 = arith.addf %add3A_392, %mul3A_428 : vector<16xf32>
      %add3A_430 = arith.constant 9 : i32
      %add3A_431 = arith.addi %mul3A_96, %add3A_430 : i32
      %get3A_432 = arith.index_cast %add3A_431 : i32 to index
      %get3A_433 = arith.constant 0 : index
      %get3A_434 = tpu.vector_load %arg14[%get3A_432, %get3A_433] {strides = array<i32>} : memref<80x16xf32, #tpu.memory_space<vmem>>, vector<1x16xf32>,
      %get3A_435 = vector.shape_cast %get3A_434 : vector<1x16xf32> to vector<16xf32>
      %get3A_436 = arith.index_cast %add3A_431 : i32 to index
      %get3A_437 = arith.constant 0 : index
      %get3A_438 = tpu.vector_load %arg15[%get3A_436, %get3A_437] {strides = array<i32>} : memref<80x16xf32, #tpu.memory_space<vmem>>, vector<1x16xf32>,
      %get3A_439 = vector.shape_cast %get3A_438 : vector<1x16xf32> to vector<16xf32>
      %add3A_440 = arith.addf %get3A_435, %get3A_439 : vector<16xf32>
      %slice3A_441 = vector.extract_strided_slice %get3A_101 {offsets = [9], sizes = [1], strides = [1]} : vector<16xf32> to vector<1xf32>
      %squeeze3A_442 = vector.extract %slice3A_441[0] : f32 from vector<1xf32>
      %mul3A_443 = vector.broadcast %squeeze3A_442 : f32 to vector<16xf32>
      %mul3A_444 = arith.mulf %mul3A_443, %get3A_6 : vector<16xf32>
      %add3A_445 = arith.addf %add3A_440, %mul3A_444 : vector<16xf32>
      %get3A_446 = arith.index_cast %add3A_431 : i32 to index
      %get3A_447 = arith.constant 0 : index
      %get3A_448 = tpu.vector_load %arg16[%get3A_446, %get3A_447] {strides = array<i32>} : memref<80x16xf32, #tpu.memory_space<vmem>>, vector<1x16xf32>,
      %get3A_449 = vector.shape_cast %get3A_448 : vector<1x16xf32> to vector<16xf32>
      %mul3A_450 = arith.mulf %add3A_445, %get3A_449 : vector<16xf32>
      %neg3A_451 = arith.constant 0.000000e+00 : f32
      %neg3A_452 = vector.broadcast %neg3A_451 : f32 to vector<16xf32>
      %neg3A_453 = arith.subf %neg3A_452, %mul3A_450 : vector<16xf32>
      %exp3A_454 = math.exp %neg3A_453 : vector<16xf32>
      %add3A_455 = arith.constant 1.000000e+00 : f32
      %add3A_456 = vector.broadcast %add3A_455 : f32 to vector<16xf32>
      %add3A_457 = arith.addf %add3A_456, %exp3A_454 : vector<16xf32>
      %div3A_458 = arith.divf %mul3A_450, %add3A_457 : vector<16xf32>
      %swap3A_459 = arith.index_cast %add3A_431 : i32 to index
      %swap3A_460 = arith.constant 0 : index
      %swap3A_461 = tpu.vector_load %arg17[%swap3A_459, %swap3A_460] {strides = array<i32>} : memref<80x16xf32, #tpu.memory_space<vmem>>, vector<1x16xf32>,
      %swap3A_462 = vector.shape_cast %swap3A_461 : vector<1x16xf32> to vector<16xf32>
      %swap3A_463 = vector.shape_cast %div3A_458 : vector<16xf32> to vector<1x16xf32>
      tpu.vector_store %arg17[%swap3A_459, %swap3A_460], %swap3A_463 {strides = array<i32>} : memref<80x16xf32, #tpu.memory_space<vmem>>, vector<1x16xf32>,
      %add3A_464 = arith.addf %add3A_427, %div3A_458 : vector<16xf32>
      %mul3A_465 = arith.mulf %div3A_458, %div3A_458 : vector<16xf32>
      %add3A_466 = arith.addf %add3A_429, %mul3A_465 : vector<16xf32>
      %add3A_467 = arith.constant 10 : i32
      %add3A_468 = arith.addi %mul3A_96, %add3A_467 : i32
      %get3A_469 = arith.index_cast %add3A_468 : i32 to index
      %get3A_470 = arith.constant 0 : index
      %get3A_471 = tpu.vector_load %arg14[%get3A_469, %get3A_470] {strides = array<i32>} : memref<80x16xf32, #tpu.memory_space<vmem>>, vector<1x16xf32>,
      %get3A_472 = vector.shape_cast %get3A_471 : vector<1x16xf32> to vector<16xf32>
      %get3A_473 = arith.index_cast %add3A_468 : i32 to index
      %get3A_474 = arith.constant 0 : index
      %get3A_475 = tpu.vector_load %arg15[%get3A_473, %get3A_474] {strides = array<i32>} : memref<80x16xf32, #tpu.memory_space<vmem>>, vector<1x16xf32>,
      %get3A_476 = vector.shape_cast %get3A_475 : vector<1x16xf32> to vector<16xf32>
      %add3A_477 = arith.addf %get3A_472, %get3A_476 : vector<16xf32>
      %slice3A_478 = vector.extract_strided_slice %get3A_101 {offsets = [10], sizes = [1], strides = [1]} : vector<16xf32> to vector<1xf32>
      %squeeze3A_479 = vector.extract %slice3A_478[0] : f32 from vector<1xf32>
      %mul3A_480 = vector.broadcast %squeeze3A_479 : f32 to vector<16xf32>
      %mul3A_481 = arith.mulf %mul3A_480, %get3A_6 : vector<16xf32>
      %add3A_482 = arith.addf %add3A_477, %mul3A_481 : vector<16xf32>
      %get3A_483 = arith.index_cast %add3A_468 : i32 to index
      %get3A_484 = arith.constant 0 : index
      %get3A_485 = tpu.vector_load %arg16[%get3A_483, %get3A_484] {strides = array<i32>} : memref<80x16xf32, #tpu.memory_space<vmem>>, vector<1x16xf32>,
      %get3A_486 = vector.shape_cast %get3A_485 : vector<1x16xf32> to vector<16xf32>
      %mul3A_487 = arith.mulf %add3A_482, %get3A_486 : vector<16xf32>
      %neg3A_488 = arith.constant 0.000000e+00 : f32
      %neg3A_489 = vector.broadcast %neg3A_488 : f32 to vector<16xf32>
      %neg3A_490 = arith.subf %neg3A_489, %mul3A_487 : vector<16xf32>
      %exp3A_491 = math.exp %neg3A_490 : vector<16xf32>
      %add3A_492 = arith.constant 1.000000e+00 : f32
      %add3A_493 = vector.broadcast %add3A_492 : f32 to vector<16xf32>
      %add3A_494 = arith.addf %add3A_493, %exp3A_491 : vector<16xf32>
      %div3A_495 = arith.divf %mul3A_487, %add3A_494 : vector<16xf32>
      %swap3A_496 = arith.index_cast %add3A_468 : i32 to index
      %swap3A_497 = arith.constant 0 : index
      %swap3A_498 = tpu.vector_load %arg17[%swap3A_496, %swap3A_497] {strides = array<i32>} : memref<80x16xf32, #tpu.memory_space<vmem>>, vector<1x16xf32>,
      %swap3A_499 = vector.shape_cast %swap3A_498 : vector<1x16xf32> to vector<16xf32>
      %swap3A_500 = vector.shape_cast %div3A_495 : vector<16xf32> to vector<1x16xf32>
      tpu.vector_store %arg17[%swap3A_496, %swap3A_497], %swap3A_500 {strides = array<i32>} : memref<80x16xf32, #tpu.memory_space<vmem>>, vector<1x16xf32>,
      %add3A_501 = arith.addf %add3A_464, %div3A_495 : vector<16xf32>
      %mul3A_502 = arith.mulf %div3A_495, %div3A_495 : vector<16xf32>
      %add3A_503 = arith.addf %add3A_466, %mul3A_502 : vector<16xf32>
      %add3A_504 = arith.constant 11 : i32
      %add3A_505 = arith.addi %mul3A_96, %add3A_504 : i32
      %get3A_506 = arith.index_cast %add3A_505 : i32 to index
      %get3A_507 = arith.constant 0 : index
      %get3A_508 = tpu.vector_load %arg14[%get3A_506, %get3A_507] {strides = array<i32>} : memref<80x16xf32, #tpu.memory_space<vmem>>, vector<1x16xf32>,
      %get3A_509 = vector.shape_cast %get3A_508 : vector<1x16xf32> to vector<16xf32>
      %get3A_510 = arith.index_cast %add3A_505 : i32 to index
      %get3A_511 = arith.constant 0 : index
      %get3A_512 = tpu.vector_load %arg15[%get3A_510, %get3A_511] {strides = array<i32>} : memref<80x16xf32, #tpu.memory_space<vmem>>, vector<1x16xf32>,
      %get3A_513 = vector.shape_cast %get3A_512 : vector<1x16xf32> to vector<16xf32>
      %add3A_514 = arith.addf %get3A_509, %get3A_513 : vector<16xf32>
      %slice3A_515 = vector.extract_strided_slice %get3A_101 {offsets = [11], sizes = [1], strides = [1]} : vector<16xf32> to vector<1xf32>
      %squeeze3A_516 = vector.extract %slice3A_515[0] : f32 from vector<1xf32>
      %mul3A_517 = vector.broadcast %squeeze3A_516 : f32 to vector<16xf32>
      %mul3A_518 = arith.mulf %mul3A_517, %get3A_6 : vector<16xf32>
      %add3A_519 = arith.addf %add3A_514, %mul3A_518 : vector<16xf32>
      %get3A_520 = arith.index_cast %add3A_505 : i32 to index
      %get3A_521 = arith.constant 0 : index
      %get3A_522 = tpu.vector_load %arg16[%get3A_520, %get3A_521] {strides = array<i32>} : memref<80x16xf32, #tpu.memory_space<vmem>>, vector<1x16xf32>,
      %get3A_523 = vector.shape_cast %get3A_522 : vector<1x16xf32> to vector<16xf32>
      %mul3A_524 = arith.mulf %add3A_519, %get3A_523 : vector<16xf32>
      %neg3A_525 = arith.constant 0.000000e+00 : f32
      %neg3A_526 = vector.broadcast %neg3A_525 : f32 to vector<16xf32>
      %neg3A_527 = arith.subf %neg3A_526, %mul3A_524 : vector<16xf32>
      %exp3A_528 = math.exp %neg3A_527 : vector<16xf32>
      %add3A_529 = arith.constant 1.000000e+00 : f32
      %add3A_530 = vector.broadcast %add3A_529 : f32 to vector<16xf32>
      %add3A_531 = arith.addf %add3A_530, %exp3A_528 : vector<16xf32>
      %div3A_532 = arith.divf %mul3A_524, %add3A_531 : vector<16xf32>
      %swap3A_533 = arith.index_cast %add3A_505 : i32 to index
      %swap3A_534 = arith.constant 0 : index
      %swap3A_535 = tpu.vector_load %arg17[%swap3A_533, %swap3A_534] {strides = array<i32>} : memref<80x16xf32, #tpu.memory_space<vmem>>, vector<1x16xf32>,
      %swap3A_536 = vector.shape_cast %swap3A_535 : vector<1x16xf32> to vector<16xf32>
      %swap3A_537 = vector.shape_cast %div3A_532 : vector<16xf32> to vector<1x16xf32>
      tpu.vector_store %arg17[%swap3A_533, %swap3A_534], %swap3A_537 {strides = array<i32>} : memref<80x16xf32, #tpu.memory_space<vmem>>, vector<1x16xf32>,
      %add3A_538 = arith.addf %add3A_501, %div3A_532 : vector<16xf32>
      %mul3A_539 = arith.mulf %div3A_532, %div3A_532 : vector<16xf32>
      %add3A_540 = arith.addf %add3A_503, %mul3A_539 : vector<16xf32>
      %add3A_541 = arith.constant 12 : i32
      %add3A_542 = arith.addi %mul3A_96, %add3A_541 : i32
      %get3A_543 = arith.index_cast %add3A_542 : i32 to index
      %get3A_544 = arith.constant 0 : index
      %get3A_545 = tpu.vector_load %arg14[%get3A_543, %get3A_544] {strides = array<i32>} : memref<80x16xf32, #tpu.memory_space<vmem>>, vector<1x16xf32>,
      %get3A_546 = vector.shape_cast %get3A_545 : vector<1x16xf32> to vector<16xf32>
      %get3A_547 = arith.index_cast %add3A_542 : i32 to index
      %get3A_548 = arith.constant 0 : index
      %get3A_549 = tpu.vector_load %arg15[%get3A_547, %get3A_548] {strides = array<i32>} : memref<80x16xf32, #tpu.memory_space<vmem>>, vector<1x16xf32>,
      %get3A_550 = vector.shape_cast %get3A_549 : vector<1x16xf32> to vector<16xf32>
      %add3A_551 = arith.addf %get3A_546, %get3A_550 : vector<16xf32>
      %slice3A_552 = vector.extract_strided_slice %get3A_101 {offsets = [12], sizes = [1], strides = [1]} : vector<16xf32> to vector<1xf32>
      %squeeze3A_553 = vector.extract %slice3A_552[0] : f32 from vector<1xf32>
      %mul3A_554 = vector.broadcast %squeeze3A_553 : f32 to vector<16xf32>
      %mul3A_555 = arith.mulf %mul3A_554, %get3A_6 : vector<16xf32>
      %add3A_556 = arith.addf %add3A_551, %mul3A_555 : vector<16xf32>
      %get3A_557 = arith.index_cast %add3A_542 : i32 to index
      %get3A_558 = arith.constant 0 : index
      %get3A_559 = tpu.vector_load %arg16[%get3A_557, %get3A_558] {strides = array<i32>} : memref<80x16xf32, #tpu.memory_space<vmem>>, vector<1x16xf32>,
      %get3A_560 = vector.shape_cast %get3A_559 : vector<1x16xf32> to vector<16xf32>
      %mul3A_561 = arith.mulf %add3A_556, %get3A_560 : vector<16xf32>
      %neg3A_562 = arith.constant 0.000000e+00 : f32
      %neg3A_563 = vector.broadcast %neg3A_562 : f32 to vector<16xf32>
      %neg3A_564 = arith.subf %neg3A_563, %mul3A_561 : vector<16xf32>
      %exp3A_565 = math.exp %neg3A_564 : vector<16xf32>
      %add3A_566 = arith.constant 1.000000e+00 : f32
      %add3A_567 = vector.broadcast %add3A_566 : f32 to vector<16xf32>
      %add3A_568 = arith.addf %add3A_567, %exp3A_565 : vector<16xf32>
      %div3A_569 = arith.divf %mul3A_561, %add3A_568 : vector<16xf32>
      %swap3A_570 = arith.index_cast %add3A_542 : i32 to index
      %swap3A_571 = arith.constant 0 : index
      %swap3A_572 = tpu.vector_load %arg17[%swap3A_570, %swap3A_571] {strides = array<i32>} : memref<80x16xf32, #tpu.memory_space<vmem>>, vector<1x16xf32>,
      %swap3A_573 = vector.shape_cast %swap3A_572 : vector<1x16xf32> to vector<16xf32>
      %swap3A_574 = vector.shape_cast %div3A_569 : vector<16xf32> to vector<1x16xf32>
      tpu.vector_store %arg17[%swap3A_570, %swap3A_571], %swap3A_574 {strides = array<i32>} : memref<80x16xf32, #tpu.memory_space<vmem>>, vector<1x16xf32>,
      %add3A_575 = arith.addf %add3A_538, %div3A_569 : vector<16xf32>
      %mul3A_576 = arith.mulf %div3A_569, %div3A_569 : vector<16xf32>
      %add3A_577 = arith.addf %add3A_540, %mul3A_576 : vector<16xf32>
      %add3A_578 = arith.constant 13 : i32
      %add3A_579 = arith.addi %mul3A_96, %add3A_578 : i32
      %get3A_580 = arith.index_cast %add3A_579 : i32 to index
      %get3A_581 = arith.constant 0 : index
      %get3A_582 = tpu.vector_load %arg14[%get3A_580, %get3A_581] {strides = array<i32>} : memref<80x16xf32, #tpu.memory_space<vmem>>, vector<1x16xf32>,
      %get3A_583 = vector.shape_cast %get3A_582 : vector<1x16xf32> to vector<16xf32>
      %get3A_584 = arith.index_cast %add3A_579 : i32 to index
      %get3A_585 = arith.constant 0 : index
      %get3A_586 = tpu.vector_load %arg15[%get3A_584, %get3A_585] {strides = array<i32>} : memref<80x16xf32, #tpu.memory_space<vmem>>, vector<1x16xf32>,
      %get3A_587 = vector.shape_cast %get3A_586 : vector<1x16xf32> to vector<16xf32>
      %add3A_588 = arith.addf %get3A_583, %get3A_587 : vector<16xf32>
      %slice3A_589 = vector.extract_strided_slice %get3A_101 {offsets = [13], sizes = [1], strides = [1]} : vector<16xf32> to vector<1xf32>
      %squeeze3A_590 = vector.extract %slice3A_589[0] : f32 from vector<1xf32>
      %mul3A_591 = vector.broadcast %squeeze3A_590 : f32 to vector<16xf32>
      %mul3A_592 = arith.mulf %mul3A_591, %get3A_6 : vector<16xf32>
      %add3A_593 = arith.addf %add3A_588, %mul3A_592 : vector<16xf32>
      %get3A_594 = arith.index_cast %add3A_579 : i32 to index
      %get3A_595 = arith.constant 0 : index
      %get3A_596 = tpu.vector_load %arg16[%get3A_594, %get3A_595] {strides = array<i32>} : memref<80x16xf32, #tpu.memory_space<vmem>>, vector<1x16xf32>,
      %get3A_597 = vector.shape_cast %get3A_596 : vector<1x16xf32> to vector<16xf32>
      %mul3A_598 = arith.mulf %add3A_593, %get3A_597 : vector<16xf32>
      %neg3A_599 = arith.constant 0.000000e+00 : f32
      %neg3A_600 = vector.broadcast %neg3A_599 : f32 to vector<16xf32>
      %neg3A_601 = arith.subf %neg3A_600, %mul3A_598 : vector<16xf32>
      %exp3A_602 = math.exp %neg3A_601 : vector<16xf32>
      %add3A_603 = arith.constant 1.000000e+00 : f32
      %add3A_604 = vector.broadcast %add3A_603 : f32 to vector<16xf32>
      %add3A_605 = arith.addf %add3A_604, %exp3A_602 : vector<16xf32>
      %div3A_606 = arith.divf %mul3A_598, %add3A_605 : vector<16xf32>
      %swap3A_607 = arith.index_cast %add3A_579 : i32 to index
      %swap3A_608 = arith.constant 0 : index
      %swap3A_609 = tpu.vector_load %arg17[%swap3A_607, %swap3A_608] {strides = array<i32>} : memref<80x16xf32, #tpu.memory_space<vmem>>, vector<1x16xf32>,
      %swap3A_610 = vector.shape_cast %swap3A_609 : vector<1x16xf32> to vector<16xf32>
      %swap3A_611 = vector.shape_cast %div3A_606 : vector<16xf32> to vector<1x16xf32>
      tpu.vector_store %arg17[%swap3A_607, %swap3A_608], %swap3A_611 {strides = array<i32>} : memref<80x16xf32, #tpu.memory_space<vmem>>, vector<1x16xf32>,
      %add3A_612 = arith.addf %add3A_575, %div3A_606 : vector<16xf32>
      %mul3A_613 = arith.mulf %div3A_606, %div3A_606 : vector<16xf32>
      %add3A_614 = arith.addf %add3A_577, %mul3A_613 : vector<16xf32>
      %add3A_615 = arith.constant 14 : i32
      %add3A_616 = arith.addi %mul3A_96, %add3A_615 : i32
      %get3A_617 = arith.index_cast %add3A_616 : i32 to index
      %get3A_618 = arith.constant 0 : index
      %get3A_619 = tpu.vector_load %arg14[%get3A_617, %get3A_618] {strides = array<i32>} : memref<80x16xf32, #tpu.memory_space<vmem>>, vector<1x16xf32>,
      %get3A_620 = vector.shape_cast %get3A_619 : vector<1x16xf32> to vector<16xf32>
      %get3A_621 = arith.index_cast %add3A_616 : i32 to index
      %get3A_622 = arith.constant 0 : index
      %get3A_623 = tpu.vector_load %arg15[%get3A_621, %get3A_622] {strides = array<i32>} : memref<80x16xf32, #tpu.memory_space<vmem>>, vector<1x16xf32>,
      %get3A_624 = vector.shape_cast %get3A_623 : vector<1x16xf32> to vector<16xf32>
      %add3A_625 = arith.addf %get3A_620, %get3A_624 : vector<16xf32>
      %slice3A_626 = vector.extract_strided_slice %get3A_101 {offsets = [14], sizes = [1], strides = [1]} : vector<16xf32> to vector<1xf32>
      %squeeze3A_627 = vector.extract %slice3A_626[0] : f32 from vector<1xf32>
      %mul3A_628 = vector.broadcast %squeeze3A_627 : f32 to vector<16xf32>
      %mul3A_629 = arith.mulf %mul3A_628, %get3A_6 : vector<16xf32>
      %add3A_630 = arith.addf %add3A_625, %mul3A_629 : vector<16xf32>
      %get3A_631 = arith.index_cast %add3A_616 : i32 to index
      %get3A_632 = arith.constant 0 : index
      %get3A_633 = tpu.vector_load %arg16[%get3A_631, %get3A_632] {strides = array<i32>} : memref<80x16xf32, #tpu.memory_space<vmem>>, vector<1x16xf32>,
      %get3A_634 = vector.shape_cast %get3A_633 : vector<1x16xf32> to vector<16xf32>
      %mul3A_635 = arith.mulf %add3A_630, %get3A_634 : vector<16xf32>
      %neg3A_636 = arith.constant 0.000000e+00 : f32
      %neg3A_637 = vector.broadcast %neg3A_636 : f32 to vector<16xf32>
      %neg3A_638 = arith.subf %neg3A_637, %mul3A_635 : vector<16xf32>
      %exp3A_639 = math.exp %neg3A_638 : vector<16xf32>
      %add3A_640 = arith.constant 1.000000e+00 : f32
      %add3A_641 = vector.broadcast %add3A_640 : f32 to vector<16xf32>
      %add3A_642 = arith.addf %add3A_641, %exp3A_639 : vector<16xf32>
      %div3A_643 = arith.divf %mul3A_635, %add3A_642 : vector<16xf32>
      %swap3A_644 = arith.index_cast %add3A_616 : i32 to index
      %swap3A_645 = arith.constant 0 : index
      %swap3A_646 = tpu.vector_load %arg17[%swap3A_644, %swap3A_645] {strides = array<i32>} : memref<80x16xf32, #tpu.memory_space<vmem>>, vector<1x16xf32>,
      %swap3A_647 = vector.shape_cast %swap3A_646 : vector<1x16xf32> to vector<16xf32>
      %swap3A_648 = vector.shape_cast %div3A_643 : vector<16xf32> to vector<1x16xf32>
      tpu.vector_store %arg17[%swap3A_644, %swap3A_645], %swap3A_648 {strides = array<i32>} : memref<80x16xf32, #tpu.memory_space<vmem>>, vector<1x16xf32>,
      %add3A_649 = arith.addf %add3A_612, %div3A_643 : vector<16xf32>
      %mul3A_650 = arith.mulf %div3A_643, %div3A_643 : vector<16xf32>
      %add3A_651 = arith.addf %add3A_614, %mul3A_650 : vector<16xf32>
      %add3A_652 = arith.constant 15 : i32
      %add3A_653 = arith.addi %mul3A_96, %add3A_652 : i32
      %get3A_654 = arith.index_cast %add3A_653 : i32 to index
      %get3A_655 = arith.constant 0 : index
      %get3A_656 = tpu.vector_load %arg14[%get3A_654, %get3A_655] {strides = array<i32>} : memref<80x16xf32, #tpu.memory_space<vmem>>, vector<1x16xf32>,
      %get3A_657 = vector.shape_cast %get3A_656 : vector<1x16xf32> to vector<16xf32>
      %get3A_658 = arith.index_cast %add3A_653 : i32 to index
      %get3A_659 = arith.constant 0 : index
      %get3A_660 = tpu.vector_load %arg15[%get3A_658, %get3A_659] {strides = array<i32>} : memref<80x16xf32, #tpu.memory_space<vmem>>, vector<1x16xf32>,
      %get3A_661 = vector.shape_cast %get3A_660 : vector<1x16xf32> to vector<16xf32>
      %add3A_662 = arith.addf %get3A_657, %get3A_661 : vector<16xf32>
      %slice3A_663 = vector.extract_strided_slice %get3A_101 {offsets = [15], sizes = [1], strides = [1]} : vector<16xf32> to vector<1xf32>
      %squeeze3A_664 = vector.extract %slice3A_663[0] : f32 from vector<1xf32>
      %mul3A_665 = vector.broadcast %squeeze3A_664 : f32 to vector<16xf32>
      %mul3A_666 = arith.mulf %mul3A_665, %get3A_6 : vector<16xf32>
      %add3A_667 = arith.addf %add3A_662, %mul3A_666 : vector<16xf32>
      %get3A_668 = arith.index_cast %add3A_653 : i32 to index
      %get3A_669 = arith.constant 0 : index
      %get3A_670 = tpu.vector_load %arg16[%get3A_668, %get3A_669] {strides = array<i32>} : memref<80x16xf32, #tpu.memory_space<vmem>>, vector<1x16xf32>,
      %get3A_671 = vector.shape_cast %get3A_670 : vector<1x16xf32> to vector<16xf32>
      %mul3A_672 = arith.mulf %add3A_667, %get3A_671 : vector<16xf32>
      %neg3A_673 = arith.constant 0.000000e+00 : f32
      %neg3A_674 = vector.broadcast %neg3A_673 : f32 to vector<16xf32>
      %neg3A_675 = arith.subf %neg3A_674, %mul3A_672 : vector<16xf32>
      %exp3A_676 = math.exp %neg3A_675 : vector<16xf32>
      %add3A_677 = arith.constant 1.000000e+00 : f32
      %add3A_678 = vector.broadcast %add3A_677 : f32 to vector<16xf32>
      %add3A_679 = arith.addf %add3A_678, %exp3A_676 : vector<16xf32>
      %div3A_680 = arith.divf %mul3A_672, %add3A_679 : vector<16xf32>
      %swap3A_681 = arith.index_cast %add3A_653 : i32 to index
      %swap3A_682 = arith.constant 0 : index
      %swap3A_683 = tpu.vector_load %arg17[%swap3A_681, %swap3A_682] {strides = array<i32>} : memref<80x16xf32, #tpu.memory_space<vmem>>, vector<1x16xf32>,
      %swap3A_684 = vector.shape_cast %swap3A_683 : vector<1x16xf32> to vector<16xf32>
      %swap3A_685 = vector.shape_cast %div3A_680 : vector<16xf32> to vector<1x16xf32>
      tpu.vector_store %arg17[%swap3A_681, %swap3A_682], %swap3A_685 {strides = array<i32>} : memref<80x16xf32, #tpu.memory_space<vmem>>, vector<1x16xf32>,
      %add3A_686 = arith.addf %add3A_649, %div3A_680 : vector<16xf32>
      %mul3A_687 = arith.mulf %div3A_680, %div3A_680 : vector<16xf32>
      %add3A_688 = arith.addf %add3A_651, %mul3A_687 : vector<16xf32>
      scf.yield %add3A_686, %add3A_688 : vector<16xf32>, vector<16xf32>
    }
    %scan3A_72 = arith.constant 5 : i32
    %add3A_73 = arith.constant 9920 : i32
    %add3A_74 = arith.addi %mul3A_2, %add3A_73 : i32
    "tpu.region"() ({
      %run_scoped3A = tpu.sem_alloc : memref<!tpu.dma_semaphore, #tpu.memory_space<semaphore_mem>>
      %dma_start3A_92 = arith.constant 0 : i32
      %dma_start3A_93 = tpu.memref_slice %arg9[%add3A_74, %dma_start3A_92] : memref<320000x16xf32, #tpu.memory_space<hbm>> -> memref<80x16xf32, #tpu.memory_space<hbm>>
      %dma_start3A_94 = arith.constant 0 : i32
      %dma_start3A_95 = tpu.memref_slice %arg9[%add3A_74, %dma_start3A_94] : memref<320000x16xf32, #tpu.memory_space<hbm>> -> memref<80x16xf32, #tpu.memory_space<hbm>>
      tpu.enqueue_dma source(%arg17 : memref<80x16xf32, #tpu.memory_space<vmem>>) target(%dma_start3A_95 : memref<80x16xf32, #tpu.memory_space<hbm>>) target_semaphore(%run_scoped3A : memref<!tpu.dma_semaphore, #tpu.memory_space<semaphore_mem>>)
      %dma_wait3A_96 = arith.constant 0 : i32
      %dma_wait3A_97 = tpu.memref_slice %arg9[%add3A_74, %dma_wait3A_96] : memref<320000x16xf32, #tpu.memory_space<hbm>> -> memref<80x16xf32, #tpu.memory_space<hbm>>
      %dma_wait3A_98 = arith.constant 0 : i32
      %dma_wait3A_99 = tpu.memref_slice %arg9[%add3A_74, %dma_wait3A_98] : memref<320000x16xf32, #tpu.memory_space<hbm>> -> memref<80x16xf32, #tpu.memory_space<hbm>>
      tpu.wait_dma2 semaphore(%run_scoped3A : memref<!tpu.dma_semaphore, #tpu.memory_space<semaphore_mem>>) src(%arg17 : memref<80x16xf32, #tpu.memory_space<vmem>>) dst(%dma_wait3A_99 : memref<80x16xf32, #tpu.memory_space<hbm>>)
      tpu.yield
    }) : () -> ()
    %dma_wait3A_75 = arith.constant 0 : i32
    %dma_wait3A_76 = arith.constant 0 : i32
    %dma_wait3A_77 = tpu.memref_slice %arg9[%dma_wait3A_75, %dma_wait3A_76] : memref<320000x16xf32, #tpu.memory_space<hbm>> -> memref<80x16xf32, #tpu.memory_space<hbm>>
    %dma_wait3A_78 = arith.constant 0 : i32
    %dma_wait3A_79 = arith.constant 0 : i32
    %dma_wait3A_80 = tpu.memref_slice %arg9[%dma_wait3A_78, %dma_wait3A_79] : memref<320000x16xf32, #tpu.memory_space<hbm>> -> memref<80x16xf32, #tpu.memory_space<hbm>>
    tpu.wait_dma2 semaphore(%arg31 : memref<!tpu.dma_semaphore, #tpu.memory_space<semaphore_mem>>) src(%arg21 : memref<80x16xf32, #tpu.memory_space<vmem>>) dst(%dma_wait3A_80 : memref<80x16xf32, #tpu.memory_space<hbm>>)
    %swap3A = arith.constant 0 : i32
    %swap3A_81 = arith.index_cast %swap3A : i32 to index
    %swap3A_82 = arith.constant 0 : index
    %swap3A_83 = tpu.vector_load %arg23[%swap3A_81, %swap3A_82] {strides = array<i32>} : memref<2x16xf32, #tpu.memory_space<vmem>>, vector<1x16xf32>,
    %swap3A_84 = vector.shape_cast %swap3A_83 : vector<1x16xf32> to vector<16xf32>
    %swap3A_85 = vector.shape_cast %scan3A_71#0 : vector<16xf32> to vector<1x16xf32>
    tpu.vector_store %arg23[%swap3A_81, %swap3A_82], %swap3A_85 {strides = array<i32>} : memref<2x16xf32, #tpu.memory_space<vmem>>, vector<1x16xf32>,
    %swap3A_86 = arith.constant 1 : i32
    %swap3A_87 = arith.index_cast %swap3A_86 : i32 to index
    %swap3A_88 = arith.constant 0 : index
    %swap3A_89 = tpu.vector_load %arg23[%swap3A_87, %swap3A_88] {strides = array<i32>} : memref<2x16xf32, #tpu.memory_space<vmem>>, vector<1x16xf32>,
    %swap3A_90 = vector.shape_cast %swap3A_89 : vector<1x16xf32> to vector<16xf32>
    %swap3A_91 = vector.shape_cast %scan3A_71#1 : vector<16xf32> to vector<1x16xf32>
    tpu.vector_store %arg23[%swap3A_87, %swap3A_88], %swap3A_91 {strides = array<i32>} : memref<2x16xf32, #tpu.memory_space<vmem>>, vector<1x16xf32>,
    "tpu.region"() ({
      %run_scoped3A = tpu.sem_alloc : memref<!tpu.dma_semaphore, #tpu.memory_space<semaphore_mem>>
      %dma_start3A_92 = arith.constant 0 : i32
      %dma_start3A_93 = arith.constant 0 : i32
      %dma_start3A_94 = tpu.memref_slice %arg10[%add3A, %dma_start3A_92, %dma_start3A_93] : memref<32x2x16xf32, #tpu.memory_space<hbm>> -> memref<1x2x16xf32, #tpu.memory_space<hbm>>
      %dma_start3A_95 = tpu.memref_squeeze %dma_start3A_94 : memref<1x2x16xf32, #tpu.memory_space<hbm>> -> memref<2x16xf32, #tpu.memory_space<hbm>>
      %dma_start3A_96 = arith.constant 0 : i32
      %dma_start3A_97 = arith.constant 0 : i32
      %dma_start3A_98 = tpu.memref_slice %arg10[%add3A, %dma_start3A_96, %dma_start3A_97] : memref<32x2x16xf32, #tpu.memory_space<hbm>> -> memref<1x2x16xf32, #tpu.memory_space<hbm>>
      %dma_start3A_99 = tpu.memref_squeeze %dma_start3A_98 : memref<1x2x16xf32, #tpu.memory_space<hbm>> -> memref<2x16xf32, #tpu.memory_space<hbm>>
      tpu.enqueue_dma source(%arg23 : memref<2x16xf32, #tpu.memory_space<vmem>>) target(%dma_start3A_99 : memref<2x16xf32, #tpu.memory_space<hbm>>) target_semaphore(%run_scoped3A : memref<!tpu.dma_semaphore, #tpu.memory_space<semaphore_mem>>)
      %dma_wait3A_100 = arith.constant 0 : i32
      %dma_wait3A_101 = arith.constant 0 : i32
      %dma_wait3A_102 = tpu.memref_slice %arg10[%add3A, %dma_wait3A_100, %dma_wait3A_101] : memref<32x2x16xf32, #tpu.memory_space<hbm>> -> memref<1x2x16xf32, #tpu.memory_space<hbm>>
      %dma_wait3A_103 = tpu.memref_squeeze %dma_wait3A_102 : memref<1x2x16xf32, #tpu.memory_space<hbm>> -> memref<2x16xf32, #tpu.memory_space<hbm>>
      %dma_wait3A_104 = arith.constant 0 : i32
      %dma_wait3A_105 = arith.constant 0 : i32
      %dma_wait3A_106 = tpu.memref_slice %arg10[%add3A, %dma_wait3A_104, %dma_wait3A_105] : memref<32x2x16xf32, #tpu.memory_space<hbm>> -> memref<1x2x16xf32, #tpu.memory_space<hbm>>
      %dma_wait3A_107 = tpu.memref_squeeze %dma_wait3A_106 : memref<1x2x16xf32, #tpu.memory_space<hbm>> -> memref<2x16xf32, #tpu.memory_space<hbm>>
      tpu.wait_dma2 semaphore(%run_scoped3A : memref<!tpu.dma_semaphore, #tpu.memory_space<semaphore_mem>>) src(%arg23 : memref<2x16xf32, #tpu.memory_space<vmem>>) dst(%dma_wait3A_107 : memref<2x16xf32, #tpu.memory_space<hbm>>)
      tpu.yield
    }) : () -> ()
    return
  }
}

module attributes {stable_mosaic.version = 14 : i64} {
  func.func @_proj_body(%arg0: memref<10000x128xf32, #tpu.memory_space<vmem>>, %arg1: memref<128x16xf32, #tpu.memory_space<vmem>>, %arg2: memref<128x16xf32, #tpu.memory_space<vmem>>, %arg3: memref<128x128xf32, #tpu.memory_space<vmem>>, %arg4: memref<10000x16xf32, #tpu.memory_space<vmem>>, %arg5: memref<10000x16xf32, #tpu.memory_space<vmem>>, %arg6: memref<10000x128xf32, #tpu.memory_space<vmem>>) attributes {dimension_semantics = [], scalar_prefetch = 0 : i64, scratch_operands = 0 : i64, tpu.core_type = #tpu.core_type<tc>} {
    %get3A = arith.constant 0 : index
    %get3A_0 = arith.constant 0 : index
    %get3A_1 = vector.load %arg0[%get3A, %get3A_0] : memref<10000x128xf32, #tpu.memory_space<vmem>>, vector<10000x128xf32>
    %get3A_2 = arith.constant 0 : index
    %get3A_3 = arith.constant 0 : index
    %get3A_4 = vector.load %arg1[%get3A_2, %get3A_3] : memref<128x16xf32, #tpu.memory_space<vmem>>, vector<128x16xf32>
    %dot_general3A = arith.constant dense<0.000000e+00> : vector<10000x16xf32>
    %dot_general3A_5 = tpu.matmul %get3A_1, %get3A_4, %dot_general3A {dimension_numbers = #tpu.dot_dimension_numbers<[1], [0], [0], [1], [0, 0, 1, 1], [], []>, transpose_lhs_hint = false} : vector<10000x128xf32>, vector<128x16xf32>, vector<10000x16xf32> -> vector<10000x16xf32>
    %swap3A = arith.constant 0 : index
    %swap3A_6 = arith.constant 0 : index
    %swap3A_7 = vector.load %arg4[%swap3A, %swap3A_6] : memref<10000x16xf32, #tpu.memory_space<vmem>>, vector<10000x16xf32>
    tpu.vector_store %arg4[%swap3A, %swap3A_6], %dot_general3A_5 {strides = array<i32>} : memref<10000x16xf32, #tpu.memory_space<vmem>>, vector<10000x16xf32>,
    %get3A_8 = arith.constant 0 : index
    %get3A_9 = arith.constant 0 : index
    %get3A_10 = vector.load %arg2[%get3A_8, %get3A_9] : memref<128x16xf32, #tpu.memory_space<vmem>>, vector<128x16xf32>
    %dot_general3A_11 = arith.constant dense<0.000000e+00> : vector<10000x16xf32>
    %dot_general3A_12 = tpu.matmul %get3A_1, %get3A_10, %dot_general3A_11 {dimension_numbers = #tpu.dot_dimension_numbers<[1], [0], [0], [1], [0, 0, 1, 1], [], []>, transpose_lhs_hint = false} : vector<10000x128xf32>, vector<128x16xf32>, vector<10000x16xf32> -> vector<10000x16xf32>
    %swap3A_13 = arith.constant 0 : index
    %swap3A_14 = arith.constant 0 : index
    %swap3A_15 = vector.load %arg5[%swap3A_13, %swap3A_14] : memref<10000x16xf32, #tpu.memory_space<vmem>>, vector<10000x16xf32>
    tpu.vector_store %arg5[%swap3A_13, %swap3A_14], %dot_general3A_12 {strides = array<i32>} : memref<10000x16xf32, #tpu.memory_space<vmem>>, vector<10000x16xf32>,
    %get3A_16 = arith.constant 0 : index
    %get3A_17 = arith.constant 0 : index
    %get3A_18 = vector.load %arg3[%get3A_16, %get3A_17] : memref<128x128xf32, #tpu.memory_space<vmem>>, vector<128x128xf32>
    %dot_general3A_19 = arith.constant dense<0.000000e+00> : vector<10000x128xf32>
    %dot_general3A_20 = tpu.matmul %get3A_1, %get3A_18, %dot_general3A_19 {dimension_numbers = #tpu.dot_dimension_numbers<[1], [0], [0], [1], [0, 0, 1, 1], [], []>, transpose_lhs_hint = false} : vector<10000x128xf32>, vector<128x128xf32>, vector<10000x128xf32> -> vector<10000x128xf32>
    %swap3A_21 = arith.constant 0 : index
    %swap3A_22 = arith.constant 0 : index
    %swap3A_23 = vector.load %arg6[%swap3A_21, %swap3A_22] : memref<10000x128xf32, #tpu.memory_space<vmem>>, vector<10000x128xf32>
    tpu.vector_store %arg6[%swap3A_21, %swap3A_22], %dot_general3A_20 {strides = array<i32>} : memref<10000x128xf32, #tpu.memory_space<vmem>>, vector<10000x128xf32>,
    return
  }
}

module attributes {stable_mosaic.version = 14 : i64} {
  func.func @_eprep_body(%arg0: i32, %arg1: memref<8000x128xf32, #tpu.memory_space<vmem>>, %arg2: memref<128x128xf32, #tpu.memory_space<vmem>>, %arg3: memref<8000x128xf32, #tpu.memory_space<vmem>>) attributes {dimension_semantics = [#tpu.dimension_semantics<arbitrary>], iteration_bounds = array<i64: 5>, scalar_prefetch = 0 : i64, scratch_operands = 0 : i64, tpu.core_type = #tpu.core_type<tc>, window_params = [{transform_indices = @transform_0, window_bounds = array<i64: 8000, 128>}, {pipeline_mode = #tpu.pipeline_mode<synchronous>, transform_indices = @transform_1, window_bounds = array<i64: 128, 128>}, {transform_indices = @transform_2, window_bounds = array<i64: 8000, 128>}]} {
    %get3A = arith.constant 0 : index
    %get3A_0 = arith.constant 0 : index
    %get3A_1 = vector.load %arg1[%get3A, %get3A_0] : memref<8000x128xf32, #tpu.memory_space<vmem>>, vector<8000x128xf32>
    %get3A_2 = arith.constant 0 : index
    %get3A_3 = arith.constant 0 : index
    %get3A_4 = vector.load %arg2[%get3A_2, %get3A_3] : memref<128x128xf32, #tpu.memory_space<vmem>>, vector<128x128xf32>
    %dot_general3A = arith.constant dense<0.000000e+00> : vector<8000x128xf32>
    %dot_general3A_5 = tpu.matmul %get3A_1, %get3A_4, %dot_general3A {dimension_numbers = #tpu.dot_dimension_numbers<[1], [0], [0], [1], [0, 0, 1, 1], [], []>, transpose_lhs_hint = false} : vector<8000x128xf32>, vector<128x128xf32>, vector<8000x128xf32> -> vector<8000x128xf32>
    %swap3A = arith.constant 0 : index
    %swap3A_6 = arith.constant 0 : index
    %swap3A_7 = vector.load %arg3[%swap3A, %swap3A_6] : memref<8000x128xf32, #tpu.memory_space<vmem>>, vector<8000x128xf32>
    tpu.vector_store %arg3[%swap3A, %swap3A_6], %dot_general3A_5 {strides = array<i32>} : memref<8000x128xf32, #tpu.memory_space<vmem>>, vector<8000x128xf32>,
    return
  }
  func.func @transform_0(%arg0: i32) -> (i32, i32) {
    %c0_i32 = arith.constant 0 : i32
    %c0_i32_0 = arith.constant 0 : i32
    return %arg0, %c0_i32 : i32, i32
  }
  func.func @transform_1(%arg0: i32) -> (i32, i32) {
    %c0_i32 = arith.constant 0 : i32
    %c0_i32_0 = arith.constant 0 : i32
    %c0_i32_1 = arith.constant 0 : i32
    return %c0_i32, %c0_i32_0 : i32, i32
  }
  func.func @transform_2(%arg0: i32) -> (i32, i32) {
    %c0_i32 = arith.constant 0 : i32
    %c0_i32_0 = arith.constant 0 : i32
    return %arg0, %c0_i32 : i32, i32
  }
}

module attributes {stable_mosaic.version = 14 : i64} {
  func.func @_fin_body(%arg0: i32, %arg1: memref<2000x128xf32, #tpu.memory_space<vmem>>, %arg2: memref<2000x128xf32, #tpu.memory_space<vmem>>, %arg3: memref<32x16xf32, #tpu.memory_space<vmem>>, %arg4: memref<32x16xf32, #tpu.memory_space<vmem>>, %arg5: memref<1x16xf32, #tpu.memory_space<vmem>>, %arg6: memref<1x16xf32, #tpu.memory_space<vmem>>, %arg7: memref<16x128xf32, #tpu.memory_space<vmem>>, %arg8: memref<2000x128xf32, #tpu.memory_space<vmem>>, %arg9: memref<2000x8x128xf32, #tpu.memory_space<vmem>>) attributes {dimension_semantics = [#tpu.dimension_semantics<arbitrary>], iteration_bounds = array<i64: 20>, scalar_prefetch = 0 : i64, scratch_operands = 0 : i64, tpu.core_type = #tpu.core_type<tc>, window_params = [{transform_indices = @transform_0, window_bounds = array<i64: 2000, 128>}, {transform_indices = @transform_1, window_bounds = array<i64: 2000, 128>}, {pipeline_mode = #tpu.pipeline_mode<synchronous>, transform_indices = @transform_2, window_bounds = array<i64: 32, 16>}, {pipeline_mode = #tpu.pipeline_mode<synchronous>, transform_indices = @transform_3, window_bounds = array<i64: 32, 16>}, {pipeline_mode = #tpu.pipeline_mode<synchronous>, transform_indices = @transform_4, window_bounds = array<i64: 1, 16>}, {pipeline_mode = #tpu.pipeline_mode<synchronous>, transform_indices = @transform_5, window_bounds = array<i64: 1, 16>}, {pipeline_mode = #tpu.pipeline_mode<synchronous>, transform_indices = @transform_6, window_bounds = array<i64: 16, 128>}, {transform_indices = @transform_7, window_bounds = array<i64: 2000, 128>}, {transform_indices = @transform_8, window_bounds = array<i64: 2000, 8, 128>}]} {
    %get3A = arith.constant 0 : index
    %get3A_0 = arith.constant 0 : index
    %get3A_1 = vector.load %arg3[%get3A, %get3A_0] : memref<32x16xf32, #tpu.memory_space<vmem>>, vector<32x16xf32>
    %reduce_sum3A = arith.constant dense<0.000000e+00> : vector<16xf32>
    %reduce_sum3A_2 = vector.multi_reduction <add>, %get3A_1, %reduce_sum3A [0] : vector<32x16xf32> to vector<16xf32>
    %broadcast_in_dim3A = vector.shape_cast %reduce_sum3A_2 : vector<16xf32> to vector<1x16xf32>
    %get3A_3 = arith.constant 0 : index
    %get3A_4 = arith.constant 0 : index
    %get3A_5 = vector.load %arg4[%get3A_3, %get3A_4] : memref<32x16xf32, #tpu.memory_space<vmem>>, vector<32x16xf32>
    %reduce_sum3A_6 = arith.constant dense<0.000000e+00> : vector<16xf32>
    %reduce_sum3A_7 = vector.multi_reduction <add>, %get3A_5, %reduce_sum3A_6 [0] : vector<32x16xf32> to vector<16xf32>
    %broadcast_in_dim3A_8 = vector.shape_cast %reduce_sum3A_7 : vector<16xf32> to vector<1x16xf32>
    %div3A = arith.constant 3.200000e+05 : f32
    %div3A_9 = vector.broadcast %div3A : f32 to vector<1x16xf32>
    %div3A_10 = arith.divf %broadcast_in_dim3A, %div3A_9 : vector<1x16xf32>
    %div3A_11 = arith.constant 3.200000e+05 : f32
    %div3A_12 = vector.broadcast %div3A_11 : f32 to vector<1x16xf32>
    %div3A_13 = arith.divf %broadcast_in_dim3A_8, %div3A_12 : vector<1x16xf32>
    %mul3A = arith.mulf %div3A_10, %div3A_10 : vector<1x16xf32>
    %sub3A = arith.subf %div3A_13, %mul3A : vector<1x16xf32>
    %add3A = arith.constant 9.99999974E-6 : f32
    %add3A_14 = vector.broadcast %add3A : f32 to vector<1x16xf32>
    %add3A_15 = arith.addf %sub3A, %add3A_14 : vector<1x16xf32>
    %rsqrt3A = math.rsqrt %add3A_15 : vector<1x16xf32>
    %get3A_16 = arith.constant 0 : index
    %get3A_17 = arith.constant 0 : index
    %get3A_18 = vector.load %arg5[%get3A_16, %get3A_17] : memref<1x16xf32, #tpu.memory_space<vmem>>, vector<1x16xf32>
    %mul3A_19 = arith.mulf %rsqrt3A, %get3A_18 : vector<1x16xf32>
    %get3A_20 = arith.constant 0 : index
    %get3A_21 = arith.constant 0 : index
    %get3A_22 = vector.load %arg6[%get3A_20, %get3A_21] : memref<1x16xf32, #tpu.memory_space<vmem>>, vector<1x16xf32>
    %mul3A_23 = arith.mulf %div3A_10, %mul3A_19 : vector<1x16xf32>
    %sub3A_24 = arith.subf %get3A_22, %mul3A_23 : vector<1x16xf32>
    %get3A_25 = arith.constant 0 : index
    %get3A_26 = arith.constant 0 : index
    %get3A_27 = vector.load %arg1[%get3A_25, %get3A_26] : memref<2000x128xf32, #tpu.memory_space<vmem>>, vector<2000x128xf32>
    %get3A_28 = arith.constant 0 : index
    %get3A_29 = arith.constant 0 : index
    %get3A_30 = vector.load %arg2[%get3A_28, %get3A_29] : memref<2000x128xf32, #tpu.memory_space<vmem>>, vector<2000x128xf32>
    %slice3A = vector.extract_strided_slice %get3A_27 {offsets = [0, 0], sizes = [2000, 16], strides = [1, 1]} : vector<2000x128xf32> to vector<2000x16xf32>
    %mul3A_31 = vector.broadcast %mul3A_19 : vector<1x16xf32> to vector<2000x16xf32>
    %mul3A_32 = arith.mulf %slice3A, %mul3A_31 : vector<2000x16xf32>
    %slice3A_33 = vector.extract_strided_slice %get3A_30 {offsets = [0, 0], sizes = [2000, 16], strides = [1, 1]} : vector<2000x128xf32> to vector<2000x16xf32>
    %add3A_34 = arith.addf %mul3A_32, %slice3A_33 : vector<2000x16xf32>
    %add3A_35 = vector.broadcast %sub3A_24 : vector<1x16xf32> to vector<2000x16xf32>
    %add3A_36 = arith.addf %add3A_34, %add3A_35 : vector<2000x16xf32>
    %swap3A = arith.constant 0 : index
    %swap3A_37 = arith.constant 0 : index
    %swap3A_38 = vector.load %arg8[%swap3A, %swap3A_37] : memref<2000x128xf32, #tpu.memory_space<vmem>>, vector<2000x16xf32>
    tpu.vector_store %arg8[%swap3A, %swap3A_37], %add3A_36 {strides = array<i32>} : memref<2000x128xf32, #tpu.memory_space<vmem>>, vector<2000x16xf32>,
    %get3A_39 = arith.constant 0 : index
    %get3A_40 = arith.constant 0 : index
    %get3A_41 = vector.load %arg7[%get3A_39, %get3A_40] : memref<16x128xf32, #tpu.memory_space<vmem>>, vector<16x128xf32>
    %dot_general3A = arith.constant dense<0.000000e+00> : vector<2000x128xf32>
    %dot_general3A_42 = tpu.matmul %add3A_36, %get3A_41, %dot_general3A {dimension_numbers = #tpu.dot_dimension_numbers<[1], [0], [0], [1], [0, 0, 1, 1], [], []>, transpose_lhs_hint = false} : vector<2000x16xf32>, vector<16x128xf32>, vector<2000x128xf32> -> vector<2000x128xf32>
    %swap3A_43 = arith.constant 0 : index
    %swap3A_44 = arith.constant 0 : index
    %swap3A_45 = arith.constant 0 : index
    %swap3A_46 = vector.load %arg9[%swap3A_43, %swap3A_44, %swap3A_45] : memref<2000x8x128xf32, #tpu.memory_space<vmem>>, vector<2000x1x128xf32>
    %swap3A_47 = vector.shape_cast %swap3A_46 : vector<2000x1x128xf32> to vector<2000x128xf32>
    %swap3A_48 = vector.shape_cast %dot_general3A_42 : vector<2000x128xf32> to vector<2000x1x128xf32>
    tpu.vector_store %arg9[%swap3A_43, %swap3A_44, %swap3A_45], %swap3A_48 {strides = array<i32>} : memref<2000x8x128xf32, #tpu.memory_space<vmem>>, vector<2000x1x128xf32>,
    %slice3A_49 = vector.extract_strided_slice %get3A_27 {offsets = [0, 16], sizes = [2000, 16], strides = [1, 1]} : vector<2000x128xf32> to vector<2000x16xf32>
    %mul3A_50 = vector.broadcast %mul3A_19 : vector<1x16xf32> to vector<2000x16xf32>
    %mul3A_51 = arith.mulf %slice3A_49, %mul3A_50 : vector<2000x16xf32>
    %slice3A_52 = vector.extract_strided_slice %get3A_30 {offsets = [0, 16], sizes = [2000, 16], strides = [1, 1]} : vector<2000x128xf32> to vector<2000x16xf32>
    %add3A_53 = arith.addf %mul3A_51, %slice3A_52 : vector<2000x16xf32>
    %add3A_54 = vector.broadcast %sub3A_24 : vector<1x16xf32> to vector<2000x16xf32>
    %add3A_55 = arith.addf %add3A_53, %add3A_54 : vector<2000x16xf32>
    %swap3A_56 = arith.constant 0 : index
    %swap3A_57 = arith.constant 16 : index
    %swap3A_58 = vector.load %arg8[%swap3A_56, %swap3A_57] : memref<2000x128xf32, #tpu.memory_space<vmem>>, vector<2000x16xf32>
    tpu.vector_store %arg8[%swap3A_56, %swap3A_57], %add3A_55 {strides = array<i32>} : memref<2000x128xf32, #tpu.memory_space<vmem>>, vector<2000x16xf32>,
    %get3A_59 = arith.constant 0 : index
    %get3A_60 = arith.constant 0 : index
    %get3A_61 = vector.load %arg7[%get3A_59, %get3A_60] : memref<16x128xf32, #tpu.memory_space<vmem>>, vector<16x128xf32>
    %dot_general3A_62 = arith.constant dense<0.000000e+00> : vector<2000x128xf32>
    %dot_general3A_63 = tpu.matmul %add3A_55, %get3A_61, %dot_general3A_62 {dimension_numbers = #tpu.dot_dimension_numbers<[1], [0], [0], [1], [0, 0, 1, 1], [], []>, transpose_lhs_hint = false} : vector<2000x16xf32>, vector<16x128xf32>, vector<2000x128xf32> -> vector<2000x128xf32>
    %swap3A_64 = arith.constant 0 : index
    %swap3A_65 = arith.constant 1 : index
    %swap3A_66 = arith.constant 0 : index
    %swap3A_67 = vector.load %arg9[%swap3A_64, %swap3A_65, %swap3A_66] : memref<2000x8x128xf32, #tpu.memory_space<vmem>>, vector<2000x1x128xf32>
    %swap3A_68 = vector.shape_cast %swap3A_67 : vector<2000x1x128xf32> to vector<2000x128xf32>
    %swap3A_69 = vector.shape_cast %dot_general3A_63 : vector<2000x128xf32> to vector<2000x1x128xf32>
    tpu.vector_store %arg9[%swap3A_64, %swap3A_65, %swap3A_66], %swap3A_69 {strides = array<i32>} : memref<2000x8x128xf32, #tpu.memory_space<vmem>>, vector<2000x1x128xf32>,
    %slice3A_70 = vector.extract_strided_slice %get3A_27 {offsets = [0, 32], sizes = [2000, 16], strides = [1, 1]} : vector<2000x128xf32> to vector<2000x16xf32>
    %mul3A_71 = vector.broadcast %mul3A_19 : vector<1x16xf32> to vector<2000x16xf32>
    %mul3A_72 = arith.mulf %slice3A_70, %mul3A_71 : vector<2000x16xf32>
    %slice3A_73 = vector.extract_strided_slice %get3A_30 {offsets = [0, 32], sizes = [2000, 16], strides = [1, 1]} : vector<2000x128xf32> to vector<2000x16xf32>
    %add3A_74 = arith.addf %mul3A_72, %slice3A_73 : vector<2000x16xf32>
    %add3A_75 = vector.broadcast %sub3A_24 : vector<1x16xf32> to vector<2000x16xf32>
    %add3A_76 = arith.addf %add3A_74, %add3A_75 : vector<2000x16xf32>
    %swap3A_77 = arith.constant 0 : index
    %swap3A_78 = arith.constant 32 : index
    %swap3A_79 = vector.load %arg8[%swap3A_77, %swap3A_78] : memref<2000x128xf32, #tpu.memory_space<vmem>>, vector<2000x16xf32>
    tpu.vector_store %arg8[%swap3A_77, %swap3A_78], %add3A_76 {strides = array<i32>} : memref<2000x128xf32, #tpu.memory_space<vmem>>, vector<2000x16xf32>,
    %get3A_80 = arith.constant 0 : index
    %get3A_81 = arith.constant 0 : index
    %get3A_82 = vector.load %arg7[%get3A_80, %get3A_81] : memref<16x128xf32, #tpu.memory_space<vmem>>, vector<16x128xf32>
    %dot_general3A_83 = arith.constant dense<0.000000e+00> : vector<2000x128xf32>
    %dot_general3A_84 = tpu.matmul %add3A_76, %get3A_82, %dot_general3A_83 {dimension_numbers = #tpu.dot_dimension_numbers<[1], [0], [0], [1], [0, 0, 1, 1], [], []>, transpose_lhs_hint = false} : vector<2000x16xf32>, vector<16x128xf32>, vector<2000x128xf32> -> vector<2000x128xf32>
    %swap3A_85 = arith.constant 0 : index
    %swap3A_86 = arith.constant 2 : index
    %swap3A_87 = arith.constant 0 : index
    %swap3A_88 = vector.load %arg9[%swap3A_85, %swap3A_86, %swap3A_87] : memref<2000x8x128xf32, #tpu.memory_space<vmem>>, vector<2000x1x128xf32>
    %swap3A_89 = vector.shape_cast %swap3A_88 : vector<2000x1x128xf32> to vector<2000x128xf32>
    %swap3A_90 = vector.shape_cast %dot_general3A_84 : vector<2000x128xf32> to vector<2000x1x128xf32>
    tpu.vector_store %arg9[%swap3A_85, %swap3A_86, %swap3A_87], %swap3A_90 {strides = array<i32>} : memref<2000x8x128xf32, #tpu.memory_space<vmem>>, vector<2000x1x128xf32>,
    %slice3A_91 = vector.extract_strided_slice %get3A_27 {offsets = [0, 48], sizes = [2000, 16], strides = [1, 1]} : vector<2000x128xf32> to vector<2000x16xf32>
    %mul3A_92 = vector.broadcast %mul3A_19 : vector<1x16xf32> to vector<2000x16xf32>
    %mul3A_93 = arith.mulf %slice3A_91, %mul3A_92 : vector<2000x16xf32>
    %slice3A_94 = vector.extract_strided_slice %get3A_30 {offsets = [0, 48], sizes = [2000, 16], strides = [1, 1]} : vector<2000x128xf32> to vector<2000x16xf32>
    %add3A_95 = arith.addf %mul3A_93, %slice3A_94 : vector<2000x16xf32>
    %add3A_96 = vector.broadcast %sub3A_24 : vector<1x16xf32> to vector<2000x16xf32>
    %add3A_97 = arith.addf %add3A_95, %add3A_96 : vector<2000x16xf32>
    %swap3A_98 = arith.constant 0 : index
    %swap3A_99 = arith.constant 48 : index
    %swap3A_100 = vector.load %arg8[%swap3A_98, %swap3A_99] : memref<2000x128xf32, #tpu.memory_space<vmem>>, vector<2000x16xf32>
    tpu.vector_store %arg8[%swap3A_98, %swap3A_99], %add3A_97 {strides = array<i32>} : memref<2000x128xf32, #tpu.memory_space<vmem>>, vector<2000x16xf32>,
    %get3A_101 = arith.constant 0 : index
    %get3A_102 = arith.constant 0 : index
    %get3A_103 = vector.load %arg7[%get3A_101, %get3A_102] : memref<16x128xf32, #tpu.memory_space<vmem>>, vector<16x128xf32>
    %dot_general3A_104 = arith.constant dense<0.000000e+00> : vector<2000x128xf32>
    %dot_general3A_105 = tpu.matmul %add3A_97, %get3A_103, %dot_general3A_104 {dimension_numbers = #tpu.dot_dimension_numbers<[1], [0], [0], [1], [0, 0, 1, 1], [], []>, transpose_lhs_hint = false} : vector<2000x16xf32>, vector<16x128xf32>, vector<2000x128xf32> -> vector<2000x128xf32>
    %swap3A_106 = arith.constant 0 : index
    %swap3A_107 = arith.constant 3 : index
    %swap3A_108 = arith.constant 0 : index
    %swap3A_109 = vector.load %arg9[%swap3A_106, %swap3A_107, %swap3A_108] : memref<2000x8x128xf32, #tpu.memory_space<vmem>>, vector<2000x1x128xf32>
    %swap3A_110 = vector.shape_cast %swap3A_109 : vector<2000x1x128xf32> to vector<2000x128xf32>
    %swap3A_111 = vector.shape_cast %dot_general3A_105 : vector<2000x128xf32> to vector<2000x1x128xf32>
    tpu.vector_store %arg9[%swap3A_106, %swap3A_107, %swap3A_108], %swap3A_111 {strides = array<i32>} : memref<2000x8x128xf32, #tpu.memory_space<vmem>>, vector<2000x1x128xf32>,
    %slice3A_112 = vector.extract_strided_slice %get3A_27 {offsets = [0, 64], sizes = [2000, 16], strides = [1, 1]} : vector<2000x128xf32> to vector<2000x16xf32>
    %mul3A_113 = vector.broadcast %mul3A_19 : vector<1x16xf32> to vector<2000x16xf32>
    %mul3A_114 = arith.mulf %slice3A_112, %mul3A_113 : vector<2000x16xf32>
    %slice3A_115 = vector.extract_strided_slice %get3A_30 {offsets = [0, 64], sizes = [2000, 16], strides = [1, 1]} : vector<2000x128xf32> to vector<2000x16xf32>
    %add3A_116 = arith.addf %mul3A_114, %slice3A_115 : vector<2000x16xf32>
    %add3A_117 = vector.broadcast %sub3A_24 : vector<1x16xf32> to vector<2000x16xf32>
    %add3A_118 = arith.addf %add3A_116, %add3A_117 : vector<2000x16xf32>
    %swap3A_119 = arith.constant 0 : index
    %swap3A_120 = arith.constant 64 : index
    %swap3A_121 = vector.load %arg8[%swap3A_119, %swap3A_120] : memref<2000x128xf32, #tpu.memory_space<vmem>>, vector<2000x16xf32>
    tpu.vector_store %arg8[%swap3A_119, %swap3A_120], %add3A_118 {strides = array<i32>} : memref<2000x128xf32, #tpu.memory_space<vmem>>, vector<2000x16xf32>,
    %get3A_122 = arith.constant 0 : index
    %get3A_123 = arith.constant 0 : index
    %get3A_124 = vector.load %arg7[%get3A_122, %get3A_123] : memref<16x128xf32, #tpu.memory_space<vmem>>, vector<16x128xf32>
    %dot_general3A_125 = arith.constant dense<0.000000e+00> : vector<2000x128xf32>
    %dot_general3A_126 = tpu.matmul %add3A_118, %get3A_124, %dot_general3A_125 {dimension_numbers = #tpu.dot_dimension_numbers<[1], [0], [0], [1], [0, 0, 1, 1], [], []>, transpose_lhs_hint = false} : vector<2000x16xf32>, vector<16x128xf32>, vector<2000x128xf32> -> vector<2000x128xf32>
    %swap3A_127 = arith.constant 0 : index
    %swap3A_128 = arith.constant 4 : index
    %swap3A_129 = arith.constant 0 : index
    %swap3A_130 = vector.load %arg9[%swap3A_127, %swap3A_128, %swap3A_129] : memref<2000x8x128xf32, #tpu.memory_space<vmem>>, vector<2000x1x128xf32>
    %swap3A_131 = vector.shape_cast %swap3A_130 : vector<2000x1x128xf32> to vector<2000x128xf32>
    %swap3A_132 = vector.shape_cast %dot_general3A_126 : vector<2000x128xf32> to vector<2000x1x128xf32>
    tpu.vector_store %arg9[%swap3A_127, %swap3A_128, %swap3A_129], %swap3A_132 {strides = array<i32>} : memref<2000x8x128xf32, #tpu.memory_space<vmem>>, vector<2000x1x128xf32>,
    %slice3A_133 = vector.extract_strided_slice %get3A_27 {offsets = [0, 80], sizes = [2000, 16], strides = [1, 1]} : vector<2000x128xf32> to vector<2000x16xf32>
    %mul3A_134 = vector.broadcast %mul3A_19 : vector<1x16xf32> to vector<2000x16xf32>
    %mul3A_135 = arith.mulf %slice3A_133, %mul3A_134 : vector<2000x16xf32>
    %slice3A_136 = vector.extract_strided_slice %get3A_30 {offsets = [0, 80], sizes = [2000, 16], strides = [1, 1]} : vector<2000x128xf32> to vector<2000x16xf32>
    %add3A_137 = arith.addf %mul3A_135, %slice3A_136 : vector<2000x16xf32>
    %add3A_138 = vector.broadcast %sub3A_24 : vector<1x16xf32> to vector<2000x16xf32>
    %add3A_139 = arith.addf %add3A_137, %add3A_138 : vector<2000x16xf32>
    %swap3A_140 = arith.constant 0 : index
    %swap3A_141 = arith.constant 80 : index
    %swap3A_142 = vector.load %arg8[%swap3A_140, %swap3A_141] : memref<2000x128xf32, #tpu.memory_space<vmem>>, vector<2000x16xf32>
    tpu.vector_store %arg8[%swap3A_140, %swap3A_141], %add3A_139 {strides = array<i32>} : memref<2000x128xf32, #tpu.memory_space<vmem>>, vector<2000x16xf32>,
    %get3A_143 = arith.constant 0 : index
    %get3A_144 = arith.constant 0 : index
    %get3A_145 = vector.load %arg7[%get3A_143, %get3A_144] : memref<16x128xf32, #tpu.memory_space<vmem>>, vector<16x128xf32>
    %dot_general3A_146 = arith.constant dense<0.000000e+00> : vector<2000x128xf32>
    %dot_general3A_147 = tpu.matmul %add3A_139, %get3A_145, %dot_general3A_146 {dimension_numbers = #tpu.dot_dimension_numbers<[1], [0], [0], [1], [0, 0, 1, 1], [], []>, transpose_lhs_hint = false} : vector<2000x16xf32>, vector<16x128xf32>, vector<2000x128xf32> -> vector<2000x128xf32>
    %swap3A_148 = arith.constant 0 : index
    %swap3A_149 = arith.constant 5 : index
    %swap3A_150 = arith.constant 0 : index
    %swap3A_151 = vector.load %arg9[%swap3A_148, %swap3A_149, %swap3A_150] : memref<2000x8x128xf32, #tpu.memory_space<vmem>>, vector<2000x1x128xf32>
    %swap3A_152 = vector.shape_cast %swap3A_151 : vector<2000x1x128xf32> to vector<2000x128xf32>
    %swap3A_153 = vector.shape_cast %dot_general3A_147 : vector<2000x128xf32> to vector<2000x1x128xf32>
    tpu.vector_store %arg9[%swap3A_148, %swap3A_149, %swap3A_150], %swap3A_153 {strides = array<i32>} : memref<2000x8x128xf32, #tpu.memory_space<vmem>>, vector<2000x1x128xf32>,
    %slice3A_154 = vector.extract_strided_slice %get3A_27 {offsets = [0, 96], sizes = [2000, 16], strides = [1, 1]} : vector<2000x128xf32> to vector<2000x16xf32>
    %mul3A_155 = vector.broadcast %mul3A_19 : vector<1x16xf32> to vector<2000x16xf32>
    %mul3A_156 = arith.mulf %slice3A_154, %mul3A_155 : vector<2000x16xf32>
    %slice3A_157 = vector.extract_strided_slice %get3A_30 {offsets = [0, 96], sizes = [2000, 16], strides = [1, 1]} : vector<2000x128xf32> to vector<2000x16xf32>
    %add3A_158 = arith.addf %mul3A_156, %slice3A_157 : vector<2000x16xf32>
    %add3A_159 = vector.broadcast %sub3A_24 : vector<1x16xf32> to vector<2000x16xf32>
    %add3A_160 = arith.addf %add3A_158, %add3A_159 : vector<2000x16xf32>
    %swap3A_161 = arith.constant 0 : index
    %swap3A_162 = arith.constant 96 : index
    %swap3A_163 = vector.load %arg8[%swap3A_161, %swap3A_162] : memref<2000x128xf32, #tpu.memory_space<vmem>>, vector<2000x16xf32>
    tpu.vector_store %arg8[%swap3A_161, %swap3A_162], %add3A_160 {strides = array<i32>} : memref<2000x128xf32, #tpu.memory_space<vmem>>, vector<2000x16xf32>,
    %get3A_164 = arith.constant 0 : index
    %get3A_165 = arith.constant 0 : index
    %get3A_166 = vector.load %arg7[%get3A_164, %get3A_165] : memref<16x128xf32, #tpu.memory_space<vmem>>, vector<16x128xf32>
    %dot_general3A_167 = arith.constant dense<0.000000e+00> : vector<2000x128xf32>
    %dot_general3A_168 = tpu.matmul %add3A_160, %get3A_166, %dot_general3A_167 {dimension_numbers = #tpu.dot_dimension_numbers<[1], [0], [0], [1], [0, 0, 1, 1], [], []>, transpose_lhs_hint = false} : vector<2000x16xf32>, vector<16x128xf32>, vector<2000x128xf32> -> vector<2000x128xf32>
    %swap3A_169 = arith.constant 0 : index
    %swap3A_170 = arith.constant 6 : index
    %swap3A_171 = arith.constant 0 : index
    %swap3A_172 = vector.load %arg9[%swap3A_169, %swap3A_170, %swap3A_171] : memref<2000x8x128xf32, #tpu.memory_space<vmem>>, vector<2000x1x128xf32>
    %swap3A_173 = vector.shape_cast %swap3A_172 : vector<2000x1x128xf32> to vector<2000x128xf32>
    %swap3A_174 = vector.shape_cast %dot_general3A_168 : vector<2000x128xf32> to vector<2000x1x128xf32>
    tpu.vector_store %arg9[%swap3A_169, %swap3A_170, %swap3A_171], %swap3A_174 {strides = array<i32>} : memref<2000x8x128xf32, #tpu.memory_space<vmem>>, vector<2000x1x128xf32>,
    %slice3A_175 = vector.extract_strided_slice %get3A_27 {offsets = [0, 112], sizes = [2000, 16], strides = [1, 1]} : vector<2000x128xf32> to vector<2000x16xf32>
    %mul3A_176 = vector.broadcast %mul3A_19 : vector<1x16xf32> to vector<2000x16xf32>
    %mul3A_177 = arith.mulf %slice3A_175, %mul3A_176 : vector<2000x16xf32>
    %slice3A_178 = vector.extract_strided_slice %get3A_30 {offsets = [0, 112], sizes = [2000, 16], strides = [1, 1]} : vector<2000x128xf32> to vector<2000x16xf32>
    %add3A_179 = arith.addf %mul3A_177, %slice3A_178 : vector<2000x16xf32>
    %add3A_180 = vector.broadcast %sub3A_24 : vector<1x16xf32> to vector<2000x16xf32>
    %add3A_181 = arith.addf %add3A_179, %add3A_180 : vector<2000x16xf32>
    %swap3A_182 = arith.constant 0 : index
    %swap3A_183 = arith.constant 112 : index
    %swap3A_184 = vector.load %arg8[%swap3A_182, %swap3A_183] : memref<2000x128xf32, #tpu.memory_space<vmem>>, vector<2000x16xf32>
    tpu.vector_store %arg8[%swap3A_182, %swap3A_183], %add3A_181 {strides = array<i32>} : memref<2000x128xf32, #tpu.memory_space<vmem>>, vector<2000x16xf32>,
    %get3A_185 = arith.constant 0 : index
    %get3A_186 = arith.constant 0 : index
    %get3A_187 = vector.load %arg7[%get3A_185, %get3A_186] : memref<16x128xf32, #tpu.memory_space<vmem>>, vector<16x128xf32>
    %dot_general3A_188 = arith.constant dense<0.000000e+00> : vector<2000x128xf32>
    %dot_general3A_189 = tpu.matmul %add3A_181, %get3A_187, %dot_general3A_188 {dimension_numbers = #tpu.dot_dimension_numbers<[1], [0], [0], [1], [0, 0, 1, 1], [], []>, transpose_lhs_hint = false} : vector<2000x16xf32>, vector<16x128xf32>, vector<2000x128xf32> -> vector<2000x128xf32>
    %swap3A_190 = arith.constant 0 : index
    %swap3A_191 = arith.constant 7 : index
    %swap3A_192 = arith.constant 0 : index
    %swap3A_193 = vector.load %arg9[%swap3A_190, %swap3A_191, %swap3A_192] : memref<2000x8x128xf32, #tpu.memory_space<vmem>>, vector<2000x1x128xf32>
    %swap3A_194 = vector.shape_cast %swap3A_193 : vector<2000x1x128xf32> to vector<2000x128xf32>
    %swap3A_195 = vector.shape_cast %dot_general3A_189 : vector<2000x128xf32> to vector<2000x1x128xf32>
    tpu.vector_store %arg9[%swap3A_190, %swap3A_191, %swap3A_192], %swap3A_195 {strides = array<i32>} : memref<2000x8x128xf32, #tpu.memory_space<vmem>>, vector<2000x1x128xf32>,
    return
  }
  func.func @transform_0(%arg0: i32) -> (i32, i32) {
    %c0_i32 = arith.constant 0 : i32
    %c0_i32_0 = arith.constant 0 : i32
    return %arg0, %c0_i32 : i32, i32
  }
  func.func @transform_1(%arg0: i32) -> (i32, i32) {
    %c0_i32 = arith.constant 0 : i32
    %c0_i32_0 = arith.constant 0 : i32
    return %arg0, %c0_i32 : i32, i32
  }
  func.func @transform_2(%arg0: i32) -> (i32, i32) {
    %c0_i32 = arith.constant 0 : i32
    %c0_i32_0 = arith.constant 0 : i32
    %c0_i32_1 = arith.constant 0 : i32
    return %c0_i32, %c0_i32_0 : i32, i32
  }
  func.func @transform_3(%arg0: i32) -> (i32, i32) {
    %c0_i32 = arith.constant 0 : i32
    %c0_i32_0 = arith.constant 0 : i32
    %c0_i32_1 = arith.constant 0 : i32
    return %c0_i32, %c0_i32_0 : i32, i32
  }
  func.func @transform_4(%arg0: i32) -> (i32, i32) {
    %c0_i32 = arith.constant 0 : i32
    %c0_i32_0 = arith.constant 0 : i32
    %c0_i32_1 = arith.constant 0 : i32
    return %c0_i32, %c0_i32_0 : i32, i32
  }
  func.func @transform_5(%arg0: i32) -> (i32, i32) {
    %c0_i32 = arith.constant 0 : i32
    %c0_i32_0 = arith.constant 0 : i32
    %c0_i32_1 = arith.constant 0 : i32
    return %c0_i32, %c0_i32_0 : i32, i32
  }
  func.func @transform_6(%arg0: i32) -> (i32, i32) {
    %c0_i32 = arith.constant 0 : i32
    %c0_i32_0 = arith.constant 0 : i32
    %c0_i32_1 = arith.constant 0 : i32
    return %c0_i32, %c0_i32_0 : i32, i32
  }
  func.func @transform_7(%arg0: i32) -> (i32, i32) {
    %c0_i32 = arith.constant 0 : i32
    %c0_i32_0 = arith.constant 0 : i32
    return %arg0, %c0_i32 : i32, i32
  }
  func.func @transform_8(%arg0: i32) -> (i32, i32, i32) {
    %c0_i32 = arith.constant 0 : i32
    %c0_i32_0 = arith.constant 0 : i32
    %c0_i32_1 = arith.constant 0 : i32
    return %arg0, %c0_i32, %c0_i32_0 : i32, i32, i32
  }
}

module attributes {stable_mosaic.version = 14 : i64} {
  func.func @_node_body(%arg0: memref<2x10000x128xf32, #tpu.memory_space<vmem>>, %arg1: memref<10000x128xf32, #tpu.memory_space<vmem>>, %arg2: memref<1x128xf32, #tpu.memory_space<vmem>>, %arg3: memref<1x128xf32, #tpu.memory_space<vmem>>, %arg4: memref<10000x128xf32, #tpu.memory_space<vmem>>) attributes {dimension_semantics = [], scalar_prefetch = 0 : i64, scratch_operands = 0 : i64, tpu.core_type = #tpu.core_type<tc>} {
    %get3A = arith.constant 0 : index
    %get3A_0 = arith.constant 0 : index
    %get3A_1 = arith.constant 0 : index
    %get3A_2 = vector.load %arg0[%get3A, %get3A_0, %get3A_1] : memref<2x10000x128xf32, #tpu.memory_space<vmem>>, vector<1x10000x128xf32>
    %get3A_3 = vector.shape_cast %get3A_2 : vector<1x10000x128xf32> to vector<10000x128xf32>
    %get3A_4 = arith.constant 1 : index
    %get3A_5 = arith.constant 0 : index
    %get3A_6 = arith.constant 0 : index
    %get3A_7 = vector.load %arg0[%get3A_4, %get3A_5, %get3A_6] : memref<2x10000x128xf32, #tpu.memory_space<vmem>>, vector<1x10000x128xf32>
    %get3A_8 = vector.shape_cast %get3A_7 : vector<1x10000x128xf32> to vector<10000x128xf32>
    %add3A = arith.addf %get3A_3, %get3A_8 : vector<10000x128xf32>
    %reduce_sum3A = arith.constant dense<0.000000e+00> : vector<128xf32>
    %reduce_sum3A_9 = vector.multi_reduction <add>, %add3A, %reduce_sum3A [0] : vector<10000x128xf32> to vector<128xf32>
    %broadcast_in_dim3A = vector.shape_cast %reduce_sum3A_9 : vector<128xf32> to vector<1x128xf32>
    %div3A = arith.constant 1.000000e+04 : f32
    %div3A_10 = vector.broadcast %div3A : f32 to vector<1x128xf32>
    %div3A_11 = arith.divf %broadcast_in_dim3A, %div3A_10 : vector<1x128xf32>
    %sub3A = vector.broadcast %div3A_11 : vector<1x128xf32> to vector<10000x128xf32>
    %sub3A_12 = arith.subf %add3A, %sub3A : vector<10000x128xf32>
    %sub3A_13 = vector.broadcast %div3A_11 : vector<1x128xf32> to vector<10000x128xf32>
    %sub3A_14 = arith.subf %add3A, %sub3A_13 : vector<10000x128xf32>
    %mul3A = arith.mulf %sub3A_12, %sub3A_14 : vector<10000x128xf32>
    %reduce_sum3A_15 = arith.constant dense<0.000000e+00> : vector<128xf32>
    %reduce_sum3A_16 = vector.multi_reduction <add>, %mul3A, %reduce_sum3A_15 [0] : vector<10000x128xf32> to vector<128xf32>
    %broadcast_in_dim3A_17 = vector.shape_cast %reduce_sum3A_16 : vector<128xf32> to vector<1x128xf32>
    %div3A_18 = arith.constant 1.000000e+04 : f32
    %div3A_19 = vector.broadcast %div3A_18 : f32 to vector<1x128xf32>
    %div3A_20 = arith.divf %broadcast_in_dim3A_17, %div3A_19 : vector<1x128xf32>
    %sub3A_21 = vector.broadcast %div3A_11 : vector<1x128xf32> to vector<10000x128xf32>
    %sub3A_22 = arith.subf %add3A, %sub3A_21 : vector<10000x128xf32>
    %add3A_23 = arith.constant 9.99999974E-6 : f32
    %add3A_24 = vector.broadcast %add3A_23 : f32 to vector<1x128xf32>
    %add3A_25 = arith.addf %div3A_20, %add3A_24 : vector<1x128xf32>
    %rsqrt3A = math.rsqrt %add3A_25 : vector<1x128xf32>
    %mul3A_26 = vector.broadcast %rsqrt3A : vector<1x128xf32> to vector<10000x128xf32>
    %mul3A_27 = arith.mulf %sub3A_22, %mul3A_26 : vector<10000x128xf32>
    %get3A_28 = arith.constant 0 : index
    %get3A_29 = arith.constant 0 : index
    %get3A_30 = vector.load %arg2[%get3A_28, %get3A_29] : memref<1x128xf32, #tpu.memory_space<vmem>>, vector<1x128xf32>
    %mul3A_31 = vector.broadcast %get3A_30 : vector<1x128xf32> to vector<10000x128xf32>
    %mul3A_32 = arith.mulf %mul3A_27, %mul3A_31 : vector<10000x128xf32>
    %get3A_33 = arith.constant 0 : index
    %get3A_34 = arith.constant 0 : index
    %get3A_35 = vector.load %arg3[%get3A_33, %get3A_34] : memref<1x128xf32, #tpu.memory_space<vmem>>, vector<1x128xf32>
    %add3A_36 = vector.broadcast %get3A_35 : vector<1x128xf32> to vector<10000x128xf32>
    %add3A_37 = arith.addf %mul3A_32, %add3A_36 : vector<10000x128xf32>
    %get3A_38 = arith.constant 0 : index
    %get3A_39 = arith.constant 0 : index
    %get3A_40 = vector.load %arg1[%get3A_38, %get3A_39] : memref<10000x128xf32, #tpu.memory_space<vmem>>, vector<10000x128xf32>
    %add3A_41 = arith.addf %add3A_37, %get3A_40 : vector<10000x128xf32>
    %swap3A = arith.constant 0 : index
    %swap3A_42 = arith.constant 0 : index
    %swap3A_43 = vector.load %arg4[%swap3A, %swap3A_42] : memref<10000x128xf32, #tpu.memory_space<vmem>>, vector<10000x128xf32>
    tpu.vector_store %arg4[%swap3A, %swap3A_42], %add3A_41 {strides = array<i32>} : memref<10000x128xf32, #tpu.memory_space<vmem>>, vector<10000x128xf32>,
    return
  }
}

</mosaic_0001>

<sc_bundles>
// kernel: kernel.11.cloned.1.call-start
scs
__scs_entry_jumppad:
0x0: {  	(pc) =	sbr.rel $0x88, $3  }
0x1: {  	(tag) =	ssettag $0x0;
	lr =	simm.s32 $0x1  }
0x2: {  	[smem:$0x3F95] =	sst lr;
	_ =	strace $0xD0000000  }
0x3: {  	_ = 	snop  }
0x4: {  	_ = 	snop  }
0x5: {  	_ = 	snop  }
0x6: {  	_ = 	snop  }
0x7: {  	_ = 	snop  }
__scs_overlays_trampoline_lowered:
0x8: {  	[smem:$0x3FA4] =	sst s0  }
0x9: {  	[smem:$0x3FA5] =	sst s1  }
0xa: {  	[smem:$0x3FA6] =	sst s2  }
0xb: {  	[smem:$0x3FA7] =	sst s3  }
0xc: {  	[smem:$0x3FA8] =	sst s4  }
0xd: {  	[smem:$0x3FA9] =	sst s5  }
0xe: {  	[smem:$0x3FAA] =	sst s6  }
0xf: {  	[smem:$0x3FAB] =	sst s7  }
0x10: {  	[smem:$0x3FAC] =	sst s8  }
0x11: {  	[smem:$0x3FAD] =	sst s9;
	s0 =	simm.s32 @!p0 $0x0  }
0x12: {  	s1 =	sld [smem:$0x3F93];
	s0 =	simm.s32 @p0 $0x1  }
0x13: {  	[smem:$0x3FAE] =	sst s0;
	s0 =	simm.s32 @!p1 $0x0  }
0x14: {  	s2 =	sld [smem:$0x3F92];
	s0 =	simm.s32 @p1 $0x1  }
0x15: {  	[smem:$0x3FAF] =	sst s0;
	s0 =	simm.s32 @!p2 $0x0  }
0x16: {  	s3 =	sld [smem:$0x3FDB];
	s0 =	simm.s32 @p2 $0x1  }
0x17: {  	s4 =	simm.s32 $0x1BF5;
	[smem:$0x3FB1] =	sst s0  }
0x18: {  	s0 =	sld [smem:$0x3F94];
	_ =	swait.ge [sflag:s4], $0x0  }
0x19: {  	s7 =	sld [smem:$0x3F95]  }
0x1a: {  	s8 =	sadd.s32 $0xFFFFE003, lr  }
0x1b: {  	s9 =	sadd.s32 $0xFFFFFEF7, lr;
	s5 =	simm.s32 $0xFFFFFFFF;
	p2 =	slt.u32 s8, $0xFFFFF086  }
0x1c: {  	p1 =	slt.u32 s9, $0xF7A;
	s5 =	simm.s32 @!p2 $0x0  }
0x1d: {  	s5 =	simm.s32 @p1 $0x1;
	p0 =	seq.s32 s7, s2  }
0x1e: {  	s7 =	smul.u32 @!p0 $0xF7A, s2;
	p2 =	seq.s32 @!p0 s5, $0x0  }
0x1f: {  	s9 =	smul.u32 $0xF7A, s1;
	s8 =	simm.s32 @!p0 $0x1BF5;
	p2 =	por !p2, p0  }
0x20: {  	[sflag:s8] =	ssyncset.s32 @!p0 $0xFFFFF086;
	s6 =	sadd.s32 @!p0 s3, s7;
	s7 =	simm.s32 @!p0 $0x108  }
0x21: {  	s3 =	sadd.s32 s3, s9;
	s6 =	sadd.s32 @!p0 $0x88, s6;
	s7 =	simm.s32 @p2 $0x1082  }
0x22: {  	[simem:s7], [sflag:s8] =	dma.local @!p0 [hbm:s6], $0xF7A  }
0x23: {  	s9 =	sor.u32 $0xD0000000, s2;
	s6 =	simm.s32 $0x108;
	_ =	swait.ge @!p0 [sflag:s8], $0x0  }
0x24: {  	s3 =	sadd.s32 $0x88, s3;
	s6 =	simm.s32 @!p1 $0x1082;
	[sflag:s4] =	ssyncset.s32 $0xFFFFF086  }
0x25: {  	[simem:s6], [sflag:s4] =	dma.local [hbm:s3], $0xF7A  }
0x26: {  	[smem:$0x3F95] =	sst s1;
	(tag) =	ssettag s2;
	_ =	strace s9  }
0x27: {  	s1 =	sld [smem:$0x3FA5]  }
0x28: {  	s2 =	sld [smem:$0x3FA6]  }
0x29: {  	s4 =	sld [smem:$0x3FA8]  }
0x2a: {  	p0 =	seq.s32 s5, $0x0;
	s5 =	sld [smem:$0x3FA9]  }
0x2b: {  	s6 =	sld [smem:$0x3FAA]  }
0x2c: {  	s7 =	sld [smem:$0x3FAB]  }
0x2d: {  	s3 =	simm.s32 $0x108;
	s8 =	sld [smem:$0x3FAC]  }
0x2e: {  	s3 =	simm.s32 @!p0 $0x1082;
	s9 =	sld [smem:$0x3FAD]  }
0x2f: {  	lr =	sadd.s32 s0, s3;
	s0 =	sld [smem:$0x3FA4]  }
0x30: {  	s3 =	sld [smem:$0x3FA7]  }
0x31: {  	[smem:$0x3FB0] =	sst s10  }
0x32: {  	s10 =	sld [smem:$0x3FAE];
	_ =	sdelay $0x3  }
0x33: {  	p0 =	seq.s32 s10, $0x1;
	s10 =	sld [smem:$0x3FB0];
	_ =	sdelay $0x3  }
0x34: {  	[smem:$0x3FB0] =	sst s10  }
0x35: {  	s10 =	sld [smem:$0x3FAF];
	_ =	sdelay $0x3  }
0x36: {  	p1 =	seq.s32 s10, $0x1;
	s10 =	sld [smem:$0x3FB0];
	_ =	sdelay $0x3  }
0x37: {  	[smem:$0x3FB0] =	sst s10  }
0x38: {  	s10 =	sld [smem:$0x3FB1]  }
0x39: {  	_ = 	snop;
	(pc) =	sbr.ind lr, $3  }
0x3a: {  	_ = 	snop  }
0x3b: {  	_ = 	snop  }
0x3c: {  	p2 =	seq.s32 s10, $0x1;
	s10 =	sld [smem:$0x3FB0]  }
0x3d: {  	_ =	shalt  }
0x3e: {  	_ =	shalt  }
0x3f: {  	_ =	shalt  }
0x40: {  	_ =	shalt  }
0x41: {  	_ =	shalt  }
0x42: {  	_ =	shalt  }
0x43: {  	_ =	shalt  }
0x44: {  	_ =	shalt  }
0x45: {  	_ =	shalt  }
0x46: {  	_ =	shalt  }
0x47: {  	_ =	shalt  }
0x48: {  	_ =	shalt  }
0x49: {  	_ =	shalt  }
0x4a: {  	_ =	shalt  }
0x4b: {  	_ =	shalt  }
0x4c: {  	_ =	shalt  }
0x4d: {  	_ =	shalt  }
0x4e: {  	_ =	shalt  }
0x4f: {  	_ =	shalt  }
0x50: {  	_ =	shalt  }
0x51: {  	_ =	shalt  }
0x52: {  	_ =	shalt  }
0x53: {  	_ =	shalt  }
0x54: {  	_ =	shalt  }
0x55: {  	_ =	shalt  }
0x56: {  	_ =	shalt  }
0x57: {  	_ =	shalt  }
0x58: {  	_ =	shalt  }
0x59: {  	_ =	shalt  }
0x5a: {  	_ =	shalt  }
0x5b: {  	_ =	shalt  }
0x5c: {  	_ =	shalt  }
0x5d: {  	_ =	shalt  }
0x5e: {  	_ =	shalt  }
0x5f: {  	_ =	shalt  }
0x60: {  	_ =	shalt  }
0x61: {  	_ =	shalt  }
0x62: {  	_ =	shalt  }
0x63: {  	_ =	shalt  }
0x64: {  	_ =	shalt  }
0x65: {  	_ =	shalt  }
0x66: {  	_ =	shalt  }
0x67: {  	_ =	shalt  }
0x68: {  	_ =	shalt  }
0x69: {  	_ =	shalt  }
0x6a: {  	_ =	shalt  }
0x6b: {  	_ =	shalt  }
0x6c: {  	_ =	shalt  }
0x6d: {  	_ =	shalt  }
0x6e: {  	_ =	shalt  }
0x6f: {  	_ =	shalt  }
0x70: {  	_ =	shalt  }
0x71: {  	_ =	shalt  }
0x72: {  	_ =	shalt  }
0x73: {  	_ =	shalt  }
0x74: {  	_ =	shalt  }
0x75: {  	_ =	shalt  }
0x76: {  	_ =	shalt  }
0x77: {  	_ =	shalt  }
0x78: {  	_ =	shalt  }
0x79: {  	_ =	shalt  }
0x7a: {  	_ =	shalt  }
0x7b: {  	_ =	shalt  }
0x7c: {  	_ =	shalt  }
0x7d: {  	_ =	shalt  }
0x7e: {  	_ =	shalt  }
0x7f: {  	_ =	shalt  }
0x80: {  	_ =	shalt  }
0x81: {  	_ =	shalt  }
0x82: {  	_ =	shalt  }
0x83: {  	_ =	shalt  }
0x84: {  	_ =	shalt  }
0x85: {  	_ =	shalt  }
0x86: {  	_ =	shalt  }
0x87: {  	_ =	shalt  }
.Lfunc_end0:
.L_simem_size_0:
called_computation.1_lowered:
.L_overlay_start_0:
0x88: {  	s2 =	sld [smem:$0x3FD9]  }
0x89: {  	s3 =	sld [smem:$0x3FFE];
	_ =	sdelay $0x1  }
0x8a: {  	s1 =	srdreg.scid  }
0x8b: {  	s0 =	sand.u32 $0x1, s1  }
0x8c: {  	s14 =	sshll.u32 s0, $0xA;
	s2 =	sadd.s32 s3, s2  }
0x8d: {  	s2 =	sadd.s32 s2, s14  }
0x8e: {  	[smem:$0x3FBC] =	sst s2  }
0x8f: {  	_ = 	snop  }
0x90: {  	s2 =	sld [smem:$0x3FD0];
	_ =	sdelay $0x2  }
0x91: {  	s15 =	simm.s32 $0xA;
	s4 =	simm.s32 $0x10  }
0x92: {  	[smem:s4], [sflag:s15] =	dma.local [hbm:s2], $0x1  }
0x93: {  	_ =	swait.eq [sflag:s15], $0x1  }
0x94: {  	[sflag:s15] =	ssyncset.done $0x0  }
0x95: {  	[sflag:s15] =	ssyncadd.s32 $0xFFFFFFFF  }
0x96: {  	s16 =	sld [smem:$0x10];
	(tm) =	ssettm $0x1  }
0x97: {  	s17 =	sld [smem:$0x3FFB];
	_ =	sdelay $0x3  }
0x98: {  	_ =	strace s17  }
0x99: {  	s3 =	sld [smem:$0x3FFC];
	_ =	sdelay $0x3  }
0x9a: {  	_ =	strace s3  }
0x9b: {  	s3 =	sld [smem:$0x3FFD];
	_ =	sdelay $0x3  }
0x9c: {  	_ =	strace s3  }
0x9d: {  	_ =	strace $0x8FFFFFFF  }
0x9e: {  	s18 =	sld [smem:$0x3FDB];
	_ =	sdelay $0x1  }
0x9f: {  	s19 =	simm.s32 $_scs_section_size  }
0xa0: {  	s5 =	simm.s32 $_size__tile_overlayer_lowered;
	s6 =	simm.s32 $_tile_overlayer_lowered  }
0xa1: {  	s22 =	simm.s32 $0x1BFF;
	s21 =	sshll.u32 s6, $0x1;
	s3 =	sadd.s32 s19, s18  }
0xa2: {  	s7 =	simm.s32 $0x0;
	s20 =	sshll.u32 s5, $0x1;
	s5 =	sadd.s32 s21, s3  }
0xa3: {  	[timem:s7], [sflag:s22] =	dma.local [hbm:s5], s20  }
0xa4: {  	_ =	swait.ge [sflag:s22], s20  }
0xa5: {  	s4 =	ssub.s32 $0x0, s20;
	[sflag:s22] =	ssyncset.done $0x0  }
0xa6: {  	[sflag:s22] =	ssyncadd.s32 s4;
	_ =	sdelay $0x1  }
0xa7: {  	s23 =	simm.s32 $0x1B8B  }
0xa8: {  	_ =	swait.ge [sflag:s23], $0x1  }
0xa9: {  	[sflag:s23] =	ssyncset.done $0x0  }
0xaa: {  	s25 =	simm.s32 $0x1B8E;
	s24 =	sld [smem:$0x3FFE];
	[sflag:s23] =	ssyncadd.s32 $0xFFFFFFFF  }
0xab: {  	s26 =	simm.s32 $execute0_lowered;
	[smem:$0x3FD2] =	sst s25  }
0xac: {  	s5 =	sshll.u32 s26, $0x1;
	_ =	strace $0x80000049;
	[dreg:$0x1] =	wrdreg $0xFFFFFFFF  }
0xad: {  	s28 =	simm.s32 $_size_execute0_lowered;
	s3 =	sadd.s32 s3, s5;
	[dreg:$0x0] =	wrdreg $0x0  }
0xae: {  	s5 =	sshll.u32 s28, $0x1;
	[dreg:$0x2] =	wrdreg s3  }
0xaf: {  	[dreg:$0x3] =	wrdreg s5  }
0xb0: {  	[dreg:$0x4] =	wrdreg $0xC0  }
0xb1: {  	_ =	task [dreg:s7], $0x5FFFF  }
0xb2: {  	[dreg:$0x1] =	wrdreg $0xFFFFFFFF  }
0xb3: {  	[dreg:$0x0] =	wrdreg $0x60  }
0xb4: {  	[dreg:$0x2] =	wrdreg s24  }
0xb5: {  	[dreg:$0x3] =	wrdreg s16  }
0xb6: {  	[dreg:$0x4] =	wrdreg $0xA0A00  }
0xb7: {  	[dreg:$0x5] =	wrdreg $0x9  }
0xb8: {  	_ =	task.clear_ibuf [dreg:s7], $0x6FFFF;
	_ =	strace $0x90000049  }
0xb9: {  	s29 =	simm.s32 $0x9;
	_ =	strace $0x8000004B  }
0xba: {  	_ =	swait.ge [sflag:s29], $0x1  }
0xbb: {  	[sflag:s29] =	ssyncadd.s32 $0xFFFFFFFF  }
0xbc: {  	_ =	strace $0x9000004B  }
0xbd: {  	_ =	sfence  }
0xbe: {  	s30 =	sld [smem:$0x0];
	_ =	sdelay $0x2  }
0xbf: {  	s31 =	sshll.u32 s1, $0xD;
	s1 =	sshrl.u32 s1, $0x2  }
0xc0: {  	s3 =	sand.u32 $0x4000, s31;
	s1 =	sadd.s32 s1, s30  }
0xc1: {  	s0 =	sor.u32 s3, s0;
	s1 =	sshll.u32 s1, $0x11  }
0xc2: {  	s0 =	sor.u32 s1, s0  }
0xc3: {  	s0 =	sadd.s32 $0x8F2B, s0  }
0xc4: {  	[sflag:s0] =	ssyncadd.remote.s32 $0x1  }
0xc5: {  	_ =	sfence.sel $0xFFFF  }
0xc6: {  	[dreg:$0x0] =	wrdreg $0xFFFFFFFF;
	(pc) =	sbr.abs _section_cstart, $3  }
0xc7: {  	[dreg:$0x1] =	wrdreg $0xFFFFFFFF  }
0xc8: {  	_ =	task.clear_ibuf [dreg:s7], $0x2FFFF;
	_ =	strace $0x9FFFFFFF  }
0xc9: {  	(tm) =	ssettm $0x7FFFFFFF  }
tec
execute0_lowered:
.L_overlay_start_1:
0x0: {  	(tag) =	ssettag $0x1  }
0x1: {  	s0 =	rddreg [dreg:$0x0]  }
0x2: {  	s1 =	rddreg [dreg:$0x1]  }
0x3: {  	s2 =	rddreg [dreg:$0x2]  }
0x4: {  	s3 =	simm.s32 $0x0;
	s5 =	srdreg.scid;
	s20 =	stileid.u32  }
0x5: {  	s28 =	simm.s32 $0x50;
	s29 =	simm.s32 $0xA0;
	s30 =	simm.s32 $0x28A0  }
0x6: {  	s31 =	simm.s32 $0x1;
	[smem:$0x7FF] =	sst s3;
	s4 =	sadd.s32 $0xCA00, s0  }
0x7: {  	s6 =	sadd.s32 $0x163200, s0;
	s7 =	sadd.s32 $0x2C00, s0;
	s5 =	sand.u32 $0x1, s5  }
0x8: {  	s0 =	sadd.s32 $0x16800, s0;
	s10 =	sshll.u32 s20, $0x1;
	s11 =	smul.u32 $0x4E000, s20  }
0x9: {  	s12 =	smul.u32 $0x13800, s20;
	s24 =	sshll.u32 s20, $0x6;
	s21 =	sadd.s32 $0x138000, s2  }
0xa: {  	p0 =	sne.s32 s20, $0xF;
	s20 =	simm.s32 $0x7;
	_ =	strace $0x8000004A  }
0xb: {  	s8 =	ssub.s32 $0x2, s5;
	s10 =	sor.u32 s5, s10;
	s5 =	smul.u32 $0x138800, s5  }
0xc: {  	[dreg:$0x5] =	wrdreg s21;
	s9 =	sshrl.u32 s8, $0x1;
	s13 =	smul.u32 $0x2710, s10  }
0xd: {  	s11 =	sshrl.u32 s11, $0x2;
	s14 =	sadd.s32 s12, s2;
	s15 =	smul.u32 $0x27100, s10  }
0xe: {  	s8 =	ssub.s32 s8, s9;
	[dreg:$0x4] =	wrdreg s14;
	s9 =	sor.u32 $0x1C07, s24  }
0xf: {  	s11 =	sadd.s32 s11, s2;
	s12 =	sadd.s32 s12, s5;
	s5 =	sshrl.u32 s5, $0x3  }
0x10: {  	s14 =	simm.s32 $0x0;
	s25 =	sadd.s32 $0x3400, s11;
	s17 =	sadd.s32 $0x6800, s11  }
0x11: {  	s18 =	sadd.s32 $0x9C00, s11;
	s19 =	sadd.s32 $0xD000, s11;
	s15 =	sadd.s32 s6, s15  }
0x12: {  	s16 =	sshrl.u32 s13, $0x3;
	s21 =	smax.u32 s8, $0x1;
	[dreg:$0x7] =	wrdreg s15  }
0x13: {  	s12 =	sshrl.u32 s12, $0x3;
	s16 =	sadd.s32 s4, s16;
	[dreg:$0xb] =	wrdreg s21  }
0x14: {  	s11 =	sadd.s32 $0x10400, s11;
	s12 =	sadd.s32 s0, s12;
	[dreg:$0x6] =	wrdreg s16  }
0x15: {  	s10 =	sadd.s32 $0x50, s13;
	s22 =	sshrl.u32 s25, $0x3;
	[dreg:$0x9] =	wrdreg s12  }
0x16: {  	s8 =	simm.s32 $0x50A0;
	s23 =	sshrl.u32 s17, $0x3;
	[dreg:$0xc] =	wrdreg s22  }
0x17: {  	s26 =	sshrl.u32 s10, $0x3;
	s24 =	sshrl.u32 s18, $0x3;
	[dreg:$0xd] =	wrdreg s23  }
0x18: {  	s15 =	sadd.s32 $0xA0, s13;
	s25 =	sshrl.u32 s19, $0x3;
	[dreg:$0xe] =	wrdreg s24  }
0x19: {  	s0 =	sadd.s32 s0, s5;
	s16 =	sadd.s32 s4, s26;
	[dreg:$0xf] =	wrdreg s25  }
0x1a: {  	s5 =	simm.s32 $0x6;
	s0 =	sadd.s32 $0x27000, s0;
	[dreg:$0x8] =	wrdreg s16  }
0x1b: {  	s26 =	sshrl.u32 s11, $0x3;
	s11 =	simm.s32 $0x78A0;
	[dreg:$0xa] =	wrdreg s0  }
0x1c: {  	s12 =	simm.s32 $0x3;
	s16 =	sadd.s32 $0xF0, s13;
	[dreg:$0x10] =	wrdreg s26  }
0x1d: {  	s26 =	simm.s32 $0x5;
	s0 =	simm.s32 $0x2;
	s13 =	simm.s32 $0x4  }
.LBB2_1:
0x1e: {  	s17 =	rddreg [dreg:$0x4]  }
0x1f: {  	s17 =	sshrl.u32 s17, $0x3  }
0x20: {  	[spmem:s17], [sflag:s9] =	dma.local [hbm:s7], $0x680  }
0x21: {  	_ =	swait.ge [sflag:s20], $0x680  }
0x22: {  	[sflag:s20] =	ssyncset.done $0x0  }
0x23: {  	s18 =	rddreg [dreg:$0xc];
	[sflag:s20] =	ssyncadd.s32 $0xFFFFF980  }
0x24: {  	[spmem:s18], [sflag:s9] =	dma.local [hbm:s7], $0x680  }
0x25: {  	_ =	swait.ge [sflag:s20], $0x680  }
0x26: {  	[sflag:s20] =	ssyncset.done $0x0  }
0x27: {  	s25 =	rddreg [dreg:$0xd];
	[sflag:s20] =	ssyncadd.s32 $0xFFFFF980  }
0x28: {  	[spmem:s25], [sflag:s9] =	dma.local [hbm:s7], $0x680  }
0x29: {  	_ =	swait.ge [sflag:s20], $0x680  }
0x2a: {  	[sflag:s20] =	ssyncset.done $0x0  }
0x2b: {  	s19 =	rddreg [dreg:$0xe];
	[sflag:s20] =	ssyncadd.s32 $0xFFFFF980  }
0x2c: {  	[spmem:s19], [sflag:s9] =	dma.local [hbm:s7], $0x680  }
0x2d: {  	_ =	swait.ge [sflag:s20], $0x680  }
0x2e: {  	[sflag:s20] =	ssyncset.done $0x0  }
0x2f: {  	s21 =	rddreg [dreg:$0xf];
	[sflag:s20] =	ssyncadd.s32 $0xFFFFF980  }
0x30: {  	[spmem:s21], [sflag:s9] =	dma.local [hbm:s7], $0x680  }
0x31: {  	_ =	swait.ge [sflag:s20], $0x680  }
0x32: {  	[sflag:s20] =	ssyncset.done $0x0  }
0x33: {  	s22 =	rddreg [dreg:$0x10];
	[sflag:s20] =	ssyncadd.s32 $0xFFFFF980  }
0x34: {  	[spmem:s22], [sflag:s9] =	dma.local [hbm:s7], $0x680  }
0x35: {  	_ =	swait.ge [sflag:s20], $0x680  }
0x36: {  	[sflag:s20] =	ssyncset.done $0x0;
	s18 =	rddreg [dreg:$0x5]  }
0x37: {  	s19 =	simm.s32 @!p0 $0x7;
	[sflag:s20] =	ssyncadd.s32 $0xFFFFF980;
	s18 =	sshrl.u32 @!p0 s18, $0x3  }
0x38: {  	[spmem:s18], [sflag:s9] =	dma.local @!p0 [hbm:s7], $0x100  }
0x39: {  	_ =	swait.ge @!p0 [sflag:s19], $0x100  }
0x3a: {  	[sflag:s19] =	ssyncset.done @!p0 $0x0  }
0x3b: {  	[sflag:s19] =	ssyncadd.s32 @!p0 $0xFFFFFF00  }
0x3c: {  	[bflag:$0x0] =	sbarrier.arrive $0xFFFF  }
0x3d: {  	s23 =	rddreg [dreg:$0x6]  }
0x3e: {  	[tilespmem:s3], [sflag:$0x5] =	stream.linear.gather [hbm4b:s23+s3], $0x50, $0x38;
	[tilespmem:$0x1D920] =	vst v63  }
0x3f: {  	_ =	swait.ge [sflag:s26], $0x50  }
0x40: {  	[sflag:s26] =	ssyncset.done $0x0  }
0x41: {  	[sflag:s26] =	ssyncadd.s32 $0xFFFFFFB0  }
0x42: {  	[tilespmem:s29], [sflag:$0x1] =	stream.indirect.gather [hbm4b:s1+s28], $0x80, s3, s28, $0xb8;
	[tilespmem:$0x1D920] =	vst v63  }
0x43: {  	s24 =	rddreg [dreg:$0x7]  }
0x44: {  	[tilespmem:s30], [sflag:$0x2] =	stream.linear.gather [hbm4b:s24+s3], $0x2800, $0x38;
	[tilespmem:$0x1D920] =	vst v63  }
0x45: {  	s19 =	simm.s32 $0x0;
	s25 =	rddreg [dreg:$0x8]  }
0x46: {  	[tilespmem:s28], [sflag:$0x6] =	stream.linear.gather [hbm4b:s25+s3], $0x50, $0x38;
	[tilespmem:$0x1D920] =	vst v63  }
.LBB2_2:
0x47: {  	_ =	swait.ge [sflag:s31], $0x2800  }
0x48: {  	[sflag:s31] =	ssyncset.done $0x0  }
0x49: {  	[sflag:s31] =	ssyncadd.s32 $0xFFFFD800  }
0x4a: {  	_ =	swait.ge [sflag:s0], $0x2800  }
0x4b: {  	s21 =	smul.u32 $0xA0, s19;
	[sflag:s0] =	ssyncset.done $0x0  }
0x4c: {  	[sflag:s0] =	ssyncadd.s32 $0xFFFFD800  }
0x4d: {  	s22 =	sadd.s32 s21, s10;
	_ =	swait.ge [sflag:s5], $0x50  }
0x4e: {  	s22 =	sshll.u32 s22, $0x4;
	[sflag:s5] =	ssyncset.done $0x0  }
0x4f: {  	s22 =	sand.u32 $0x1FFFFF00, s22;
	[sflag:s5] =	ssyncadd.s32 $0xFFFFFFB0  }
0x50: {  	[tilespmem:s8], [sflag:$0x3] =	stream.indirect.gather [hbm4b:s1+s28], $0x80, s28, s28, $0xb8;
	[tilespmem:$0x1D920] =	vst v63  }
0x51: {  	s23 =	simm.s32 $0x0;
	s22 =	sadd.s32 s6, s22  }
0x52: {  	[tilespmem:s11], [sflag:$0x4] =	stream.linear.gather [hbm4b:s22+s23], $0x2800, $0x38;
	[tilespmem:$0x1D920] =	vst v63  }
0x53: {  	s22 =	simm.s32 $0x0  }
0x54: {  	v0 =	vld [tilespmem:s22+$0x28C0]  }
0x55: {  	v1 =	vld [tilespmem:s22+$0x28E0]  }
0x56: {  	v2 =	vld [tilespmem:s22+$0x28F0]  }
0x57: {  	v6 =	vld [tilespmem:s22+$0x28A0]  }
0x58: {  	v3 =	vld [tilespmem:s22+$0xF0]  }
0x59: {  	v8 =	vld [tilespmem:s22+$0x2900]  }
0x5a: {  	v5 =	vld [tilespmem:s22+$0xE0]  }
0x5b: {  	v9 =	vld [tilespmem:s22+$0x2910]  }
0x5c: {  	v10 =	vld [tilespmem:s22+$0x110]  }
0x5d: {  	v4 =	vmul.f32 v2, v3;
	v2 =	vld [tilespmem:s22+$0x100]  }
0x5e: {  	v11 =	vld [tilespmem:s22+$0xC0]  }
0x5f: {  	v12 =	vld [tilespmem:s22+$0xA0];
	v3 =	vsub.f32 $0.0e+00, v4  }
0x60: {  	v7 =	vmul.f32 v1, v5  }
0x61: {  	v1 =	vmul.f32 $1.442695020e+00, v3  }
0x62: {  	v5 =	vmul.f32 v9, v10;
	v9 =	vsub.f32 $0.0e+00, v7;
	v3 =	vmul.f32 v8, v2  }
0x63: {  	v10 =	vld [tilespmem:s22+$0xB0];
	(erf) = vpow2.f32 v1;
	v1 =	vmul.f32 v0, v11  }
0x64: {  	v9 =	vmul.f32 $1.442695020e+00, v9;
	v8 =	vld [tilespmem:s22+$0x28B0];
	v2 =	vmul.f32 v6, v12;
	v0 =	vsub.f32 $0.0e+00, v5  }
0x65: {  	v13 =	vld [tilespmem:s22+$0xD0];
	v6 =	vsub.f32 $0.0e+00, v3;
	v63 =	vsub.f32 $0.0e+00, v1  }
0x66: {  	v11 =	vld [tilespmem:s22+$0x28D0];
	(erf) = vpow2.f32 v9;
	v9 =	vsub.f32 $0.0e+00, v2;
	v0 =	vmul.f32 $1.442695020e+00, v0  }
0x67: {  	v6 =	vmul.f32 $1.442695020e+00, v6;
	v12 =	vmul.f32 $1.442695020e+00, v63  }
0x68: {  	(erf) = vpow2.f32 v0;
	v0 =	vmul.f32 $1.442695020e+00, v9  }
0x69: {  	(erf) = vpow2.f32 v6;
	v6 =	vmul.f32 v8, v10  }
0x6a: {  	(erf) = vpow2.f32 v12  }
0x6b: {  	(erf) = vpow2.f32 v0;
	v8 =	vsub.f32 $0.0e+00, v6;
	v0 =	vmul.f32 v11, v13;
	_ =	sdelay $0x1  }
0x6c: {  	v8 =	vmul.f32 $1.442695020e+00, v8;
	v9 =	vsub.f32 $0.0e+00, v0;
	v10 =	vpop (erf)  }
0x6d: {  	v10 =	vadd.f32 $1.000000000e+00, v10  }
0x6e: {  	(erf) = vpow2.f32 v8;
	v8 =	vmul.f32 $1.442695020e+00, v9;
	_ =	sdelay $0x1  }
0x6f: {  	(erf) = vrcp.f32 v10;
	v9 =	vpop (erf)  }
0x70: {  	(erf) = vpow2.f32 v8;
	v9 =	vadd.f32 $1.000000000e+00, v9;
	v10 =	vpop (erf)  }
0x71: {  	v11 =	vadd.f32 $1.000000000e+00, v10;
	v8 =	vpop (erf)  }
0x72: {  	(erf) = vrcp.f32 v9;
	v10 =	vpop (erf)  }
0x73: {  	s24 =	simm.s32 $0x200;
	s23 =	simm.s32 $0x400;
	v9 =	vadd.f32 $1.000000000e+00, v8;
	v8 =	vadd.f32 $1.000000000e+00, v10;
	v10 =	vpop (erf);
	(erf) = vrcp.f32 v11  }
.LBB2_3:
0x74: {  	p1 =	sne.s32 s23, $0x9E00  }
0x75: {  	s25 =	sshra.s32 s24, $0x2;
	v10 =	vadd.f32 $1.000000000e+00, v10;
	(erf) = vrcp.f32 v9;
	s24 =	smov.u32 s23;
	s23 =	sadd.s32 $0x200, s23  }
0x76: {  	v9 =	vld [tilespmem:s25+$0x28C0];
	v11 =	vpop (erf);
	(erf) = vrcp.f32 v8  }
0x77: {  	v8 =	vld [tilespmem:s25+$0x28E0];
	v14 =	vadd.f32 $1.000000000e+00, v11;
	(erf) = vrcp.f32 v10  }
0x78: {  	v10 =	vld [tilespmem:s25+$0x28F0];
	v12 =	vpop (erf)  }
0x79: {  	v13 =	vld [tilespmem:s25+$0x28A0];
	v12 =	vmul.f32 v12, v4;
	(erf) = vrcp.f32 v14;
	v11 =	vpop (erf)  }
0x7a: {  	v11 =	vadd.f32 $1.000000000e+00, v11  }
0x7b: {  	[tilespmem:s22+$0xF0] =	vst v12;
	v4 =	vpop (erf)  }
0x7c: {  	v12 =	vld [tilespmem:s25+$0xF0];
	v4 =	vmul.f32 v4, v7;
	(erf) = vrcp.f32 v11  }
0x7d: {  	v7 =	vpop (erf)  }
0x7e: {  	v11 =	vld [tilespmem:s25+$0x2900];
	[tilespmem:s22+$0xE0] =	vst v4;
	v4 =	vmul.f32 v7, v5;
	v5 =	vpop (erf)  }
0x7f: {  	v7 =	vld [tilespmem:s25+$0xE0];
	v3 =	vmul.f32 v5, v3;
	v5 =	vpop (erf)  }
0x80: {  	v14 =	vld [tilespmem:s25+$0x2910];
	v15 =	vmul.f32 v5, v1;
	[tilespmem:s22+$0x110] =	vst v4;
	v5 =	vpop (erf)  }
0x81: {  	v4 =	vmul.f32 v10, v12;
	v10 =	vld [tilespmem:s25+$0x110];
	v2 =	vmul.f32 v5, v2;
	[tilespmem:s22+$0x100] =	vst v3  }
0x82: {  	v3 =	vld [tilespmem:s25+$0x100];
	[tilespmem:s22+$0xC0] =	vst v15;
	v1 =	vpop (erf)  }
0x83: {  	v12 =	vld [tilespmem:s25+$0xC0];
	v5 =	vsub.f32 $0.0e+00, v4;
	[tilespmem:s22+$0xA0] =	vst v2;
	v15 =	vmul.f32 v1, v6  }
0x84: {  	v2 =	vld [tilespmem:s25+$0xA0];
	v7 =	vmul.f32 v8, v7  }
0x85: {  	v6 =	vld [tilespmem:s25+$0x28B0];
	v8 =	vmul.f32 $1.442695020e+00, v5;
	[tilespmem:s22+$0xB0] =	vst v15;
	v1 =	vpop (erf)  }
0x86: {  	v15 =	vld [tilespmem:s25+$0xB0];
	v16 =	vsub.f32 $0.0e+00, v7;
	v5 =	vmul.f32 v14, v10;
	v0 =	vmul.f32 v1, v0  }
0x87: {  	v3 =	vmul.f32 v11, v3;
	(erf) = vpow2.f32 v8  }
0x88: {  	v1 =	vmul.f32 v9, v12;
	v8 =	vld [tilespmem:s25+$0x28D0];
	v9 =	vmul.f32 $1.442695020e+00, v16;
	v10 =	vsub.f32 $0.0e+00, v5;
	[tilespmem:s22+$0xD0] =	vst v0;
	s22 =	smov.u32 s25  }
0x89: {  	v2 =	vmul.f32 v13, v2;
	v0 =	vld [tilespmem:s22+$0xD0];
	v11 =	vsub.f32 $0.0e+00, v3  }
0x8a: {  	v12 =	vsub.f32 $0.0e+00, v1;
	v10 =	vmul.f32 $1.442695020e+00, v10;
	(erf) = vpow2.f32 v9  }
0x8b: {  	v9 =	vsub.f32 $0.0e+00, v2;
	v6 =	vmul.f32 v6, v15;
	v11 =	vmul.f32 $1.442695020e+00, v11  }
0x8c: {  	v12 =	vmul.f32 $1.442695020e+00, v12;
	(erf) = vpow2.f32 v10  }
0x8d: {  	v9 =	vmul.f32 $1.442695020e+00, v9;
	v13 =	vsub.f32 $0.0e+00, v6;
	(erf) = vpow2.f32 v11  }
0x8e: {  	v0 =	vmul.f32 v8, v0;
	(erf) = vpow2.f32 v12  }
0x8f: {  	v8 =	vmul.f32 $1.442695020e+00, v13;
	(erf) = vpow2.f32 v9  }
0x90: {  	v11 =	vsub.f32 $0.0e+00, v0;
	v10 =	vpop (erf)  }
0x91: {  	v10 =	vadd.f32 $1.000000000e+00, v10;
	(erf) = vpow2.f32 v8  }
0x92: {  	v11 =	vmul.f32 $1.442695020e+00, v11  }
0x93: {  	v9 =	vpop (erf);
	(erf) = vrcp.f32 v10  }
.Ltmp0:
0x94: {  	v9 =	vadd.f32 $1.000000000e+00, v9;
	(erf) = vpow2.f32 v11;
	(pc) =	sbr.rel @p1 .LBB2_3-.Ltmp0, $4  }
0x95: {  	v8 =	vpop (erf)  }
0x96: {  	v11 =	vadd.f32 $1.000000000e+00, v8;
	(erf) = vrcp.f32 v9;
	v8 =	vpop (erf)  }
0x97: {  	v9 =	vadd.f32 $1.000000000e+00, v8;
	v8 =	vpop (erf)  }
0x98: {  	v8 =	vadd.f32 $1.000000000e+00, v8;
	v10 =	vpop (erf);
	(erf) = vrcp.f32 v11  }
0x99: {  	_ =	sdelay $0x1  }
0x9a: {  	v11 =	vpop (erf)  }
0x9b: {  	(erf) = vrcp.f32 v9;
	v13 =	vpop (erf)  }
0x9c: {  	s23 =	sshra.s32 s24, $0x2;
	v4 =	vmul.f32 v13, v4  }
0x9d: {  	v10 =	vadd.f32 $1.000000000e+00, v10;
	v9 =	vld [tilespmem:s23+$0x28C0]  }
0x9e: {  	v12 =	vld [tilespmem:s23+$0x28E0];
	(erf) = vrcp.f32 v8  }
0x9f: {  	v56 =	vld [tilespmem:s23+$0x28A0];
	v14 =	vpop (erf);
	(erf) = vrcp.f32 v10;
	v10 =	vadd.f32 $1.000000000e+00, v11  }
0xa0: {  	v8 =	vld [tilespmem:s23+$0x28F0];
	[tilespmem:s22+$0xF0] =	vst v4;
	v4 =	vpop (erf)  }
0xa1: {  	(erf) = vrcp.f32 v10;
	v4 =	vmul.f32 v4, v7  }
0xa2: {  	v11 =	vld [tilespmem:s23+$0xF0]  }
0xa3: {  	v7 =	vld [tilespmem:s23+$0x2900];
	v10 =	vpop (erf);
	[tilespmem:s22+$0xE0] =	vst v4;
	v4 =	vadd.f32 $1.000000000e+00, v14  }
0xa4: {  	v57 =	vpop (erf)  }
0xa5: {  	v3 =	vmul.f32 v57, v3  }
0xa6: {  	v5 =	vmul.f32 v10, v5;
	(erf) = vrcp.f32 v4  }
0xa7: {  	v10 =	vld [tilespmem:s23+$0xE0];
	v4 =	vpop (erf)  }
0xa8: {  	v15 =	vld [tilespmem:s23+$0x2910];
	[tilespmem:s22+$0x110] =	vst v5;
	v1 =	vmul.f32 v4, v1  }
0xa9: {  	v5 =	vld [tilespmem:s23+$0x110];
	[tilespmem:s22+$0x100] =	vst v3;
	v3 =	vpop (erf)  }
0xaa: {  	v4 =	vld [tilespmem:s23+$0x100];
	[tilespmem:s22+$0xC0] =	vst v1;
	v1 =	vmul.f32 v8, v11;
	v8 =	vpop (erf)  }
0xab: {  	v2 =	vmul.f32 v3, v2;
	v6 =	vmul.f32 v8, v6;
	_ =	sdelay $0x1  }
0xac: {  	v3 =	vld [tilespmem:s23+$0xC0];
	[tilespmem:s22+$0xA0] =	vst v2  }
0xad: {  	v2 =	vsub.f32 $0.0e+00, v1;
	v8 =	vld [tilespmem:s23+$0xA0]  }
0xae: {  	v10 =	vmul.f32 v12, v10;
	v11 =	vld [tilespmem:s23+$0x28B0];
	[tilespmem:s22+$0xB0] =	vst v6;
	v6 =	vpop (erf)  }
0xaf: {  	v2 =	vmul.f32 $1.442695020e+00, v2;
	v0 =	vmul.f32 v6, v0  }
0xb0: {  	v5 =	vmul.f32 v15, v5;
	v58 =	vld [tilespmem:s23+$0xB0]  }
0xb1: {  	(erf) = vpow2.f32 v2;
	v2 =	vld [tilespmem:s23+$0x28D0];
	v6 =	vsub.f32 $0.0e+00, v10;
	[tilespmem:s22+$0xD0] =	vst v0  }
0xb2: {  	v3 =	vmul.f32 v9, v3;
	v0 =	vmul.f32 v7, v4;
	v4 =	vsub.f32 $0.0e+00, v5;
	v7 =	vld [tilespmem:s23+$0xD0]  }
0xb3: {  	v8 =	vmul.f32 v56, v8;
	v6 =	vmul.f32 $1.442695020e+00, v6  }
0xb4: {  	v59 =	vsub.f32 $0.0e+00, v3;
	v9 =	vsub.f32 $0.0e+00, v0;
	v4 =	vmul.f32 $1.442695020e+00, v4  }
0xb5: {  	(erf) = vpow2.f32 v6;
	v6 =	vmul.f32 v11, v58  }
0xb6: {  	v11 =	vsub.f32 $0.0e+00, v8;
	v60 =	vmul.f32 $1.442695020e+00, v59;
	v9 =	vmul.f32 $1.442695020e+00, v9  }
0xb7: {  	(erf) = vpow2.f32 v4;
	v4 =	vsub.f32 $0.0e+00, v6;
	v2 =	vmul.f32 v2, v7  }
0xb8: {  	v7 =	vmul.f32 $1.442695020e+00, v11;
	(erf) = vpow2.f32 v9  }
0xb9: {  	v4 =	vmul.f32 $1.442695020e+00, v4;
	(erf) = vpow2.f32 v60;
	v9 =	vsub.f32 $0.0e+00, v2  }
0xba: {  	(erf) = vpow2.f32 v7  }
0xbb: {  	v11 =	vpop (erf);
	(erf) = vpow2.f32 v4;
	v4 =	vmul.f32 $1.442695020e+00, v9  }
0xbc: {  	v7 =	vadd.f32 $1.000000000e+00, v11;
	_ =	sdelay $0x1  }
0xbd: {  	(erf) = vrcp.f32 v7  }
0xbe: {  	(erf) = vpow2.f32 v4;
	v4 =	vpop (erf)  }
0xbf: {  	v4 =	vadd.f32 $1.000000000e+00, v4;
	_ =	sdelay $0x1  }
0xc0: {  	v7 =	vpop (erf);
	(erf) = vrcp.f32 v4  }
0xc1: {  	v9 =	vpop (erf);
	v7 =	vadd.f32 $1.000000000e+00, v7  }
0xc2: {  	v11 =	vpop (erf);
	v4 =	vadd.f32 $1.000000000e+00, v9  }
0xc3: {  	v11 =	vadd.f32 $1.000000000e+00, v11;
	(erf) = vrcp.f32 v7  }
0xc4: {  	v9 =	vpop (erf);
	(erf) = vrcp.f32 v4  }
0xc5: {  	v7 =	vpop (erf);
	(erf) = vrcp.f32 v11  }
0xc6: {  	v9 =	vadd.f32 $1.000000000e+00, v9;
	v4 =	vpop (erf)  }
0xc7: {  	v7 =	vadd.f32 $1.000000000e+00, v7;
	v11 =	vpop (erf)  }
0xc8: {  	(erf) = vrcp.f32 v9;
	v9 =	vadd.f32 $1.000000000e+00, v11  }
0xc9: {  	v1 =	vmul.f32 v4, v1;
	(erf) = vrcp.f32 v7;
	v4 =	vpop (erf)  }
0xca: {  	(erf) = vrcp.f32 v9;
	v4 =	vmul.f32 v4, v10;
	_ =	sdelay $0x1  }
0xcb: {  	v7 =	vpop (erf)  }
0xcc: {  	[tilespmem:s23+$0xF0] =	vst v1;
	v1 =	vmul.f32 v7, v5;
	v5 =	vpop (erf)  }
0xcd: {  	[tilespmem:s23+$0xE0] =	vst v4;
	v0 =	vmul.f32 v5, v0;
	v4 =	vpop (erf)  }
0xce: {  	v3 =	vmul.f32 v4, v3;
	_ =	sdelay $0x1  }
0xcf: {  	[tilespmem:s23+$0x110] =	vst v1;
	v1 =	vpop (erf)  }
0xd0: {  	[tilespmem:s23+$0x100] =	vst v0;
	v1 =	vmul.f32 v1, v8;
	v0 =	vpop (erf)  }
0xd1: {  	[tilespmem:s23+$0xC0] =	vst v3;
	v0 =	vmul.f32 v0, v6;
	v3 =	vpop (erf)  }
0xd2: {  	[tilespmem:s23+$0xA0] =	vst v1;
	v1 =	vmul.f32 v3, v2  }
0xd3: {  	[tilespmem:s23+$0xB0] =	vst v0  }
0xd4: {  	s22 =	simm.s32 $0x0;
	[tilespmem:s23+$0xD0] =	vst v1  }
0xd5: {  	[spmem:s2] =	stream.indirect.scatter.add.f32 [tilespmem:s29], [sflag:$0x7], $0x80, s22, s28, $0xb8;
	[tilespmem:$0x1D920] =	vst v63  }
0xd6: {  	s23 =	sadd.s32 s21, s15;
	_ =	swait.ge [sflag:s20], $0x2800  }
0xd7: {  	s25 =	sshrl.u32 s23, $0x3;
	[sflag:s20] =	ssyncset.done $0x0  }
0xd8: {  	s24 =	sadd.s32 s4, s25;
	[sflag:s20] =	ssyncadd.s32 $0xFFFFD800  }
0xd9: {  	[tilespmem:s22], [sflag:$0x5] =	stream.linear.gather [hbm4b:s24+s22], $0x50, $0x38;
	[tilespmem:$0x1D920] =	vst v63  }
0xda: {  	_ =	swait.ge [sflag:s12], $0x2800  }
0xdb: {  	[sflag:s12] =	ssyncset.done $0x0  }
0xdc: {  	[sflag:s12] =	ssyncadd.s32 $0xFFFFD800  }
0xdd: {  	_ =	swait.ge [sflag:s13], $0x2800  }
0xde: {  	[sflag:s13] =	ssyncset.done $0x0  }
0xdf: {  	[sflag:s13] =	ssyncadd.s32 $0xFFFFD800  }
0xe0: {  	_ =	swait.ge [sflag:s26], $0x50  }
0xe1: {  	s23 =	sshll.u32 s23, $0x4;
	[sflag:s26] =	ssyncset.done $0x0  }
0xe2: {  	s23 =	sand.u32 $0x1FFFFF00, s23;
	[sflag:s26] =	ssyncadd.s32 $0xFFFFFFB0  }
0xe3: {  	[tilespmem:s29], [sflag:$0x1] =	stream.indirect.gather [hbm4b:s1+s28], $0x80, s22, s28, $0xb8;
	[tilespmem:$0x1D920] =	vst v63  }
0xe4: {  	s23 =	sadd.s32 s6, s23  }
0xe5: {  	[tilespmem:s30], [sflag:$0x2] =	stream.linear.gather [hbm4b:s23+s22], $0x2800, $0x38;
	[tilespmem:$0x1D920] =	vst v63  }
0xe6: {  	s22 =	simm.s32 $0x0  }
0xe7: {  	v0 =	vld [tilespmem:s22+$0x78C0]  }
0xe8: {  	v1 =	vld [tilespmem:s22+$0x78E0]  }
0xe9: {  	v2 =	vld [tilespmem:s22+$0x78F0]  }
0xea: {  	v6 =	vld [tilespmem:s22+$0x78A0]  }
0xeb: {  	v3 =	vld [tilespmem:s22+$0x50F0]  }
0xec: {  	v8 =	vld [tilespmem:s22+$0x7900]  }
0xed: {  	v5 =	vld [tilespmem:s22+$0x50E0]  }
0xee: {  	v9 =	vld [tilespmem:s22+$0x7910]  }
0xef: {  	v10 =	vld [tilespmem:s22+$0x5110]  }
0xf0: {  	v4 =	vmul.f32 v2, v3;
	v2 =	vld [tilespmem:s22+$0x5100]  }
0xf1: {  	v11 =	vld [tilespmem:s22+$0x50C0]  }
0xf2: {  	v61 =	vld [tilespmem:s22+$0x50A0];
	v3 =	vsub.f32 $0.0e+00, v4  }
0xf3: {  	v7 =	vmul.f32 v1, v5  }
0xf4: {  	v1 =	vmul.f32 $1.442695020e+00, v3  }
0xf5: {  	v5 =	vmul.f32 v9, v10;
	v9 =	vsub.f32 $0.0e+00, v7;
	v3 =	vmul.f32 v8, v2  }
0xf6: {  	v10 =	vld [tilespmem:s22+$0x50B0];
	(erf) = vpow2.f32 v1;
	v1 =	vmul.f32 v0, v11  }
0xf7: {  	v9 =	vmul.f32 $1.442695020e+00, v9;
	v8 =	vld [tilespmem:s22+$0x78B0];
	v2 =	vmul.f32 v6, v61;
	v0 =	vsub.f32 $0.0e+00, v5  }
0xf8: {  	v63 =	vld [tilespmem:s22+$0x50D0];
	v6 =	vsub.f32 $0.0e+00, v3;
	v62 =	vsub.f32 $0.0e+00, v1  }
0xf9: {  	v11 =	vld [tilespmem:s22+$0x78D0];
	(erf) = vpow2.f32 v9;
	v9 =	vsub.f32 $0.0e+00, v2;
	v0 =	vmul.f32 $1.442695020e+00, v0  }
0xfa: {  	v6 =	vmul.f32 $1.442695020e+00, v6;
	v12 =	vmul.f32 $1.442695020e+00, v62  }
0xfb: {  	(erf) = vpow2.f32 v0;
	v0 =	vmul.f32 $1.442695020e+00, v9  }
0xfc: {  	(erf) = vpow2.f32 v6;
	v6 =	vmul.f32 v8, v10  }
0xfd: {  	(erf) = vpow2.f32 v12  }
0xfe: {  	(erf) = vpow2.f32 v0;
	v8 =	vsub.f32 $0.0e+00, v6;
	v0 =	vmul.f32 v11, v63;
	_ =	sdelay $0x1  }
0xff: {  	v8 =	vmul.f32 $1.442695020e+00, v8;
	v9 =	vsub.f32 $0.0e+00, v0;
	v10 =	vpop (erf)  }
0x100: {  	v10 =	vadd.f32 $1.000000000e+00, v10  }
0x101: {  	(erf) = vpow2.f32 v8;
	v8 =	vmul.f32 $1.442695020e+00, v9;
	_ =	sdelay $0x1  }
0x102: {  	v9 =	vpop (erf);
	(erf) = vrcp.f32 v10  }
0x103: {  	v9 =	vadd.f32 $1.000000000e+00, v9;
	v10 =	vpop (erf);
	(erf) = vpow2.f32 v8  }
0x104: {  	v11 =	vadd.f32 $1.000000000e+00, v10;
	v8 =	vpop (erf)  }
0x105: {  	(erf) = vrcp.f32 v9;
	v10 =	vpop (erf)  }
0x106: {  	s24 =	simm.s32 $0x200;
	s23 =	simm.s32 $0x400;
	v9 =	vadd.f32 $1.000000000e+00, v8;
	v8 =	vadd.f32 $1.000000000e+00, v10;
	v10 =	vpop (erf);
	(erf) = vrcp.f32 v11  }
.LBB2_5:
0x107: {  	p1 =	sne.s32 s23, $0x9E00  }
0x108: {  	s25 =	sshra.s32 s24, $0x2;
	v10 =	vadd.f32 $1.000000000e+00, v10;
	(erf) = vrcp.f32 v9;
	s24 =	smov.u32 s23;
	s23 =	sadd.s32 $0x200, s23  }
0x109: {  	v9 =	vld [tilespmem:s25+$0x78C0];
	v11 =	vpop (erf);
	(erf) = vrcp.f32 v8  }
0x10a: {  	v8 =	vld [tilespmem:s25+$0x78E0];
	v14 =	vadd.f32 $1.000000000e+00, v11;
	(erf) = vrcp.f32 v10  }
0x10b: {  	v10 =	vld [tilespmem:s25+$0x78F0];
	v12 =	vpop (erf)  }
0x10c: {  	v13 =	vld [tilespmem:s25+$0x78A0];
	v12 =	vmul.f32 v12, v4;
	(erf) = vrcp.f32 v14;
	v11 =	vpop (erf)  }
0x10d: {  	v11 =	vadd.f32 $1.000000000e+00, v11  }
0x10e: {  	[tilespmem:s22+$0x50F0] =	vst v12;
	v4 =	vpop (erf)  }
0x10f: {  	v12 =	vld [tilespmem:s25+$0x50F0];
	v4 =	vmul.f32 v4, v7;
	(erf) = vrcp.f32 v11  }
0x110: {  	v7 =	vpop (erf)  }
0x111: {  	v11 =	vld [tilespmem:s25+$0x7900];
	[tilespmem:s22+$0x50E0] =	vst v4;
	v4 =	vmul.f32 v7, v5;
	v5 =	vpop (erf)  }
0x112: {  	v7 =	vld [tilespmem:s25+$0x50E0];
	v3 =	vmul.f32 v5, v3;
	v5 =	vpop (erf)  }
0x113: {  	v14 =	vld [tilespmem:s25+$0x7910];
	v15 =	vmul.f32 v5, v1;
	[tilespmem:s22+$0x5110] =	vst v4;
	v5 =	vpop (erf)  }
0x114: {  	v4 =	vmul.f32 v10, v12;
	v10 =	vld [tilespmem:s25+$0x5110];
	v2 =	vmul.f32 v5, v2;
	[tilespmem:s22+$0x5100] =	vst v3  }
0x115: {  	v3 =	vld [tilespmem:s25+$0x5100];
	[tilespmem:s22+$0x50C0] =	vst v15;
	v1 =	vpop (erf)  }
0x116: {  	v12 =	vld [tilespmem:s25+$0x50C0];
	v5 =	vsub.f32 $0.0e+00, v4;
	[tilespmem:s22+$0x50A0] =	vst v2;
	v15 =	vmul.f32 v1, v6  }
0x117: {  	v2 =	vld [tilespmem:s25+$0x50A0];
	v7 =	vmul.f32 v8, v7  }
0x118: {  	v6 =	vld [tilespmem:s25+$0x78B0];
	v8 =	vmul.f32 $1.442695020e+00, v5;
	[tilespmem:s22+$0x50B0] =	vst v15;
	v1 =	vpop (erf)  }
0x119: {  	v15 =	vld [tilespmem:s25+$0x50B0];
	v16 =	vsub.f32 $0.0e+00, v7;
	v5 =	vmul.f32 v14, v10;
	v0 =	vmul.f32 v1, v0  }
0x11a: {  	v3 =	vmul.f32 v11, v3;
	(erf) = vpow2.f32 v8  }
0x11b: {  	v1 =	vmul.f32 v9, v12;
	v8 =	vld [tilespmem:s25+$0x78D0];
	v9 =	vmul.f32 $1.442695020e+00, v16;
	v10 =	vsub.f32 $0.0e+00, v5;
	[tilespmem:s22+$0x50D0] =	vst v0;
	s22 =	smov.u32 s25  }
0x11c: {  	v2 =	vmul.f32 v13, v2;
	v0 =	vld [tilespmem:s22+$0x50D0];
	v11 =	vsub.f32 $0.0e+00, v3  }
0x11d: {  	v12 =	vsub.f32 $0.0e+00, v1;
	v10 =	vmul.f32 $1.442695020e+00, v10;
	(erf) = vpow2.f32 v9  }
0x11e: {  	v9 =	vsub.f32 $0.0e+00, v2;
	v6 =	vmul.f32 v6, v15;
	v11 =	vmul.f32 $1.442695020e+00, v11  }
0x11f: {  	v12 =	vmul.f32 $1.442695020e+00, v12;
	(erf) = vpow2.f32 v10  }
0x120: {  	v9 =	vmul.f32 $1.442695020e+00, v9;
	v13 =	vsub.f32 $0.0e+00, v6;
	(erf) = vpow2.f32 v11  }
0x121: {  	v0 =	vmul.f32 v8, v0;
	(erf) = vpow2.f32 v12  }
0x122: {  	v8 =	vmul.f32 $1.442695020e+00, v13;
	(erf) = vpow2.f32 v9  }
0x123: {  	v11 =	vsub.f32 $0.0e+00, v0;
	v10 =	vpop (erf)  }
0x124: {  	v10 =	vadd.f32 $1.000000000e+00, v10;
	(erf) = vpow2.f32 v8  }
0x125: {  	v11 =	vmul.f32 $1.442695020e+00, v11  }
0x126: {  	v9 =	vpop (erf);
	(erf) = vrcp.f32 v10  }
.Ltmp1:
0x127: {  	v9 =	vadd.f32 $1.000000000e+00, v9;
	(erf) = vpow2.f32 v11;
	(pc) =	sbr.rel @p1 .LBB2_5-.Ltmp1, $4  }
0x128: {  	v8 =	vpop (erf)  }
0x129: {  	v11 =	vadd.f32 $1.000000000e+00, v8;
	(erf) = vrcp.f32 v9;
	v8 =	vpop (erf)  }
0x12a: {  	v9 =	vadd.f32 $1.000000000e+00, v8;
	v8 =	vpop (erf)  }
0x12b: {  	v8 =	vadd.f32 $1.000000000e+00, v8;
	v10 =	vpop (erf);
	(erf) = vrcp.f32 v11  }
0x12c: {  	_ =	sdelay $0x1  }
0x12d: {  	(erf) = vrcp.f32 v9;
	v10 =	vadd.f32 $1.000000000e+00, v10;
	v11 =	vpop (erf)  }
0x12e: {  	s23 =	sshra.s32 s24, $0x2;
	v13 =	vpop (erf);
	(erf) = vrcp.f32 v8  }
0x12f: {  	v53 =	vld [tilespmem:s23+$0x78C0];
	v57 =	vadd.f32 $1.000000000e+00, v11;
	(erf) = vrcp.f32 v10  }
0x130: {  	v12 =	vld [tilespmem:s23+$0x78E0];
	v4 =	vmul.f32 v13, v4;
	v14 =	vpop (erf)  }
0x131: {  	v54 =	vld [tilespmem:s23+$0x78F0];
	(erf) = vrcp.f32 v57;
	v61 =	vadd.f32 $1.000000000e+00, v14  }
0x132: {  	v55 =	vld [tilespmem:s23+$0x78A0];
	[tilespmem:s22+$0x50F0] =	vst v4  }
0x133: {  	v56 =	vpop (erf);
	v58 =	vld [tilespmem:s23+$0x50F0];
	(erf) = vrcp.f32 v61  }
0x134: {  	v4 =	vmul.f32 v56, v7  }
0x135: {  	v60 =	vpop (erf)  }
0x136: {  	v59 =	vld [tilespmem:s23+$0x7900];
	[tilespmem:s22+$0x50E0] =	vst v4;
	v5 =	vmul.f32 v60, v5;
	v63 =	vpop (erf)  }
0x137: {  	v62 =	vld [tilespmem:s23+$0x50E0];
	v3 =	vmul.f32 v63, v3;
	v18 =	vpop (erf)  }
0x138: {  	v15 =	vld [tilespmem:s23+$0x7910];
	[tilespmem:s22+$0x5110] =	vst v5;
	v21 =	vmul.f32 v54, v58;
	v1 =	vmul.f32 v18, v1;
	v19 =	vpop (erf)  }
0x139: {  	v5 =	vld [tilespmem:s23+$0x5110];
	[tilespmem:s22+$0x5100] =	vst v3;
	v2 =	vmul.f32 v19, v2  }
0x13a: {  	v20 =	vld [tilespmem:s23+$0x5100];
	v23 =	vpop (erf);
	v24 =	vsub.f32 $0.0e+00, v21;
	[tilespmem:s22+$0x50C0] =	vst v1  }
0x13b: {  	v6 =	vmul.f32 v23, v6;
	v22 =	vld [tilespmem:s23+$0x50C0];
	[tilespmem:s22+$0x50A0] =	vst v2  }
0x13c: {  	v2 =	vmul.f32 $1.442695020e+00, v24;
	v27 =	vpop (erf);
	v25 =	vld [tilespmem:s23+$0x50A0]  }
0x13d: {  	v10 =	vmul.f32 v12, v62;
	v26 =	vld [tilespmem:s23+$0x78B0];
	[tilespmem:s22+$0x50B0] =	vst v6;
	v0 =	vmul.f32 v27, v0  }
0x13e: {  	v5 =	vmul.f32 v15, v5;
	v28 =	vld [tilespmem:s23+$0x50B0];
	(erf) = vpow2.f32 v2  }
0x13f: {  	v30 =	vsub.f32 $0.0e+00, v10;
	v29 =	vld [tilespmem:s23+$0x78D0];
	[tilespmem:s22+$0x50D0] =	vst v0  }
0x140: {  	v31 =	vmul.f32 v59, v20;
	v32 =	vsub.f32 $0.0e+00, v5;
	v33 =	vld [tilespmem:s23+$0x50D0]  }
0x141: {  	v6 =	vmul.f32 $1.442695020e+00, v30;
	v3 =	vmul.f32 v53, v22  }
0x142: {  	v34 =	vsub.f32 $0.0e+00, v31;
	v4 =	vmul.f32 $1.442695020e+00, v32;
	v8 =	vmul.f32 v55, v25  }
0x143: {  	(erf) = vpow2.f32 v6;
	v35 =	vsub.f32 $0.0e+00, v3;
	v36 =	vmul.f32 v26, v28  }
0x144: {  	v9 =	vmul.f32 $1.442695020e+00, v34;
	(erf) = vpow2.f32 v4;
	v37 =	vsub.f32 $0.0e+00, v8  }
0x145: {  	v38 =	vmul.f32 $1.442695020e+00, v35;
	v39 =	vsub.f32 $0.0e+00, v36;
	v2 =	vmul.f32 v29, v33  }
0x146: {  	(erf) = vpow2.f32 v9;
	v40 =	vmul.f32 $1.442695020e+00, v37  }
0x147: {  	(erf) = vpow2.f32 v38;
	v4 =	vmul.f32 $1.442695020e+00, v39;
	v41 =	vsub.f32 $0.0e+00, v2;
	v42 =	vpop (erf)  }
0x148: {  	(erf) = vpow2.f32 v40;
	v43 =	vadd.f32 $1.000000000e+00, v42  }
0x149: {  	(erf) = vpow2.f32 v4;
	v44 =	vmul.f32 $1.442695020e+00, v41  }
0x14a: {  	(erf) = vrcp.f32 v43  }
0x14b: {  	(erf) = vpow2.f32 v44;
	_ =	sdelay $0x1  }
0x14c: {  	v45 =	vpop (erf)  }
0x14d: {  	v46 =	vpop (erf)  }
0x14e: {  	v4 =	vadd.f32 $1.000000000e+00, v45;
	v47 =	vpop (erf)  }
0x14f: {  	v7 =	vadd.f32 $1.000000000e+00, v46;
	v48 =	vpop (erf)  }
0x150: {  	(erf) = vrcp.f32 v4;
	v49 =	vadd.f32 $1.000000000e+00, v47;
	v50 =	vpop (erf)  }
0x151: {  	v11 =	vadd.f32 $1.000000000e+00, v48;
	(erf) = vrcp.f32 v7;
	v51 =	vpop (erf)  }
0x152: {  	v9 =	vadd.f32 $1.000000000e+00, v50;
	(erf) = vrcp.f32 v49;
	v52 =	vpop (erf)  }
0x153: {  	(erf) = vrcp.f32 v11;
	v7 =	vadd.f32 $1.000000000e+00, v51;
	v53 =	vpop (erf)  }
0x154: {  	(erf) = vrcp.f32 v9;
	v54 =	vadd.f32 $1.000000000e+00, v53  }
0x155: {  	(erf) = vrcp.f32 v7  }
0x156: {  	(erf) = vrcp.f32 v54;
	_ =	sdelay $0x2  }
0x157: {  	v1 =	vmul.f32 v52, v21;
	v55 =	vpop (erf)  }
0x158: {  	v4 =	vmul.f32 v55, v10;
	v56 =	vpop (erf)  }
0x159: {  	[tilespmem:s23+$0x50F0] =	vst v1;
	v57 =	vmul.f32 v56, v5;
	v58 =	vpop (erf)  }
0x15a: {  	[tilespmem:s23+$0x50E0] =	vst v4;
	v0 =	vmul.f32 v58, v31;
	v59 =	vpop (erf)  }
0x15b: {  	v3 =	vmul.f32 v59, v3;
	[tilespmem:s23+$0x5110] =	vst v57;
	v60 =	vpop (erf)  }
0x15c: {  	v1 =	vmul.f32 v60, v8;
	[tilespmem:s23+$0x5100] =	vst v0;
	v61 =	vpop (erf)  }
0x15d: {  	[tilespmem:s23+$0x50C0] =	vst v3;
	v0 =	vmul.f32 v61, v36;
	v62 =	vpop (erf)  }
0x15e: {  	[tilespmem:s23+$0x50A0] =	vst v1;
	v63 =	vmul.f32 v62, v2  }
0x15f: {  	p1 =	seq.s32 s19, $0x3D;
	[tilespmem:s23+$0x50B0] =	vst v0  }
.Ltmp2:
0x160: {  	[tilespmem:s23+$0x50D0] =	vst v63;
	(pc) =	sbr.rel @p1 .LBB2_8-.Ltmp2, $4  }
0x161: {  	[spmem:s2] =	stream.indirect.scatter.add.f32 [tilespmem:s8], [sflag:$0x7], $0x80, s28, s28, $0xb8;
	[tilespmem:$0x1D920] =	vst v63  }
0x162: {  	_ =	swait.ge [sflag:s20], $0x2800  }
0x163: {  	[sflag:s20] =	ssyncset.done $0x0  }
0x164: {  	[sflag:s20] =	ssyncadd.s32 $0xFFFFD800  }
.Ltmp3:
0x165: {  	(pc) =	sbr.rel .LBB2_2-.Ltmp3, $4  }
0x166: {  	s21 =	sadd.s32 s21, s16  }
0x167: {  	s21 =	sshrl.u32 s21, $0x3  }
0x168: {  	s19 =	sadd.s32 $0x1, s19;
	s21 =	sadd.s32 s4, s21  }
0x169: {  	[tilespmem:s28], [sflag:$0x6] =	stream.linear.gather [hbm4b:s21+s3], $0x50, $0x38;
	[tilespmem:$0x1D920] =	vst v63  }
.LBB2_8:
0x16a: {  	_ =	swait.ge [sflag:s31], $0x2800  }
0x16b: {  	[sflag:s31] =	ssyncset.done $0x0  }
0x16c: {  	[sflag:s31] =	ssyncadd.s32 $0xFFFFD800  }
0x16d: {  	_ =	swait.ge [sflag:s0], $0x2800  }
0x16e: {  	[sflag:s0] =	ssyncset.done $0x0  }
0x16f: {  	s19 =	simm.s32 $0x0;
	[sflag:s0] =	ssyncadd.s32 $0xFFFFD800  }
0x170: {  	v0 =	vld [tilespmem:s19+$0x28C0]  }
0x171: {  	v1 =	vld [tilespmem:s19+$0x28E0]  }
0x172: {  	v2 =	vld [tilespmem:s19+$0x28F0]  }
0x173: {  	v6 =	vld [tilespmem:s19+$0x28A0]  }
0x174: {  	v3 =	vld [tilespmem:s19+$0xF0]  }
0x175: {  	v8 =	vld [tilespmem:s19+$0x2900]  }
0x176: {  	v5 =	vld [tilespmem:s19+$0xE0]  }
0x177: {  	v9 =	vld [tilespmem:s19+$0x2910]  }
0x178: {  	v10 =	vld [tilespmem:s19+$0x110]  }
0x179: {  	v4 =	vmul.f32 v2, v3;
	v2 =	vld [tilespmem:s19+$0x100]  }
0x17a: {  	v11 =	vld [tilespmem:s19+$0xC0]  }
0x17b: {  	v12 =	vld [tilespmem:s19+$0xA0];
	v3 =	vsub.f32 $0.0e+00, v4  }
0x17c: {  	v7 =	vmul.f32 v1, v5  }
0x17d: {  	v1 =	vmul.f32 $1.442695020e+00, v3  }
0x17e: {  	v5 =	vmul.f32 v9, v10;
	v9 =	vsub.f32 $0.0e+00, v7;
	v3 =	vmul.f32 v8, v2  }
0x17f: {  	v10 =	vld [tilespmem:s19+$0xB0];
	(erf) = vpow2.f32 v1;
	v1 =	vmul.f32 v0, v11  }
0x180: {  	v9 =	vmul.f32 $1.442695020e+00, v9;
	v8 =	vld [tilespmem:s19+$0x28B0];
	v2 =	vmul.f32 v6, v12;
	v0 =	vsub.f32 $0.0e+00, v5  }
0x181: {  	v13 =	vld [tilespmem:s19+$0xD0];
	v6 =	vsub.f32 $0.0e+00, v3;
	v63 =	vsub.f32 $0.0e+00, v1  }
0x182: {  	v11 =	vld [tilespmem:s19+$0x28D0];
	(erf) = vpow2.f32 v9;
	v9 =	vsub.f32 $0.0e+00, v2;
	v0 =	vmul.f32 $1.442695020e+00, v0  }
0x183: {  	v6 =	vmul.f32 $1.442695020e+00, v6;
	v12 =	vmul.f32 $1.442695020e+00, v63  }
0x184: {  	(erf) = vpow2.f32 v0;
	v0 =	vmul.f32 $1.442695020e+00, v9  }
0x185: {  	(erf) = vpow2.f32 v6;
	v6 =	vmul.f32 v8, v10  }
0x186: {  	(erf) = vpow2.f32 v12  }
0x187: {  	(erf) = vpow2.f32 v0;
	v8 =	vsub.f32 $0.0e+00, v6;
	v0 =	vmul.f32 v11, v13;
	_ =	sdelay $0x1  }
0x188: {  	v8 =	vmul.f32 $1.442695020e+00, v8;
	v9 =	vsub.f32 $0.0e+00, v0;
	v10 =	vpop (erf)  }
0x189: {  	v10 =	vadd.f32 $1.000000000e+00, v10  }
0x18a: {  	(erf) = vpow2.f32 v8;
	v8 =	vmul.f32 $1.442695020e+00, v9;
	_ =	sdelay $0x1  }
0x18b: {  	(erf) = vrcp.f32 v10;
	v9 =	vpop (erf)  }
0x18c: {  	(erf) = vpow2.f32 v8;
	v9 =	vadd.f32 $1.000000000e+00, v9;
	v10 =	vpop (erf)  }
0x18d: {  	v11 =	vadd.f32 $1.000000000e+00, v10;
	v8 =	vpop (erf)  }
0x18e: {  	(erf) = vrcp.f32 v9;
	v10 =	vpop (erf)  }
0x18f: {  	s22 =	simm.s32 $0x200;
	s21 =	simm.s32 $0x400;
	v9 =	vadd.f32 $1.000000000e+00, v8;
	v8 =	vadd.f32 $1.000000000e+00, v10;
	v10 =	vpop (erf);
	(erf) = vrcp.f32 v11  }
.LBB2_9:
0x190: {  	p1 =	sne.s32 s21, $0x9E00  }
0x191: {  	s23 =	sshra.s32 s22, $0x2;
	v10 =	vadd.f32 $1.000000000e+00, v10;
	(erf) = vrcp.f32 v9;
	s22 =	smov.u32 s21;
	s21 =	sadd.s32 $0x200, s21  }
0x192: {  	v9 =	vld [tilespmem:s23+$0x28C0];
	v11 =	vpop (erf);
	(erf) = vrcp.f32 v8  }
0x193: {  	v8 =	vld [tilespmem:s23+$0x28E0];
	v14 =	vadd.f32 $1.000000000e+00, v11;
	(erf) = vrcp.f32 v10  }
0x194: {  	v10 =	vld [tilespmem:s23+$0x28F0];
	v12 =	vpop (erf)  }
0x195: {  	v13 =	vld [tilespmem:s23+$0x28A0];
	v12 =	vmul.f32 v12, v4;
	(erf) = vrcp.f32 v14;
	v11 =	vpop (erf)  }
0x196: {  	v11 =	vadd.f32 $1.000000000e+00, v11  }
0x197: {  	[tilespmem:s19+$0xF0] =	vst v12;
	v4 =	vpop (erf)  }
0x198: {  	v12 =	vld [tilespmem:s23+$0xF0];
	v4 =	vmul.f32 v4, v7;
	(erf) = vrcp.f32 v11  }
0x199: {  	v7 =	vpop (erf)  }
0x19a: {  	v11 =	vld [tilespmem:s23+$0x2900];
	[tilespmem:s19+$0xE0] =	vst v4;
	v4 =	vmul.f32 v7, v5;
	v5 =	vpop (erf)  }
0x19b: {  	v7 =	vld [tilespmem:s23+$0xE0];
	v3 =	vmul.f32 v5, v3;
	v5 =	vpop (erf)  }
0x19c: {  	v14 =	vld [tilespmem:s23+$0x2910];
	v15 =	vmul.f32 v5, v1;
	[tilespmem:s19+$0x110] =	vst v4;
	v5 =	vpop (erf)  }
0x19d: {  	v4 =	vmul.f32 v10, v12;
	v10 =	vld [tilespmem:s23+$0x110];
	v2 =	vmul.f32 v5, v2;
	[tilespmem:s19+$0x100] =	vst v3  }
0x19e: {  	v3 =	vld [tilespmem:s23+$0x100];
	[tilespmem:s19+$0xC0] =	vst v15;
	v1 =	vpop (erf)  }
0x19f: {  	v12 =	vld [tilespmem:s23+$0xC0];
	v5 =	vsub.f32 $0.0e+00, v4;
	[tilespmem:s19+$0xA0] =	vst v2;
	v15 =	vmul.f32 v1, v6  }
0x1a0: {  	v2 =	vld [tilespmem:s23+$0xA0];
	v7 =	vmul.f32 v8, v7  }
0x1a1: {  	v6 =	vld [tilespmem:s23+$0x28B0];
	v8 =	vmul.f32 $1.442695020e+00, v5;
	[tilespmem:s19+$0xB0] =	vst v15;
	v1 =	vpop (erf)  }
0x1a2: {  	v15 =	vld [tilespmem:s23+$0xB0];
	v16 =	vsub.f32 $0.0e+00, v7;
	v5 =	vmul.f32 v14, v10;
	v0 =	vmul.f32 v1, v0  }
0x1a3: {  	v3 =	vmul.f32 v11, v3;
	(erf) = vpow2.f32 v8  }
0x1a4: {  	v1 =	vmul.f32 v9, v12;
	v8 =	vld [tilespmem:s23+$0x28D0];
	v9 =	vmul.f32 $1.442695020e+00, v16;
	v10 =	vsub.f32 $0.0e+00, v5;
	[tilespmem:s19+$0xD0] =	vst v0;
	s19 =	smov.u32 s23  }
0x1a5: {  	v2 =	vmul.f32 v13, v2;
	v0 =	vld [tilespmem:s19+$0xD0];
	v11 =	vsub.f32 $0.0e+00, v3  }
0x1a6: {  	v12 =	vsub.f32 $0.0e+00, v1;
	v10 =	vmul.f32 $1.442695020e+00, v10;
	(erf) = vpow2.f32 v9  }
0x1a7: {  	v9 =	vsub.f32 $0.0e+00, v2;
	v6 =	vmul.f32 v6, v15;
	v11 =	vmul.f32 $1.442695020e+00, v11  }
0x1a8: {  	v12 =	vmul.f32 $1.442695020e+00, v12;
	(erf) = vpow2.f32 v10  }
0x1a9: {  	v9 =	vmul.f32 $1.442695020e+00, v9;
	v13 =	vsub.f32 $0.0e+00, v6;
	(erf) = vpow2.f32 v11  }
0x1aa: {  	v0 =	vmul.f32 v8, v0;
	(erf) = vpow2.f32 v12  }
0x1ab: {  	v8 =	vmul.f32 $1.442695020e+00, v13;
	(erf) = vpow2.f32 v9  }
0x1ac: {  	v11 =	vsub.f32 $0.0e+00, v0;
	v10 =	vpop (erf)  }
0x1ad: {  	v10 =	vadd.f32 $1.000000000e+00, v10;
	(erf) = vpow2.f32 v8  }
0x1ae: {  	v11 =	vmul.f32 $1.442695020e+00, v11  }
0x1af: {  	v9 =	vpop (erf);
	(erf) = vrcp.f32 v10  }
.Ltmp4:
0x1b0: {  	v9 =	vadd.f32 $1.000000000e+00, v9;
	(erf) = vpow2.f32 v11;
	(pc) =	sbr.rel @p1 .LBB2_9-.Ltmp4, $4  }
0x1b1: {  	v8 =	vpop (erf)  }
0x1b2: {  	v11 =	vadd.f32 $1.000000000e+00, v8;
	(erf) = vrcp.f32 v9;
	v8 =	vpop (erf)  }
0x1b3: {  	v9 =	vadd.f32 $1.000000000e+00, v8;
	v8 =	vpop (erf)  }
0x1b4: {  	v8 =	vadd.f32 $1.000000000e+00, v8;
	v10 =	vpop (erf);
	(erf) = vrcp.f32 v11  }
0x1b5: {  	_ =	sdelay $0x1  }
0x1b6: {  	(erf) = vrcp.f32 v9;
	v10 =	vadd.f32 $1.000000000e+00, v10;
	v11 =	vpop (erf)  }
0x1b7: {  	s21 =	sshra.s32 s22, $0x2;
	v13 =	vpop (erf);
	(erf) = vrcp.f32 v8  }
0x1b8: {  	v53 =	vld [tilespmem:s21+$0x28C0];
	v57 =	vadd.f32 $1.000000000e+00, v11;
	(erf) = vrcp.f32 v10  }
0x1b9: {  	v12 =	vld [tilespmem:s21+$0x28E0];
	v4 =	vmul.f32 v13, v4;
	v14 =	vpop (erf)  }
0x1ba: {  	v54 =	vld [tilespmem:s21+$0x28F0];
	(erf) = vrcp.f32 v57;
	v61 =	vadd.f32 $1.000000000e+00, v14  }
0x1bb: {  	v55 =	vld [tilespmem:s21+$0x28A0];
	[tilespmem:s19+$0xF0] =	vst v4  }
0x1bc: {  	v56 =	vpop (erf);
	v58 =	vld [tilespmem:s21+$0xF0];
	(erf) = vrcp.f32 v61  }
0x1bd: {  	v4 =	vmul.f32 v56, v7  }
0x1be: {  	v60 =	vpop (erf)  }
0x1bf: {  	v59 =	vld [tilespmem:s21+$0x2900];
	[tilespmem:s19+$0xE0] =	vst v4;
	v5 =	vmul.f32 v60, v5;
	v63 =	vpop (erf)  }
0x1c0: {  	v62 =	vld [tilespmem:s21+$0xE0];
	v3 =	vmul.f32 v63, v3;
	v18 =	vpop (erf)  }
0x1c1: {  	v15 =	vld [tilespmem:s21+$0x2910];
	[tilespmem:s19+$0x110] =	vst v5;
	v21 =	vmul.f32 v54, v58;
	v1 =	vmul.f32 v18, v1;
	v19 =	vpop (erf)  }
0x1c2: {  	v5 =	vld [tilespmem:s21+$0x110];
	[tilespmem:s19+$0x100] =	vst v3;
	v2 =	vmul.f32 v19, v2  }
0x1c3: {  	v20 =	vld [tilespmem:s21+$0x100];
	v23 =	vpop (erf);
	v24 =	vsub.f32 $0.0e+00, v21;
	[tilespmem:s19+$0xC0] =	vst v1  }
0x1c4: {  	v6 =	vmul.f32 v23, v6;
	v22 =	vld [tilespmem:s21+$0xC0];
	[tilespmem:s19+$0xA0] =	vst v2  }
0x1c5: {  	v2 =	vmul.f32 $1.442695020e+00, v24;
	v27 =	vpop (erf);
	v25 =	vld [tilespmem:s21+$0xA0]  }
0x1c6: {  	v10 =	vmul.f32 v12, v62;
	v26 =	vld [tilespmem:s21+$0x28B0];
	[tilespmem:s19+$0xB0] =	vst v6;
	v0 =	vmul.f32 v27, v0  }
0x1c7: {  	v5 =	vmul.f32 v15, v5;
	v28 =	vld [tilespmem:s21+$0xB0];
	(erf) = vpow2.f32 v2  }
0x1c8: {  	v30 =	vsub.f32 $0.0e+00, v10;
	v29 =	vld [tilespmem:s21+$0x28D0];
	[tilespmem:s19+$0xD0] =	vst v0  }
0x1c9: {  	v31 =	vmul.f32 v59, v20;
	v32 =	vsub.f32 $0.0e+00, v5;
	v33 =	vld [tilespmem:s21+$0xD0]  }
0x1ca: {  	v6 =	vmul.f32 $1.442695020e+00, v30;
	v3 =	vmul.f32 v53, v22  }
0x1cb: {  	v34 =	vsub.f32 $0.0e+00, v31;
	v4 =	vmul.f32 $1.442695020e+00, v32;
	v8 =	vmul.f32 v55, v25  }
0x1cc: {  	(erf) = vpow2.f32 v6;
	v35 =	vsub.f32 $0.0e+00, v3;
	v36 =	vmul.f32 v26, v28  }
0x1cd: {  	v9 =	vmul.f32 $1.442695020e+00, v34;
	(erf) = vpow2.f32 v4;
	v37 =	vsub.f32 $0.0e+00, v8  }
0x1ce: {  	v38 =	vmul.f32 $1.442695020e+00, v35;
	v39 =	vsub.f32 $0.0e+00, v36;
	v2 =	vmul.f32 v29, v33  }
0x1cf: {  	(erf) = vpow2.f32 v9;
	v40 =	vmul.f32 $1.442695020e+00, v37  }
0x1d0: {  	(erf) = vpow2.f32 v38;
	v4 =	vmul.f32 $1.442695020e+00, v39;
	v41 =	vsub.f32 $0.0e+00, v2;
	v42 =	vpop (erf)  }
0x1d1: {  	(erf) = vpow2.f32 v40;
	v43 =	vadd.f32 $1.000000000e+00, v42  }
0x1d2: {  	(erf) = vpow2.f32 v4;
	v44 =	vmul.f32 $1.442695020e+00, v41  }
0x1d3: {  	(erf) = vrcp.f32 v43  }
0x1d4: {  	(erf) = vpow2.f32 v44;
	_ =	sdelay $0x1  }
0x1d5: {  	v45 =	vpop (erf)  }
0x1d6: {  	v46 =	vpop (erf)  }
0x1d7: {  	v4 =	vadd.f32 $1.000000000e+00, v45;
	v47 =	vpop (erf)  }
0x1d8: {  	v7 =	vadd.f32 $1.000000000e+00, v46;
	v48 =	vpop (erf)  }
0x1d9: {  	(erf) = vrcp.f32 v4;
	v49 =	vadd.f32 $1.000000000e+00, v47;
	v50 =	vpop (erf)  }
0x1da: {  	v11 =	vadd.f32 $1.000000000e+00, v48;
	(erf) = vrcp.f32 v7;
	v51 =	vpop (erf)  }
0x1db: {  	v9 =	vadd.f32 $1.000000000e+00, v50;
	(erf) = vrcp.f32 v49;
	v52 =	vpop (erf)  }
0x1dc: {  	(erf) = vrcp.f32 v11;
	v7 =	vadd.f32 $1.000000000e+00, v51;
	v53 =	vpop (erf)  }
0x1dd: {  	(erf) = vrcp.f32 v9;
	v54 =	vadd.f32 $1.000000000e+00, v53  }
0x1de: {  	(erf) = vrcp.f32 v7  }
0x1df: {  	(erf) = vrcp.f32 v54;
	_ =	sdelay $0x2  }
0x1e0: {  	v1 =	vmul.f32 v52, v21;
	v55 =	vpop (erf)  }
0x1e1: {  	v4 =	vmul.f32 v55, v10;
	v56 =	vpop (erf)  }
0x1e2: {  	[tilespmem:s21+$0xF0] =	vst v1;
	v57 =	vmul.f32 v56, v5;
	v58 =	vpop (erf)  }
0x1e3: {  	[tilespmem:s21+$0xE0] =	vst v4;
	v0 =	vmul.f32 v58, v31;
	v59 =	vpop (erf)  }
0x1e4: {  	v3 =	vmul.f32 v59, v3;
	[tilespmem:s21+$0x110] =	vst v57;
	v60 =	vpop (erf)  }
0x1e5: {  	v1 =	vmul.f32 v60, v8;
	[tilespmem:s21+$0x100] =	vst v0;
	v61 =	vpop (erf)  }
0x1e6: {  	[tilespmem:s21+$0xC0] =	vst v3;
	v0 =	vmul.f32 v61, v36;
	v62 =	vpop (erf)  }
0x1e7: {  	[tilespmem:s21+$0xA0] =	vst v1;
	v63 =	vmul.f32 v62, v2  }
0x1e8: {  	[tilespmem:s21+$0xB0] =	vst v0  }
0x1e9: {  	[tilespmem:s21+$0xD0] =	vst v63  }
0x1ea: {  	[spmem:s2] =	stream.indirect.scatter.add.f32 [tilespmem:s29], [sflag:$0x7], $0x80, s3, s28, $0xb8;
	[tilespmem:$0x1D920] =	vst v63  }
0x1eb: {  	_ =	swait.ge [sflag:s20], $0x2800  }
0x1ec: {  	[sflag:s20] =	ssyncset.done $0x0  }
0x1ed: {  	[sflag:s20] =	ssyncadd.s32 $0xFFFFD800  }
0x1ee: {  	[bflag:$0x0] =	sbarrier.arrive $0xFFFF  }
0x1ef: {  	s24 =	rddreg [dreg:$0x9]  }
0x1f0: {  	[hbm:s24], [sflag:s9] =	dma.local [spmem:s17], $0x2700  }
0x1f1: {  	_ =	swait.ge [sflag:s20], $0x2700  }
0x1f2: {  	[sflag:s20] =	ssyncset.done $0x0  }
0x1f3: {  	s17 =	rddreg [dreg:$0xa];
	[sflag:s20] =	ssyncadd.s32 $0xFFFFD900  }
0x1f4: {  	[hbm:s17], [sflag:s9] =	dma.local @!p0 [spmem:s18], $0x100  }
0x1f5: {  	s17 =	simm.s32 @!p0 $0x7  }
0x1f6: {  	_ =	swait.ge @!p0 [sflag:s17], $0x100  }
0x1f7: {  	s14 =	sadd.s32 $0x1, s14;
	s25 =	rddreg [dreg:$0xb]  }
0x1f8: {  	p1 =	sne.s32 s14, s25  }
.Ltmp5:
0x1f9: {  	_ = 	snop;
	(pc) =	sbr.rel @p1 .LBB2_1-.Ltmp5, $3  }
0x1fa: {  	_ =	sdelay $0x1  }
0x1fb: {  	[sflag:s17] =	ssyncset.done @!p0 $0x0  }
0x1fc: {  	[sflag:s17] =	ssyncadd.s32 @!p0 $0xFFFFFF00  }
0x1fd: {  	_ =	sfence.sel $0x180000  }
0x1fe: {  	[bflag:$0x0] =	sbarrier.arrive $0xFFFF  }
0x1ff: {  	_ =	strace $0x9000004A  }
0x200: {  	s0 =	stileid.u32;
	[bflag:$0x2] =	sbarrier.arrive $0xFFFF  }
0x201: {  	p0 =	sne.s32 s0, $0x0;
	s0 =	rddreg [dreg:$0x3]  }
0x202: {  	s0 =	sadd.s32 @!p0 $0x100000, s0  }
0x203: {  	[sflag:s0] =	ssyncadd.tile.s32 @!p0 $0x1;
	_ =	shalt  }
.Lfunc_end2:
_tile_overlayer_lowered:
.L_overlay_start_2:
0x204: {  	(tag) =	ssettag $0x2  }
0x205: {  	s0 =	rddreg [dreg:$0x0];
	s2 =	stileid.u32  }
0x206: {  	s1 =	rddreg [dreg:$0x1];
	p0 =	sne.s32 s2, $0x0  }
0x207: {  	s3 =	rddreg [dreg:$0x2];
	[bflag:$0x3] =	sbarrier.arrive $0xFFFF;
	s2 =	simm.s32 @!p0 $0x1C07  }
0x208: {  	[timem:s3], [sflag:s2] =	dma.local @!p0 [hbm:s0], s1  }
0x209: {  	s0 =	simm.s32 @!p0 $0x7  }
0x20a: {  	_ =	swait.ge @!p0 [sflag:s0], s1  }
0x20b: {  	s1 =	ssub.s32 @!p0 $0x0, s1;
	[sflag:s0] =	ssyncset.done @!p0 $0x0  }
0x20c: {  	[sflag:s0] =	ssyncadd.s32 @!p0 s1  }
0x20d: {  	[bflag:$0x3] =	sbarrier.arrive $0xFFFF  }
0x20e: {  	_ =	shalt  }

// kernel: kernel.8.cloned.1.call-start
scs
__scs_entry_jumppad:
0x0: {  	(pc) =	sbr.rel $0x88, $3  }
0x1: {  	(tag) =	ssettag $0x0;
	lr =	simm.s32 $0x1  }
0x2: {  	[smem:$0x3F95] =	sst lr;
	_ =	strace $0xD0000000  }
0x3: {  	_ = 	snop  }
0x4: {  	_ = 	snop  }
0x5: {  	_ = 	snop  }
0x6: {  	_ = 	snop  }
0x7: {  	_ = 	snop  }
__scs_overlays_trampoline_lowered:
0x8: {  	[smem:$0x3FA4] =	sst s0  }
0x9: {  	[smem:$0x3FA5] =	sst s1  }
0xa: {  	[smem:$0x3FA6] =	sst s2  }
0xb: {  	[smem:$0x3FA7] =	sst s3  }
0xc: {  	[smem:$0x3FA8] =	sst s4  }
0xd: {  	[smem:$0x3FA9] =	sst s5  }
0xe: {  	[smem:$0x3FAA] =	sst s6  }
0xf: {  	[smem:$0x3FAB] =	sst s7  }
0x10: {  	[smem:$0x3FAC] =	sst s8  }
0x11: {  	[smem:$0x3FAD] =	sst s9;
	s0 =	simm.s32 @!p0 $0x0  }
0x12: {  	s1 =	sld [smem:$0x3F93];
	s0 =	simm.s32 @p0 $0x1  }
0x13: {  	[smem:$0x3FAE] =	sst s0;
	s0 =	simm.s32 @!p1 $0x0  }
0x14: {  	s2 =	sld [smem:$0x3F92];
	s0 =	simm.s32 @p1 $0x1  }
0x15: {  	[smem:$0x3FAF] =	sst s0;
	s0 =	simm.s32 @!p2 $0x0  }
0x16: {  	s3 =	sld [smem:$0x3FDB];
	s0 =	simm.s32 @p2 $0x1  }
0x17: {  	s4 =	simm.s32 $0x1BF5;
	[smem:$0x3FB1] =	sst s0  }
0x18: {  	s0 =	sld [smem:$0x3F94];
	_ =	swait.ge [sflag:s4], $0x0  }
0x19: {  	s7 =	sld [smem:$0x3F95]  }
0x1a: {  	s8 =	sadd.s32 $0xFFFFE003, lr  }
0x1b: {  	s9 =	sadd.s32 $0xFFFFFEF7, lr;
	s5 =	simm.s32 $0xFFFFFFFF;
	p2 =	slt.u32 s8, $0xFFFFF086  }
0x1c: {  	p1 =	slt.u32 s9, $0xF7A;
	s5 =	simm.s32 @!p2 $0x0  }
0x1d: {  	s5 =	simm.s32 @p1 $0x1;
	p0 =	seq.s32 s7, s2  }
0x1e: {  	s7 =	smul.u32 @!p0 $0xF7A, s2;
	p2 =	seq.s32 @!p0 s5, $0x0  }
0x1f: {  	s9 =	smul.u32 $0xF7A, s1;
	s8 =	simm.s32 @!p0 $0x1BF5;
	p2 =	por !p2, p0  }
0x20: {  	[sflag:s8] =	ssyncset.s32 @!p0 $0xFFFFF086;
	s6 =	sadd.s32 @!p0 s3, s7;
	s7 =	simm.s32 @!p0 $0x108  }
0x21: {  	s3 =	sadd.s32 s3, s9;
	s6 =	sadd.s32 @!p0 $0x88, s6;
	s7 =	simm.s32 @p2 $0x1082  }
0x22: {  	[simem:s7], [sflag:s8] =	dma.local @!p0 [hbm:s6], $0xF7A  }
0x23: {  	s9 =	sor.u32 $0xD0000000, s2;
	s6 =	simm.s32 $0x108;
	_ =	swait.ge @!p0 [sflag:s8], $0x0  }
0x24: {  	s3 =	sadd.s32 $0x88, s3;
	s6 =	simm.s32 @!p1 $0x1082;
	[sflag:s4] =	ssyncset.s32 $0xFFFFF086  }
0x25: {  	[simem:s6], [sflag:s4] =	dma.local [hbm:s3], $0xF7A  }
0x26: {  	[smem:$0x3F95] =	sst s1;
	(tag) =	ssettag s2;
	_ =	strace s9  }
0x27: {  	s1 =	sld [smem:$0x3FA5]  }
0x28: {  	s2 =	sld [smem:$0x3FA6]  }
0x29: {  	s4 =	sld [smem:$0x3FA8]  }
0x2a: {  	p0 =	seq.s32 s5, $0x0;
	s5 =	sld [smem:$0x3FA9]  }
0x2b: {  	s6 =	sld [smem:$0x3FAA]  }
0x2c: {  	s7 =	sld [smem:$0x3FAB]  }
0x2d: {  	s3 =	simm.s32 $0x108;
	s8 =	sld [smem:$0x3FAC]  }
0x2e: {  	s3 =	simm.s32 @!p0 $0x1082;
	s9 =	sld [smem:$0x3FAD]  }
0x2f: {  	lr =	sadd.s32 s0, s3;
	s0 =	sld [smem:$0x3FA4]  }
0x30: {  	s3 =	sld [smem:$0x3FA7]  }
0x31: {  	[smem:$0x3FB0] =	sst s10  }
0x32: {  	s10 =	sld [smem:$0x3FAE];
	_ =	sdelay $0x3  }
0x33: {  	p0 =	seq.s32 s10, $0x1;
	s10 =	sld [smem:$0x3FB0];
	_ =	sdelay $0x3  }
0x34: {  	[smem:$0x3FB0] =	sst s10  }
0x35: {  	s10 =	sld [smem:$0x3FAF];
	_ =	sdelay $0x3  }
0x36: {  	p1 =	seq.s32 s10, $0x1;
	s10 =	sld [smem:$0x3FB0];
	_ =	sdelay $0x3  }
0x37: {  	[smem:$0x3FB0] =	sst s10  }
0x38: {  	s10 =	sld [smem:$0x3FB1]  }
0x39: {  	_ = 	snop;
	(pc) =	sbr.ind lr, $3  }
0x3a: {  	_ = 	snop  }
0x3b: {  	_ = 	snop  }
0x3c: {  	p2 =	seq.s32 s10, $0x1;
	s10 =	sld [smem:$0x3FB0]  }
0x3d: {  	_ =	shalt  }
0x3e: {  	_ =	shalt  }
0x3f: {  	_ =	shalt  }
0x40: {  	_ =	shalt  }
0x41: {  	_ =	shalt  }
0x42: {  	_ =	shalt  }
0x43: {  	_ =	shalt  }
0x44: {  	_ =	shalt  }
0x45: {  	_ =	shalt  }
0x46: {  	_ =	shalt  }
0x47: {  	_ =	shalt  }
0x48: {  	_ =	shalt  }
0x49: {  	_ =	shalt  }
0x4a: {  	_ =	shalt  }
0x4b: {  	_ =	shalt  }
0x4c: {  	_ =	shalt  }
0x4d: {  	_ =	shalt  }
0x4e: {  	_ =	shalt  }
0x4f: {  	_ =	shalt  }
0x50: {  	_ =	shalt  }
0x51: {  	_ =	shalt  }
0x52: {  	_ =	shalt  }
0x53: {  	_ =	shalt  }
0x54: {  	_ =	shalt  }
0x55: {  	_ =	shalt  }
0x56: {  	_ =	shalt  }
0x57: {  	_ =	shalt  }
0x58: {  	_ =	shalt  }
0x59: {  	_ =	shalt  }
0x5a: {  	_ =	shalt  }
0x5b: {  	_ =	shalt  }
0x5c: {  	_ =	shalt  }
0x5d: {  	_ =	shalt  }
0x5e: {  	_ =	shalt  }
0x5f: {  	_ =	shalt  }
0x60: {  	_ =	shalt  }
0x61: {  	_ =	shalt  }
0x62: {  	_ =	shalt  }
0x63: {  	_ =	shalt  }
0x64: {  	_ =	shalt  }
0x65: {  	_ =	shalt  }
0x66: {  	_ =	shalt  }
0x67: {  	_ =	shalt  }
0x68: {  	_ =	shalt  }
0x69: {  	_ =	shalt  }
0x6a: {  	_ =	shalt  }
0x6b: {  	_ =	shalt  }
0x6c: {  	_ =	shalt  }
0x6d: {  	_ =	shalt  }
0x6e: {  	_ =	shalt  }
0x6f: {  	_ =	shalt  }
0x70: {  	_ =	shalt  }
0x71: {  	_ =	shalt  }
0x72: {  	_ =	shalt  }
0x73: {  	_ =	shalt  }
0x74: {  	_ =	shalt  }
0x75: {  	_ =	shalt  }
0x76: {  	_ =	shalt  }
0x77: {  	_ =	shalt  }
0x78: {  	_ =	shalt  }
0x79: {  	_ =	shalt  }
0x7a: {  	_ =	shalt  }
0x7b: {  	_ =	shalt  }
0x7c: {  	_ =	shalt  }
0x7d: {  	_ =	shalt  }
0x7e: {  	_ =	shalt  }
0x7f: {  	_ =	shalt  }
0x80: {  	_ =	shalt  }
0x81: {  	_ =	shalt  }
0x82: {  	_ =	shalt  }
0x83: {  	_ =	shalt  }
0x84: {  	_ =	shalt  }
0x85: {  	_ =	shalt  }
0x86: {  	_ =	shalt  }
0x87: {  	_ =	shalt  }
.Lfunc_end0:
.L_simem_size_0:
called_computation_lowered:
.L_overlay_start_0:
0x88: {  	s2 =	sld [smem:$0x3FD9]  }
0x89: {  	s3 =	sld [smem:$0x3FFE];
	_ =	sdelay $0x1  }
0x8a: {  	s1 =	srdreg.scid  }
0x8b: {  	s0 =	sand.u32 $0x1, s1  }
0x8c: {  	s16 =	sshll.u32 s0, $0xA;
	s2 =	sadd.s32 s3, s2  }
0x8d: {  	s2 =	sadd.s32 s2, s16  }
0x8e: {  	[smem:$0x3FBC] =	sst s2  }
0x8f: {  	_ = 	snop  }
0x90: {  	(tm) =	ssettm $0x1  }
0x91: {  	s17 =	sld [smem:$0x3FFB];
	_ =	sdelay $0x3  }
0x92: {  	_ =	strace s17  }
0x93: {  	s2 =	sld [smem:$0x3FFC];
	_ =	sdelay $0x3  }
0x94: {  	_ =	strace s2  }
0x95: {  	s2 =	sld [smem:$0x3FFD];
	_ =	sdelay $0x3  }
0x96: {  	_ =	strace s2  }
0x97: {  	_ =	strace $0x8FFFFFFF  }
0x98: {  	s18 =	sld [smem:$0x3FDB];
	_ =	sdelay $0x1  }
0x99: {  	s19 =	simm.s32 $_scs_section_size  }
0x9a: {  	s4 =	simm.s32 $_size__tile_overlayer_lowered;
	s5 =	simm.s32 $_tile_overlayer_lowered  }
0x9b: {  	s22 =	simm.s32 $0x1BFF;
	s21 =	sshll.u32 s5, $0x1;
	s2 =	sadd.s32 s19, s18  }
0x9c: {  	s6 =	simm.s32 $0x0;
	s20 =	sshll.u32 s4, $0x1;
	s4 =	sadd.s32 s21, s2  }
0x9d: {  	[timem:s6], [sflag:s22] =	dma.local [hbm:s4], s20  }
0x9e: {  	_ =	swait.ge [sflag:s22], s20  }
0x9f: {  	s3 =	ssub.s32 $0x0, s20;
	[sflag:s22] =	ssyncset.done $0x0  }
0xa0: {  	[sflag:s22] =	ssyncadd.s32 s3;
	_ =	sdelay $0x1  }
0xa1: {  	s23 =	simm.s32 $0x1B8B  }
0xa2: {  	_ =	swait.ge [sflag:s23], $0x1  }
0xa3: {  	[sflag:s23] =	ssyncset.done $0x0  }
0xa4: {  	s25 =	simm.s32 $0x1B8E;
	s24 =	sld [smem:$0x3FFE];
	[sflag:s23] =	ssyncadd.s32 $0xFFFFFFFF  }
0xa5: {  	s26 =	simm.s32 $execute0_lowered;
	[smem:$0x3FD2] =	sst s25  }
0xa6: {  	s4 =	sshll.u32 s26, $0x1;
	_ =	strace $0x80000046;
	[dreg:$0x1] =	wrdreg $0xFFFFFFFF  }
0xa7: {  	s28 =	simm.s32 $_size_execute0_lowered;
	s2 =	sadd.s32 s2, s4;
	[dreg:$0x0] =	wrdreg $0x0  }
0xa8: {  	s4 =	sshll.u32 s28, $0x1;
	[dreg:$0x2] =	wrdreg s2  }
0xa9: {  	[dreg:$0x3] =	wrdreg s4  }
0xaa: {  	[dreg:$0x4] =	wrdreg $0xC0  }
0xab: {  	_ =	task [dreg:s6], $0x5FFFF  }
0xac: {  	[dreg:$0x1] =	wrdreg $0xFFFFFFFF  }
0xad: {  	[dreg:$0x0] =	wrdreg $0x60  }
0xae: {  	[dreg:$0x2] =	wrdreg s24  }
0xaf: {  	[dreg:$0x3] =	wrdreg $0x9  }
0xb0: {  	_ =	task.clear_ibuf [dreg:s6], $0x4FFFF;
	_ =	strace $0x90000046  }
0xb1: {  	s29 =	simm.s32 $0x9;
	_ =	strace $0x80000048  }
0xb2: {  	_ =	swait.ge [sflag:s29], $0x1  }
0xb3: {  	[sflag:s29] =	ssyncadd.s32 $0xFFFFFFFF  }
0xb4: {  	_ =	strace $0x90000048  }
0xb5: {  	_ =	sfence  }
0xb6: {  	s30 =	sld [smem:$0x0];
	_ =	sdelay $0x2  }
0xb7: {  	s31 =	sshll.u32 s1, $0xD;
	s1 =	sshrl.u32 s1, $0x2  }
0xb8: {  	s3 =	sand.u32 $0x4000, s31;
	s1 =	sadd.s32 s1, s30  }
0xb9: {  	s0 =	sor.u32 s3, s0;
	s1 =	sshll.u32 s1, $0x11  }
0xba: {  	s0 =	sor.u32 s1, s0  }
0xbb: {  	s0 =	sadd.s32 $0x8F2B, s0  }
0xbc: {  	[sflag:s0] =	ssyncadd.remote.s32 $0x1  }
0xbd: {  	_ =	sfence.sel $0xFFFF  }
0xbe: {  	[dreg:$0x0] =	wrdreg $0xFFFFFFFF;
	(pc) =	sbr.abs _section_cstart, $3  }
0xbf: {  	[dreg:$0x1] =	wrdreg $0xFFFFFFFF  }
0xc0: {  	_ =	task.clear_ibuf [dreg:s6], $0x2FFFF;
	_ =	strace $0x9FFFFFFF  }
0xc1: {  	(tm) =	ssettm $0x7FFFFFFF  }
tec
execute0_lowered:
.L_overlay_start_1:
0x0: {  	(tag) =	ssettag $0x1  }
0x1: {  	s0 =	srdreg.scid;
	s2 =	stileid.u32  }
0x2: {  	s1 =	rddreg [dreg:$0x0];
	s19 =	simm.s32 $0x9;
	s20 =	simm.s32 $0x50  }
0x3: {  	s28 =	simm.s32 $0x8930;
	s29 =	simm.s32 $0x8E30;
	s30 =	simm.s32 $0x9330  }
0x4: {  	s31 =	simm.s32 $0x8430;
	s16 =	simm.s32 $0x7;
	s0 =	sand.u32 $0x1, s0  }
0x5: {  	s3 =	sshll.u32 s2, $0x1;
	s2 =	simm.s32 $0x0;
	s4 =	sadd.s32 $0x16800, s1  }
0x6: {  	s5 =	sadd.s32 $0x1B800, s1;
	s6 =	sadd.s32 $0x20A00, s1;
	s7 =	sor.u32 s0, s3  }
0x7: {  	s21 =	sadd.s32 $0x20800, s1;
	[smem:$0x7FF] =	sst s2;
	s3 =	smul.u32 $0x2710, s7  }
0x8: {  	s0 =	ssub.s32 $0x2, s0;
	_ =	strace $0x80000047;
	s12 =	smul.u32 $0x27100, s7  }
0x9: {  	s10 =	sshll.u32 s7, $0x2;
	s11 =	sshrl.u32 s0, $0x1;
	s7 =	smul.u32 $0x4E20, s7  }
0xa: {  	[dreg:$0x2] =	wrdreg s21;
	s21 =	simm.s32 $0x7530;
	s0 =	ssub.s32 s0, s11  }
0xb: {  	s8 =	sshrl.u32 s3, $0x3;
	s23 =	sshrl.u32 s12, $0x3;
	s7 =	sadd.s32 s6, s7  }
0xc: {  	s0 =	smax.u32 s0, $0x1;
	s12 =	simm.s32 $0xA;
	s9 =	sadd.s32 s8, s1  }
0xd: {  	s8 =	sadd.s32 $0xC6E00, s1;
	s1 =	sadd.s32 s10, s1;
	[dreg:$0x6] =	wrdreg s7  }
0xe: {  	[dreg:$0x9] =	wrdreg s0;
	s0 =	simm.s32 $0x6;
	s22 =	sadd.s32 $0xCA00, s9  }
0xf: {  	s7 =	simm.s32 $0x9830;
	s24 =	sadd.s32 $0x2C00, s9;
	[dreg:$0x3] =	wrdreg s22  }
0x10: {  	s10 =	simm.s32 $0x0;
	s9 =	sadd.s32 $0xBCE00, s9;
	[dreg:$0x4] =	wrdreg s24  }
0x11: {  	s25 =	sadd.s32 s8, s23;
	s1 =	sadd.s32 $0xC6C00, s1;
	[dreg:$0x5] =	wrdreg s9  }
0x12: {  	s23 =	simm.s32 $0x7F30;
	s26 =	sadd.s32 $0x4D80, s25;
	[dreg:$0x8] =	wrdreg s1  }
0x13: {  	s22 =	simm.s32 $0x7A30;
	s24 =	simm.s32 $0x1;
	s25 =	simm.s32 $0x2  }
0x14: {  	s1 =	simm.s32 $0x5;
	[dreg:$0x7] =	wrdreg s26;
	s26 =	simm.s32 $0x3  }
.LBB2_1:
0x15: {  	s9 =	rddreg [dreg:$0x2];
	s11 =	simm.s32 $0x9D30  }
0x16: {  	[tilespmem:s11], [sflag:$0xA] =	stream.linear.gather [hbm4b:s9+s2], $0x10, $0x38;
	[tilespmem:$0x9D60] =	vst v63  }
0x17: {  	_ =	swait.ge [sflag:s12], $0x10  }
0x18: {  	[sflag:s12] =	ssyncset.done $0x0  }
0x19: {  	s13 =	rddreg [dreg:$0x3];
	[sflag:s12] =	ssyncadd.s32 $0xFFFFFFF0  }
0x1a: {  	v0 =	vld [tilespmem:$0x9D30];
	[tilespmem:s2], [sflag:$0x9] =	stream.linear.gather [hbm4b:s13+s2], $0x2710, $0x38  }
0x1b: {  	s15 =	simm.s32 $0x2710;
	s14 =	rddreg [dreg:$0x4]  }
0x1c: {  	[tilespmem:s15], [sflag:$0x9] =	stream.linear.gather [hbm4b:s14+s2], $0x2710, $0x38;
	[tilespmem:$0x9D60] =	vst v63  }
0x1d: {  	s9 =	simm.s32 $0x4E20;
	s17 =	rddreg [dreg:$0x5]  }
0x1e: {  	[tilespmem:s9], [sflag:$0x9] =	stream.linear.gather [hbm4b:s17+s2], $0x2710, $0x38;
	[tilespmem:$0x9D60] =	vst v63  }
0x1f: {  	_ =	swait.ge [sflag:s19], $0x2710  }
0x20: {  	[sflag:s19] =	ssyncset.done $0x0  }
0x21: {  	[sflag:s19] =	ssyncadd.s32 $0xFFFFD8F0  }
0x22: {  	_ =	swait.ge [sflag:s19], $0x2710  }
0x23: {  	[sflag:s19] =	ssyncset.done $0x0  }
0x24: {  	[sflag:s19] =	ssyncadd.s32 $0xFFFFD8F0  }
0x25: {  	_ =	swait.ge [sflag:s19], $0x2710  }
0x26: {  	[sflag:s19] =	ssyncset.done $0x0  }
0x27: {  	[sflag:s19] =	ssyncadd.s32 $0xFFFFD8F0  }
0x28: {  	[tilespmem:s21], [sflag:$0x1] =	stream.indirect.gather [hbm4b:s4+s20], $0x10, s2, s20, $0xb8;
	[tilespmem:$0x9D60] =	vst v63  }
0x29: {  	_ = 	snop  }
0x2a: {  	[tilespmem:s22], [sflag:$0x2] =	stream.indirect.gather [hbm4b:s5+s20], $0x10, s15, s20, $0xb8;
	[tilespmem:$0x9D60] =	vst v63  }
0x2b: {  	s12 =	simm.s32 $0x4E70;
	s13 =	simm.s32 $0x0;
	s18 =	rddreg [dreg:$0x6]  }
0x2c: {  	v2 =	vimm.f32 $0.0e+00;
	v1 =	vimm.f32 $0.0e+00;
	[tilespmem:s23], [sflag:$0x3] =	stream.linear.gather [hbm4b:s18+s2], $0x500, $0x38;
	[tilespmem:$0x9D60] =	vst v63  }
.LBB2_2:
0x2d: {  	_ =	swait.ge [sflag:s24], $0x500  }
0x2e: {  	[sflag:s24] =	ssyncset.done $0x0  }
0x2f: {  	[sflag:s24] =	ssyncadd.s32 $0xFFFFFB00  }
0x30: {  	_ =	swait.ge [sflag:s25], $0x500  }
0x31: {  	[sflag:s25] =	ssyncset.done $0x0  }
0x32: {  	[sflag:s25] =	ssyncadd.s32 $0xFFFFFB00  }
0x33: {  	s15 =	smul.u32 $0xA0, s13;
	_ =	swait.ge [sflag:s26], $0x500  }
0x34: {  	[sflag:s26] =	ssyncset.done $0x0  }
0x35: {  	s11 =	sadd.s32 $0x50, s15;
	[sflag:s26] =	ssyncadd.s32 $0xFFFFFB00  }
0x36: {  	[tilespmem:s28], [sflag:$0x5] =	stream.indirect.gather [hbm4b:s4+s20], $0x10, s11, s20, $0xb8;
	[tilespmem:$0x9D60] =	vst v63  }
0x37: {  	s11 =	sadd.s32 s3, s11  }
0x38: {  	s14 =	sadd.s32 $0x2760, s15;
	s11 =	sshll.u32 s11, $0x1  }
0x39: {  	[tilespmem:s29], [sflag:$0x6] =	stream.indirect.gather [hbm4b:s5+s20], $0x10, s14, s20, $0xb8;
	[tilespmem:$0x9D60] =	vst v63  }
0x3a: {  	s14 =	sand.u32 $0x1FFFFFE0, s11  }
0x3b: {  	p0 =	seq.s32 s13, $0x0;
	s11 =	sadd.s32 s6, s14  }
0x3c: {  	[tilespmem:s30], [sflag:$0x7] =	stream.linear.gather [hbm4b:s11+s2], $0x500, $0x38;
	[tilespmem:$0x9D60] =	vst v63  }
0x3d: {  	s11 =	simm.s32 @!p0 $0x4  }
0x3e: {  	_ =	swait.ge @!p0 [sflag:s11], $0x500  }
0x3f: {  	[sflag:s11] =	ssyncset.done @!p0 $0x0  }
0x40: {  	s18 =	simm.s32 $0x0;
	[sflag:s11] =	ssyncadd.s32 @!p0 $0xFFFFFB00;
	s11 =	smov.u32 s9  }
.LBB2_3:
0x41: {  	v3 =	vld [tilespmem:s11+$0x0];
	s17 =	sshra.s32 s18, $0x2  }
0x42: {  	v4 =	vld [tilespmem:s17+$0x7530]  }
0x43: {  	v5 =	vld [tilespmem:s17+$0x7A30];
	_ =	sdelay $0x2  }
0x44: {  	v6 =	vbroadcast v3, $0x0  }
0x45: {  	v7 =	vld [tilespmem:s17+$0x7F30]  }
0x46: {  	v4 =	vadd.f32 v5, v4;
	v48 =	vmul.f32 v6, v0;
	_ =	sdelay $0x1  }
0x47: {  	v4 =	vadd.f32 v4, v48;
	_ =	sdelay $0x1  }
0x48: {  	v4 =	vmul.f32 v4, v7;
	_ =	sdelay $0x1  }
0x49: {  	v49 =	vsub.f32 $0.0e+00, v4  }
0x4a: {  	v50 =	vld [tilespmem:s17+$0x7540]  }
0x4b: {  	v51 =	vld [tilespmem:s17+$0x7A40];
	v5 =	vmul.f32 $1.442695020e+00, v49;
	_ =	sdelay $0x1  }
0x4c: {  	(erf) = vpow2.f32 v5  }
0x4d: {  	v52 =	vbroadcast v3, $0x1  }
0x4e: {  	v8 =	vld [tilespmem:s17+$0x7F40]  }
0x4f: {  	v6 =	vadd.f32 v51, v50;
	v5 =	vmul.f32 v52, v0;
	_ =	sdelay $0x1  }
0x50: {  	v5 =	vadd.f32 v6, v5;
	_ =	sdelay $0x1  }
0x51: {  	v5 =	vmul.f32 v5, v8;
	_ =	sdelay $0x1  }
0x52: {  	v54 =	vsub.f32 $0.0e+00, v5;
	v53 =	vpop (erf)  }
0x53: {  	v55 =	vld [tilespmem:s17+$0x7550];
	v6 =	vadd.f32 $1.000000000e+00, v53  }
0x54: {  	v9 =	vld [tilespmem:s17+$0x7A50];
	v7 =	vmul.f32 $1.442695020e+00, v54  }
0x55: {  	(erf) = vrcp.f32 v6  }
0x56: {  	(erf) = vpow2.f32 v7  }
0x57: {  	v56 =	vbroadcast v3, $0x2  }
0x58: {  	v57 =	vld [tilespmem:s17+$0x7F50]  }
0x59: {  	v8 =	vadd.f32 v9, v55;
	v6 =	vmul.f32 v56, v0;
	_ =	sdelay $0x1  }
0x5a: {  	v6 =	vadd.f32 v8, v6;
	_ =	sdelay $0x1  }
0x5b: {  	v6 =	vmul.f32 v6, v57  }
0x5c: {  	v8 =	vpop (erf)  }
0x5d: {  	v59 =	vsub.f32 $0.0e+00, v6;
	v58 =	vpop (erf)  }
0x5e: {  	v10 =	vld [tilespmem:s17+$0x7560];
	v7 =	vadd.f32 $1.000000000e+00, v58  }
0x5f: {  	v11 =	vld [tilespmem:s17+$0x7A60];
	v9 =	vmul.f32 $1.442695020e+00, v59  }
0x60: {  	(erf) = vrcp.f32 v7  }
0x61: {  	(erf) = vpow2.f32 v9  }
0x62: {  	v60 =	vbroadcast v3, $0x3  }
0x63: {  	v61 =	vld [tilespmem:s17+$0x7F60]  }
0x64: {  	v10 =	vadd.f32 v11, v10;
	v7 =	vmul.f32 v60, v0;
	_ =	sdelay $0x1  }
0x65: {  	v7 =	vadd.f32 v10, v7;
	_ =	sdelay $0x1  }
0x66: {  	v7 =	vmul.f32 v7, v61  }
0x67: {  	v10 =	vpop (erf)  }
0x68: {  	v63 =	vsub.f32 $0.0e+00, v7;
	v62 =	vpop (erf)  }
0x69: {  	v12 =	vld [tilespmem:s17+$0x7570];
	v9 =	vadd.f32 $1.000000000e+00, v62  }
0x6a: {  	v13 =	vld [tilespmem:s17+$0x7A70];
	v11 =	vmul.f32 $1.442695020e+00, v63  }
0x6b: {  	(erf) = vrcp.f32 v9  }
0x6c: {  	(erf) = vpow2.f32 v11  }
0x6d: {  	v16 =	vbroadcast v3, $0x4  }
0x6e: {  	v17 =	vld [tilespmem:s17+$0x7F70]  }
0x6f: {  	v12 =	vadd.f32 v13, v12;
	v9 =	vmul.f32 v16, v0;
	_ =	sdelay $0x1  }
0x70: {  	v9 =	vadd.f32 v12, v9;
	_ =	sdelay $0x1  }
0x71: {  	v9 =	vmul.f32 v9, v17  }
0x72: {  	v12 =	vpop (erf)  }
0x73: {  	v19 =	vsub.f32 $0.0e+00, v9;
	v18 =	vpop (erf)  }
0x74: {  	v14 =	vld [tilespmem:s17+$0x7580];
	v11 =	vadd.f32 $1.000000000e+00, v18  }
0x75: {  	v15 =	vld [tilespmem:s17+$0x7A80];
	v13 =	vmul.f32 $1.442695020e+00, v19  }
0x76: {  	(erf) = vrcp.f32 v11  }
0x77: {  	(erf) = vpow2.f32 v13  }
0x78: {  	v20 =	vbroadcast v3, $0x5  }
0x79: {  	v21 =	vld [tilespmem:s17+$0x7F80]  }
0x7a: {  	v14 =	vadd.f32 v15, v14;
	v11 =	vmul.f32 v20, v0;
	_ =	sdelay $0x1  }
0x7b: {  	v11 =	vadd.f32 v14, v11;
	_ =	sdelay $0x1  }
0x7c: {  	v11 =	vmul.f32 v11, v21  }
0x7d: {  	v14 =	vpop (erf)  }
0x7e: {  	v23 =	vsub.f32 $0.0e+00, v11;
	v22 =	vpop (erf)  }
0x7f: {  	v16 =	vld [tilespmem:s17+$0x7590];
	v13 =	vadd.f32 $1.000000000e+00, v22  }
0x80: {  	v17 =	vld [tilespmem:s17+$0x7A90];
	v15 =	vmul.f32 $1.442695020e+00, v23  }
0x81: {  	(erf) = vrcp.f32 v13  }
0x82: {  	(erf) = vpow2.f32 v15  }
0x83: {  	v24 =	vbroadcast v3, $0x6  }
0x84: {  	v25 =	vld [tilespmem:s17+$0x7F90]  }
0x85: {  	v16 =	vadd.f32 v17, v16;
	v13 =	vmul.f32 v24, v0;
	_ =	sdelay $0x1  }
0x86: {  	v13 =	vadd.f32 v16, v13;
	_ =	sdelay $0x1  }
0x87: {  	v13 =	vmul.f32 v13, v25  }
0x88: {  	v16 =	vpop (erf)  }
0x89: {  	v27 =	vsub.f32 $0.0e+00, v13;
	v26 =	vpop (erf)  }
0x8a: {  	v19 =	vld [tilespmem:s17+$0x7AA0];
	v15 =	vadd.f32 $1.000000000e+00, v26  }
0x8b: {  	v18 =	vld [tilespmem:s17+$0x75A0];
	v17 =	vmul.f32 $1.442695020e+00, v27  }
0x8c: {  	(erf) = vrcp.f32 v15  }
0x8d: {  	(erf) = vpow2.f32 v17  }
0x8e: {  	v28 =	vbroadcast v3, $0x7  }
0x8f: {  	v29 =	vld [tilespmem:s17+$0x7FA0]  }
0x90: {  	v18 =	vadd.f32 v19, v18;
	v15 =	vmul.f32 v28, v0;
	_ =	sdelay $0x1  }
0x91: {  	v15 =	vadd.f32 v18, v15;
	_ =	sdelay $0x1  }
0x92: {  	v15 =	vmul.f32 v15, v29  }
0x93: {  	v17 =	vpop (erf)  }
0x94: {  	v31 =	vsub.f32 $0.0e+00, v15;
	v30 =	vpop (erf)  }
0x95: {  	v20 =	vld [tilespmem:s17+$0x75B0];
	v18 =	vadd.f32 $1.000000000e+00, v30  }
0x96: {  	v21 =	vld [tilespmem:s17+$0x7AB0];
	v19 =	vmul.f32 $1.442695020e+00, v31  }
0x97: {  	(erf) = vrcp.f32 v18  }
0x98: {  	(erf) = vpow2.f32 v19  }
0x99: {  	v32 =	vbroadcast v3, $0x8  }
0x9a: {  	v33 =	vld [tilespmem:s17+$0x7FB0]  }
0x9b: {  	v20 =	vadd.f32 v21, v20;
	v18 =	vmul.f32 v32, v0;
	_ =	sdelay $0x1  }
0x9c: {  	v18 =	vadd.f32 v20, v18;
	_ =	sdelay $0x1  }
0x9d: {  	v18 =	vmul.f32 v18, v33  }
0x9e: {  	v19 =	vpop (erf)  }
0x9f: {  	v35 =	vsub.f32 $0.0e+00, v18;
	v34 =	vpop (erf)  }
0xa0: {  	v23 =	vld [tilespmem:s17+$0x7AC0];
	v20 =	vadd.f32 $1.000000000e+00, v34  }
0xa1: {  	v22 =	vld [tilespmem:s17+$0x75C0];
	v21 =	vmul.f32 $1.442695020e+00, v35  }
0xa2: {  	(erf) = vrcp.f32 v20  }
0xa3: {  	(erf) = vpow2.f32 v21  }
0xa4: {  	v36 =	vbroadcast v3, $0x9  }
0xa5: {  	v37 =	vld [tilespmem:s17+$0x7FC0]  }
0xa6: {  	v22 =	vadd.f32 v23, v22;
	v20 =	vmul.f32 v36, v0;
	_ =	sdelay $0x1  }
0xa7: {  	v20 =	vadd.f32 v22, v20;
	_ =	sdelay $0x1  }
0xa8: {  	v20 =	vmul.f32 v20, v37  }
0xa9: {  	v21 =	vpop (erf)  }
0xaa: {  	v39 =	vsub.f32 $0.0e+00, v20;
	v38 =	vpop (erf)  }
0xab: {  	v24 =	vld [tilespmem:s17+$0x75D0];
	v22 =	vadd.f32 $1.000000000e+00, v38  }
0xac: {  	v25 =	vld [tilespmem:s17+$0x7AD0];
	v23 =	vmul.f32 $1.442695020e+00, v39  }
0xad: {  	(erf) = vrcp.f32 v22  }
0xae: {  	(erf) = vpow2.f32 v23  }
0xaf: {  	v40 =	vbroadcast v3, $0xA  }
0xb0: {  	v41 =	vld [tilespmem:s17+$0x7FD0]  }
0xb1: {  	v24 =	vadd.f32 v25, v24;
	v22 =	vmul.f32 v40, v0;
	_ =	sdelay $0x1  }
0xb2: {  	v22 =	vadd.f32 v24, v22;
	_ =	sdelay $0x1  }
0xb3: {  	v22 =	vmul.f32 v22, v41  }
0xb4: {  	v23 =	vpop (erf)  }
0xb5: {  	v43 =	vsub.f32 $0.0e+00, v22;
	v42 =	vpop (erf)  }
0xb6: {  	v27 =	vld [tilespmem:s17+$0x7AE0];
	v24 =	vadd.f32 $1.000000000e+00, v42  }
0xb7: {  	v26 =	vld [tilespmem:s17+$0x75E0];
	v25 =	vmul.f32 $1.442695020e+00, v43  }
0xb8: {  	(erf) = vrcp.f32 v24  }
0xb9: {  	(erf) = vpow2.f32 v25  }
0xba: {  	v44 =	vbroadcast v3, $0xB  }
0xbb: {  	v45 =	vld [tilespmem:s17+$0x7FE0]  }
0xbc: {  	v26 =	vadd.f32 v27, v26;
	v24 =	vmul.f32 v44, v0;
	_ =	sdelay $0x1  }
0xbd: {  	v24 =	vadd.f32 v26, v24;
	_ =	sdelay $0x1  }
0xbe: {  	v24 =	vmul.f32 v24, v45  }
0xbf: {  	v25 =	vpop (erf)  }
0xc0: {  	v47 =	vsub.f32 $0.0e+00, v24;
	v46 =	vpop (erf)  }
0xc1: {  	v28 =	vld [tilespmem:s17+$0x75F0];
	v26 =	vadd.f32 $1.000000000e+00, v46  }
0xc2: {  	v29 =	vld [tilespmem:s17+$0x7AF0];
	v27 =	vmul.f32 $1.442695020e+00, v47  }
0xc3: {  	(erf) = vrcp.f32 v26  }
0xc4: {  	(erf) = vpow2.f32 v27  }
0xc5: {  	v48 =	vbroadcast v3, $0xC  }
0xc6: {  	v49 =	vld [tilespmem:s17+$0x7FF0]  }
0xc7: {  	v28 =	vadd.f32 v29, v28;
	v26 =	vmul.f32 v48, v0;
	_ =	sdelay $0x1  }
0xc8: {  	v26 =	vadd.f32 v28, v26;
	_ =	sdelay $0x1  }
0xc9: {  	v26 =	vmul.f32 v26, v49  }
0xca: {  	v27 =	vpop (erf)  }
0xcb: {  	v51 =	vsub.f32 $0.0e+00, v26;
	v50 =	vpop (erf)  }
0xcc: {  	v31 =	vld [tilespmem:s17+$0x7B00];
	v28 =	vadd.f32 $1.000000000e+00, v50  }
0xcd: {  	v30 =	vld [tilespmem:s17+$0x7600];
	v29 =	vmul.f32 $1.442695020e+00, v51  }
0xce: {  	(erf) = vrcp.f32 v28  }
0xcf: {  	(erf) = vpow2.f32 v29  }
0xd0: {  	v52 =	vbroadcast v3, $0xD  }
0xd1: {  	v53 =	vld [tilespmem:s17+$0x8000]  }
0xd2: {  	v30 =	vadd.f32 v31, v30;
	v28 =	vmul.f32 v52, v0;
	_ =	sdelay $0x1  }
0xd3: {  	v28 =	vadd.f32 v30, v28;
	_ =	sdelay $0x1  }
0xd4: {  	v28 =	vmul.f32 v28, v53  }
0xd5: {  	v54 =	vpop (erf)  }
0xd6: {  	v56 =	vsub.f32 $0.0e+00, v28;
	v55 =	vpop (erf)  }
0xd7: {  	v32 =	vld [tilespmem:s17+$0x7610];
	v30 =	vadd.f32 $1.000000000e+00, v55  }
0xd8: {  	v33 =	vld [tilespmem:s17+$0x7B10];
	v31 =	vmul.f32 $1.442695020e+00, v56  }
0xd9: {  	(erf) = vrcp.f32 v30  }
0xda: {  	(erf) = vpow2.f32 v31  }
0xdb: {  	v57 =	vbroadcast v3, $0xE  }
0xdc: {  	v58 =	vld [tilespmem:s17+$0x8010]  }
0xdd: {  	v32 =	vadd.f32 v33, v32;
	v30 =	vmul.f32 v57, v0;
	_ =	sdelay $0x1  }
0xde: {  	v30 =	vadd.f32 v32, v30;
	_ =	sdelay $0x1  }
0xdf: {  	v30 =	vmul.f32 v30, v58  }
0xe0: {  	v59 =	vpop (erf)  }
0xe1: {  	v61 =	vsub.f32 $0.0e+00, v30;
	v60 =	vpop (erf)  }
0xe2: {  	v35 =	vld [tilespmem:s17+$0x7B20];
	v32 =	vadd.f32 $1.000000000e+00, v60  }
0xe3: {  	v34 =	vld [tilespmem:s17+$0x7620];
	v33 =	vmul.f32 $1.442695020e+00, v61  }
0xe4: {  	(erf) = vrcp.f32 v32  }
0xe5: {  	(erf) = vpow2.f32 v33  }
0xe6: {  	v3 =	vbroadcast v3, $0xF  }
0xe7: {  	v62 =	vld [tilespmem:s17+$0x8020]  }
0xe8: {  	v3 =	vmul.f32 v3, v0;
	v63 =	vadd.f32 v35, v34;
	_ =	sdelay $0x1  }
0xe9: {  	v4 =	vmul.f32 v8, v4;
	v3 =	vadd.f32 v63, v3  }
0xea: {  	v5 =	vmul.f32 v10, v5  }
0xeb: {  	v3 =	vmul.f32 v3, v62;
	v33 =	vmul.f32 v4, v4  }
0xec: {  	v1 =	vadd.f32 v4, v1;
	v6 =	vmul.f32 v12, v6;
	v35 =	vpop (erf)  }
0xed: {  	v34 =	vmul.f32 v5, v5;
	v37 =	vsub.f32 $0.0e+00, v3;
	v2 =	vadd.f32 v33, v2;
	v36 =	vpop (erf)  }
0xee: {  	v1 =	vadd.f32 v5, v1;
	v7 =	vmul.f32 v14, v7;
	v8 =	vadd.f32 $1.000000000e+00, v36  }
0xef: {  	v38 =	vmul.f32 v6, v6;
	v12 =	vmul.f32 $1.442695020e+00, v37;
	v2 =	vadd.f32 v34, v2  }
0xf0: {  	v1 =	vadd.f32 v6, v1;
	v9 =	vmul.f32 v16, v9;
	(erf) = vrcp.f32 v8  }
0xf1: {  	v39 =	vmul.f32 v7, v7;
	v2 =	vadd.f32 v38, v2;
	(erf) = vpow2.f32 v12  }
0xf2: {  	v1 =	vadd.f32 v7, v1  }
0xf3: {  	v40 =	vmul.f32 v17, v11;
	v41 =	vmul.f32 v9, v9;
	v2 =	vadd.f32 v39, v2  }
0xf4: {  	v1 =	vadd.f32 v9, v1  }
0xf5: {  	v43 =	vmul.f32 v40, v40;
	v42 =	vmul.f32 v19, v13;
	v2 =	vadd.f32 v41, v2  }
0xf6: {  	v1 =	vadd.f32 v40, v1  }
0xf7: {  	v44 =	vmul.f32 v21, v15;
	v13 =	vmul.f32 v42, v42;
	v2 =	vadd.f32 v43, v2  }
0xf8: {  	v1 =	vadd.f32 v42, v1;
	v46 =	vmul.f32 v23, v18  }
0xf9: {  	v45 =	vmul.f32 v44, v44;
	v2 =	vadd.f32 v13, v2;
	v47 =	vpop (erf)  }
0xfa: {  	v1 =	vadd.f32 v44, v1;
	v48 =	vmul.f32 v46, v46;
	v50 =	vpop (erf)  }
0xfb: {  	v49 =	vmul.f32 v25, v20;
	v2 =	vadd.f32 v45, v2;
	v17 =	vadd.f32 $1.000000000e+00, v50  }
0xfc: {  	[tilespmem:s17+$0x8430] =	vst v4;
	v1 =	vadd.f32 v46, v1;
	v51 =	vmul.f32 v27, v22  }
0xfd: {  	[tilespmem:s17+$0x8440] =	vst v5;
	v52 =	vmul.f32 v49, v49;
	v2 =	vadd.f32 v48, v2;
	(erf) = vrcp.f32 v17  }
0xfe: {  	[tilespmem:s17+$0x8450] =	vst v6;
	v1 =	vadd.f32 v49, v1  }
0xff: {  	[tilespmem:s17+$0x8460] =	vst v7;
	v53 =	vmul.f32 v54, v24;
	v54 =	vmul.f32 v51, v51;
	v2 =	vadd.f32 v52, v2  }
0x100: {  	[tilespmem:s17+$0x8470] =	vst v9;
	v1 =	vadd.f32 v51, v1  }
0x101: {  	[tilespmem:s17+$0x8480] =	vst v40;
	v56 =	vmul.f32 v53, v53;
	v55 =	vmul.f32 v59, v26;
	v2 =	vadd.f32 v54, v2  }
0x102: {  	[tilespmem:s17+$0x8490] =	vst v42;
	v1 =	vadd.f32 v53, v1  }
0x103: {  	[tilespmem:s17+$0x84A0] =	vst v44;
	v58 =	vmul.f32 v55, v55;
	v57 =	vmul.f32 v35, v28;
	v2 =	vadd.f32 v56, v2  }
0x104: {  	[tilespmem:s17+$0x84B0] =	vst v46;
	v1 =	vadd.f32 v55, v1  }
0x105: {  	[tilespmem:s17+$0x84C0] =	vst v49;
	v59 =	vmul.f32 v57, v57;
	v60 =	vmul.f32 v47, v30;
	v2 =	vadd.f32 v58, v2  }
0x106: {  	p1 =	sne.s32 s18, $0x1000;
	[tilespmem:s17+$0x84D0] =	vst v51;
	v1 =	vadd.f32 v57, v1;
	v61 =	vpop (erf)  }
.Ltmp0:
0x107: {  	[tilespmem:s17+$0x84E0] =	vst v53;
	v62 =	vmul.f32 v60, v60;
	v2 =	vadd.f32 v59, v2;
	v3 =	vmul.f32 v61, v3;
	(pc) =	sbr.rel @p1 .LBB2_3-.Ltmp0, $4  }
0x108: {  	[tilespmem:s17+$0x84F0] =	vst v55  }
0x109: {  	[tilespmem:s17+$0x8500] =	vst v57;
	v1 =	vadd.f32 v60, v1;
	v2 =	vadd.f32 v62, v2;
	v63 =	vmul.f32 v3, v3  }
0x10a: {  	[tilespmem:s17+$0x8510] =	vst v60  }
0x10b: {  	s11 =	sadd.s32 $0x10, s11;
	s18 =	sadd.s32 $0x400, s18;
	[tilespmem:s17+$0x8520] =	vst v3;
	v1 =	vadd.f32 v3, v1;
	v2 =	vadd.f32 v63, v2  }
0x10c: {  	s11 =	sadd.s32 s3, s15  }
0x10d: {  	s11 =	sshll.u32 s11, $0x1  }
0x10e: {  	s11 =	sadd.s32 s8, s11  }
0x10f: {  	[hbm4b:s11+s2] =	stream.linear.scatter [tilespmem:s31], [sflag:$0x4], $0x500, $0x38;
	[tilespmem:$0x9D60] =	vst v63  }
0x110: {  	_ =	swait.ge [sflag:s1], $0x500  }
0x111: {  	[sflag:s1] =	ssyncset.done $0x0  }
0x112: {  	[sflag:s1] =	ssyncadd.s32 $0xFFFFFB00  }
0x113: {  	_ =	swait.ge [sflag:s0], $0x500  }
0x114: {  	[sflag:s0] =	ssyncset.done $0x0  }
0x115: {  	[sflag:s0] =	ssyncadd.s32 $0xFFFFFB00  }
0x116: {  	s17 =	sadd.s32 $0xA0, s15;
	_ =	swait.ge [sflag:s16], $0x500  }
0x117: {  	s11 =	sadd.s32 s3, s17;
	[sflag:s16] =	ssyncset.done $0x0  }
0x118: {  	s11 =	sshll.u32 s11, $0x1;
	[sflag:s16] =	ssyncadd.s32 $0xFFFFFB00  }
0x119: {  	[tilespmem:s21], [sflag:$0x1] =	stream.indirect.gather [hbm4b:s4+s20], $0x10, s17, s20, $0xb8;
	[tilespmem:$0x9D60] =	vst v63  }
0x11a: {  	s18 =	sadd.s32 $0x27B0, s15;
	s11 =	sand.u32 $0x1FFFFFE0, s11  }
0x11b: {  	[tilespmem:s22], [sflag:$0x2] =	stream.indirect.gather [hbm4b:s5+s20], $0x10, s18, s20, $0xb8;
	[tilespmem:$0x9D60] =	vst v63  }
0x11c: {  	s11 =	sadd.s32 s6, s11  }
0x11d: {  	[tilespmem:s23], [sflag:$0x3] =	stream.linear.gather [hbm4b:s11+s2], $0x500, $0x38;
	[tilespmem:$0x9D60] =	vst v63  }
0x11e: {  	s11 =	simm.s32 @!p0 $0x8  }
0x11f: {  	_ =	swait.ge @!p0 [sflag:s11], $0x500  }
0x120: {  	[sflag:s11] =	ssyncset.done @!p0 $0x0  }
0x121: {  	s15 =	simm.s32 $0x0;
	[sflag:s11] =	ssyncadd.s32 @!p0 $0xFFFFFB00;
	s11 =	smov.u32 s12  }
.LBB2_5:
0x122: {  	v3 =	vld [tilespmem:s11+$0x0];
	s17 =	sshra.s32 s15, $0x2  }
0x123: {  	v4 =	vld [tilespmem:s17+$0x8930]  }
0x124: {  	v5 =	vld [tilespmem:s17+$0x8E30];
	_ =	sdelay $0x2  }
0x125: {  	v6 =	vbroadcast v3, $0x0  }
0x126: {  	v7 =	vld [tilespmem:s17+$0x9330]  }
0x127: {  	v4 =	vadd.f32 v5, v4;
	v48 =	vmul.f32 v6, v0;
	_ =	sdelay $0x1  }
0x128: {  	v4 =	vadd.f32 v4, v48;
	_ =	sdelay $0x1  }
0x129: {  	v4 =	vmul.f32 v4, v7;
	_ =	sdelay $0x1  }
0x12a: {  	v49 =	vsub.f32 $0.0e+00, v4  }
0x12b: {  	v50 =	vld [tilespmem:s17+$0x8940]  }
0x12c: {  	v51 =	vld [tilespmem:s17+$0x8E40];
	v5 =	vmul.f32 $1.442695020e+00, v49;
	_ =	sdelay $0x1  }
0x12d: {  	(erf) = vpow2.f32 v5  }
0x12e: {  	v52 =	vbroadcast v3, $0x1  }
0x12f: {  	v8 =	vld [tilespmem:s17+$0x9340]  }
0x130: {  	v6 =	vadd.f32 v51, v50;
	v5 =	vmul.f32 v52, v0;
	_ =	sdelay $0x1  }
0x131: {  	v5 =	vadd.f32 v6, v5;
	_ =	sdelay $0x1  }
0x132: {  	v5 =	vmul.f32 v5, v8;
	_ =	sdelay $0x1  }
0x133: {  	v54 =	vsub.f32 $0.0e+00, v5;
	v53 =	vpop (erf)  }
0x134: {  	v55 =	vld [tilespmem:s17+$0x8950];
	v6 =	vadd.f32 $1.000000000e+00, v53  }
0x135: {  	v9 =	vld [tilespmem:s17+$0x8E50];
	v7 =	vmul.f32 $1.442695020e+00, v54  }
0x136: {  	(erf) = vrcp.f32 v6  }
0x137: {  	(erf) = vpow2.f32 v7  }
0x138: {  	v56 =	vbroadcast v3, $0x2  }
0x139: {  	v57 =	vld [tilespmem:s17+$0x9350]  }
0x13a: {  	v8 =	vadd.f32 v9, v55;
	v6 =	vmul.f32 v56, v0;
	_ =	sdelay $0x1  }
0x13b: {  	v6 =	vadd.f32 v8, v6;
	_ =	sdelay $0x1  }
0x13c: {  	v6 =	vmul.f32 v6, v57  }
0x13d: {  	v8 =	vpop (erf)  }
0x13e: {  	v59 =	vsub.f32 $0.0e+00, v6;
	v58 =	vpop (erf)  }
0x13f: {  	v10 =	vld [tilespmem:s17+$0x8960];
	v7 =	vadd.f32 $1.000000000e+00, v58  }
0x140: {  	v11 =	vld [tilespmem:s17+$0x8E60];
	v9 =	vmul.f32 $1.442695020e+00, v59  }
0x141: {  	(erf) = vrcp.f32 v7  }
0x142: {  	(erf) = vpow2.f32 v9  }
0x143: {  	v60 =	vbroadcast v3, $0x3  }
0x144: {  	v61 =	vld [tilespmem:s17+$0x9360]  }
0x145: {  	v10 =	vadd.f32 v11, v10;
	v7 =	vmul.f32 v60, v0;
	_ =	sdelay $0x1  }
0x146: {  	v7 =	vadd.f32 v10, v7;
	_ =	sdelay $0x1  }
0x147: {  	v7 =	vmul.f32 v7, v61  }
0x148: {  	v10 =	vpop (erf)  }
0x149: {  	v63 =	vsub.f32 $0.0e+00, v7;
	v62 =	vpop (erf)  }
0x14a: {  	v12 =	vld [tilespmem:s17+$0x8970];
	v9 =	vadd.f32 $1.000000000e+00, v62  }
0x14b: {  	v13 =	vld [tilespmem:s17+$0x8E70];
	v11 =	vmul.f32 $1.442695020e+00, v63  }
0x14c: {  	(erf) = vrcp.f32 v9  }
0x14d: {  	(erf) = vpow2.f32 v11  }
0x14e: {  	v16 =	vbroadcast v3, $0x4  }
0x14f: {  	v17 =	vld [tilespmem:s17+$0x9370]  }
0x150: {  	v12 =	vadd.f32 v13, v12;
	v9 =	vmul.f32 v16, v0;
	_ =	sdelay $0x1  }
0x151: {  	v9 =	vadd.f32 v12, v9;
	_ =	sdelay $0x1  }
0x152: {  	v9 =	vmul.f32 v9, v17  }
0x153: {  	v12 =	vpop (erf)  }
0x154: {  	v19 =	vsub.f32 $0.0e+00, v9;
	v18 =	vpop (erf)  }
0x155: {  	v14 =	vld [tilespmem:s17+$0x8980];
	v11 =	vadd.f32 $1.000000000e+00, v18  }
0x156: {  	v15 =	vld [tilespmem:s17+$0x8E80];
	v13 =	vmul.f32 $1.442695020e+00, v19  }
0x157: {  	(erf) = vrcp.f32 v11  }
0x158: {  	(erf) = vpow2.f32 v13  }
0x159: {  	v20 =	vbroadcast v3, $0x5  }
0x15a: {  	v21 =	vld [tilespmem:s17+$0x9380]  }
0x15b: {  	v14 =	vadd.f32 v15, v14;
	v11 =	vmul.f32 v20, v0;
	_ =	sdelay $0x1  }
0x15c: {  	v11 =	vadd.f32 v14, v11;
	_ =	sdelay $0x1  }
0x15d: {  	v11 =	vmul.f32 v11, v21  }
0x15e: {  	v14 =	vpop (erf)  }
0x15f: {  	v23 =	vsub.f32 $0.0e+00, v11;
	v22 =	vpop (erf)  }
0x160: {  	v16 =	vld [tilespmem:s17+$0x8990];
	v13 =	vadd.f32 $1.000000000e+00, v22  }
0x161: {  	v17 =	vld [tilespmem:s17+$0x8E90];
	v15 =	vmul.f32 $1.442695020e+00, v23  }
0x162: {  	(erf) = vrcp.f32 v13  }
0x163: {  	(erf) = vpow2.f32 v15  }
0x164: {  	v24 =	vbroadcast v3, $0x6  }
0x165: {  	v25 =	vld [tilespmem:s17+$0x9390]  }
0x166: {  	v16 =	vadd.f32 v17, v16;
	v13 =	vmul.f32 v24, v0;
	_ =	sdelay $0x1  }
0x167: {  	v13 =	vadd.f32 v16, v13;
	_ =	sdelay $0x1  }
0x168: {  	v13 =	vmul.f32 v13, v25  }
0x169: {  	v16 =	vpop (erf)  }
0x16a: {  	v27 =	vsub.f32 $0.0e+00, v13;
	v26 =	vpop (erf)  }
0x16b: {  	v19 =	vld [tilespmem:s17+$0x8EA0];
	v15 =	vadd.f32 $1.000000000e+00, v26  }
0x16c: {  	v18 =	vld [tilespmem:s17+$0x89A0];
	v17 =	vmul.f32 $1.442695020e+00, v27  }
0x16d: {  	(erf) = vrcp.f32 v15  }
0x16e: {  	(erf) = vpow2.f32 v17  }
0x16f: {  	v28 =	vbroadcast v3, $0x7  }
0x170: {  	v29 =	vld [tilespmem:s17+$0x93A0]  }
0x171: {  	v18 =	vadd.f32 v19, v18;
	v15 =	vmul.f32 v28, v0;
	_ =	sdelay $0x1  }
0x172: {  	v15 =	vadd.f32 v18, v15;
	_ =	sdelay $0x1  }
0x173: {  	v15 =	vmul.f32 v15, v29  }
0x174: {  	v17 =	vpop (erf)  }
0x175: {  	v31 =	vsub.f32 $0.0e+00, v15;
	v30 =	vpop (erf)  }
0x176: {  	v20 =	vld [tilespmem:s17+$0x89B0];
	v18 =	vadd.f32 $1.000000000e+00, v30  }
0x177: {  	v21 =	vld [tilespmem:s17+$0x8EB0];
	v19 =	vmul.f32 $1.442695020e+00, v31  }
0x178: {  	(erf) = vrcp.f32 v18  }
0x179: {  	(erf) = vpow2.f32 v19  }
0x17a: {  	v32 =	vbroadcast v3, $0x8  }
0x17b: {  	v33 =	vld [tilespmem:s17+$0x93B0]  }
0x17c: {  	v20 =	vadd.f32 v21, v20;
	v18 =	vmul.f32 v32, v0;
	_ =	sdelay $0x1  }
0x17d: {  	v18 =	vadd.f32 v20, v18;
	_ =	sdelay $0x1  }
0x17e: {  	v18 =	vmul.f32 v18, v33  }
0x17f: {  	v19 =	vpop (erf)  }
0x180: {  	v35 =	vsub.f32 $0.0e+00, v18;
	v34 =	vpop (erf)  }
0x181: {  	v23 =	vld [tilespmem:s17+$0x8EC0];
	v20 =	vadd.f32 $1.000000000e+00, v34  }
0x182: {  	v22 =	vld [tilespmem:s17+$0x89C0];
	v21 =	vmul.f32 $1.442695020e+00, v35  }
0x183: {  	(erf) = vrcp.f32 v20  }
0x184: {  	(erf) = vpow2.f32 v21  }
0x185: {  	v36 =	vbroadcast v3, $0x9  }
0x186: {  	v37 =	vld [tilespmem:s17+$0x93C0]  }
0x187: {  	v22 =	vadd.f32 v23, v22;
	v20 =	vmul.f32 v36, v0;
	_ =	sdelay $0x1  }
0x188: {  	v20 =	vadd.f32 v22, v20;
	_ =	sdelay $0x1  }
0x189: {  	v20 =	vmul.f32 v20, v37  }
0x18a: {  	v21 =	vpop (erf)  }
0x18b: {  	v39 =	vsub.f32 $0.0e+00, v20;
	v38 =	vpop (erf)  }
0x18c: {  	v24 =	vld [tilespmem:s17+$0x89D0];
	v22 =	vadd.f32 $1.000000000e+00, v38  }
0x18d: {  	v25 =	vld [tilespmem:s17+$0x8ED0];
	v23 =	vmul.f32 $1.442695020e+00, v39  }
0x18e: {  	(erf) = vrcp.f32 v22  }
0x18f: {  	(erf) = vpow2.f32 v23  }
0x190: {  	v40 =	vbroadcast v3, $0xA  }
0x191: {  	v41 =	vld [tilespmem:s17+$0x93D0]  }
0x192: {  	v24 =	vadd.f32 v25, v24;
	v22 =	vmul.f32 v40, v0;
	_ =	sdelay $0x1  }
0x193: {  	v22 =	vadd.f32 v24, v22;
	_ =	sdelay $0x1  }
0x194: {  	v22 =	vmul.f32 v22, v41  }
0x195: {  	v23 =	vpop (erf)  }
0x196: {  	v43 =	vsub.f32 $0.0e+00, v22;
	v42 =	vpop (erf)  }
0x197: {  	v27 =	vld [tilespmem:s17+$0x8EE0];
	v24 =	vadd.f32 $1.000000000e+00, v42  }
0x198: {  	v26 =	vld [tilespmem:s17+$0x89E0];
	v25 =	vmul.f32 $1.442695020e+00, v43  }
0x199: {  	(erf) = vrcp.f32 v24  }
0x19a: {  	(erf) = vpow2.f32 v25  }
0x19b: {  	v44 =	vbroadcast v3, $0xB  }
0x19c: {  	v45 =	vld [tilespmem:s17+$0x93E0]  }
0x19d: {  	v26 =	vadd.f32 v27, v26;
	v24 =	vmul.f32 v44, v0;
	_ =	sdelay $0x1  }
0x19e: {  	v24 =	vadd.f32 v26, v24;
	_ =	sdelay $0x1  }
0x19f: {  	v24 =	vmul.f32 v24, v45  }
0x1a0: {  	v25 =	vpop (erf)  }
0x1a1: {  	v47 =	vsub.f32 $0.0e+00, v24;
	v46 =	vpop (erf)  }
0x1a2: {  	v28 =	vld [tilespmem:s17+$0x89F0];
	v26 =	vadd.f32 $1.000000000e+00, v46  }
0x1a3: {  	v29 =	vld [tilespmem:s17+$0x8EF0];
	v27 =	vmul.f32 $1.442695020e+00, v47  }
0x1a4: {  	(erf) = vrcp.f32 v26  }
0x1a5: {  	(erf) = vpow2.f32 v27  }
0x1a6: {  	v48 =	vbroadcast v3, $0xC  }
0x1a7: {  	v49 =	vld [tilespmem:s17+$0x93F0]  }
0x1a8: {  	v28 =	vadd.f32 v29, v28;
	v26 =	vmul.f32 v48, v0;
	_ =	sdelay $0x1  }
0x1a9: {  	v26 =	vadd.f32 v28, v26;
	_ =	sdelay $0x1  }
0x1aa: {  	v26 =	vmul.f32 v26, v49  }
0x1ab: {  	v27 =	vpop (erf)  }
0x1ac: {  	v51 =	vsub.f32 $0.0e+00, v26;
	v50 =	vpop (erf)  }
0x1ad: {  	v31 =	vld [tilespmem:s17+$0x8F00];
	v28 =	vadd.f32 $1.000000000e+00, v50  }
0x1ae: {  	v30 =	vld [tilespmem:s17+$0x8A00];
	v29 =	vmul.f32 $1.442695020e+00, v51  }
0x1af: {  	(erf) = vrcp.f32 v28  }
0x1b0: {  	(erf) = vpow2.f32 v29  }
0x1b1: {  	v52 =	vbroadcast v3, $0xD  }
0x1b2: {  	v53 =	vld [tilespmem:s17+$0x9400]  }
0x1b3: {  	v30 =	vadd.f32 v31, v30;
	v28 =	vmul.f32 v52, v0;
	_ =	sdelay $0x1  }
0x1b4: {  	v28 =	vadd.f32 v30, v28;
	_ =	sdelay $0x1  }
0x1b5: {  	v28 =	vmul.f32 v28, v53  }
0x1b6: {  	v54 =	vpop (erf)  }
0x1b7: {  	v56 =	vsub.f32 $0.0e+00, v28;
	v55 =	vpop (erf)  }
0x1b8: {  	v32 =	vld [tilespmem:s17+$0x8A10];
	v30 =	vadd.f32 $1.000000000e+00, v55  }
0x1b9: {  	v33 =	vld [tilespmem:s17+$0x8F10];
	v31 =	vmul.f32 $1.442695020e+00, v56  }
0x1ba: {  	(erf) = vrcp.f32 v30  }
0x1bb: {  	(erf) = vpow2.f32 v31  }
0x1bc: {  	v57 =	vbroadcast v3, $0xE  }
0x1bd: {  	v58 =	vld [tilespmem:s17+$0x9410]  }
0x1be: {  	v32 =	vadd.f32 v33, v32;
	v30 =	vmul.f32 v57, v0;
	_ =	sdelay $0x1  }
0x1bf: {  	v30 =	vadd.f32 v32, v30;
	_ =	sdelay $0x1  }
0x1c0: {  	v30 =	vmul.f32 v30, v58  }
0x1c1: {  	v59 =	vpop (erf)  }
0x1c2: {  	v61 =	vsub.f32 $0.0e+00, v30;
	v60 =	vpop (erf)  }
0x1c3: {  	v35 =	vld [tilespmem:s17+$0x8F20];
	v32 =	vadd.f32 $1.000000000e+00, v60  }
0x1c4: {  	v34 =	vld [tilespmem:s17+$0x8A20];
	v33 =	vmul.f32 $1.442695020e+00, v61  }
0x1c5: {  	(erf) = vrcp.f32 v32  }
0x1c6: {  	(erf) = vpow2.f32 v33  }
0x1c7: {  	v3 =	vbroadcast v3, $0xF  }
0x1c8: {  	v62 =	vld [tilespmem:s17+$0x9420]  }
0x1c9: {  	v3 =	vmul.f32 v3, v0;
	v63 =	vadd.f32 v35, v34;
	_ =	sdelay $0x1  }
0x1ca: {  	v4 =	vmul.f32 v8, v4;
	v3 =	vadd.f32 v63, v3  }
0x1cb: {  	v5 =	vmul.f32 v10, v5  }
0x1cc: {  	v3 =	vmul.f32 v3, v62;
	v33 =	vmul.f32 v4, v4  }
0x1cd: {  	v1 =	vadd.f32 v4, v1;
	v6 =	vmul.f32 v12, v6;
	v35 =	vpop (erf)  }
0x1ce: {  	v34 =	vmul.f32 v5, v5;
	v37 =	vsub.f32 $0.0e+00, v3;
	v2 =	vadd.f32 v33, v2;
	v36 =	vpop (erf)  }
0x1cf: {  	v1 =	vadd.f32 v5, v1;
	v7 =	vmul.f32 v14, v7;
	v8 =	vadd.f32 $1.000000000e+00, v36  }
0x1d0: {  	v38 =	vmul.f32 v6, v6;
	v12 =	vmul.f32 $1.442695020e+00, v37;
	v2 =	vadd.f32 v34, v2  }
0x1d1: {  	v1 =	vadd.f32 v6, v1;
	v9 =	vmul.f32 v16, v9;
	(erf) = vrcp.f32 v8  }
0x1d2: {  	v39 =	vmul.f32 v7, v7;
	v2 =	vadd.f32 v38, v2;
	(erf) = vpow2.f32 v12  }
0x1d3: {  	v1 =	vadd.f32 v7, v1  }
0x1d4: {  	v40 =	vmul.f32 v17, v11;
	v41 =	vmul.f32 v9, v9;
	v2 =	vadd.f32 v39, v2  }
0x1d5: {  	v1 =	vadd.f32 v9, v1  }
0x1d6: {  	v43 =	vmul.f32 v40, v40;
	v42 =	vmul.f32 v19, v13;
	v2 =	vadd.f32 v41, v2  }
0x1d7: {  	v1 =	vadd.f32 v40, v1  }
0x1d8: {  	v44 =	vmul.f32 v21, v15;
	v13 =	vmul.f32 v42, v42;
	v2 =	vadd.f32 v43, v2  }
0x1d9: {  	v1 =	vadd.f32 v42, v1;
	v46 =	vmul.f32 v23, v18  }
0x1da: {  	v45 =	vmul.f32 v44, v44;
	v2 =	vadd.f32 v13, v2;
	v47 =	vpop (erf)  }
0x1db: {  	v1 =	vadd.f32 v44, v1;
	v48 =	vmul.f32 v46, v46;
	v50 =	vpop (erf)  }
0x1dc: {  	v49 =	vmul.f32 v25, v20;
	v2 =	vadd.f32 v45, v2;
	v17 =	vadd.f32 $1.000000000e+00, v50  }
0x1dd: {  	[tilespmem:s17+$0x9830] =	vst v4;
	v1 =	vadd.f32 v46, v1;
	v51 =	vmul.f32 v27, v22  }
0x1de: {  	[tilespmem:s17+$0x9840] =	vst v5;
	v52 =	vmul.f32 v49, v49;
	v2 =	vadd.f32 v48, v2;
	(erf) = vrcp.f32 v17  }
0x1df: {  	[tilespmem:s17+$0x9850] =	vst v6;
	v1 =	vadd.f32 v49, v1  }
0x1e0: {  	[tilespmem:s17+$0x9860] =	vst v7;
	v53 =	vmul.f32 v54, v24;
	v54 =	vmul.f32 v51, v51;
	v2 =	vadd.f32 v52, v2  }
0x1e1: {  	[tilespmem:s17+$0x9870] =	vst v9;
	v1 =	vadd.f32 v51, v1  }
0x1e2: {  	[tilespmem:s17+$0x9880] =	vst v40;
	v56 =	vmul.f32 v53, v53;
	v55 =	vmul.f32 v59, v26;
	v2 =	vadd.f32 v54, v2  }
0x1e3: {  	[tilespmem:s17+$0x9890] =	vst v42;
	v1 =	vadd.f32 v53, v1  }
0x1e4: {  	[tilespmem:s17+$0x98A0] =	vst v44;
	v58 =	vmul.f32 v55, v55;
	v57 =	vmul.f32 v35, v28;
	v2 =	vadd.f32 v56, v2  }
0x1e5: {  	[tilespmem:s17+$0x98B0] =	vst v46;
	v1 =	vadd.f32 v55, v1  }
0x1e6: {  	[tilespmem:s17+$0x98C0] =	vst v49;
	v59 =	vmul.f32 v57, v57;
	v60 =	vmul.f32 v47, v30;
	v2 =	vadd.f32 v58, v2  }
0x1e7: {  	p0 =	sne.s32 s15, $0x1000;
	[tilespmem:s17+$0x98D0] =	vst v51;
	v1 =	vadd.f32 v57, v1;
	v61 =	vpop (erf)  }
.Ltmp1:
0x1e8: {  	[tilespmem:s17+$0x98E0] =	vst v53;
	v62 =	vmul.f32 v60, v60;
	v2 =	vadd.f32 v59, v2;
	v3 =	vmul.f32 v61, v3;
	(pc) =	sbr.rel @p0 .LBB2_5-.Ltmp1, $4  }
0x1e9: {  	[tilespmem:s17+$0x98F0] =	vst v55  }
0x1ea: {  	[tilespmem:s17+$0x9900] =	vst v57;
	v1 =	vadd.f32 v60, v1;
	v2 =	vadd.f32 v62, v2;
	v63 =	vmul.f32 v3, v3  }
0x1eb: {  	[tilespmem:s17+$0x9910] =	vst v60  }
0x1ec: {  	s11 =	sadd.s32 $0x10, s11;
	s15 =	sadd.s32 $0x400, s15;
	[tilespmem:s17+$0x9920] =	vst v3;
	v1 =	vadd.f32 v3, v1;
	v2 =	vadd.f32 v63, v2  }
0x1ed: {  	s13 =	sadd.s32 $0x1, s13  }
0x1ee: {  	p0 =	sne.s32 s13, $0x3E  }
.Ltmp2:
0x1ef: {  	_ = 	snop;
	(pc) =	sbr.rel @p0 .LBB2_2-.Ltmp2, $3  }
0x1f0: {  	_ =	sdelay $0x1  }
0x1f1: {  	s11 =	sadd.s32 s8, s14;
	s9 =	sadd.s32 $0xA0, s9;
	s12 =	sadd.s32 $0xA0, s12  }
0x1f2: {  	[hbm4b:s11+s2] =	stream.linear.scatter [tilespmem:s7], [sflag:$0x8], $0x500, $0x38;
	[tilespmem:$0x9D60] =	vst v63  }
0x1f3: {  	_ =	swait.ge [sflag:s24], $0x500  }
0x1f4: {  	[sflag:s24] =	ssyncset.done $0x0  }
0x1f5: {  	[sflag:s24] =	ssyncadd.s32 $0xFFFFFB00  }
0x1f6: {  	_ =	swait.ge [sflag:s25], $0x500  }
0x1f7: {  	[sflag:s25] =	ssyncset.done $0x0  }
0x1f8: {  	[sflag:s25] =	ssyncadd.s32 $0xFFFFFB00  }
0x1f9: {  	_ =	swait.ge [sflag:s26], $0x500  }
0x1fa: {  	[sflag:s26] =	ssyncset.done $0x0  }
0x1fb: {  	s9 =	simm.s32 $0x4;
	[sflag:s26] =	ssyncadd.s32 $0xFFFFFB00  }
0x1fc: {  	_ =	swait.ge [sflag:s9], $0x500  }
0x1fd: {  	[sflag:s9] =	ssyncset.done $0x0  }
0x1fe: {  	s11 =	simm.s32 $0x0;
	[sflag:s9] =	ssyncadd.s32 $0xFFFFFB00;
	s9 =	simm.s32 $0x74E0  }
.LBB2_8:
0x1ff: {  	v3 =	vld [tilespmem:s9+$0x0];
	s12 =	sshra.s32 s11, $0x2  }
0x200: {  	v4 =	vld [tilespmem:s12+$0x7530]  }
0x201: {  	v5 =	vld [tilespmem:s12+$0x7A30];
	_ =	sdelay $0x2  }
0x202: {  	v6 =	vbroadcast v3, $0x0  }
0x203: {  	v7 =	vld [tilespmem:s12+$0x7F30]  }
0x204: {  	v4 =	vadd.f32 v5, v4;
	v48 =	vmul.f32 v6, v0;
	_ =	sdelay $0x1  }
0x205: {  	v4 =	vadd.f32 v4, v48;
	_ =	sdelay $0x1  }
0x206: {  	v4 =	vmul.f32 v4, v7;
	_ =	sdelay $0x1  }
0x207: {  	v49 =	vsub.f32 $0.0e+00, v4  }
0x208: {  	v50 =	vld [tilespmem:s12+$0x7540]  }
0x209: {  	v51 =	vld [tilespmem:s12+$0x7A40];
	v5 =	vmul.f32 $1.442695020e+00, v49;
	_ =	sdelay $0x1  }
0x20a: {  	(erf) = vpow2.f32 v5  }
0x20b: {  	v52 =	vbroadcast v3, $0x1  }
0x20c: {  	v8 =	vld [tilespmem:s12+$0x7F40]  }
0x20d: {  	v6 =	vadd.f32 v51, v50;
	v5 =	vmul.f32 v52, v0;
	_ =	sdelay $0x1  }
0x20e: {  	v5 =	vadd.f32 v6, v5;
	_ =	sdelay $0x1  }
0x20f: {  	v5 =	vmul.f32 v5, v8;
	_ =	sdelay $0x1  }
0x210: {  	v54 =	vsub.f32 $0.0e+00, v5;
	v53 =	vpop (erf)  }
0x211: {  	v55 =	vld [tilespmem:s12+$0x7550];
	v6 =	vadd.f32 $1.000000000e+00, v53  }
0x212: {  	v9 =	vld [tilespmem:s12+$0x7A50];
	v7 =	vmul.f32 $1.442695020e+00, v54  }
0x213: {  	(erf) = vrcp.f32 v6  }
0x214: {  	(erf) = vpow2.f32 v7  }
0x215: {  	v56 =	vbroadcast v3, $0x2  }
0x216: {  	v57 =	vld [tilespmem:s12+$0x7F50]  }
0x217: {  	v8 =	vadd.f32 v9, v55;
	v6 =	vmul.f32 v56, v0;
	_ =	sdelay $0x1  }
0x218: {  	v6 =	vadd.f32 v8, v6;
	_ =	sdelay $0x1  }
0x219: {  	v6 =	vmul.f32 v6, v57  }
0x21a: {  	v8 =	vpop (erf)  }
0x21b: {  	v59 =	vsub.f32 $0.0e+00, v6;
	v58 =	vpop (erf)  }
0x21c: {  	v10 =	vld [tilespmem:s12+$0x7560];
	v7 =	vadd.f32 $1.000000000e+00, v58  }
0x21d: {  	v11 =	vld [tilespmem:s12+$0x7A60];
	v9 =	vmul.f32 $1.442695020e+00, v59  }
0x21e: {  	(erf) = vrcp.f32 v7  }
0x21f: {  	(erf) = vpow2.f32 v9  }
0x220: {  	v60 =	vbroadcast v3, $0x3  }
0x221: {  	v61 =	vld [tilespmem:s12+$0x7F60]  }
0x222: {  	v10 =	vadd.f32 v11, v10;
	v7 =	vmul.f32 v60, v0;
	_ =	sdelay $0x1  }
0x223: {  	v7 =	vadd.f32 v10, v7;
	_ =	sdelay $0x1  }
0x224: {  	v7 =	vmul.f32 v7, v61  }
0x225: {  	v10 =	vpop (erf)  }
0x226: {  	v63 =	vsub.f32 $0.0e+00, v7;
	v62 =	vpop (erf)  }
0x227: {  	v12 =	vld [tilespmem:s12+$0x7570];
	v9 =	vadd.f32 $1.000000000e+00, v62  }
0x228: {  	v13 =	vld [tilespmem:s12+$0x7A70];
	v11 =	vmul.f32 $1.442695020e+00, v63  }
0x229: {  	(erf) = vrcp.f32 v9  }
0x22a: {  	(erf) = vpow2.f32 v11  }
0x22b: {  	v16 =	vbroadcast v3, $0x4  }
0x22c: {  	v17 =	vld [tilespmem:s12+$0x7F70]  }
0x22d: {  	v12 =	vadd.f32 v13, v12;
	v9 =	vmul.f32 v16, v0;
	_ =	sdelay $0x1  }
0x22e: {  	v9 =	vadd.f32 v12, v9;
	_ =	sdelay $0x1  }
0x22f: {  	v9 =	vmul.f32 v9, v17  }
0x230: {  	v12 =	vpop (erf)  }
0x231: {  	v19 =	vsub.f32 $0.0e+00, v9;
	v18 =	vpop (erf)  }
0x232: {  	v14 =	vld [tilespmem:s12+$0x7580];
	v11 =	vadd.f32 $1.000000000e+00, v18  }
0x233: {  	v15 =	vld [tilespmem:s12+$0x7A80];
	v13 =	vmul.f32 $1.442695020e+00, v19  }
0x234: {  	(erf) = vrcp.f32 v11  }
0x235: {  	(erf) = vpow2.f32 v13  }
0x236: {  	v20 =	vbroadcast v3, $0x5  }
0x237: {  	v21 =	vld [tilespmem:s12+$0x7F80]  }
0x238: {  	v14 =	vadd.f32 v15, v14;
	v11 =	vmul.f32 v20, v0;
	_ =	sdelay $0x1  }
0x239: {  	v11 =	vadd.f32 v14, v11;
	_ =	sdelay $0x1  }
0x23a: {  	v11 =	vmul.f32 v11, v21  }
0x23b: {  	v14 =	vpop (erf)  }
0x23c: {  	v23 =	vsub.f32 $0.0e+00, v11;
	v22 =	vpop (erf)  }
0x23d: {  	v16 =	vld [tilespmem:s12+$0x7590];
	v13 =	vadd.f32 $1.000000000e+00, v22  }
0x23e: {  	v17 =	vld [tilespmem:s12+$0x7A90];
	v15 =	vmul.f32 $1.442695020e+00, v23  }
0x23f: {  	(erf) = vrcp.f32 v13  }
0x240: {  	(erf) = vpow2.f32 v15  }
0x241: {  	v24 =	vbroadcast v3, $0x6  }
0x242: {  	v25 =	vld [tilespmem:s12+$0x7F90]  }
0x243: {  	v16 =	vadd.f32 v17, v16;
	v13 =	vmul.f32 v24, v0;
	_ =	sdelay $0x1  }
0x244: {  	v13 =	vadd.f32 v16, v13;
	_ =	sdelay $0x1  }
0x245: {  	v13 =	vmul.f32 v13, v25  }
0x246: {  	v16 =	vpop (erf)  }
0x247: {  	v27 =	vsub.f32 $0.0e+00, v13;
	v26 =	vpop (erf)  }
0x248: {  	v19 =	vld [tilespmem:s12+$0x7AA0];
	v15 =	vadd.f32 $1.000000000e+00, v26  }
0x249: {  	v18 =	vld [tilespmem:s12+$0x75A0];
	v17 =	vmul.f32 $1.442695020e+00, v27  }
0x24a: {  	(erf) = vrcp.f32 v15  }
0x24b: {  	(erf) = vpow2.f32 v17  }
0x24c: {  	v28 =	vbroadcast v3, $0x7  }
0x24d: {  	v29 =	vld [tilespmem:s12+$0x7FA0]  }
0x24e: {  	v18 =	vadd.f32 v19, v18;
	v15 =	vmul.f32 v28, v0;
	_ =	sdelay $0x1  }
0x24f: {  	v15 =	vadd.f32 v18, v15;
	_ =	sdelay $0x1  }
0x250: {  	v15 =	vmul.f32 v15, v29  }
0x251: {  	v17 =	vpop (erf)  }
0x252: {  	v31 =	vsub.f32 $0.0e+00, v15;
	v30 =	vpop (erf)  }
0x253: {  	v20 =	vld [tilespmem:s12+$0x75B0];
	v18 =	vadd.f32 $1.000000000e+00, v30  }
0x254: {  	v21 =	vld [tilespmem:s12+$0x7AB0];
	v19 =	vmul.f32 $1.442695020e+00, v31  }
0x255: {  	(erf) = vrcp.f32 v18  }
0x256: {  	(erf) = vpow2.f32 v19  }
0x257: {  	v32 =	vbroadcast v3, $0x8  }
0x258: {  	v33 =	vld [tilespmem:s12+$0x7FB0]  }
0x259: {  	v20 =	vadd.f32 v21, v20;
	v18 =	vmul.f32 v32, v0;
	_ =	sdelay $0x1  }
0x25a: {  	v18 =	vadd.f32 v20, v18;
	_ =	sdelay $0x1  }
0x25b: {  	v18 =	vmul.f32 v18, v33  }
0x25c: {  	v19 =	vpop (erf)  }
0x25d: {  	v35 =	vsub.f32 $0.0e+00, v18;
	v34 =	vpop (erf)  }
0x25e: {  	v23 =	vld [tilespmem:s12+$0x7AC0];
	v20 =	vadd.f32 $1.000000000e+00, v34  }
0x25f: {  	v22 =	vld [tilespmem:s12+$0x75C0];
	v21 =	vmul.f32 $1.442695020e+00, v35  }
0x260: {  	(erf) = vrcp.f32 v20  }
0x261: {  	(erf) = vpow2.f32 v21  }
0x262: {  	v36 =	vbroadcast v3, $0x9  }
0x263: {  	v37 =	vld [tilespmem:s12+$0x7FC0]  }
0x264: {  	v22 =	vadd.f32 v23, v22;
	v20 =	vmul.f32 v36, v0;
	_ =	sdelay $0x1  }
0x265: {  	v20 =	vadd.f32 v22, v20;
	_ =	sdelay $0x1  }
0x266: {  	v20 =	vmul.f32 v20, v37  }
0x267: {  	v21 =	vpop (erf)  }
0x268: {  	v39 =	vsub.f32 $0.0e+00, v20;
	v38 =	vpop (erf)  }
0x269: {  	v24 =	vld [tilespmem:s12+$0x75D0];
	v22 =	vadd.f32 $1.000000000e+00, v38  }
0x26a: {  	v25 =	vld [tilespmem:s12+$0x7AD0];
	v23 =	vmul.f32 $1.442695020e+00, v39  }
0x26b: {  	(erf) = vrcp.f32 v22  }
0x26c: {  	(erf) = vpow2.f32 v23  }
0x26d: {  	v40 =	vbroadcast v3, $0xA  }
0x26e: {  	v41 =	vld [tilespmem:s12+$0x7FD0]  }
0x26f: {  	v24 =	vadd.f32 v25, v24;
	v22 =	vmul.f32 v40, v0;
	_ =	sdelay $0x1  }
0x270: {  	v22 =	vadd.f32 v24, v22;
	_ =	sdelay $0x1  }
0x271: {  	v22 =	vmul.f32 v22, v41  }
0x272: {  	v23 =	vpop (erf)  }
0x273: {  	v43 =	vsub.f32 $0.0e+00, v22;
	v42 =	vpop (erf)  }
0x274: {  	v27 =	vld [tilespmem:s12+$0x7AE0];
	v24 =	vadd.f32 $1.000000000e+00, v42  }
0x275: {  	v26 =	vld [tilespmem:s12+$0x75E0];
	v25 =	vmul.f32 $1.442695020e+00, v43  }
0x276: {  	(erf) = vrcp.f32 v24  }
0x277: {  	(erf) = vpow2.f32 v25  }
0x278: {  	v44 =	vbroadcast v3, $0xB  }
0x279: {  	v45 =	vld [tilespmem:s12+$0x7FE0]  }
0x27a: {  	v26 =	vadd.f32 v27, v26;
	v24 =	vmul.f32 v44, v0;
	_ =	sdelay $0x1  }
0x27b: {  	v24 =	vadd.f32 v26, v24;
	_ =	sdelay $0x1  }
0x27c: {  	v24 =	vmul.f32 v24, v45  }
0x27d: {  	v25 =	vpop (erf)  }
0x27e: {  	v47 =	vsub.f32 $0.0e+00, v24;
	v46 =	vpop (erf)  }
0x27f: {  	v28 =	vld [tilespmem:s12+$0x75F0];
	v26 =	vadd.f32 $1.000000000e+00, v46  }
0x280: {  	v29 =	vld [tilespmem:s12+$0x7AF0];
	v27 =	vmul.f32 $1.442695020e+00, v47  }
0x281: {  	(erf) = vrcp.f32 v26  }
0x282: {  	(erf) = vpow2.f32 v27  }
0x283: {  	v48 =	vbroadcast v3, $0xC  }
0x284: {  	v49 =	vld [tilespmem:s12+$0x7FF0]  }
0x285: {  	v28 =	vadd.f32 v29, v28;
	v26 =	vmul.f32 v48, v0;
	_ =	sdelay $0x1  }
0x286: {  	v26 =	vadd.f32 v28, v26;
	_ =	sdelay $0x1  }
0x287: {  	v26 =	vmul.f32 v26, v49  }
0x288: {  	v27 =	vpop (erf)  }
0x289: {  	v51 =	vsub.f32 $0.0e+00, v26;
	v50 =	vpop (erf)  }
0x28a: {  	v31 =	vld [tilespmem:s12+$0x7B00];
	v28 =	vadd.f32 $1.000000000e+00, v50  }
0x28b: {  	v30 =	vld [tilespmem:s12+$0x7600];
	v29 =	vmul.f32 $1.442695020e+00, v51  }
0x28c: {  	(erf) = vrcp.f32 v28  }
0x28d: {  	(erf) = vpow2.f32 v29  }
0x28e: {  	v52 =	vbroadcast v3, $0xD  }
0x28f: {  	v53 =	vld [tilespmem:s12+$0x8000]  }
0x290: {  	v30 =	vadd.f32 v31, v30;
	v28 =	vmul.f32 v52, v0;
	_ =	sdelay $0x1  }
0x291: {  	v28 =	vadd.f32 v30, v28;
	_ =	sdelay $0x1  }
0x292: {  	v28 =	vmul.f32 v28, v53  }
0x293: {  	v54 =	vpop (erf)  }
0x294: {  	v56 =	vsub.f32 $0.0e+00, v28;
	v55 =	vpop (erf)  }
0x295: {  	v32 =	vld [tilespmem:s12+$0x7610];
	v30 =	vadd.f32 $1.000000000e+00, v55  }
0x296: {  	v33 =	vld [tilespmem:s12+$0x7B10];
	v31 =	vmul.f32 $1.442695020e+00, v56  }
0x297: {  	(erf) = vrcp.f32 v30  }
0x298: {  	(erf) = vpow2.f32 v31  }
0x299: {  	v57 =	vbroadcast v3, $0xE  }
0x29a: {  	v58 =	vld [tilespmem:s12+$0x8010]  }
0x29b: {  	v32 =	vadd.f32 v33, v32;
	v30 =	vmul.f32 v57, v0;
	_ =	sdelay $0x1  }
0x29c: {  	v30 =	vadd.f32 v32, v30;
	_ =	sdelay $0x1  }
0x29d: {  	v30 =	vmul.f32 v30, v58  }
0x29e: {  	v59 =	vpop (erf)  }
0x29f: {  	v61 =	vsub.f32 $0.0e+00, v30;
	v60 =	vpop (erf)  }
0x2a0: {  	v35 =	vld [tilespmem:s12+$0x7B20];
	v32 =	vadd.f32 $1.000000000e+00, v60  }
0x2a1: {  	v34 =	vld [tilespmem:s12+$0x7620];
	v33 =	vmul.f32 $1.442695020e+00, v61  }
0x2a2: {  	(erf) = vrcp.f32 v32  }
0x2a3: {  	(erf) = vpow2.f32 v33  }
0x2a4: {  	v3 =	vbroadcast v3, $0xF  }
0x2a5: {  	v62 =	vld [tilespmem:s12+$0x8020]  }
0x2a6: {  	v3 =	vmul.f32 v3, v0;
	v63 =	vadd.f32 v35, v34;
	_ =	sdelay $0x1  }
0x2a7: {  	v4 =	vmul.f32 v8, v4;
	v3 =	vadd.f32 v63, v3  }
0x2a8: {  	v5 =	vmul.f32 v10, v5  }
0x2a9: {  	v3 =	vmul.f32 v3, v62;
	v33 =	vmul.f32 v4, v4  }
0x2aa: {  	v1 =	vadd.f32 v4, v1;
	v6 =	vmul.f32 v12, v6;
	v35 =	vpop (erf)  }
0x2ab: {  	v34 =	vmul.f32 v5, v5;
	v37 =	vsub.f32 $0.0e+00, v3;
	v2 =	vadd.f32 v33, v2;
	v36 =	vpop (erf)  }
0x2ac: {  	v1 =	vadd.f32 v5, v1;
	v7 =	vmul.f32 v14, v7;
	v8 =	vadd.f32 $1.000000000e+00, v36  }
0x2ad: {  	v38 =	vmul.f32 v6, v6;
	v12 =	vmul.f32 $1.442695020e+00, v37;
	v2 =	vadd.f32 v34, v2  }
0x2ae: {  	v1 =	vadd.f32 v6, v1;
	v9 =	vmul.f32 v16, v9;
	(erf) = vrcp.f32 v8  }
0x2af: {  	v39 =	vmul.f32 v7, v7;
	v2 =	vadd.f32 v38, v2;
	(erf) = vpow2.f32 v12  }
0x2b0: {  	v1 =	vadd.f32 v7, v1  }
0x2b1: {  	v40 =	vmul.f32 v17, v11;
	v41 =	vmul.f32 v9, v9;
	v2 =	vadd.f32 v39, v2  }
0x2b2: {  	v1 =	vadd.f32 v9, v1  }
0x2b3: {  	v43 =	vmul.f32 v40, v40;
	v42 =	vmul.f32 v19, v13;
	v2 =	vadd.f32 v41, v2  }
0x2b4: {  	v1 =	vadd.f32 v40, v1  }
0x2b5: {  	v44 =	vmul.f32 v21, v15;
	v13 =	vmul.f32 v42, v42;
	v2 =	vadd.f32 v43, v2  }
0x2b6: {  	v1 =	vadd.f32 v42, v1;
	v46 =	vmul.f32 v23, v18  }
0x2b7: {  	v45 =	vmul.f32 v44, v44;
	v2 =	vadd.f32 v13, v2;
	v47 =	vpop (erf)  }
0x2b8: {  	v1 =	vadd.f32 v44, v1;
	v48 =	vmul.f32 v46, v46;
	v50 =	vpop (erf)  }
0x2b9: {  	v49 =	vmul.f32 v25, v20;
	v2 =	vadd.f32 v45, v2;
	v17 =	vadd.f32 $1.000000000e+00, v50  }
0x2ba: {  	[tilespmem:s12+$0x8430] =	vst v4;
	v1 =	vadd.f32 v46, v1;
	v51 =	vmul.f32 v27, v22  }
0x2bb: {  	[tilespmem:s12+$0x8440] =	vst v5;
	v52 =	vmul.f32 v49, v49;
	v2 =	vadd.f32 v48, v2;
	(erf) = vrcp.f32 v17  }
0x2bc: {  	[tilespmem:s12+$0x8450] =	vst v6;
	v1 =	vadd.f32 v49, v1  }
0x2bd: {  	[tilespmem:s12+$0x8460] =	vst v7;
	v53 =	vmul.f32 v54, v24;
	v54 =	vmul.f32 v51, v51;
	v2 =	vadd.f32 v52, v2  }
0x2be: {  	[tilespmem:s12+$0x8470] =	vst v9;
	v1 =	vadd.f32 v51, v1  }
0x2bf: {  	[tilespmem:s12+$0x8480] =	vst v40;
	v56 =	vmul.f32 v53, v53;
	v55 =	vmul.f32 v59, v26;
	v2 =	vadd.f32 v54, v2  }
0x2c0: {  	[tilespmem:s12+$0x8490] =	vst v42;
	v1 =	vadd.f32 v53, v1  }
0x2c1: {  	[tilespmem:s12+$0x84A0] =	vst v44;
	v58 =	vmul.f32 v55, v55;
	v57 =	vmul.f32 v35, v28;
	v2 =	vadd.f32 v56, v2  }
0x2c2: {  	[tilespmem:s12+$0x84B0] =	vst v46;
	v1 =	vadd.f32 v55, v1  }
0x2c3: {  	[tilespmem:s12+$0x84C0] =	vst v49;
	v59 =	vmul.f32 v57, v57;
	v60 =	vmul.f32 v47, v30;
	v2 =	vadd.f32 v58, v2  }
0x2c4: {  	p0 =	sne.s32 s11, $0x1000;
	[tilespmem:s12+$0x84D0] =	vst v51;
	v1 =	vadd.f32 v57, v1;
	v61 =	vpop (erf)  }
.Ltmp3:
0x2c5: {  	[tilespmem:s12+$0x84E0] =	vst v53;
	v62 =	vmul.f32 v60, v60;
	v2 =	vadd.f32 v59, v2;
	v3 =	vmul.f32 v61, v3;
	(pc) =	sbr.rel @p0 .LBB2_8-.Ltmp3, $4  }
0x2c6: {  	[tilespmem:s12+$0x84F0] =	vst v55  }
0x2c7: {  	[tilespmem:s12+$0x8500] =	vst v57;
	v1 =	vadd.f32 v60, v1;
	v2 =	vadd.f32 v62, v2;
	v63 =	vmul.f32 v3, v3  }
0x2c8: {  	[tilespmem:s12+$0x8510] =	vst v60  }
0x2c9: {  	s9 =	sadd.s32 $0x10, s9;
	s11 =	sadd.s32 $0x400, s11;
	[tilespmem:s12+$0x8520] =	vst v3;
	v1 =	vadd.f32 v3, v1;
	v2 =	vadd.f32 v63, v2  }
0x2ca: {  	s9 =	rddreg [dreg:$0x7];
	s12 =	simm.s32 $0xA  }
0x2cb: {  	[hbm4b:s9+s2] =	stream.linear.scatter [tilespmem:s31], [sflag:$0xA], $0x500, $0x38;
	[tilespmem:$0x9D60] =	vst v63  }
0x2cc: {  	_ =	swait.ge [sflag:s12], $0x500  }
0x2cd: {  	[sflag:s12] =	ssyncset.done $0x0  }
0x2ce: {  	s15 =	simm.s32 $0x8;
	[sflag:s12] =	ssyncadd.s32 $0xFFFFFB00  }
0x2cf: {  	_ =	swait.ge [sflag:s15], $0x500  }
0x2d0: {  	[sflag:s15] =	ssyncset.done $0x0  }
0x2d1: {  	[sflag:s15] =	ssyncadd.s32 $0xFFFFFB00  }
0x2d2: {  	[tilespmem:$0x9D40] =	vst v1  }
0x2d3: {  	s11 =	simm.s32 $0x9D40;
	s17 =	rddreg [dreg:$0x8];
	[tilespmem:$0x9D50] =	vst v2  }
0x2d4: {  	[hbm4b:s17+s2] =	stream.linear.scatter [tilespmem:s11], [sflag:$0xA], $0x20, $0x38;
	[tilespmem:$0x9D60] =	vst v63  }
0x2d5: {  	_ =	swait.ge [sflag:s12], $0x20  }
0x2d6: {  	s10 =	sadd.s32 $0x1, s10;
	s18 =	rddreg [dreg:$0x9]  }
0x2d7: {  	p0 =	sne.s32 s10, s18  }
.Ltmp4:
0x2d8: {  	_ = 	snop;
	(pc) =	sbr.rel @p0 .LBB2_1-.Ltmp4, $3  }
0x2d9: {  	_ =	sdelay $0x1  }
0x2da: {  	[sflag:s12] =	ssyncset.done $0x0  }
0x2db: {  	[sflag:s12] =	ssyncadd.s32 $0xFFFFFFE0  }
0x2dc: {  	_ =	sfence.sel $0x180000  }
0x2dd: {  	[bflag:$0x0] =	sbarrier.arrive $0xFFFF  }
0x2de: {  	_ =	strace $0x90000047  }
0x2df: {  	s0 =	stileid.u32;
	[bflag:$0x2] =	sbarrier.arrive $0xFFFF  }
0x2e0: {  	p0 =	sne.s32 s0, $0x0;
	s0 =	rddreg [dreg:$0x1]  }
0x2e1: {  	s0 =	sadd.s32 @!p0 $0x100000, s0  }
0x2e2: {  	[sflag:s0] =	ssyncadd.tile.s32 @!p0 $0x1;
	_ =	shalt  }
.Lfunc_end2:
_tile_overlayer_lowered:
.L_overlay_start_2:
0x2e3: {  	(tag) =	ssettag $0x2  }
0x2e4: {  	s0 =	rddreg [dreg:$0x0];
	s2 =	stileid.u32  }
0x2e5: {  	s1 =	rddreg [dreg:$0x1];
	p0 =	sne.s32 s2, $0x0  }
0x2e6: {  	s3 =	rddreg [dreg:$0x2];
	[bflag:$0x3] =	sbarrier.arrive $0xFFFF;
	s2 =	simm.s32 @!p0 $0x1C0A  }
0x2e7: {  	[timem:s3], [sflag:s2] =	dma.local @!p0 [hbm:s0], s1  }
0x2e8: {  	s0 =	simm.s32 @!p0 $0xA  }
0x2e9: {  	_ =	swait.ge @!p0 [sflag:s0], s1  }
0x2ea: {  	s1 =	ssub.s32 @!p0 $0x0, s1;
	[sflag:s0] =	ssyncset.done @!p0 $0x0  }
0x2eb: {  	[sflag:s0] =	ssyncadd.s32 @!p0 s1  }
0x2ec: {  	[bflag:$0x3] =	sbarrier.arrive $0xFFFF  }
0x2ed: {  	_ =	shalt  }

</sc_bundles>
